<compile_context>
chip_gen: v7x
topology: tpu7x:2x2x1
jax: 0.10.2.dev20260603
libtpu: 0.0.44.dev20260713+nightly
codegen_flags: <defaults>
</compile_context>

<pallas_src>
import functools

import jax
import jax.numpy as jnp
from jax import lax
from jax.experimental import pallas as pl
from jax.experimental.pallas import tpu as pltpu
from jax.experimental.pallas import tpu_sc as plsc

_NUM_CORES = 2
_NUM_SUBCORES = 16
_NUM_TILES = _NUM_CORES * _NUM_SUBCORES
_CHUNK = 128
_GRP = 4


def _scatter_partials(n_acc, d, chunks_per_tile, rows_per_tile):
    mesh = plsc.VectorSubcoreMesh(
        core_axis_name="c", subcore_axis_name="s", num_cores=_NUM_CORES
    )
    n_groups = chunks_per_tile // _GRP

    @functools.partial(
        pl.kernel,
        out_type=jax.ShapeDtypeStruct((_NUM_CORES, n_acc, d), jnp.float32),
        mesh=mesh,
        scratch_types=[
            pltpu.VMEM_SHARED((n_acc, d), jnp.float32),
            pltpu.VMEM((2 * _GRP, _CHUNK), jnp.int32),
            pltpu.VMEM((2 * _GRP, _CHUNK), jnp.int32),
            pltpu.VMEM((_CHUNK, d), jnp.float32),
            pltpu.VMEM((_CHUNK, d), jnp.float32),
            pltpu.SemaphoreType.DMA,
            pltpu.SemaphoreType.DMA,
            pltpu.SemaphoreType.DMA,
            pltpu.SemaphoreType.DMA,
        ],
    )
    def sc_kernel(feat_hbm, idx_hbm, zeros_hbm, out_hbm,
                  acc, ibuf0, ibuf1, buf0, buf1, g0, g1, i0, i1):
        c = lax.axis_index("c")
        s = lax.axis_index("s")
        tid = c * _NUM_SUBCORES + s
        tile_row = tid * chunks_per_tile * 2

        ibufs = [ibuf0, ibuf1]
        bufs = [buf0, buf1]
        gsems = [g0, g1]
        isems = [i0, i1]

        @pl.when(s == 0)
        def _():
            pltpu.sync_copy(zeros_hbm, acc)

        def load_group(g):
            row = tile_row + g * 2 * _GRP
            return pltpu.async_copy(
                idx_hbm.at[pl.ds(row, 2 * _GRP)], ibufs[g % 2], isems[g % 2]
            )

        def gather(i):
            gi = i // _GRP
            src_row = ibufs[gi % 2].at[2 * (i % _GRP)]
            return pltpu.async_copy(
                feat_hbm.at[src_row], bufs[i % 2], gsems[i % 2]
            )

        def scatter(i):
            gi = i // _GRP
            dst_row = ibufs[gi % 2].at[2 * (i % _GRP) + 1]
            pltpu.sync_copy(bufs[i % 2], acc.at[dst_row], add=True)

        idescs = {0: load_group(0), 1: load_group(1)}
        waited = set()

        def ensure_group(g):
            if g not in waited:
                idescs[g].wait()
                waited.add(g)

        ensure_group(0)

        plsc.subcore_barrier()

        for i in range(chunks_per_tile):
            gi = i // _GRP
            ensure_group(gi)
            gather(i).wait()
            scatter(i)
            if i % _GRP == _GRP - 1 and gi + 2 < n_groups:
                idescs[gi + 2] = load_group(gi + 2)

        plsc.subcore_barrier()

        row0 = s * rows_per_tile
        pltpu.sync_copy(
            acc.at[pl.ds(row0, rows_per_tile)],
            out_hbm.at[c].at[pl.ds(row0, rows_per_tile)],
        )

    return sc_kernel


def _combine_linear(partials, w, b2d, n, d_out, block_rows):

    def body(p_ref, w_ref, b_ref, o_ref):
        h = p_ref[0] + p_ref[1]
        o_ref[...] = jnp.maximum(
            jnp.dot(h, w_ref[...], preferred_element_type=jnp.float32)
            + b_ref[...],
            0.0,
        )

    grid = n // block_rows
    return pl.pallas_call(
        body,
        out_shape=jax.ShapeDtypeStruct((n, d_out), jnp.float32),
        grid=(grid,),
        in_specs=[
            pl.BlockSpec(
                (_NUM_CORES, block_rows, partials.shape[2]),
                lambda i: (0, i, 0),
            ),
            pl.BlockSpec(w.shape, lambda i: (0, 0)),
            pl.BlockSpec(b2d.shape, lambda i: (0, 0)),
        ],
        out_specs=pl.BlockSpec((block_rows, d_out), lambda i: (i, 0)),
    )(partials, w, b2d)


def kernel(feature, edge_index, W, b):
    n, d = feature.shape
    e = edge_index.shape[1]
    d_out = W.shape[1]

    per_round = _NUM_TILES * _CHUNK * _GRP
    e_pad = ((e + per_round - 1) // per_round) * per_round
    chunks_per_tile = e_pad // (_NUM_TILES * _CHUNK)
    src = edge_index[0]
    dst = edge_index[1]
    if e_pad != e:
        pad = e_pad - e
        src = jnp.concatenate([src, jnp.zeros((pad,), jnp.int32)])
        dst = jnp.concatenate([dst, jnp.full((pad,), n, jnp.int32)])

    src2 = src.reshape(_NUM_TILES * chunks_per_tile, _CHUNK)
    dst2 = dst.reshape(_NUM_TILES * chunks_per_tile, _CHUNK)
    packed = jnp.stack([src2, dst2], axis=1).reshape(-1, _CHUNK)

    quantum = _NUM_SUBCORES * 8
    n_acc = ((n + 1 + quantum - 1) // quantum) * quantum
    rows_per_tile = n_acc // _NUM_SUBCORES
    zeros = jnp.zeros((n_acc, d), jnp.float32)

    partials = _scatter_partials(n_acc, d, chunks_per_tile, rows_per_tile)(
        feature, packed, zeros
    )

    b2d = b.reshape(1, d_out)
    block_rows = 2000 if n % 2000 == 0 else n
    return _combine_linear(partials, W, b2d, n, d_out, block_rows)

# --- scband reference (transcript-rebuilt; emitter-appended) ---
"""Pipeline reference for scband-gcnlayer-75995151335768 (READ-ONLY COPY).

The authoritative reference and input builder live on the scoring server;
editing this copy changes nothing except your own understanding.
"""

import jax, jax.numpy as jnp
import numpy as np

N = 10000
E = 320000
D_IN = 128
D_OUT = 128


def setup_inputs(seed: int = 0) -> dict:
    key = jax.random.key(seed)
    k1, k2, k3, k4 = jax.random.split(key, 4)
    feature = jax.random.normal(k1, (N, D_IN), dtype=jnp.float32)
    edge_index = jax.random.randint(k2, (2, E), 0, N, dtype=jnp.int32)
    W = jax.random.normal(k3, (D_IN, D_OUT), dtype=jnp.float32) * 0.05
    b = jnp.zeros((D_OUT,), dtype=jnp.float32)
    return {"feature": feature, "edge_index": edge_index, "W": W, "b": b}


def reference(feature, edge_index, W, b):
    # DGL update_all(copy_src('h','m'), sum('m','h')):
    # message = gather source node features along edges; reduce = scatter-add to dst
    src = edge_index[0]
    dst = edge_index[1]
    m = jnp.take(feature, src, axis=0)                       # copy_src gather [E, D]
    h = jax.ops.segment_sum(m, dst, num_segments=feature.shape[0])  # sum reduce [N, D]
    # Linear layer with activation
    h = h @ W + b
    h = jax.nn.relu(h)
    return h

if __name__ == "__main__":
    import jax
    _d = setup_inputs()
    print(jax.jit(kernel)(*tuple(_d.values())))

</pallas_src>

<mosaic_0001>
#map = affine_map<(d0, d1) -> (0, 0)>
#map1 = affine_map<(d0, d1) -> (0, 0, 0)>
module attributes {stable_mosaic.version = 14 : i64} {
  func.func @sc_kernel(%arg0: i32, %arg1: i32, %arg2: memref<10000x128xf32, #tpu.memory_space<hbm>>, %arg3: memref<5120x128xi32, #tpu.memory_space<hbm>>, %arg4: memref<10112x128xf32, #tpu.memory_space<hbm>>, %arg5: memref<2x10112x128xf32, #tpu.memory_space<hbm>>, %arg6: memref<10112x128xf32, #tpu.memory_space<vmem_shared>>, %arg7: memref<8x128xi32, #tpu.memory_space<vmem>>, %arg8: memref<8x128xi32, #tpu.memory_space<vmem>>, %arg9: memref<128x128xf32, #tpu.memory_space<vmem>>, %arg10: memref<128x128xf32, #tpu.memory_space<vmem>>, %arg11: memref<!tpu.dma_semaphore, #tpu.memory_space<semaphore_mem>>, %arg12: memref<!tpu.dma_semaphore, #tpu.memory_space<semaphore_mem>>, %arg13: memref<!tpu.dma_semaphore, #tpu.memory_space<semaphore_mem>>, %arg14: memref<!tpu.dma_semaphore, #tpu.memory_space<semaphore_mem>>) attributes {dimension_semantics = [#tpu.dimension_semantics<core_parallel>, #tpu.dimension_semantics<subcore_parallel>], iteration_bounds = array<i64: 2, 16>, scalar_prefetch = 0 : i64, scratch_operands = 9 : i64, tpu.core_type = #tpu.core_type<sc_vector_subcore>, window_params = [{transform_indices = #map}, {transform_indices = #map}, {transform_indices = #map}, {transform_indices = #map1}]} {
    %mul3A = arith.constant 16 : i32
    %mul3A_0 = arith.muli %arg0, %mul3A : i32
    %add3A = arith.addi %mul3A_0, %arg1 : i32
    %mul3A_1 = arith.constant 80 : i32
    %mul3A_2 = arith.muli %add3A, %mul3A_1 : i32
    %mul3A_3 = arith.constant 2 : i32
    %mul3A_4 = arith.muli %mul3A_2, %mul3A_3 : i32
    %eq3A = arith.constant 0 : i32
    %eq3A_5 = arith.cmpi eq, %arg1, %eq3A : i32
    %convert_element_type3A = arith.extui %eq3A_5 : i1 to i32
    %cond3A = arith.constant 0 : i32
    %cond3A_6 = arith.cmpi ne, %convert_element_type3A, %cond3A : i32
    scf.if %cond3A_6 {
      "tpu.region"() ({
        %run_scoped3A_1407 = tpu.sem_alloc : memref<!tpu.dma_semaphore, #tpu.memory_space<semaphore_mem>>
        tpu.enqueue_dma source(%arg4 : memref<10112x128xf32, #tpu.memory_space<hbm>>) target(%arg6 : memref<10112x128xf32, #tpu.memory_space<vmem_shared>>) target_semaphore(%run_scoped3A_1407 : memref<!tpu.dma_semaphore, #tpu.memory_space<semaphore_mem>>)
        tpu.wait_dma2 semaphore(%run_scoped3A_1407 : memref<!tpu.dma_semaphore, #tpu.memory_space<semaphore_mem>>) src(%arg4 : memref<10112x128xf32, #tpu.memory_space<hbm>>) dst(%arg6 : memref<10112x128xf32, #tpu.memory_space<vmem_shared>>)
        tpu.yield
      }) : () -> ()
    } else {
    }
    %add3A_7 = arith.constant 0 : i32
    %add3A_8 = arith.addi %mul3A_4, %add3A_7 : i32
    %dma_start3A = arith.constant 0 : i32
    %dma_start3A_9 = tpu.memref_slice %arg3[%add3A_8, %dma_start3A] : memref<5120x128xi32, #tpu.memory_space<hbm>> -> memref<8x128xi32, #tpu.memory_space<hbm>>
    %dma_start3A_10 = arith.constant 0 : i32
    %dma_start3A_11 = tpu.memref_slice %arg3[%add3A_8, %dma_start3A_10] : memref<5120x128xi32, #tpu.memory_space<hbm>> -> memref<8x128xi32, #tpu.memory_space<hbm>>
    tpu.enqueue_dma source(%dma_start3A_11 : memref<8x128xi32, #tpu.memory_space<hbm>>) target(%arg7 : memref<8x128xi32, #tpu.memory_space<vmem>>) target_semaphore(%arg13 : memref<!tpu.dma_semaphore, #tpu.memory_space<semaphore_mem>>)
    %add3A_12 = arith.constant 8 : i32
    %add3A_13 = arith.addi %mul3A_4, %add3A_12 : i32
    %dma_start3A_14 = arith.constant 0 : i32
    %dma_start3A_15 = tpu.memref_slice %arg3[%add3A_13, %dma_start3A_14] : memref<5120x128xi32, #tpu.memory_space<hbm>> -> memref<8x128xi32, #tpu.memory_space<hbm>>
    %dma_start3A_16 = arith.constant 0 : i32
    %dma_start3A_17 = tpu.memref_slice %arg3[%add3A_13, %dma_start3A_16] : memref<5120x128xi32, #tpu.memory_space<hbm>> -> memref<8x128xi32, #tpu.memory_space<hbm>>
    tpu.enqueue_dma source(%dma_start3A_17 : memref<8x128xi32, #tpu.memory_space<hbm>>) target(%arg8 : memref<8x128xi32, #tpu.memory_space<vmem>>) target_semaphore(%arg14 : memref<!tpu.dma_semaphore, #tpu.memory_space<semaphore_mem>>)
    %dma_wait3A = arith.constant 0 : i32
    %dma_wait3A_18 = tpu.memref_slice %arg3[%add3A_8, %dma_wait3A] : memref<5120x128xi32, #tpu.memory_space<hbm>> -> memref<8x128xi32, #tpu.memory_space<hbm>>
    %dma_wait3A_19 = arith.constant 0 : i32
    %dma_wait3A_20 = tpu.memref_slice %arg3[%add3A_8, %dma_wait3A_19] : memref<5120x128xi32, #tpu.memory_space<hbm>> -> memref<8x128xi32, #tpu.memory_space<hbm>>
    tpu.wait_dma2 semaphore(%arg13 : memref<!tpu.dma_semaphore, #tpu.memory_space<semaphore_mem>>) src(%dma_wait3A_20 : memref<8x128xi32, #tpu.memory_space<hbm>>) dst(%arg7 : memref<8x128xi32, #tpu.memory_space<vmem>>)
    %barrier3A = arith.constant 0 : index
    tpu.barrier barrier_id(%barrier3A)
    %dma_start3A_21 = arith.constant 0 : i32
    %dma_start3A_22 = arith.constant 0 : i32
    %dma_start3A_23 = tpu.memref_slice %arg7[%dma_start3A_21, %dma_start3A_22] : memref<8x128xi32, #tpu.memory_space<vmem>> -> memref<1x128xi32, #tpu.memory_space<vmem>>
    %dma_start3A_24 = tpu.memref_squeeze %dma_start3A_23 : memref<1x128xi32, #tpu.memory_space<vmem>> -> memref<128xi32, #tpu.memory_space<vmem>>
    %dma_start3A_25 = arith.constant 0 : i32
    %dma_start3A_26 = arith.constant 0 : i32
    %dma_start3A_27 = tpu.memref_slice %arg2[%dma_start3A_25, %dma_start3A_26] : memref<10000x128xf32, #tpu.memory_space<hbm>> -> memref<10000x128xf32, #tpu.memory_space<hbm>>
    tpu.enqueue_indirect_dma source(%dma_start3A_27 : memref<10000x128xf32, #tpu.memory_space<hbm>>) target(%arg9 : memref<128x128xf32, #tpu.memory_space<vmem>>) offsets(%dma_start3A_24 : memref<128xi32, #tpu.memory_space<vmem>>) semaphore(%arg11 : memref<!tpu.dma_semaphore, #tpu.memory_space<semaphore_mem>>)
    %dma_wait3A_28 = arith.constant 0 : i32
    %dma_wait3A_29 = arith.constant 0 : i32
    %dma_wait3A_30 = tpu.memref_slice %arg7[%dma_wait3A_28, %dma_wait3A_29] : memref<8x128xi32, #tpu.memory_space<vmem>> -> memref<1x128xi32, #tpu.memory_space<vmem>>
    %dma_wait3A_31 = tpu.memref_squeeze %dma_wait3A_30 : memref<1x128xi32, #tpu.memory_space<vmem>> -> memref<128xi32, #tpu.memory_space<vmem>>
    %dma_wait3A_32 = arith.constant 0 : i32
    %dma_wait3A_33 = arith.constant 0 : i32
    %dma_wait3A_34 = tpu.memref_slice %arg2[%dma_wait3A_32, %dma_wait3A_33] : memref<10000x128xf32, #tpu.memory_space<hbm>> -> memref<10000x128xf32, #tpu.memory_space<hbm>>
    tpu.wait_indirect_dma semaphore(%arg11 : memref<!tpu.dma_semaphore, #tpu.memory_space<semaphore_mem>>) src(%dma_wait3A_34 : memref<10000x128xf32, #tpu.memory_space<hbm>>) dst(%arg9 : memref<128x128xf32, #tpu.memory_space<vmem>>)
    %run_scoped3A = arith.constant 1 : i32
    "tpu.region"() ({
      %run_scoped3A_1407 = tpu.sem_alloc : memref<!tpu.dma_semaphore, #tpu.memory_space<semaphore_mem>>
      %dma_start3A_1408 = arith.constant 0 : i32
      %dma_start3A_1409 = tpu.memref_slice %arg7[%run_scoped3A, %dma_start3A_1408] : memref<8x128xi32, #tpu.memory_space<vmem>> -> memref<1x128xi32, #tpu.memory_space<vmem>>
      %dma_start3A_1410 = tpu.memref_squeeze %dma_start3A_1409 : memref<1x128xi32, #tpu.memory_space<vmem>> -> memref<128xi32, #tpu.memory_space<vmem>>
      %dma_start3A_1411 = arith.constant 0 : i32
      %dma_start3A_1412 = arith.constant 0 : i32
      %dma_start3A_1413 = tpu.memref_slice %arg6[%dma_start3A_1411, %dma_start3A_1412] : memref<10112x128xf32, #tpu.memory_space<vmem_shared>> -> memref<10112x128xf32, #tpu.memory_space<vmem_shared>>
      tpu.enqueue_indirect_dma source(%arg9 : memref<128x128xf32, #tpu.memory_space<vmem>>) target(%dma_start3A_1413 : memref<10112x128xf32, #tpu.memory_space<vmem_shared>>) offsets(%dma_start3A_1410 : memref<128xi32, #tpu.memory_space<vmem>>) semaphore(%run_scoped3A_1407 : memref<!tpu.dma_semaphore, #tpu.memory_space<semaphore_mem>>) {add = true}
      %dma_wait3A_1414 = arith.constant 0 : i32
      %dma_wait3A_1415 = tpu.memref_slice %arg7[%run_scoped3A, %dma_wait3A_1414] : memref<8x128xi32, #tpu.memory_space<vmem>> -> memref<1x128xi32, #tpu.memory_space<vmem>>
      %dma_wait3A_1416 = tpu.memref_squeeze %dma_wait3A_1415 : memref<1x128xi32, #tpu.memory_space<vmem>> -> memref<128xi32, #tpu.memory_space<vmem>>
      %dma_wait3A_1417 = arith.constant 0 : i32
      %dma_wait3A_1418 = arith.constant 0 : i32
      %dma_wait3A_1419 = tpu.memref_slice %arg6[%dma_wait3A_1417, %dma_wait3A_1418] : memref<10112x128xf32, #tpu.memory_space<vmem_shared>> -> memref<10112x128xf32, #tpu.memory_space<vmem_shared>>
      tpu.wait_indirect_dma semaphore(%run_scoped3A_1407 : memref<!tpu.dma_semaphore, #tpu.memory_space<semaphore_mem>>) src(%arg9 : memref<128x128xf32, #tpu.memory_space<vmem>>) dst(%dma_wait3A_1419 : memref<10112x128xf32, #tpu.memory_space<vmem_shared>>)
      tpu.yield
    }) : () -> ()
    %dma_start3A_35 = arith.constant 2 : i32
    %dma_start3A_36 = arith.constant 0 : i32
    %dma_start3A_37 = tpu.memref_slice %arg7[%dma_start3A_35, %dma_start3A_36] : memref<8x128xi32, #tpu.memory_space<vmem>> -> memref<1x128xi32, #tpu.memory_space<vmem>>
    %dma_start3A_38 = tpu.memref_squeeze %dma_start3A_37 : memref<1x128xi32, #tpu.memory_space<vmem>> -> memref<128xi32, #tpu.memory_space<vmem>>
    %dma_start3A_39 = arith.constant 0 : i32
    %dma_start3A_40 = arith.constant 0 : i32
    %dma_start3A_41 = tpu.memref_slice %arg2[%dma_start3A_39, %dma_start3A_40] : memref<10000x128xf32, #tpu.memory_space<hbm>> -> memref<10000x128xf32, #tpu.memory_space<hbm>>
    tpu.enqueue_indirect_dma source(%dma_start3A_41 : memref<10000x128xf32, #tpu.memory_space<hbm>>) target(%arg10 : memref<128x128xf32, #tpu.memory_space<vmem>>) offsets(%dma_start3A_38 : memref<128xi32, #tpu.memory_space<vmem>>) semaphore(%arg12 : memref<!tpu.dma_semaphore, #tpu.memory_space<semaphore_mem>>)
    %dma_wait3A_42 = arith.constant 2 : i32
    %dma_wait3A_43 = arith.constant 0 : i32
    %dma_wait3A_44 = tpu.memref_slice %arg7[%dma_wait3A_42, %dma_wait3A_43] : memref<8x128xi32, #tpu.memory_space<vmem>> -> memref<1x128xi32, #tpu.memory_space<vmem>>
    %dma_wait3A_45 = tpu.memref_squeeze %dma_wait3A_44 : memref<1x128xi32, #tpu.memory_space<vmem>> -> memref<128xi32, #tpu.memory_space<vmem>>
    %dma_wait3A_46 = arith.constant 0 : i32
    %dma_wait3A_47 = arith.constant 0 : i32
    %dma_wait3A_48 = tpu.memref_slice %arg2[%dma_wait3A_46, %dma_wait3A_47] : memref<10000x128xf32, #tpu.memory_space<hbm>> -> memref<10000x128xf32, #tpu.memory_space<hbm>>
    tpu.wait_indirect_dma semaphore(%arg12 : memref<!tpu.dma_semaphore, #tpu.memory_space<semaphore_mem>>) src(%dma_wait3A_48 : memref<10000x128xf32, #tpu.memory_space<hbm>>) dst(%arg10 : memref<128x128xf32, #tpu.memory_space<vmem>>)
    %run_scoped3A_49 = arith.constant 3 : i32
    "tpu.region"() ({
      %run_scoped3A_1407 = tpu.sem_alloc : memref<!tpu.dma_semaphore, #tpu.memory_space<semaphore_mem>>
      %dma_start3A_1408 = arith.constant 0 : i32
      %dma_start3A_1409 = tpu.memref_slice %arg7[%run_scoped3A_49, %dma_start3A_1408] : memref<8x128xi32, #tpu.memory_space<vmem>> -> memref<1x128xi32, #tpu.memory_space<vmem>>
      %dma_start3A_1410 = tpu.memref_squeeze %dma_start3A_1409 : memref<1x128xi32, #tpu.memory_space<vmem>> -> memref<128xi32, #tpu.memory_space<vmem>>
      %dma_start3A_1411 = arith.constant 0 : i32
      %dma_start3A_1412 = arith.constant 0 : i32
      %dma_start3A_1413 = tpu.memref_slice %arg6[%dma_start3A_1411, %dma_start3A_1412] : memref<10112x128xf32, #tpu.memory_space<vmem_shared>> -> memref<10112x128xf32, #tpu.memory_space<vmem_shared>>
      tpu.enqueue_indirect_dma source(%arg10 : memref<128x128xf32, #tpu.memory_space<vmem>>) target(%dma_start3A_1413 : memref<10112x128xf32, #tpu.memory_space<vmem_shared>>) offsets(%dma_start3A_1410 : memref<128xi32, #tpu.memory_space<vmem>>) semaphore(%run_scoped3A_1407 : memref<!tpu.dma_semaphore, #tpu.memory_space<semaphore_mem>>) {add = true}
      %dma_wait3A_1414 = arith.constant 0 : i32
      %dma_wait3A_1415 = tpu.memref_slice %arg7[%run_scoped3A_49, %dma_wait3A_1414] : memref<8x128xi32, #tpu.memory_space<vmem>> -> memref<1x128xi32, #tpu.memory_space<vmem>>
      %dma_wait3A_1416 = tpu.memref_squeeze %dma_wait3A_1415 : memref<1x128xi32, #tpu.memory_space<vmem>> -> memref<128xi32, #tpu.memory_space<vmem>>
      %dma_wait3A_1417 = arith.constant 0 : i32
      %dma_wait3A_1418 = arith.constant 0 : i32
      %dma_wait3A_1419 = tpu.memref_slice %arg6[%dma_wait3A_1417, %dma_wait3A_1418] : memref<10112x128xf32, #tpu.memory_space<vmem_shared>> -> memref<10112x128xf32, #tpu.memory_space<vmem_shared>>
      tpu.wait_indirect_dma semaphore(%run_scoped3A_1407 : memref<!tpu.dma_semaphore, #tpu.memory_space<semaphore_mem>>) src(%arg10 : memref<128x128xf32, #tpu.memory_space<vmem>>) dst(%dma_wait3A_1419 : memref<10112x128xf32, #tpu.memory_space<vmem_shared>>)
      tpu.yield
    }) : () -> ()
    %dma_start3A_50 = arith.constant 4 : i32
    %dma_start3A_51 = arith.constant 0 : i32
    %dma_start3A_52 = tpu.memref_slice %arg7[%dma_start3A_50, %dma_start3A_51] : memref<8x128xi32, #tpu.memory_space<vmem>> -> memref<1x128xi32, #tpu.memory_space<vmem>>
    %dma_start3A_53 = tpu.memref_squeeze %dma_start3A_52 : memref<1x128xi32, #tpu.memory_space<vmem>> -> memref<128xi32, #tpu.memory_space<vmem>>
    %dma_start3A_54 = arith.constant 0 : i32
    %dma_start3A_55 = arith.constant 0 : i32
    %dma_start3A_56 = tpu.memref_slice %arg2[%dma_start3A_54, %dma_start3A_55] : memref<10000x128xf32, #tpu.memory_space<hbm>> -> memref<10000x128xf32, #tpu.memory_space<hbm>>
    tpu.enqueue_indirect_dma source(%dma_start3A_56 : memref<10000x128xf32, #tpu.memory_space<hbm>>) target(%arg9 : memref<128x128xf32, #tpu.memory_space<vmem>>) offsets(%dma_start3A_53 : memref<128xi32, #tpu.memory_space<vmem>>) semaphore(%arg11 : memref<!tpu.dma_semaphore, #tpu.memory_space<semaphore_mem>>)
    %dma_wait3A_57 = arith.constant 4 : i32
    %dma_wait3A_58 = arith.constant 0 : i32
    %dma_wait3A_59 = tpu.memref_slice %arg7[%dma_wait3A_57, %dma_wait3A_58] : memref<8x128xi32, #tpu.memory_space<vmem>> -> memref<1x128xi32, #tpu.memory_space<vmem>>
    %dma_wait3A_60 = tpu.memref_squeeze %dma_wait3A_59 : memref<1x128xi32, #tpu.memory_space<vmem>> -> memref<128xi32, #tpu.memory_space<vmem>>
    %dma_wait3A_61 = arith.constant 0 : i32
    %dma_wait3A_62 = arith.constant 0 : i32
    %dma_wait3A_63 = tpu.memref_slice %arg2[%dma_wait3A_61, %dma_wait3A_62] : memref<10000x128xf32, #tpu.memory_space<hbm>> -> memref<10000x128xf32, #tpu.memory_space<hbm>>
    tpu.wait_indirect_dma semaphore(%arg11 : memref<!tpu.dma_semaphore, #tpu.memory_space<semaphore_mem>>) src(%dma_wait3A_63 : memref<10000x128xf32, #tpu.memory_space<hbm>>) dst(%arg9 : memref<128x128xf32, #tpu.memory_space<vmem>>)
    %run_scoped3A_64 = arith.constant 5 : i32
    "tpu.region"() ({
      %run_scoped3A_1407 = tpu.sem_alloc : memref<!tpu.dma_semaphore, #tpu.memory_space<semaphore_mem>>
      %dma_start3A_1408 = arith.constant 0 : i32
      %dma_start3A_1409 = tpu.memref_slice %arg7[%run_scoped3A_64, %dma_start3A_1408] : memref<8x128xi32, #tpu.memory_space<vmem>> -> memref<1x128xi32, #tpu.memory_space<vmem>>
      %dma_start3A_1410 = tpu.memref_squeeze %dma_start3A_1409 : memref<1x128xi32, #tpu.memory_space<vmem>> -> memref<128xi32, #tpu.memory_space<vmem>>
      %dma_start3A_1411 = arith.constant 0 : i32
      %dma_start3A_1412 = arith.constant 0 : i32
      %dma_start3A_1413 = tpu.memref_slice %arg6[%dma_start3A_1411, %dma_start3A_1412] : memref<10112x128xf32, #tpu.memory_space<vmem_shared>> -> memref<10112x128xf32, #tpu.memory_space<vmem_shared>>
      tpu.enqueue_indirect_dma source(%arg9 : memref<128x128xf32, #tpu.memory_space<vmem>>) target(%dma_start3A_1413 : memref<10112x128xf32, #tpu.memory_space<vmem_shared>>) offsets(%dma_start3A_1410 : memref<128xi32, #tpu.memory_space<vmem>>) semaphore(%run_scoped3A_1407 : memref<!tpu.dma_semaphore, #tpu.memory_space<semaphore_mem>>) {add = true}
      %dma_wait3A_1414 = arith.constant 0 : i32
      %dma_wait3A_1415 = tpu.memref_slice %arg7[%run_scoped3A_64, %dma_wait3A_1414] : memref<8x128xi32, #tpu.memory_space<vmem>> -> memref<1x128xi32, #tpu.memory_space<vmem>>
      %dma_wait3A_1416 = tpu.memref_squeeze %dma_wait3A_1415 : memref<1x128xi32, #tpu.memory_space<vmem>> -> memref<128xi32, #tpu.memory_space<vmem>>
      %dma_wait3A_1417 = arith.constant 0 : i32
      %dma_wait3A_1418 = arith.constant 0 : i32
      %dma_wait3A_1419 = tpu.memref_slice %arg6[%dma_wait3A_1417, %dma_wait3A_1418] : memref<10112x128xf32, #tpu.memory_space<vmem_shared>> -> memref<10112x128xf32, #tpu.memory_space<vmem_shared>>
      tpu.wait_indirect_dma semaphore(%run_scoped3A_1407 : memref<!tpu.dma_semaphore, #tpu.memory_space<semaphore_mem>>) src(%arg9 : memref<128x128xf32, #tpu.memory_space<vmem>>) dst(%dma_wait3A_1419 : memref<10112x128xf32, #tpu.memory_space<vmem_shared>>)
      tpu.yield
    }) : () -> ()
    %dma_start3A_65 = arith.constant 6 : i32
    %dma_start3A_66 = arith.constant 0 : i32
    %dma_start3A_67 = tpu.memref_slice %arg7[%dma_start3A_65, %dma_start3A_66] : memref<8x128xi32, #tpu.memory_space<vmem>> -> memref<1x128xi32, #tpu.memory_space<vmem>>
    %dma_start3A_68 = tpu.memref_squeeze %dma_start3A_67 : memref<1x128xi32, #tpu.memory_space<vmem>> -> memref<128xi32, #tpu.memory_space<vmem>>
    %dma_start3A_69 = arith.constant 0 : i32
    %dma_start3A_70 = arith.constant 0 : i32
    %dma_start3A_71 = tpu.memref_slice %arg2[%dma_start3A_69, %dma_start3A_70] : memref<10000x128xf32, #tpu.memory_space<hbm>> -> memref<10000x128xf32, #tpu.memory_space<hbm>>
    tpu.enqueue_indirect_dma source(%dma_start3A_71 : memref<10000x128xf32, #tpu.memory_space<hbm>>) target(%arg10 : memref<128x128xf32, #tpu.memory_space<vmem>>) offsets(%dma_start3A_68 : memref<128xi32, #tpu.memory_space<vmem>>) semaphore(%arg12 : memref<!tpu.dma_semaphore, #tpu.memory_space<semaphore_mem>>)
    %dma_wait3A_72 = arith.constant 6 : i32
    %dma_wait3A_73 = arith.constant 0 : i32
    %dma_wait3A_74 = tpu.memref_slice %arg7[%dma_wait3A_72, %dma_wait3A_73] : memref<8x128xi32, #tpu.memory_space<vmem>> -> memref<1x128xi32, #tpu.memory_space<vmem>>
    %dma_wait3A_75 = tpu.memref_squeeze %dma_wait3A_74 : memref<1x128xi32, #tpu.memory_space<vmem>> -> memref<128xi32, #tpu.memory_space<vmem>>
    %dma_wait3A_76 = arith.constant 0 : i32
    %dma_wait3A_77 = arith.constant 0 : i32
    %dma_wait3A_78 = tpu.memref_slice %arg2[%dma_wait3A_76, %dma_wait3A_77] : memref<10000x128xf32, #tpu.memory_space<hbm>> -> memref<10000x128xf32, #tpu.memory_space<hbm>>
    tpu.wait_indirect_dma semaphore(%arg12 : memref<!tpu.dma_semaphore, #tpu.memory_space<semaphore_mem>>) src(%dma_wait3A_78 : memref<10000x128xf32, #tpu.memory_space<hbm>>) dst(%arg10 : memref<128x128xf32, #tpu.memory_space<vmem>>)
    %run_scoped3A_79 = arith.constant 7 : i32
    "tpu.region"() ({
      %run_scoped3A_1407 = tpu.sem_alloc : memref<!tpu.dma_semaphore, #tpu.memory_space<semaphore_mem>>
      %dma_start3A_1408 = arith.constant 0 : i32
      %dma_start3A_1409 = tpu.memref_slice %arg7[%run_scoped3A_79, %dma_start3A_1408] : memref<8x128xi32, #tpu.memory_space<vmem>> -> memref<1x128xi32, #tpu.memory_space<vmem>>
      %dma_start3A_1410 = tpu.memref_squeeze %dma_start3A_1409 : memref<1x128xi32, #tpu.memory_space<vmem>> -> memref<128xi32, #tpu.memory_space<vmem>>
      %dma_start3A_1411 = arith.constant 0 : i32
      %dma_start3A_1412 = arith.constant 0 : i32
      %dma_start3A_1413 = tpu.memref_slice %arg6[%dma_start3A_1411, %dma_start3A_1412] : memref<10112x128xf32, #tpu.memory_space<vmem_shared>> -> memref<10112x128xf32, #tpu.memory_space<vmem_shared>>
      tpu.enqueue_indirect_dma source(%arg10 : memref<128x128xf32, #tpu.memory_space<vmem>>) target(%dma_start3A_1413 : memref<10112x128xf32, #tpu.memory_space<vmem_shared>>) offsets(%dma_start3A_1410 : memref<128xi32, #tpu.memory_space<vmem>>) semaphore(%run_scoped3A_1407 : memref<!tpu.dma_semaphore, #tpu.memory_space<semaphore_mem>>) {add = true}
      %dma_wait3A_1414 = arith.constant 0 : i32
      %dma_wait3A_1415 = tpu.memref_slice %arg7[%run_scoped3A_79, %dma_wait3A_1414] : memref<8x128xi32, #tpu.memory_space<vmem>> -> memref<1x128xi32, #tpu.memory_space<vmem>>
      %dma_wait3A_1416 = tpu.memref_squeeze %dma_wait3A_1415 : memref<1x128xi32, #tpu.memory_space<vmem>> -> memref<128xi32, #tpu.memory_space<vmem>>
      %dma_wait3A_1417 = arith.constant 0 : i32
      %dma_wait3A_1418 = arith.constant 0 : i32
      %dma_wait3A_1419 = tpu.memref_slice %arg6[%dma_wait3A_1417, %dma_wait3A_1418] : memref<10112x128xf32, #tpu.memory_space<vmem_shared>> -> memref<10112x128xf32, #tpu.memory_space<vmem_shared>>
      tpu.wait_indirect_dma semaphore(%run_scoped3A_1407 : memref<!tpu.dma_semaphore, #tpu.memory_space<semaphore_mem>>) src(%arg10 : memref<128x128xf32, #tpu.memory_space<vmem>>) dst(%dma_wait3A_1419 : memref<10112x128xf32, #tpu.memory_space<vmem_shared>>)
      tpu.yield
    }) : () -> ()
    %add3A_80 = arith.constant 16 : i32
    %add3A_81 = arith.addi %mul3A_4, %add3A_80 : i32
    %dma_start3A_82 = arith.constant 0 : i32
    %dma_start3A_83 = tpu.memref_slice %arg3[%add3A_81, %dma_start3A_82] : memref<5120x128xi32, #tpu.memory_space<hbm>> -> memref<8x128xi32, #tpu.memory_space<hbm>>
    %dma_start3A_84 = arith.constant 0 : i32
    %dma_start3A_85 = tpu.memref_slice %arg3[%add3A_81, %dma_start3A_84] : memref<5120x128xi32, #tpu.memory_space<hbm>> -> memref<8x128xi32, #tpu.memory_space<hbm>>
    tpu.enqueue_dma source(%dma_start3A_85 : memref<8x128xi32, #tpu.memory_space<hbm>>) target(%arg7 : memref<8x128xi32, #tpu.memory_space<vmem>>) target_semaphore(%arg13 : memref<!tpu.dma_semaphore, #tpu.memory_space<semaphore_mem>>)
    %dma_wait3A_86 = arith.constant 0 : i32
    %dma_wait3A_87 = tpu.memref_slice %arg3[%add3A_13, %dma_wait3A_86] : memref<5120x128xi32, #tpu.memory_space<hbm>> -> memref<8x128xi32, #tpu.memory_space<hbm>>
    %dma_wait3A_88 = arith.constant 0 : i32
    %dma_wait3A_89 = tpu.memref_slice %arg3[%add3A_13, %dma_wait3A_88] : memref<5120x128xi32, #tpu.memory_space<hbm>> -> memref<8x128xi32, #tpu.memory_space<hbm>>
    tpu.wait_dma2 semaphore(%arg14 : memref<!tpu.dma_semaphore, #tpu.memory_space<semaphore_mem>>) src(%dma_wait3A_89 : memref<8x128xi32, #tpu.memory_space<hbm>>) dst(%arg8 : memref<8x128xi32, #tpu.memory_space<vmem>>)
    %dma_start3A_90 = arith.constant 0 : i32
    %dma_start3A_91 = arith.constant 0 : i32
    %dma_start3A_92 = tpu.memref_slice %arg8[%dma_start3A_90, %dma_start3A_91] : memref<8x128xi32, #tpu.memory_space<vmem>> -> memref<1x128xi32, #tpu.memory_space<vmem>>
    %dma_start3A_93 = tpu.memref_squeeze %dma_start3A_92 : memref<1x128xi32, #tpu.memory_space<vmem>> -> memref<128xi32, #tpu.memory_space<vmem>>
    %dma_start3A_94 = arith.constant 0 : i32
    %dma_start3A_95 = arith.constant 0 : i32
    %dma_start3A_96 = tpu.memref_slice %arg2[%dma_start3A_94, %dma_start3A_95] : memref<10000x128xf32, #tpu.memory_space<hbm>> -> memref<10000x128xf32, #tpu.memory_space<hbm>>
    tpu.enqueue_indirect_dma source(%dma_start3A_96 : memref<10000x128xf32, #tpu.memory_space<hbm>>) target(%arg9 : memref<128x128xf32, #tpu.memory_space<vmem>>) offsets(%dma_start3A_93 : memref<128xi32, #tpu.memory_space<vmem>>) semaphore(%arg11 : memref<!tpu.dma_semaphore, #tpu.memory_space<semaphore_mem>>)
    %dma_wait3A_97 = arith.constant 0 : i32
    %dma_wait3A_98 = arith.constant 0 : i32
    %dma_wait3A_99 = tpu.memref_slice %arg8[%dma_wait3A_97, %dma_wait3A_98] : memref<8x128xi32, #tpu.memory_space<vmem>> -> memref<1x128xi32, #tpu.memory_space<vmem>>
    %dma_wait3A_100 = tpu.memref_squeeze %dma_wait3A_99 : memref<1x128xi32, #tpu.memory_space<vmem>> -> memref<128xi32, #tpu.memory_space<vmem>>
    %dma_wait3A_101 = arith.constant 0 : i32
    %dma_wait3A_102 = arith.constant 0 : i32
    %dma_wait3A_103 = tpu.memref_slice %arg2[%dma_wait3A_101, %dma_wait3A_102] : memref<10000x128xf32, #tpu.memory_space<hbm>> -> memref<10000x128xf32, #tpu.memory_space<hbm>>
    tpu.wait_indirect_dma semaphore(%arg11 : memref<!tpu.dma_semaphore, #tpu.memory_space<semaphore_mem>>) src(%dma_wait3A_103 : memref<10000x128xf32, #tpu.memory_space<hbm>>) dst(%arg9 : memref<128x128xf32, #tpu.memory_space<vmem>>)
    %run_scoped3A_104 = arith.constant 1 : i32
    "tpu.region"() ({
      %run_scoped3A_1407 = tpu.sem_alloc : memref<!tpu.dma_semaphore, #tpu.memory_space<semaphore_mem>>
      %dma_start3A_1408 = arith.constant 0 : i32
      %dma_start3A_1409 = tpu.memref_slice %arg8[%run_scoped3A_104, %dma_start3A_1408] : memref<8x128xi32, #tpu.memory_space<vmem>> -> memref<1x128xi32, #tpu.memory_space<vmem>>
      %dma_start3A_1410 = tpu.memref_squeeze %dma_start3A_1409 : memref<1x128xi32, #tpu.memory_space<vmem>> -> memref<128xi32, #tpu.memory_space<vmem>>
      %dma_start3A_1411 = arith.constant 0 : i32
      %dma_start3A_1412 = arith.constant 0 : i32
      %dma_start3A_1413 = tpu.memref_slice %arg6[%dma_start3A_1411, %dma_start3A_1412] : memref<10112x128xf32, #tpu.memory_space<vmem_shared>> -> memref<10112x128xf32, #tpu.memory_space<vmem_shared>>
      tpu.enqueue_indirect_dma source(%arg9 : memref<128x128xf32, #tpu.memory_space<vmem>>) target(%dma_start3A_1413 : memref<10112x128xf32, #tpu.memory_space<vmem_shared>>) offsets(%dma_start3A_1410 : memref<128xi32, #tpu.memory_space<vmem>>) semaphore(%run_scoped3A_1407 : memref<!tpu.dma_semaphore, #tpu.memory_space<semaphore_mem>>) {add = true}
      %dma_wait3A_1414 = arith.constant 0 : i32
      %dma_wait3A_1415 = tpu.memref_slice %arg8[%run_scoped3A_104, %dma_wait3A_1414] : memref<8x128xi32, #tpu.memory_space<vmem>> -> memref<1x128xi32, #tpu.memory_space<vmem>>
      %dma_wait3A_1416 = tpu.memref_squeeze %dma_wait3A_1415 : memref<1x128xi32, #tpu.memory_space<vmem>> -> memref<128xi32, #tpu.memory_space<vmem>>
      %dma_wait3A_1417 = arith.constant 0 : i32
      %dma_wait3A_1418 = arith.constant 0 : i32
      %dma_wait3A_1419 = tpu.memref_slice %arg6[%dma_wait3A_1417, %dma_wait3A_1418] : memref<10112x128xf32, #tpu.memory_space<vmem_shared>> -> memref<10112x128xf32, #tpu.memory_space<vmem_shared>>
      tpu.wait_indirect_dma semaphore(%run_scoped3A_1407 : memref<!tpu.dma_semaphore, #tpu.memory_space<semaphore_mem>>) src(%arg9 : memref<128x128xf32, #tpu.memory_space<vmem>>) dst(%dma_wait3A_1419 : memref<10112x128xf32, #tpu.memory_space<vmem_shared>>)
      tpu.yield
    }) : () -> ()
    %dma_start3A_105 = arith.constant 2 : i32
    %dma_start3A_106 = arith.constant 0 : i32
    %dma_start3A_107 = tpu.memref_slice %arg8[%dma_start3A_105, %dma_start3A_106] : memref<8x128xi32, #tpu.memory_space<vmem>> -> memref<1x128xi32, #tpu.memory_space<vmem>>
    %dma_start3A_108 = tpu.memref_squeeze %dma_start3A_107 : memref<1x128xi32, #tpu.memory_space<vmem>> -> memref<128xi32, #tpu.memory_space<vmem>>
    %dma_start3A_109 = arith.constant 0 : i32
    %dma_start3A_110 = arith.constant 0 : i32
    %dma_start3A_111 = tpu.memref_slice %arg2[%dma_start3A_109, %dma_start3A_110] : memref<10000x128xf32, #tpu.memory_space<hbm>> -> memref<10000x128xf32, #tpu.memory_space<hbm>>
    tpu.enqueue_indirect_dma source(%dma_start3A_111 : memref<10000x128xf32, #tpu.memory_space<hbm>>) target(%arg10 : memref<128x128xf32, #tpu.memory_space<vmem>>) offsets(%dma_start3A_108 : memref<128xi32, #tpu.memory_space<vmem>>) semaphore(%arg12 : memref<!tpu.dma_semaphore, #tpu.memory_space<semaphore_mem>>)
    %dma_wait3A_112 = arith.constant 2 : i32
    %dma_wait3A_113 = arith.constant 0 : i32
    %dma_wait3A_114 = tpu.memref_slice %arg8[%dma_wait3A_112, %dma_wait3A_113] : memref<8x128xi32, #tpu.memory_space<vmem>> -> memref<1x128xi32, #tpu.memory_space<vmem>>
    %dma_wait3A_115 = tpu.memref_squeeze %dma_wait3A_114 : memref<1x128xi32, #tpu.memory_space<vmem>> -> memref<128xi32, #tpu.memory_space<vmem>>
    %dma_wait3A_116 = arith.constant 0 : i32
    %dma_wait3A_117 = arith.constant 0 : i32
    %dma_wait3A_118 = tpu.memref_slice %arg2[%dma_wait3A_116, %dma_wait3A_117] : memref<10000x128xf32, #tpu.memory_space<hbm>> -> memref<10000x128xf32, #tpu.memory_space<hbm>>
    tpu.wait_indirect_dma semaphore(%arg12 : memref<!tpu.dma_semaphore, #tpu.memory_space<semaphore_mem>>) src(%dma_wait3A_118 : memref<10000x128xf32, #tpu.memory_space<hbm>>) dst(%arg10 : memref<128x128xf32, #tpu.memory_space<vmem>>)
    %run_scoped3A_119 = arith.constant 3 : i32
    "tpu.region"() ({
      %run_scoped3A_1407 = tpu.sem_alloc : memref<!tpu.dma_semaphore, #tpu.memory_space<semaphore_mem>>
      %dma_start3A_1408 = arith.constant 0 : i32
      %dma_start3A_1409 = tpu.memref_slice %arg8[%run_scoped3A_119, %dma_start3A_1408] : memref<8x128xi32, #tpu.memory_space<vmem>> -> memref<1x128xi32, #tpu.memory_space<vmem>>
      %dma_start3A_1410 = tpu.memref_squeeze %dma_start3A_1409 : memref<1x128xi32, #tpu.memory_space<vmem>> -> memref<128xi32, #tpu.memory_space<vmem>>
      %dma_start3A_1411 = arith.constant 0 : i32
      %dma_start3A_1412 = arith.constant 0 : i32
      %dma_start3A_1413 = tpu.memref_slice %arg6[%dma_start3A_1411, %dma_start3A_1412] : memref<10112x128xf32, #tpu.memory_space<vmem_shared>> -> memref<10112x128xf32, #tpu.memory_space<vmem_shared>>
      tpu.enqueue_indirect_dma source(%arg10 : memref<128x128xf32, #tpu.memory_space<vmem>>) target(%dma_start3A_1413 : memref<10112x128xf32, #tpu.memory_space<vmem_shared>>) offsets(%dma_start3A_1410 : memref<128xi32, #tpu.memory_space<vmem>>) semaphore(%run_scoped3A_1407 : memref<!tpu.dma_semaphore, #tpu.memory_space<semaphore_mem>>) {add = true}
      %dma_wait3A_1414 = arith.constant 0 : i32
      %dma_wait3A_1415 = tpu.memref_slice %arg8[%run_scoped3A_119, %dma_wait3A_1414] : memref<8x128xi32, #tpu.memory_space<vmem>> -> memref<1x128xi32, #tpu.memory_space<vmem>>
      %dma_wait3A_1416 = tpu.memref_squeeze %dma_wait3A_1415 : memref<1x128xi32, #tpu.memory_space<vmem>> -> memref<128xi32, #tpu.memory_space<vmem>>
      %dma_wait3A_1417 = arith.constant 0 : i32
      %dma_wait3A_1418 = arith.constant 0 : i32
      %dma_wait3A_1419 = tpu.memref_slice %arg6[%dma_wait3A_1417, %dma_wait3A_1418] : memref<10112x128xf32, #tpu.memory_space<vmem_shared>> -> memref<10112x128xf32, #tpu.memory_space<vmem_shared>>
      tpu.wait_indirect_dma semaphore(%run_scoped3A_1407 : memref<!tpu.dma_semaphore, #tpu.memory_space<semaphore_mem>>) src(%arg10 : memref<128x128xf32, #tpu.memory_space<vmem>>) dst(%dma_wait3A_1419 : memref<10112x128xf32, #tpu.memory_space<vmem_shared>>)
      tpu.yield
    }) : () -> ()
    %dma_start3A_120 = arith.constant 4 : i32
    %dma_start3A_121 = arith.constant 0 : i32
    %dma_start3A_122 = tpu.memref_slice %arg8[%dma_start3A_120, %dma_start3A_121] : memref<8x128xi32, #tpu.memory_space<vmem>> -> memref<1x128xi32, #tpu.memory_space<vmem>>
    %dma_start3A_123 = tpu.memref_squeeze %dma_start3A_122 : memref<1x128xi32, #tpu.memory_space<vmem>> -> memref<128xi32, #tpu.memory_space<vmem>>
    %dma_start3A_124 = arith.constant 0 : i32
    %dma_start3A_125 = arith.constant 0 : i32
    %dma_start3A_126 = tpu.memref_slice %arg2[%dma_start3A_124, %dma_start3A_125] : memref<10000x128xf32, #tpu.memory_space<hbm>> -> memref<10000x128xf32, #tpu.memory_space<hbm>>
    tpu.enqueue_indirect_dma source(%dma_start3A_126 : memref<10000x128xf32, #tpu.memory_space<hbm>>) target(%arg9 : memref<128x128xf32, #tpu.memory_space<vmem>>) offsets(%dma_start3A_123 : memref<128xi32, #tpu.memory_space<vmem>>) semaphore(%arg11 : memref<!tpu.dma_semaphore, #tpu.memory_space<semaphore_mem>>)
    %dma_wait3A_127 = arith.constant 4 : i32
    %dma_wait3A_128 = arith.constant 0 : i32
    %dma_wait3A_129 = tpu.memref_slice %arg8[%dma_wait3A_127, %dma_wait3A_128] : memref<8x128xi32, #tpu.memory_space<vmem>> -> memref<1x128xi32, #tpu.memory_space<vmem>>
    %dma_wait3A_130 = tpu.memref_squeeze %dma_wait3A_129 : memref<1x128xi32, #tpu.memory_space<vmem>> -> memref<128xi32, #tpu.memory_space<vmem>>
    %dma_wait3A_131 = arith.constant 0 : i32
    %dma_wait3A_132 = arith.constant 0 : i32
    %dma_wait3A_133 = tpu.memref_slice %arg2[%dma_wait3A_131, %dma_wait3A_132] : memref<10000x128xf32, #tpu.memory_space<hbm>> -> memref<10000x128xf32, #tpu.memory_space<hbm>>
    tpu.wait_indirect_dma semaphore(%arg11 : memref<!tpu.dma_semaphore, #tpu.memory_space<semaphore_mem>>) src(%dma_wait3A_133 : memref<10000x128xf32, #tpu.memory_space<hbm>>) dst(%arg9 : memref<128x128xf32, #tpu.memory_space<vmem>>)
    %run_scoped3A_134 = arith.constant 5 : i32
    "tpu.region"() ({
      %run_scoped3A_1407 = tpu.sem_alloc : memref<!tpu.dma_semaphore, #tpu.memory_space<semaphore_mem>>
      %dma_start3A_1408 = arith.constant 0 : i32
      %dma_start3A_1409 = tpu.memref_slice %arg8[%run_scoped3A_134, %dma_start3A_1408] : memref<8x128xi32, #tpu.memory_space<vmem>> -> memref<1x128xi32, #tpu.memory_space<vmem>>
      %dma_start3A_1410 = tpu.memref_squeeze %dma_start3A_1409 : memref<1x128xi32, #tpu.memory_space<vmem>> -> memref<128xi32, #tpu.memory_space<vmem>>
      %dma_start3A_1411 = arith.constant 0 : i32
      %dma_start3A_1412 = arith.constant 0 : i32
      %dma_start3A_1413 = tpu.memref_slice %arg6[%dma_start3A_1411, %dma_start3A_1412] : memref<10112x128xf32, #tpu.memory_space<vmem_shared>> -> memref<10112x128xf32, #tpu.memory_space<vmem_shared>>
      tpu.enqueue_indirect_dma source(%arg9 : memref<128x128xf32, #tpu.memory_space<vmem>>) target(%dma_start3A_1413 : memref<10112x128xf32, #tpu.memory_space<vmem_shared>>) offsets(%dma_start3A_1410 : memref<128xi32, #tpu.memory_space<vmem>>) semaphore(%run_scoped3A_1407 : memref<!tpu.dma_semaphore, #tpu.memory_space<semaphore_mem>>) {add = true}
      %dma_wait3A_1414 = arith.constant 0 : i32
      %dma_wait3A_1415 = tpu.memref_slice %arg8[%run_scoped3A_134, %dma_wait3A_1414] : memref<8x128xi32, #tpu.memory_space<vmem>> -> memref<1x128xi32, #tpu.memory_space<vmem>>
      %dma_wait3A_1416 = tpu.memref_squeeze %dma_wait3A_1415 : memref<1x128xi32, #tpu.memory_space<vmem>> -> memref<128xi32, #tpu.memory_space<vmem>>
      %dma_wait3A_1417 = arith.constant 0 : i32
      %dma_wait3A_1418 = arith.constant 0 : i32
      %dma_wait3A_1419 = tpu.memref_slice %arg6[%dma_wait3A_1417, %dma_wait3A_1418] : memref<10112x128xf32, #tpu.memory_space<vmem_shared>> -> memref<10112x128xf32, #tpu.memory_space<vmem_shared>>
      tpu.wait_indirect_dma semaphore(%run_scoped3A_1407 : memref<!tpu.dma_semaphore, #tpu.memory_space<semaphore_mem>>) src(%arg9 : memref<128x128xf32, #tpu.memory_space<vmem>>) dst(%dma_wait3A_1419 : memref<10112x128xf32, #tpu.memory_space<vmem_shared>>)
      tpu.yield
    }) : () -> ()
    %dma_start3A_135 = arith.constant 6 : i32
    %dma_start3A_136 = arith.constant 0 : i32
    %dma_start3A_137 = tpu.memref_slice %arg8[%dma_start3A_135, %dma_start3A_136] : memref<8x128xi32, #tpu.memory_space<vmem>> -> memref<1x128xi32, #tpu.memory_space<vmem>>
    %dma_start3A_138 = tpu.memref_squeeze %dma_start3A_137 : memref<1x128xi32, #tpu.memory_space<vmem>> -> memref<128xi32, #tpu.memory_space<vmem>>
    %dma_start3A_139 = arith.constant 0 : i32
    %dma_start3A_140 = arith.constant 0 : i32
    %dma_start3A_141 = tpu.memref_slice %arg2[%dma_start3A_139, %dma_start3A_140] : memref<10000x128xf32, #tpu.memory_space<hbm>> -> memref<10000x128xf32, #tpu.memory_space<hbm>>
    tpu.enqueue_indirect_dma source(%dma_start3A_141 : memref<10000x128xf32, #tpu.memory_space<hbm>>) target(%arg10 : memref<128x128xf32, #tpu.memory_space<vmem>>) offsets(%dma_start3A_138 : memref<128xi32, #tpu.memory_space<vmem>>) semaphore(%arg12 : memref<!tpu.dma_semaphore, #tpu.memory_space<semaphore_mem>>)
    %dma_wait3A_142 = arith.constant 6 : i32
    %dma_wait3A_143 = arith.constant 0 : i32
    %dma_wait3A_144 = tpu.memref_slice %arg8[%dma_wait3A_142, %dma_wait3A_143] : memref<8x128xi32, #tpu.memory_space<vmem>> -> memref<1x128xi32, #tpu.memory_space<vmem>>
    %dma_wait3A_145 = tpu.memref_squeeze %dma_wait3A_144 : memref<1x128xi32, #tpu.memory_space<vmem>> -> memref<128xi32, #tpu.memory_space<vmem>>
    %dma_wait3A_146 = arith.constant 0 : i32
    %dma_wait3A_147 = arith.constant 0 : i32
    %dma_wait3A_148 = tpu.memref_slice %arg2[%dma_wait3A_146, %dma_wait3A_147] : memref<10000x128xf32, #tpu.memory_space<hbm>> -> memref<10000x128xf32, #tpu.memory_space<hbm>>
    tpu.wait_indirect_dma semaphore(%arg12 : memref<!tpu.dma_semaphore, #tpu.memory_space<semaphore_mem>>) src(%dma_wait3A_148 : memref<10000x128xf32, #tpu.memory_space<hbm>>) dst(%arg10 : memref<128x128xf32, #tpu.memory_space<vmem>>)
    %run_scoped3A_149 = arith.constant 7 : i32
    "tpu.region"() ({
      %run_scoped3A_1407 = tpu.sem_alloc : memref<!tpu.dma_semaphore, #tpu.memory_space<semaphore_mem>>
      %dma_start3A_1408 = arith.constant 0 : i32
      %dma_start3A_1409 = tpu.memref_slice %arg8[%run_scoped3A_149, %dma_start3A_1408] : memref<8x128xi32, #tpu.memory_space<vmem>> -> memref<1x128xi32, #tpu.memory_space<vmem>>
      %dma_start3A_1410 = tpu.memref_squeeze %dma_start3A_1409 : memref<1x128xi32, #tpu.memory_space<vmem>> -> memref<128xi32, #tpu.memory_space<vmem>>
      %dma_start3A_1411 = arith.constant 0 : i32
      %dma_start3A_1412 = arith.constant 0 : i32
      %dma_start3A_1413 = tpu.memref_slice %arg6[%dma_start3A_1411, %dma_start3A_1412] : memref<10112x128xf32, #tpu.memory_space<vmem_shared>> -> memref<10112x128xf32, #tpu.memory_space<vmem_shared>>
      tpu.enqueue_indirect_dma source(%arg10 : memref<128x128xf32, #tpu.memory_space<vmem>>) target(%dma_start3A_1413 : memref<10112x128xf32, #tpu.memory_space<vmem_shared>>) offsets(%dma_start3A_1410 : memref<128xi32, #tpu.memory_space<vmem>>) semaphore(%run_scoped3A_1407 : memref<!tpu.dma_semaphore, #tpu.memory_space<semaphore_mem>>) {add = true}
      %dma_wait3A_1414 = arith.constant 0 : i32
      %dma_wait3A_1415 = tpu.memref_slice %arg8[%run_scoped3A_149, %dma_wait3A_1414] : memref<8x128xi32, #tpu.memory_space<vmem>> -> memref<1x128xi32, #tpu.memory_space<vmem>>
      %dma_wait3A_1416 = tpu.memref_squeeze %dma_wait3A_1415 : memref<1x128xi32, #tpu.memory_space<vmem>> -> memref<128xi32, #tpu.memory_space<vmem>>
      %dma_wait3A_1417 = arith.constant 0 : i32
      %dma_wait3A_1418 = arith.constant 0 : i32
      %dma_wait3A_1419 = tpu.memref_slice %arg6[%dma_wait3A_1417, %dma_wait3A_1418] : memref<10112x128xf32, #tpu.memory_space<vmem_shared>> -> memref<10112x128xf32, #tpu.memory_space<vmem_shared>>
      tpu.wait_indirect_dma semaphore(%run_scoped3A_1407 : memref<!tpu.dma_semaphore, #tpu.memory_space<semaphore_mem>>) src(%arg10 : memref<128x128xf32, #tpu.memory_space<vmem>>) dst(%dma_wait3A_1419 : memref<10112x128xf32, #tpu.memory_space<vmem_shared>>)
      tpu.yield
    }) : () -> ()
    %add3A_150 = arith.constant 24 : i32
    %add3A_151 = arith.addi %mul3A_4, %add3A_150 : i32
    %dma_start3A_152 = arith.constant 0 : i32
    %dma_start3A_153 = tpu.memref_slice %arg3[%add3A_151, %dma_start3A_152] : memref<5120x128xi32, #tpu.memory_space<hbm>> -> memref<8x128xi32, #tpu.memory_space<hbm>>
    %dma_start3A_154 = arith.constant 0 : i32
    %dma_start3A_155 = tpu.memref_slice %arg3[%add3A_151, %dma_start3A_154] : memref<5120x128xi32, #tpu.memory_space<hbm>> -> memref<8x128xi32, #tpu.memory_space<hbm>>
    tpu.enqueue_dma source(%dma_start3A_155 : memref<8x128xi32, #tpu.memory_space<hbm>>) target(%arg8 : memref<8x128xi32, #tpu.memory_space<vmem>>) target_semaphore(%arg14 : memref<!tpu.dma_semaphore, #tpu.memory_space<semaphore_mem>>)
    %dma_wait3A_156 = arith.constant 0 : i32
    %dma_wait3A_157 = tpu.memref_slice %arg3[%add3A_81, %dma_wait3A_156] : memref<5120x128xi32, #tpu.memory_space<hbm>> -> memref<8x128xi32, #tpu.memory_space<hbm>>
    %dma_wait3A_158 = arith.constant 0 : i32
    %dma_wait3A_159 = tpu.memref_slice %arg3[%add3A_81, %dma_wait3A_158] : memref<5120x128xi32, #tpu.memory_space<hbm>> -> memref<8x128xi32, #tpu.memory_space<hbm>>
    tpu.wait_dma2 semaphore(%arg13 : memref<!tpu.dma_semaphore, #tpu.memory_space<semaphore_mem>>) src(%dma_wait3A_159 : memref<8x128xi32, #tpu.memory_space<hbm>>) dst(%arg7 : memref<8x128xi32, #tpu.memory_space<vmem>>)
    %dma_start3A_160 = arith.constant 0 : i32
    %dma_start3A_161 = arith.constant 0 : i32
    %dma_start3A_162 = tpu.memref_slice %arg7[%dma_start3A_160, %dma_start3A_161] : memref<8x128xi32, #tpu.memory_space<vmem>> -> memref<1x128xi32, #tpu.memory_space<vmem>>
    %dma_start3A_163 = tpu.memref_squeeze %dma_start3A_162 : memref<1x128xi32, #tpu.memory_space<vmem>> -> memref<128xi32, #tpu.memory_space<vmem>>
    %dma_start3A_164 = arith.constant 0 : i32
    %dma_start3A_165 = arith.constant 0 : i32
    %dma_start3A_166 = tpu.memref_slice %arg2[%dma_start3A_164, %dma_start3A_165] : memref<10000x128xf32, #tpu.memory_space<hbm>> -> memref<10000x128xf32, #tpu.memory_space<hbm>>
    tpu.enqueue_indirect_dma source(%dma_start3A_166 : memref<10000x128xf32, #tpu.memory_space<hbm>>) target(%arg9 : memref<128x128xf32, #tpu.memory_space<vmem>>) offsets(%dma_start3A_163 : memref<128xi32, #tpu.memory_space<vmem>>) semaphore(%arg11 : memref<!tpu.dma_semaphore, #tpu.memory_space<semaphore_mem>>)
    %dma_wait3A_167 = arith.constant 0 : i32
    %dma_wait3A_168 = arith.constant 0 : i32
    %dma_wait3A_169 = tpu.memref_slice %arg7[%dma_wait3A_167, %dma_wait3A_168] : memref<8x128xi32, #tpu.memory_space<vmem>> -> memref<1x128xi32, #tpu.memory_space<vmem>>
    %dma_wait3A_170 = tpu.memref_squeeze %dma_wait3A_169 : memref<1x128xi32, #tpu.memory_space<vmem>> -> memref<128xi32, #tpu.memory_space<vmem>>
    %dma_wait3A_171 = arith.constant 0 : i32
    %dma_wait3A_172 = arith.constant 0 : i32
    %dma_wait3A_173 = tpu.memref_slice %arg2[%dma_wait3A_171, %dma_wait3A_172] : memref<10000x128xf32, #tpu.memory_space<hbm>> -> memref<10000x128xf32, #tpu.memory_space<hbm>>
    tpu.wait_indirect_dma semaphore(%arg11 : memref<!tpu.dma_semaphore, #tpu.memory_space<semaphore_mem>>) src(%dma_wait3A_173 : memref<10000x128xf32, #tpu.memory_space<hbm>>) dst(%arg9 : memref<128x128xf32, #tpu.memory_space<vmem>>)
    %run_scoped3A_174 = arith.constant 1 : i32
    "tpu.region"() ({
      %run_scoped3A_1407 = tpu.sem_alloc : memref<!tpu.dma_semaphore, #tpu.memory_space<semaphore_mem>>
      %dma_start3A_1408 = arith.constant 0 : i32
      %dma_start3A_1409 = tpu.memref_slice %arg7[%run_scoped3A_174, %dma_start3A_1408] : memref<8x128xi32, #tpu.memory_space<vmem>> -> memref<1x128xi32, #tpu.memory_space<vmem>>
      %dma_start3A_1410 = tpu.memref_squeeze %dma_start3A_1409 : memref<1x128xi32, #tpu.memory_space<vmem>> -> memref<128xi32, #tpu.memory_space<vmem>>
      %dma_start3A_1411 = arith.constant 0 : i32
      %dma_start3A_1412 = arith.constant 0 : i32
      %dma_start3A_1413 = tpu.memref_slice %arg6[%dma_start3A_1411, %dma_start3A_1412] : memref<10112x128xf32, #tpu.memory_space<vmem_shared>> -> memref<10112x128xf32, #tpu.memory_space<vmem_shared>>
      tpu.enqueue_indirect_dma source(%arg9 : memref<128x128xf32, #tpu.memory_space<vmem>>) target(%dma_start3A_1413 : memref<10112x128xf32, #tpu.memory_space<vmem_shared>>) offsets(%dma_start3A_1410 : memref<128xi32, #tpu.memory_space<vmem>>) semaphore(%run_scoped3A_1407 : memref<!tpu.dma_semaphore, #tpu.memory_space<semaphore_mem>>) {add = true}
      %dma_wait3A_1414 = arith.constant 0 : i32
      %dma_wait3A_1415 = tpu.memref_slice %arg7[%run_scoped3A_174, %dma_wait3A_1414] : memref<8x128xi32, #tpu.memory_space<vmem>> -> memref<1x128xi32, #tpu.memory_space<vmem>>
      %dma_wait3A_1416 = tpu.memref_squeeze %dma_wait3A_1415 : memref<1x128xi32, #tpu.memory_space<vmem>> -> memref<128xi32, #tpu.memory_space<vmem>>
      %dma_wait3A_1417 = arith.constant 0 : i32
      %dma_wait3A_1418 = arith.constant 0 : i32
      %dma_wait3A_1419 = tpu.memref_slice %arg6[%dma_wait3A_1417, %dma_wait3A_1418] : memref<10112x128xf32, #tpu.memory_space<vmem_shared>> -> memref<10112x128xf32, #tpu.memory_space<vmem_shared>>
      tpu.wait_indirect_dma semaphore(%run_scoped3A_1407 : memref<!tpu.dma_semaphore, #tpu.memory_space<semaphore_mem>>) src(%arg9 : memref<128x128xf32, #tpu.memory_space<vmem>>) dst(%dma_wait3A_1419 : memref<10112x128xf32, #tpu.memory_space<vmem_shared>>)
      tpu.yield
    }) : () -> ()
    %dma_start3A_175 = arith.constant 2 : i32
    %dma_start3A_176 = arith.constant 0 : i32
    %dma_start3A_177 = tpu.memref_slice %arg7[%dma_start3A_175, %dma_start3A_176] : memref<8x128xi32, #tpu.memory_space<vmem>> -> memref<1x128xi32, #tpu.memory_space<vmem>>
    %dma_start3A_178 = tpu.memref_squeeze %dma_start3A_177 : memref<1x128xi32, #tpu.memory_space<vmem>> -> memref<128xi32, #tpu.memory_space<vmem>>
    %dma_start3A_179 = arith.constant 0 : i32
    %dma_start3A_180 = arith.constant 0 : i32
    %dma_start3A_181 = tpu.memref_slice %arg2[%dma_start3A_179, %dma_start3A_180] : memref<10000x128xf32, #tpu.memory_space<hbm>> -> memref<10000x128xf32, #tpu.memory_space<hbm>>
    tpu.enqueue_indirect_dma source(%dma_start3A_181 : memref<10000x128xf32, #tpu.memory_space<hbm>>) target(%arg10 : memref<128x128xf32, #tpu.memory_space<vmem>>) offsets(%dma_start3A_178 : memref<128xi32, #tpu.memory_space<vmem>>) semaphore(%arg12 : memref<!tpu.dma_semaphore, #tpu.memory_space<semaphore_mem>>)
    %dma_wait3A_182 = arith.constant 2 : i32
    %dma_wait3A_183 = arith.constant 0 : i32
    %dma_wait3A_184 = tpu.memref_slice %arg7[%dma_wait3A_182, %dma_wait3A_183] : memref<8x128xi32, #tpu.memory_space<vmem>> -> memref<1x128xi32, #tpu.memory_space<vmem>>
    %dma_wait3A_185 = tpu.memref_squeeze %dma_wait3A_184 : memref<1x128xi32, #tpu.memory_space<vmem>> -> memref<128xi32, #tpu.memory_space<vmem>>
    %dma_wait3A_186 = arith.constant 0 : i32
    %dma_wait3A_187 = arith.constant 0 : i32
    %dma_wait3A_188 = tpu.memref_slice %arg2[%dma_wait3A_186, %dma_wait3A_187] : memref<10000x128xf32, #tpu.memory_space<hbm>> -> memref<10000x128xf32, #tpu.memory_space<hbm>>
    tpu.wait_indirect_dma semaphore(%arg12 : memref<!tpu.dma_semaphore, #tpu.memory_space<semaphore_mem>>) src(%dma_wait3A_188 : memref<10000x128xf32, #tpu.memory_space<hbm>>) dst(%arg10 : memref<128x128xf32, #tpu.memory_space<vmem>>)
    %run_scoped3A_189 = arith.constant 3 : i32
    "tpu.region"() ({
      %run_scoped3A_1407 = tpu.sem_alloc : memref<!tpu.dma_semaphore, #tpu.memory_space<semaphore_mem>>
      %dma_start3A_1408 = arith.constant 0 : i32
      %dma_start3A_1409 = tpu.memref_slice %arg7[%run_scoped3A_189, %dma_start3A_1408] : memref<8x128xi32, #tpu.memory_space<vmem>> -> memref<1x128xi32, #tpu.memory_space<vmem>>
      %dma_start3A_1410 = tpu.memref_squeeze %dma_start3A_1409 : memref<1x128xi32, #tpu.memory_space<vmem>> -> memref<128xi32, #tpu.memory_space<vmem>>
      %dma_start3A_1411 = arith.constant 0 : i32
      %dma_start3A_1412 = arith.constant 0 : i32
      %dma_start3A_1413 = tpu.memref_slice %arg6[%dma_start3A_1411, %dma_start3A_1412] : memref<10112x128xf32, #tpu.memory_space<vmem_shared>> -> memref<10112x128xf32, #tpu.memory_space<vmem_shared>>
      tpu.enqueue_indirect_dma source(%arg10 : memref<128x128xf32, #tpu.memory_space<vmem>>) target(%dma_start3A_1413 : memref<10112x128xf32, #tpu.memory_space<vmem_shared>>) offsets(%dma_start3A_1410 : memref<128xi32, #tpu.memory_space<vmem>>) semaphore(%run_scoped3A_1407 : memref<!tpu.dma_semaphore, #tpu.memory_space<semaphore_mem>>) {add = true}
      %dma_wait3A_1414 = arith.constant 0 : i32
      %dma_wait3A_1415 = tpu.memref_slice %arg7[%run_scoped3A_189, %dma_wait3A_1414] : memref<8x128xi32, #tpu.memory_space<vmem>> -> memref<1x128xi32, #tpu.memory_space<vmem>>
      %dma_wait3A_1416 = tpu.memref_squeeze %dma_wait3A_1415 : memref<1x128xi32, #tpu.memory_space<vmem>> -> memref<128xi32, #tpu.memory_space<vmem>>
      %dma_wait3A_1417 = arith.constant 0 : i32
      %dma_wait3A_1418 = arith.constant 0 : i32
      %dma_wait3A_1419 = tpu.memref_slice %arg6[%dma_wait3A_1417, %dma_wait3A_1418] : memref<10112x128xf32, #tpu.memory_space<vmem_shared>> -> memref<10112x128xf32, #tpu.memory_space<vmem_shared>>
      tpu.wait_indirect_dma semaphore(%run_scoped3A_1407 : memref<!tpu.dma_semaphore, #tpu.memory_space<semaphore_mem>>) src(%arg10 : memref<128x128xf32, #tpu.memory_space<vmem>>) dst(%dma_wait3A_1419 : memref<10112x128xf32, #tpu.memory_space<vmem_shared>>)
      tpu.yield
    }) : () -> ()
    %dma_start3A_190 = arith.constant 4 : i32
    %dma_start3A_191 = arith.constant 0 : i32
    %dma_start3A_192 = tpu.memref_slice %arg7[%dma_start3A_190, %dma_start3A_191] : memref<8x128xi32, #tpu.memory_space<vmem>> -> memref<1x128xi32, #tpu.memory_space<vmem>>
    %dma_start3A_193 = tpu.memref_squeeze %dma_start3A_192 : memref<1x128xi32, #tpu.memory_space<vmem>> -> memref<128xi32, #tpu.memory_space<vmem>>
    %dma_start3A_194 = arith.constant 0 : i32
    %dma_start3A_195 = arith.constant 0 : i32
    %dma_start3A_196 = tpu.memref_slice %arg2[%dma_start3A_194, %dma_start3A_195] : memref<10000x128xf32, #tpu.memory_space<hbm>> -> memref<10000x128xf32, #tpu.memory_space<hbm>>
    tpu.enqueue_indirect_dma source(%dma_start3A_196 : memref<10000x128xf32, #tpu.memory_space<hbm>>) target(%arg9 : memref<128x128xf32, #tpu.memory_space<vmem>>) offsets(%dma_start3A_193 : memref<128xi32, #tpu.memory_space<vmem>>) semaphore(%arg11 : memref<!tpu.dma_semaphore, #tpu.memory_space<semaphore_mem>>)
    %dma_wait3A_197 = arith.constant 4 : i32
    %dma_wait3A_198 = arith.constant 0 : i32
    %dma_wait3A_199 = tpu.memref_slice %arg7[%dma_wait3A_197, %dma_wait3A_198] : memref<8x128xi32, #tpu.memory_space<vmem>> -> memref<1x128xi32, #tpu.memory_space<vmem>>
    %dma_wait3A_200 = tpu.memref_squeeze %dma_wait3A_199 : memref<1x128xi32, #tpu.memory_space<vmem>> -> memref<128xi32, #tpu.memory_space<vmem>>
    %dma_wait3A_201 = arith.constant 0 : i32
    %dma_wait3A_202 = arith.constant 0 : i32
    %dma_wait3A_203 = tpu.memref_slice %arg2[%dma_wait3A_201, %dma_wait3A_202] : memref<10000x128xf32, #tpu.memory_space<hbm>> -> memref<10000x128xf32, #tpu.memory_space<hbm>>
    tpu.wait_indirect_dma semaphore(%arg11 : memref<!tpu.dma_semaphore, #tpu.memory_space<semaphore_mem>>) src(%dma_wait3A_203 : memref<10000x128xf32, #tpu.memory_space<hbm>>) dst(%arg9 : memref<128x128xf32, #tpu.memory_space<vmem>>)
    %run_scoped3A_204 = arith.constant 5 : i32
    "tpu.region"() ({
      %run_scoped3A_1407 = tpu.sem_alloc : memref<!tpu.dma_semaphore, #tpu.memory_space<semaphore_mem>>
      %dma_start3A_1408 = arith.constant 0 : i32
      %dma_start3A_1409 = tpu.memref_slice %arg7[%run_scoped3A_204, %dma_start3A_1408] : memref<8x128xi32, #tpu.memory_space<vmem>> -> memref<1x128xi32, #tpu.memory_space<vmem>>
      %dma_start3A_1410 = tpu.memref_squeeze %dma_start3A_1409 : memref<1x128xi32, #tpu.memory_space<vmem>> -> memref<128xi32, #tpu.memory_space<vmem>>
      %dma_start3A_1411 = arith.constant 0 : i32
      %dma_start3A_1412 = arith.constant 0 : i32
      %dma_start3A_1413 = tpu.memref_slice %arg6[%dma_start3A_1411, %dma_start3A_1412] : memref<10112x128xf32, #tpu.memory_space<vmem_shared>> -> memref<10112x128xf32, #tpu.memory_space<vmem_shared>>
      tpu.enqueue_indirect_dma source(%arg9 : memref<128x128xf32, #tpu.memory_space<vmem>>) target(%dma_start3A_1413 : memref<10112x128xf32, #tpu.memory_space<vmem_shared>>) offsets(%dma_start3A_1410 : memref<128xi32, #tpu.memory_space<vmem>>) semaphore(%run_scoped3A_1407 : memref<!tpu.dma_semaphore, #tpu.memory_space<semaphore_mem>>) {add = true}
      %dma_wait3A_1414 = arith.constant 0 : i32
      %dma_wait3A_1415 = tpu.memref_slice %arg7[%run_scoped3A_204, %dma_wait3A_1414] : memref<8x128xi32, #tpu.memory_space<vmem>> -> memref<1x128xi32, #tpu.memory_space<vmem>>
      %dma_wait3A_1416 = tpu.memref_squeeze %dma_wait3A_1415 : memref<1x128xi32, #tpu.memory_space<vmem>> -> memref<128xi32, #tpu.memory_space<vmem>>
      %dma_wait3A_1417 = arith.constant 0 : i32
      %dma_wait3A_1418 = arith.constant 0 : i32
      %dma_wait3A_1419 = tpu.memref_slice %arg6[%dma_wait3A_1417, %dma_wait3A_1418] : memref<10112x128xf32, #tpu.memory_space<vmem_shared>> -> memref<10112x128xf32, #tpu.memory_space<vmem_shared>>
      tpu.wait_indirect_dma semaphore(%run_scoped3A_1407 : memref<!tpu.dma_semaphore, #tpu.memory_space<semaphore_mem>>) src(%arg9 : memref<128x128xf32, #tpu.memory_space<vmem>>) dst(%dma_wait3A_1419 : memref<10112x128xf32, #tpu.memory_space<vmem_shared>>)
      tpu.yield
    }) : () -> ()
    %dma_start3A_205 = arith.constant 6 : i32
    %dma_start3A_206 = arith.constant 0 : i32
    %dma_start3A_207 = tpu.memref_slice %arg7[%dma_start3A_205, %dma_start3A_206] : memref<8x128xi32, #tpu.memory_space<vmem>> -> memref<1x128xi32, #tpu.memory_space<vmem>>
    %dma_start3A_208 = tpu.memref_squeeze %dma_start3A_207 : memref<1x128xi32, #tpu.memory_space<vmem>> -> memref<128xi32, #tpu.memory_space<vmem>>
    %dma_start3A_209 = arith.constant 0 : i32
    %dma_start3A_210 = arith.constant 0 : i32
    %dma_start3A_211 = tpu.memref_slice %arg2[%dma_start3A_209, %dma_start3A_210] : memref<10000x128xf32, #tpu.memory_space<hbm>> -> memref<10000x128xf32, #tpu.memory_space<hbm>>
    tpu.enqueue_indirect_dma source(%dma_start3A_211 : memref<10000x128xf32, #tpu.memory_space<hbm>>) target(%arg10 : memref<128x128xf32, #tpu.memory_space<vmem>>) offsets(%dma_start3A_208 : memref<128xi32, #tpu.memory_space<vmem>>) semaphore(%arg12 : memref<!tpu.dma_semaphore, #tpu.memory_space<semaphore_mem>>)
    %dma_wait3A_212 = arith.constant 6 : i32
    %dma_wait3A_213 = arith.constant 0 : i32
    %dma_wait3A_214 = tpu.memref_slice %arg7[%dma_wait3A_212, %dma_wait3A_213] : memref<8x128xi32, #tpu.memory_space<vmem>> -> memref<1x128xi32, #tpu.memory_space<vmem>>
    %dma_wait3A_215 = tpu.memref_squeeze %dma_wait3A_214 : memref<1x128xi32, #tpu.memory_space<vmem>> -> memref<128xi32, #tpu.memory_space<vmem>>
    %dma_wait3A_216 = arith.constant 0 : i32
    %dma_wait3A_217 = arith.constant 0 : i32
    %dma_wait3A_218 = tpu.memref_slice %arg2[%dma_wait3A_216, %dma_wait3A_217] : memref<10000x128xf32, #tpu.memory_space<hbm>> -> memref<10000x128xf32, #tpu.memory_space<hbm>>
    tpu.wait_indirect_dma semaphore(%arg12 : memref<!tpu.dma_semaphore, #tpu.memory_space<semaphore_mem>>) src(%dma_wait3A_218 : memref<10000x128xf32, #tpu.memory_space<hbm>>) dst(%arg10 : memref<128x128xf32, #tpu.memory_space<vmem>>)
    %run_scoped3A_219 = arith.constant 7 : i32
    "tpu.region"() ({
      %run_scoped3A_1407 = tpu.sem_alloc : memref<!tpu.dma_semaphore, #tpu.memory_space<semaphore_mem>>
      %dma_start3A_1408 = arith.constant 0 : i32
      %dma_start3A_1409 = tpu.memref_slice %arg7[%run_scoped3A_219, %dma_start3A_1408] : memref<8x128xi32, #tpu.memory_space<vmem>> -> memref<1x128xi32, #tpu.memory_space<vmem>>
      %dma_start3A_1410 = tpu.memref_squeeze %dma_start3A_1409 : memref<1x128xi32, #tpu.memory_space<vmem>> -> memref<128xi32, #tpu.memory_space<vmem>>
      %dma_start3A_1411 = arith.constant 0 : i32
      %dma_start3A_1412 = arith.constant 0 : i32
      %dma_start3A_1413 = tpu.memref_slice %arg6[%dma_start3A_1411, %dma_start3A_1412] : memref<10112x128xf32, #tpu.memory_space<vmem_shared>> -> memref<10112x128xf32, #tpu.memory_space<vmem_shared>>
      tpu.enqueue_indirect_dma source(%arg10 : memref<128x128xf32, #tpu.memory_space<vmem>>) target(%dma_start3A_1413 : memref<10112x128xf32, #tpu.memory_space<vmem_shared>>) offsets(%dma_start3A_1410 : memref<128xi32, #tpu.memory_space<vmem>>) semaphore(%run_scoped3A_1407 : memref<!tpu.dma_semaphore, #tpu.memory_space<semaphore_mem>>) {add = true}
      %dma_wait3A_1414 = arith.constant 0 : i32
      %dma_wait3A_1415 = tpu.memref_slice %arg7[%run_scoped3A_219, %dma_wait3A_1414] : memref<8x128xi32, #tpu.memory_space<vmem>> -> memref<1x128xi32, #tpu.memory_space<vmem>>
      %dma_wait3A_1416 = tpu.memref_squeeze %dma_wait3A_1415 : memref<1x128xi32, #tpu.memory_space<vmem>> -> memref<128xi32, #tpu.memory_space<vmem>>
      %dma_wait3A_1417 = arith.constant 0 : i32
      %dma_wait3A_1418 = arith.constant 0 : i32
      %dma_wait3A_1419 = tpu.memref_slice %arg6[%dma_wait3A_1417, %dma_wait3A_1418] : memref<10112x128xf32, #tpu.memory_space<vmem_shared>> -> memref<10112x128xf32, #tpu.memory_space<vmem_shared>>
      tpu.wait_indirect_dma semaphore(%run_scoped3A_1407 : memref<!tpu.dma_semaphore, #tpu.memory_space<semaphore_mem>>) src(%arg10 : memref<128x128xf32, #tpu.memory_space<vmem>>) dst(%dma_wait3A_1419 : memref<10112x128xf32, #tpu.memory_space<vmem_shared>>)
      tpu.yield
    }) : () -> ()
    %add3A_220 = arith.constant 32 : i32
    %add3A_221 = arith.addi %mul3A_4, %add3A_220 : i32
    %dma_start3A_222 = arith.constant 0 : i32
    %dma_start3A_223 = tpu.memref_slice %arg3[%add3A_221, %dma_start3A_222] : memref<5120x128xi32, #tpu.memory_space<hbm>> -> memref<8x128xi32, #tpu.memory_space<hbm>>
    %dma_start3A_224 = arith.constant 0 : i32
    %dma_start3A_225 = tpu.memref_slice %arg3[%add3A_221, %dma_start3A_224] : memref<5120x128xi32, #tpu.memory_space<hbm>> -> memref<8x128xi32, #tpu.memory_space<hbm>>
    tpu.enqueue_dma source(%dma_start3A_225 : memref<8x128xi32, #tpu.memory_space<hbm>>) target(%arg7 : memref<8x128xi32, #tpu.memory_space<vmem>>) target_semaphore(%arg13 : memref<!tpu.dma_semaphore, #tpu.memory_space<semaphore_mem>>)
    %dma_wait3A_226 = arith.constant 0 : i32
    %dma_wait3A_227 = tpu.memref_slice %arg3[%add3A_151, %dma_wait3A_226] : memref<5120x128xi32, #tpu.memory_space<hbm>> -> memref<8x128xi32, #tpu.memory_space<hbm>>
    %dma_wait3A_228 = arith.constant 0 : i32
    %dma_wait3A_229 = tpu.memref_slice %arg3[%add3A_151, %dma_wait3A_228] : memref<5120x128xi32, #tpu.memory_space<hbm>> -> memref<8x128xi32, #tpu.memory_space<hbm>>
    tpu.wait_dma2 semaphore(%arg14 : memref<!tpu.dma_semaphore, #tpu.memory_space<semaphore_mem>>) src(%dma_wait3A_229 : memref<8x128xi32, #tpu.memory_space<hbm>>) dst(%arg8 : memref<8x128xi32, #tpu.memory_space<vmem>>)
    %dma_start3A_230 = arith.constant 0 : i32
    %dma_start3A_231 = arith.constant 0 : i32
    %dma_start3A_232 = tpu.memref_slice %arg8[%dma_start3A_230, %dma_start3A_231] : memref<8x128xi32, #tpu.memory_space<vmem>> -> memref<1x128xi32, #tpu.memory_space<vmem>>
    %dma_start3A_233 = tpu.memref_squeeze %dma_start3A_232 : memref<1x128xi32, #tpu.memory_space<vmem>> -> memref<128xi32, #tpu.memory_space<vmem>>
    %dma_start3A_234 = arith.constant 0 : i32
    %dma_start3A_235 = arith.constant 0 : i32
    %dma_start3A_236 = tpu.memref_slice %arg2[%dma_start3A_234, %dma_start3A_235] : memref<10000x128xf32, #tpu.memory_space<hbm>> -> memref<10000x128xf32, #tpu.memory_space<hbm>>
    tpu.enqueue_indirect_dma source(%dma_start3A_236 : memref<10000x128xf32, #tpu.memory_space<hbm>>) target(%arg9 : memref<128x128xf32, #tpu.memory_space<vmem>>) offsets(%dma_start3A_233 : memref<128xi32, #tpu.memory_space<vmem>>) semaphore(%arg11 : memref<!tpu.dma_semaphore, #tpu.memory_space<semaphore_mem>>)
    %dma_wait3A_237 = arith.constant 0 : i32
    %dma_wait3A_238 = arith.constant 0 : i32
    %dma_wait3A_239 = tpu.memref_slice %arg8[%dma_wait3A_237, %dma_wait3A_238] : memref<8x128xi32, #tpu.memory_space<vmem>> -> memref<1x128xi32, #tpu.memory_space<vmem>>
    %dma_wait3A_240 = tpu.memref_squeeze %dma_wait3A_239 : memref<1x128xi32, #tpu.memory_space<vmem>> -> memref<128xi32, #tpu.memory_space<vmem>>
    %dma_wait3A_241 = arith.constant 0 : i32
    %dma_wait3A_242 = arith.constant 0 : i32
    %dma_wait3A_243 = tpu.memref_slice %arg2[%dma_wait3A_241, %dma_wait3A_242] : memref<10000x128xf32, #tpu.memory_space<hbm>> -> memref<10000x128xf32, #tpu.memory_space<hbm>>
    tpu.wait_indirect_dma semaphore(%arg11 : memref<!tpu.dma_semaphore, #tpu.memory_space<semaphore_mem>>) src(%dma_wait3A_243 : memref<10000x128xf32, #tpu.memory_space<hbm>>) dst(%arg9 : memref<128x128xf32, #tpu.memory_space<vmem>>)
    %run_scoped3A_244 = arith.constant 1 : i32
    "tpu.region"() ({
      %run_scoped3A_1407 = tpu.sem_alloc : memref<!tpu.dma_semaphore, #tpu.memory_space<semaphore_mem>>
      %dma_start3A_1408 = arith.constant 0 : i32
      %dma_start3A_1409 = tpu.memref_slice %arg8[%run_scoped3A_244, %dma_start3A_1408] : memref<8x128xi32, #tpu.memory_space<vmem>> -> memref<1x128xi32, #tpu.memory_space<vmem>>
      %dma_start3A_1410 = tpu.memref_squeeze %dma_start3A_1409 : memref<1x128xi32, #tpu.memory_space<vmem>> -> memref<128xi32, #tpu.memory_space<vmem>>
      %dma_start3A_1411 = arith.constant 0 : i32
      %dma_start3A_1412 = arith.constant 0 : i32
      %dma_start3A_1413 = tpu.memref_slice %arg6[%dma_start3A_1411, %dma_start3A_1412] : memref<10112x128xf32, #tpu.memory_space<vmem_shared>> -> memref<10112x128xf32, #tpu.memory_space<vmem_shared>>
      tpu.enqueue_indirect_dma source(%arg9 : memref<128x128xf32, #tpu.memory_space<vmem>>) target(%dma_start3A_1413 : memref<10112x128xf32, #tpu.memory_space<vmem_shared>>) offsets(%dma_start3A_1410 : memref<128xi32, #tpu.memory_space<vmem>>) semaphore(%run_scoped3A_1407 : memref<!tpu.dma_semaphore, #tpu.memory_space<semaphore_mem>>) {add = true}
      %dma_wait3A_1414 = arith.constant 0 : i32
      %dma_wait3A_1415 = tpu.memref_slice %arg8[%run_scoped3A_244, %dma_wait3A_1414] : memref<8x128xi32, #tpu.memory_space<vmem>> -> memref<1x128xi32, #tpu.memory_space<vmem>>
      %dma_wait3A_1416 = tpu.memref_squeeze %dma_wait3A_1415 : memref<1x128xi32, #tpu.memory_space<vmem>> -> memref<128xi32, #tpu.memory_space<vmem>>
      %dma_wait3A_1417 = arith.constant 0 : i32
      %dma_wait3A_1418 = arith.constant 0 : i32
      %dma_wait3A_1419 = tpu.memref_slice %arg6[%dma_wait3A_1417, %dma_wait3A_1418] : memref<10112x128xf32, #tpu.memory_space<vmem_shared>> -> memref<10112x128xf32, #tpu.memory_space<vmem_shared>>
      tpu.wait_indirect_dma semaphore(%run_scoped3A_1407 : memref<!tpu.dma_semaphore, #tpu.memory_space<semaphore_mem>>) src(%arg9 : memref<128x128xf32, #tpu.memory_space<vmem>>) dst(%dma_wait3A_1419 : memref<10112x128xf32, #tpu.memory_space<vmem_shared>>)
      tpu.yield
    }) : () -> ()
    %dma_start3A_245 = arith.constant 2 : i32
    %dma_start3A_246 = arith.constant 0 : i32
    %dma_start3A_247 = tpu.memref_slice %arg8[%dma_start3A_245, %dma_start3A_246] : memref<8x128xi32, #tpu.memory_space<vmem>> -> memref<1x128xi32, #tpu.memory_space<vmem>>
    %dma_start3A_248 = tpu.memref_squeeze %dma_start3A_247 : memref<1x128xi32, #tpu.memory_space<vmem>> -> memref<128xi32, #tpu.memory_space<vmem>>
    %dma_start3A_249 = arith.constant 0 : i32
    %dma_start3A_250 = arith.constant 0 : i32
    %dma_start3A_251 = tpu.memref_slice %arg2[%dma_start3A_249, %dma_start3A_250] : memref<10000x128xf32, #tpu.memory_space<hbm>> -> memref<10000x128xf32, #tpu.memory_space<hbm>>
    tpu.enqueue_indirect_dma source(%dma_start3A_251 : memref<10000x128xf32, #tpu.memory_space<hbm>>) target(%arg10 : memref<128x128xf32, #tpu.memory_space<vmem>>) offsets(%dma_start3A_248 : memref<128xi32, #tpu.memory_space<vmem>>) semaphore(%arg12 : memref<!tpu.dma_semaphore, #tpu.memory_space<semaphore_mem>>)
    %dma_wait3A_252 = arith.constant 2 : i32
    %dma_wait3A_253 = arith.constant 0 : i32
    %dma_wait3A_254 = tpu.memref_slice %arg8[%dma_wait3A_252, %dma_wait3A_253] : memref<8x128xi32, #tpu.memory_space<vmem>> -> memref<1x128xi32, #tpu.memory_space<vmem>>
    %dma_wait3A_255 = tpu.memref_squeeze %dma_wait3A_254 : memref<1x128xi32, #tpu.memory_space<vmem>> -> memref<128xi32, #tpu.memory_space<vmem>>
    %dma_wait3A_256 = arith.constant 0 : i32
    %dma_wait3A_257 = arith.constant 0 : i32
    %dma_wait3A_258 = tpu.memref_slice %arg2[%dma_wait3A_256, %dma_wait3A_257] : memref<10000x128xf32, #tpu.memory_space<hbm>> -> memref<10000x128xf32, #tpu.memory_space<hbm>>
    tpu.wait_indirect_dma semaphore(%arg12 : memref<!tpu.dma_semaphore, #tpu.memory_space<semaphore_mem>>) src(%dma_wait3A_258 : memref<10000x128xf32, #tpu.memory_space<hbm>>) dst(%arg10 : memref<128x128xf32, #tpu.memory_space<vmem>>)
    %run_scoped3A_259 = arith.constant 3 : i32
    "tpu.region"() ({
      %run_scoped3A_1407 = tpu.sem_alloc : memref<!tpu.dma_semaphore, #tpu.memory_space<semaphore_mem>>
      %dma_start3A_1408 = arith.constant 0 : i32
      %dma_start3A_1409 = tpu.memref_slice %arg8[%run_scoped3A_259, %dma_start3A_1408] : memref<8x128xi32, #tpu.memory_space<vmem>> -> memref<1x128xi32, #tpu.memory_space<vmem>>
      %dma_start3A_1410 = tpu.memref_squeeze %dma_start3A_1409 : memref<1x128xi32, #tpu.memory_space<vmem>> -> memref<128xi32, #tpu.memory_space<vmem>>
      %dma_start3A_1411 = arith.constant 0 : i32
      %dma_start3A_1412 = arith.constant 0 : i32
      %dma_start3A_1413 = tpu.memref_slice %arg6[%dma_start3A_1411, %dma_start3A_1412] : memref<10112x128xf32, #tpu.memory_space<vmem_shared>> -> memref<10112x128xf32, #tpu.memory_space<vmem_shared>>
      tpu.enqueue_indirect_dma source(%arg10 : memref<128x128xf32, #tpu.memory_space<vmem>>) target(%dma_start3A_1413 : memref<10112x128xf32, #tpu.memory_space<vmem_shared>>) offsets(%dma_start3A_1410 : memref<128xi32, #tpu.memory_space<vmem>>) semaphore(%run_scoped3A_1407 : memref<!tpu.dma_semaphore, #tpu.memory_space<semaphore_mem>>) {add = true}
      %dma_wait3A_1414 = arith.constant 0 : i32
      %dma_wait3A_1415 = tpu.memref_slice %arg8[%run_scoped3A_259, %dma_wait3A_1414] : memref<8x128xi32, #tpu.memory_space<vmem>> -> memref<1x128xi32, #tpu.memory_space<vmem>>
      %dma_wait3A_1416 = tpu.memref_squeeze %dma_wait3A_1415 : memref<1x128xi32, #tpu.memory_space<vmem>> -> memref<128xi32, #tpu.memory_space<vmem>>
      %dma_wait3A_1417 = arith.constant 0 : i32
      %dma_wait3A_1418 = arith.constant 0 : i32
      %dma_wait3A_1419 = tpu.memref_slice %arg6[%dma_wait3A_1417, %dma_wait3A_1418] : memref<10112x128xf32, #tpu.memory_space<vmem_shared>> -> memref<10112x128xf32, #tpu.memory_space<vmem_shared>>
      tpu.wait_indirect_dma semaphore(%run_scoped3A_1407 : memref<!tpu.dma_semaphore, #tpu.memory_space<semaphore_mem>>) src(%arg10 : memref<128x128xf32, #tpu.memory_space<vmem>>) dst(%dma_wait3A_1419 : memref<10112x128xf32, #tpu.memory_space<vmem_shared>>)
      tpu.yield
    }) : () -> ()
    %dma_start3A_260 = arith.constant 4 : i32
    %dma_start3A_261 = arith.constant 0 : i32
    %dma_start3A_262 = tpu.memref_slice %arg8[%dma_start3A_260, %dma_start3A_261] : memref<8x128xi32, #tpu.memory_space<vmem>> -> memref<1x128xi32, #tpu.memory_space<vmem>>
    %dma_start3A_263 = tpu.memref_squeeze %dma_start3A_262 : memref<1x128xi32, #tpu.memory_space<vmem>> -> memref<128xi32, #tpu.memory_space<vmem>>
    %dma_start3A_264 = arith.constant 0 : i32
    %dma_start3A_265 = arith.constant 0 : i32
    %dma_start3A_266 = tpu.memref_slice %arg2[%dma_start3A_264, %dma_start3A_265] : memref<10000x128xf32, #tpu.memory_space<hbm>> -> memref<10000x128xf32, #tpu.memory_space<hbm>>
    tpu.enqueue_indirect_dma source(%dma_start3A_266 : memref<10000x128xf32, #tpu.memory_space<hbm>>) target(%arg9 : memref<128x128xf32, #tpu.memory_space<vmem>>) offsets(%dma_start3A_263 : memref<128xi32, #tpu.memory_space<vmem>>) semaphore(%arg11 : memref<!tpu.dma_semaphore, #tpu.memory_space<semaphore_mem>>)
    %dma_wait3A_267 = arith.constant 4 : i32
    %dma_wait3A_268 = arith.constant 0 : i32
    %dma_wait3A_269 = tpu.memref_slice %arg8[%dma_wait3A_267, %dma_wait3A_268] : memref<8x128xi32, #tpu.memory_space<vmem>> -> memref<1x128xi32, #tpu.memory_space<vmem>>
    %dma_wait3A_270 = tpu.memref_squeeze %dma_wait3A_269 : memref<1x128xi32, #tpu.memory_space<vmem>> -> memref<128xi32, #tpu.memory_space<vmem>>
    %dma_wait3A_271 = arith.constant 0 : i32
    %dma_wait3A_272 = arith.constant 0 : i32
    %dma_wait3A_273 = tpu.memref_slice %arg2[%dma_wait3A_271, %dma_wait3A_272] : memref<10000x128xf32, #tpu.memory_space<hbm>> -> memref<10000x128xf32, #tpu.memory_space<hbm>>
    tpu.wait_indirect_dma semaphore(%arg11 : memref<!tpu.dma_semaphore, #tpu.memory_space<semaphore_mem>>) src(%dma_wait3A_273 : memref<10000x128xf32, #tpu.memory_space<hbm>>) dst(%arg9 : memref<128x128xf32, #tpu.memory_space<vmem>>)
    %run_scoped3A_274 = arith.constant 5 : i32
    "tpu.region"() ({
      %run_scoped3A_1407 = tpu.sem_alloc : memref<!tpu.dma_semaphore, #tpu.memory_space<semaphore_mem>>
      %dma_start3A_1408 = arith.constant 0 : i32
      %dma_start3A_1409 = tpu.memref_slice %arg8[%run_scoped3A_274, %dma_start3A_1408] : memref<8x128xi32, #tpu.memory_space<vmem>> -> memref<1x128xi32, #tpu.memory_space<vmem>>
      %dma_start3A_1410 = tpu.memref_squeeze %dma_start3A_1409 : memref<1x128xi32, #tpu.memory_space<vmem>> -> memref<128xi32, #tpu.memory_space<vmem>>
      %dma_start3A_1411 = arith.constant 0 : i32
      %dma_start3A_1412 = arith.constant 0 : i32
      %dma_start3A_1413 = tpu.memref_slice %arg6[%dma_start3A_1411, %dma_start3A_1412] : memref<10112x128xf32, #tpu.memory_space<vmem_shared>> -> memref<10112x128xf32, #tpu.memory_space<vmem_shared>>
      tpu.enqueue_indirect_dma source(%arg9 : memref<128x128xf32, #tpu.memory_space<vmem>>) target(%dma_start3A_1413 : memref<10112x128xf32, #tpu.memory_space<vmem_shared>>) offsets(%dma_start3A_1410 : memref<128xi32, #tpu.memory_space<vmem>>) semaphore(%run_scoped3A_1407 : memref<!tpu.dma_semaphore, #tpu.memory_space<semaphore_mem>>) {add = true}
      %dma_wait3A_1414 = arith.constant 0 : i32
      %dma_wait3A_1415 = tpu.memref_slice %arg8[%run_scoped3A_274, %dma_wait3A_1414] : memref<8x128xi32, #tpu.memory_space<vmem>> -> memref<1x128xi32, #tpu.memory_space<vmem>>
      %dma_wait3A_1416 = tpu.memref_squeeze %dma_wait3A_1415 : memref<1x128xi32, #tpu.memory_space<vmem>> -> memref<128xi32, #tpu.memory_space<vmem>>
      %dma_wait3A_1417 = arith.constant 0 : i32
      %dma_wait3A_1418 = arith.constant 0 : i32
      %dma_wait3A_1419 = tpu.memref_slice %arg6[%dma_wait3A_1417, %dma_wait3A_1418] : memref<10112x128xf32, #tpu.memory_space<vmem_shared>> -> memref<10112x128xf32, #tpu.memory_space<vmem_shared>>
      tpu.wait_indirect_dma semaphore(%run_scoped3A_1407 : memref<!tpu.dma_semaphore, #tpu.memory_space<semaphore_mem>>) src(%arg9 : memref<128x128xf32, #tpu.memory_space<vmem>>) dst(%dma_wait3A_1419 : memref<10112x128xf32, #tpu.memory_space<vmem_shared>>)
      tpu.yield
    }) : () -> ()
    %dma_start3A_275 = arith.constant 6 : i32
    %dma_start3A_276 = arith.constant 0 : i32
    %dma_start3A_277 = tpu.memref_slice %arg8[%dma_start3A_275, %dma_start3A_276] : memref<8x128xi32, #tpu.memory_space<vmem>> -> memref<1x128xi32, #tpu.memory_space<vmem>>
    %dma_start3A_278 = tpu.memref_squeeze %dma_start3A_277 : memref<1x128xi32, #tpu.memory_space<vmem>> -> memref<128xi32, #tpu.memory_space<vmem>>
    %dma_start3A_279 = arith.constant 0 : i32
    %dma_start3A_280 = arith.constant 0 : i32
    %dma_start3A_281 = tpu.memref_slice %arg2[%dma_start3A_279, %dma_start3A_280] : memref<10000x128xf32, #tpu.memory_space<hbm>> -> memref<10000x128xf32, #tpu.memory_space<hbm>>
    tpu.enqueue_indirect_dma source(%dma_start3A_281 : memref<10000x128xf32, #tpu.memory_space<hbm>>) target(%arg10 : memref<128x128xf32, #tpu.memory_space<vmem>>) offsets(%dma_start3A_278 : memref<128xi32, #tpu.memory_space<vmem>>) semaphore(%arg12 : memref<!tpu.dma_semaphore, #tpu.memory_space<semaphore_mem>>)
    %dma_wait3A_282 = arith.constant 6 : i32
    %dma_wait3A_283 = arith.constant 0 : i32
    %dma_wait3A_284 = tpu.memref_slice %arg8[%dma_wait3A_282, %dma_wait3A_283] : memref<8x128xi32, #tpu.memory_space<vmem>> -> memref<1x128xi32, #tpu.memory_space<vmem>>
    %dma_wait3A_285 = tpu.memref_squeeze %dma_wait3A_284 : memref<1x128xi32, #tpu.memory_space<vmem>> -> memref<128xi32, #tpu.memory_space<vmem>>
    %dma_wait3A_286 = arith.constant 0 : i32
    %dma_wait3A_287 = arith.constant 0 : i32
    %dma_wait3A_288 = tpu.memref_slice %arg2[%dma_wait3A_286, %dma_wait3A_287] : memref<10000x128xf32, #tpu.memory_space<hbm>> -> memref<10000x128xf32, #tpu.memory_space<hbm>>
    tpu.wait_indirect_dma semaphore(%arg12 : memref<!tpu.dma_semaphore, #tpu.memory_space<semaphore_mem>>) src(%dma_wait3A_288 : memref<10000x128xf32, #tpu.memory_space<hbm>>) dst(%arg10 : memref<128x128xf32, #tpu.memory_space<vmem>>)
    %run_scoped3A_289 = arith.constant 7 : i32
    "tpu.region"() ({
      %run_scoped3A_1407 = tpu.sem_alloc : memref<!tpu.dma_semaphore, #tpu.memory_space<semaphore_mem>>
      %dma_start3A_1408 = arith.constant 0 : i32
      %dma_start3A_1409 = tpu.memref_slice %arg8[%run_scoped3A_289, %dma_start3A_1408] : memref<8x128xi32, #tpu.memory_space<vmem>> -> memref<1x128xi32, #tpu.memory_space<vmem>>
      %dma_start3A_1410 = tpu.memref_squeeze %dma_start3A_1409 : memref<1x128xi32, #tpu.memory_space<vmem>> -> memref<128xi32, #tpu.memory_space<vmem>>
      %dma_start3A_1411 = arith.constant 0 : i32
      %dma_start3A_1412 = arith.constant 0 : i32
      %dma_start3A_1413 = tpu.memref_slice %arg6[%dma_start3A_1411, %dma_start3A_1412] : memref<10112x128xf32, #tpu.memory_space<vmem_shared>> -> memref<10112x128xf32, #tpu.memory_space<vmem_shared>>
      tpu.enqueue_indirect_dma source(%arg10 : memref<128x128xf32, #tpu.memory_space<vmem>>) target(%dma_start3A_1413 : memref<10112x128xf32, #tpu.memory_space<vmem_shared>>) offsets(%dma_start3A_1410 : memref<128xi32, #tpu.memory_space<vmem>>) semaphore(%run_scoped3A_1407 : memref<!tpu.dma_semaphore, #tpu.memory_space<semaphore_mem>>) {add = true}
      %dma_wait3A_1414 = arith.constant 0 : i32
      %dma_wait3A_1415 = tpu.memref_slice %arg8[%run_scoped3A_289, %dma_wait3A_1414] : memref<8x128xi32, #tpu.memory_space<vmem>> -> memref<1x128xi32, #tpu.memory_space<vmem>>
      %dma_wait3A_1416 = tpu.memref_squeeze %dma_wait3A_1415 : memref<1x128xi32, #tpu.memory_space<vmem>> -> memref<128xi32, #tpu.memory_space<vmem>>
      %dma_wait3A_1417 = arith.constant 0 : i32
      %dma_wait3A_1418 = arith.constant 0 : i32
      %dma_wait3A_1419 = tpu.memref_slice %arg6[%dma_wait3A_1417, %dma_wait3A_1418] : memref<10112x128xf32, #tpu.memory_space<vmem_shared>> -> memref<10112x128xf32, #tpu.memory_space<vmem_shared>>
      tpu.wait_indirect_dma semaphore(%run_scoped3A_1407 : memref<!tpu.dma_semaphore, #tpu.memory_space<semaphore_mem>>) src(%arg10 : memref<128x128xf32, #tpu.memory_space<vmem>>) dst(%dma_wait3A_1419 : memref<10112x128xf32, #tpu.memory_space<vmem_shared>>)
      tpu.yield
    }) : () -> ()
    %add3A_290 = arith.constant 40 : i32
    %add3A_291 = arith.addi %mul3A_4, %add3A_290 : i32
    %dma_start3A_292 = arith.constant 0 : i32
    %dma_start3A_293 = tpu.memref_slice %arg3[%add3A_291, %dma_start3A_292] : memref<5120x128xi32, #tpu.memory_space<hbm>> -> memref<8x128xi32, #tpu.memory_space<hbm>>
    %dma_start3A_294 = arith.constant 0 : i32
    %dma_start3A_295 = tpu.memref_slice %arg3[%add3A_291, %dma_start3A_294] : memref<5120x128xi32, #tpu.memory_space<hbm>> -> memref<8x128xi32, #tpu.memory_space<hbm>>
    tpu.enqueue_dma source(%dma_start3A_295 : memref<8x128xi32, #tpu.memory_space<hbm>>) target(%arg8 : memref<8x128xi32, #tpu.memory_space<vmem>>) target_semaphore(%arg14 : memref<!tpu.dma_semaphore, #tpu.memory_space<semaphore_mem>>)
    %dma_wait3A_296 = arith.constant 0 : i32
    %dma_wait3A_297 = tpu.memref_slice %arg3[%add3A_221, %dma_wait3A_296] : memref<5120x128xi32, #tpu.memory_space<hbm>> -> memref<8x128xi32, #tpu.memory_space<hbm>>
    %dma_wait3A_298 = arith.constant 0 : i32
    %dma_wait3A_299 = tpu.memref_slice %arg3[%add3A_221, %dma_wait3A_298] : memref<5120x128xi32, #tpu.memory_space<hbm>> -> memref<8x128xi32, #tpu.memory_space<hbm>>
    tpu.wait_dma2 semaphore(%arg13 : memref<!tpu.dma_semaphore, #tpu.memory_space<semaphore_mem>>) src(%dma_wait3A_299 : memref<8x128xi32, #tpu.memory_space<hbm>>) dst(%arg7 : memref<8x128xi32, #tpu.memory_space<vmem>>)
    %dma_start3A_300 = arith.constant 0 : i32
    %dma_start3A_301 = arith.constant 0 : i32
    %dma_start3A_302 = tpu.memref_slice %arg7[%dma_start3A_300, %dma_start3A_301] : memref<8x128xi32, #tpu.memory_space<vmem>> -> memref<1x128xi32, #tpu.memory_space<vmem>>
    %dma_start3A_303 = tpu.memref_squeeze %dma_start3A_302 : memref<1x128xi32, #tpu.memory_space<vmem>> -> memref<128xi32, #tpu.memory_space<vmem>>
    %dma_start3A_304 = arith.constant 0 : i32
    %dma_start3A_305 = arith.constant 0 : i32
    %dma_start3A_306 = tpu.memref_slice %arg2[%dma_start3A_304, %dma_start3A_305] : memref<10000x128xf32, #tpu.memory_space<hbm>> -> memref<10000x128xf32, #tpu.memory_space<hbm>>
    tpu.enqueue_indirect_dma source(%dma_start3A_306 : memref<10000x128xf32, #tpu.memory_space<hbm>>) target(%arg9 : memref<128x128xf32, #tpu.memory_space<vmem>>) offsets(%dma_start3A_303 : memref<128xi32, #tpu.memory_space<vmem>>) semaphore(%arg11 : memref<!tpu.dma_semaphore, #tpu.memory_space<semaphore_mem>>)
    %dma_wait3A_307 = arith.constant 0 : i32
    %dma_wait3A_308 = arith.constant 0 : i32
    %dma_wait3A_309 = tpu.memref_slice %arg7[%dma_wait3A_307, %dma_wait3A_308] : memref<8x128xi32, #tpu.memory_space<vmem>> -> memref<1x128xi32, #tpu.memory_space<vmem>>
    %dma_wait3A_310 = tpu.memref_squeeze %dma_wait3A_309 : memref<1x128xi32, #tpu.memory_space<vmem>> -> memref<128xi32, #tpu.memory_space<vmem>>
    %dma_wait3A_311 = arith.constant 0 : i32
    %dma_wait3A_312 = arith.constant 0 : i32
    %dma_wait3A_313 = tpu.memref_slice %arg2[%dma_wait3A_311, %dma_wait3A_312] : memref<10000x128xf32, #tpu.memory_space<hbm>> -> memref<10000x128xf32, #tpu.memory_space<hbm>>
    tpu.wait_indirect_dma semaphore(%arg11 : memref<!tpu.dma_semaphore, #tpu.memory_space<semaphore_mem>>) src(%dma_wait3A_313 : memref<10000x128xf32, #tpu.memory_space<hbm>>) dst(%arg9 : memref<128x128xf32, #tpu.memory_space<vmem>>)
    %run_scoped3A_314 = arith.constant 1 : i32
    "tpu.region"() ({
      %run_scoped3A_1407 = tpu.sem_alloc : memref<!tpu.dma_semaphore, #tpu.memory_space<semaphore_mem>>
      %dma_start3A_1408 = arith.constant 0 : i32
      %dma_start3A_1409 = tpu.memref_slice %arg7[%run_scoped3A_314, %dma_start3A_1408] : memref<8x128xi32, #tpu.memory_space<vmem>> -> memref<1x128xi32, #tpu.memory_space<vmem>>
      %dma_start3A_1410 = tpu.memref_squeeze %dma_start3A_1409 : memref<1x128xi32, #tpu.memory_space<vmem>> -> memref<128xi32, #tpu.memory_space<vmem>>
      %dma_start3A_1411 = arith.constant 0 : i32
      %dma_start3A_1412 = arith.constant 0 : i32
      %dma_start3A_1413 = tpu.memref_slice %arg6[%dma_start3A_1411, %dma_start3A_1412] : memref<10112x128xf32, #tpu.memory_space<vmem_shared>> -> memref<10112x128xf32, #tpu.memory_space<vmem_shared>>
      tpu.enqueue_indirect_dma source(%arg9 : memref<128x128xf32, #tpu.memory_space<vmem>>) target(%dma_start3A_1413 : memref<10112x128xf32, #tpu.memory_space<vmem_shared>>) offsets(%dma_start3A_1410 : memref<128xi32, #tpu.memory_space<vmem>>) semaphore(%run_scoped3A_1407 : memref<!tpu.dma_semaphore, #tpu.memory_space<semaphore_mem>>) {add = true}
      %dma_wait3A_1414 = arith.constant 0 : i32
      %dma_wait3A_1415 = tpu.memref_slice %arg7[%run_scoped3A_314, %dma_wait3A_1414] : memref<8x128xi32, #tpu.memory_space<vmem>> -> memref<1x128xi32, #tpu.memory_space<vmem>>
      %dma_wait3A_1416 = tpu.memref_squeeze %dma_wait3A_1415 : memref<1x128xi32, #tpu.memory_space<vmem>> -> memref<128xi32, #tpu.memory_space<vmem>>
      %dma_wait3A_1417 = arith.constant 0 : i32
      %dma_wait3A_1418 = arith.constant 0 : i32
      %dma_wait3A_1419 = tpu.memref_slice %arg6[%dma_wait3A_1417, %dma_wait3A_1418] : memref<10112x128xf32, #tpu.memory_space<vmem_shared>> -> memref<10112x128xf32, #tpu.memory_space<vmem_shared>>
      tpu.wait_indirect_dma semaphore(%run_scoped3A_1407 : memref<!tpu.dma_semaphore, #tpu.memory_space<semaphore_mem>>) src(%arg9 : memref<128x128xf32, #tpu.memory_space<vmem>>) dst(%dma_wait3A_1419 : memref<10112x128xf32, #tpu.memory_space<vmem_shared>>)
      tpu.yield
    }) : () -> ()
    %dma_start3A_315 = arith.constant 2 : i32
    %dma_start3A_316 = arith.constant 0 : i32
    %dma_start3A_317 = tpu.memref_slice %arg7[%dma_start3A_315, %dma_start3A_316] : memref<8x128xi32, #tpu.memory_space<vmem>> -> memref<1x128xi32, #tpu.memory_space<vmem>>
    %dma_start3A_318 = tpu.memref_squeeze %dma_start3A_317 : memref<1x128xi32, #tpu.memory_space<vmem>> -> memref<128xi32, #tpu.memory_space<vmem>>
    %dma_start3A_319 = arith.constant 0 : i32
    %dma_start3A_320 = arith.constant 0 : i32
    %dma_start3A_321 = tpu.memref_slice %arg2[%dma_start3A_319, %dma_start3A_320] : memref<10000x128xf32, #tpu.memory_space<hbm>> -> memref<10000x128xf32, #tpu.memory_space<hbm>>
    tpu.enqueue_indirect_dma source(%dma_start3A_321 : memref<10000x128xf32, #tpu.memory_space<hbm>>) target(%arg10 : memref<128x128xf32, #tpu.memory_space<vmem>>) offsets(%dma_start3A_318 : memref<128xi32, #tpu.memory_space<vmem>>) semaphore(%arg12 : memref<!tpu.dma_semaphore, #tpu.memory_space<semaphore_mem>>)
    %dma_wait3A_322 = arith.constant 2 : i32
    %dma_wait3A_323 = arith.constant 0 : i32
    %dma_wait3A_324 = tpu.memref_slice %arg7[%dma_wait3A_322, %dma_wait3A_323] : memref<8x128xi32, #tpu.memory_space<vmem>> -> memref<1x128xi32, #tpu.memory_space<vmem>>
    %dma_wait3A_325 = tpu.memref_squeeze %dma_wait3A_324 : memref<1x128xi32, #tpu.memory_space<vmem>> -> memref<128xi32, #tpu.memory_space<vmem>>
    %dma_wait3A_326 = arith.constant 0 : i32
    %dma_wait3A_327 = arith.constant 0 : i32
    %dma_wait3A_328 = tpu.memref_slice %arg2[%dma_wait3A_326, %dma_wait3A_327] : memref<10000x128xf32, #tpu.memory_space<hbm>> -> memref<10000x128xf32, #tpu.memory_space<hbm>>
    tpu.wait_indirect_dma semaphore(%arg12 : memref<!tpu.dma_semaphore, #tpu.memory_space<semaphore_mem>>) src(%dma_wait3A_328 : memref<10000x128xf32, #tpu.memory_space<hbm>>) dst(%arg10 : memref<128x128xf32, #tpu.memory_space<vmem>>)
    %run_scoped3A_329 = arith.constant 3 : i32
    "tpu.region"() ({
      %run_scoped3A_1407 = tpu.sem_alloc : memref<!tpu.dma_semaphore, #tpu.memory_space<semaphore_mem>>
      %dma_start3A_1408 = arith.constant 0 : i32
      %dma_start3A_1409 = tpu.memref_slice %arg7[%run_scoped3A_329, %dma_start3A_1408] : memref<8x128xi32, #tpu.memory_space<vmem>> -> memref<1x128xi32, #tpu.memory_space<vmem>>
      %dma_start3A_1410 = tpu.memref_squeeze %dma_start3A_1409 : memref<1x128xi32, #tpu.memory_space<vmem>> -> memref<128xi32, #tpu.memory_space<vmem>>
      %dma_start3A_1411 = arith.constant 0 : i32
      %dma_start3A_1412 = arith.constant 0 : i32
      %dma_start3A_1413 = tpu.memref_slice %arg6[%dma_start3A_1411, %dma_start3A_1412] : memref<10112x128xf32, #tpu.memory_space<vmem_shared>> -> memref<10112x128xf32, #tpu.memory_space<vmem_shared>>
      tpu.enqueue_indirect_dma source(%arg10 : memref<128x128xf32, #tpu.memory_space<vmem>>) target(%dma_start3A_1413 : memref<10112x128xf32, #tpu.memory_space<vmem_shared>>) offsets(%dma_start3A_1410 : memref<128xi32, #tpu.memory_space<vmem>>) semaphore(%run_scoped3A_1407 : memref<!tpu.dma_semaphore, #tpu.memory_space<semaphore_mem>>) {add = true}
      %dma_wait3A_1414 = arith.constant 0 : i32
      %dma_wait3A_1415 = tpu.memref_slice %arg7[%run_scoped3A_329, %dma_wait3A_1414] : memref<8x128xi32, #tpu.memory_space<vmem>> -> memref<1x128xi32, #tpu.memory_space<vmem>>
      %dma_wait3A_1416 = tpu.memref_squeeze %dma_wait3A_1415 : memref<1x128xi32, #tpu.memory_space<vmem>> -> memref<128xi32, #tpu.memory_space<vmem>>
      %dma_wait3A_1417 = arith.constant 0 : i32
      %dma_wait3A_1418 = arith.constant 0 : i32
      %dma_wait3A_1419 = tpu.memref_slice %arg6[%dma_wait3A_1417, %dma_wait3A_1418] : memref<10112x128xf32, #tpu.memory_space<vmem_shared>> -> memref<10112x128xf32, #tpu.memory_space<vmem_shared>>
      tpu.wait_indirect_dma semaphore(%run_scoped3A_1407 : memref<!tpu.dma_semaphore, #tpu.memory_space<semaphore_mem>>) src(%arg10 : memref<128x128xf32, #tpu.memory_space<vmem>>) dst(%dma_wait3A_1419 : memref<10112x128xf32, #tpu.memory_space<vmem_shared>>)
      tpu.yield
    }) : () -> ()
    %dma_start3A_330 = arith.constant 4 : i32
    %dma_start3A_331 = arith.constant 0 : i32
    %dma_start3A_332 = tpu.memref_slice %arg7[%dma_start3A_330, %dma_start3A_331] : memref<8x128xi32, #tpu.memory_space<vmem>> -> memref<1x128xi32, #tpu.memory_space<vmem>>
    %dma_start3A_333 = tpu.memref_squeeze %dma_start3A_332 : memref<1x128xi32, #tpu.memory_space<vmem>> -> memref<128xi32, #tpu.memory_space<vmem>>
    %dma_start3A_334 = arith.constant 0 : i32
    %dma_start3A_335 = arith.constant 0 : i32
    %dma_start3A_336 = tpu.memref_slice %arg2[%dma_start3A_334, %dma_start3A_335] : memref<10000x128xf32, #tpu.memory_space<hbm>> -> memref<10000x128xf32, #tpu.memory_space<hbm>>
    tpu.enqueue_indirect_dma source(%dma_start3A_336 : memref<10000x128xf32, #tpu.memory_space<hbm>>) target(%arg9 : memref<128x128xf32, #tpu.memory_space<vmem>>) offsets(%dma_start3A_333 : memref<128xi32, #tpu.memory_space<vmem>>) semaphore(%arg11 : memref<!tpu.dma_semaphore, #tpu.memory_space<semaphore_mem>>)
    %dma_wait3A_337 = arith.constant 4 : i32
    %dma_wait3A_338 = arith.constant 0 : i32
    %dma_wait3A_339 = tpu.memref_slice %arg7[%dma_wait3A_337, %dma_wait3A_338] : memref<8x128xi32, #tpu.memory_space<vmem>> -> memref<1x128xi32, #tpu.memory_space<vmem>>
    %dma_wait3A_340 = tpu.memref_squeeze %dma_wait3A_339 : memref<1x128xi32, #tpu.memory_space<vmem>> -> memref<128xi32, #tpu.memory_space<vmem>>
    %dma_wait3A_341 = arith.constant 0 : i32
    %dma_wait3A_342 = arith.constant 0 : i32
    %dma_wait3A_343 = tpu.memref_slice %arg2[%dma_wait3A_341, %dma_wait3A_342] : memref<10000x128xf32, #tpu.memory_space<hbm>> -> memref<10000x128xf32, #tpu.memory_space<hbm>>
    tpu.wait_indirect_dma semaphore(%arg11 : memref<!tpu.dma_semaphore, #tpu.memory_space<semaphore_mem>>) src(%dma_wait3A_343 : memref<10000x128xf32, #tpu.memory_space<hbm>>) dst(%arg9 : memref<128x128xf32, #tpu.memory_space<vmem>>)
    %run_scoped3A_344 = arith.constant 5 : i32
    "tpu.region"() ({
      %run_scoped3A_1407 = tpu.sem_alloc : memref<!tpu.dma_semaphore, #tpu.memory_space<semaphore_mem>>
      %dma_start3A_1408 = arith.constant 0 : i32
      %dma_start3A_1409 = tpu.memref_slice %arg7[%run_scoped3A_344, %dma_start3A_1408] : memref<8x128xi32, #tpu.memory_space<vmem>> -> memref<1x128xi32, #tpu.memory_space<vmem>>
      %dma_start3A_1410 = tpu.memref_squeeze %dma_start3A_1409 : memref<1x128xi32, #tpu.memory_space<vmem>> -> memref<128xi32, #tpu.memory_space<vmem>>
      %dma_start3A_1411 = arith.constant 0 : i32
      %dma_start3A_1412 = arith.constant 0 : i32
      %dma_start3A_1413 = tpu.memref_slice %arg6[%dma_start3A_1411, %dma_start3A_1412] : memref<10112x128xf32, #tpu.memory_space<vmem_shared>> -> memref<10112x128xf32, #tpu.memory_space<vmem_shared>>
      tpu.enqueue_indirect_dma source(%arg9 : memref<128x128xf32, #tpu.memory_space<vmem>>) target(%dma_start3A_1413 : memref<10112x128xf32, #tpu.memory_space<vmem_shared>>) offsets(%dma_start3A_1410 : memref<128xi32, #tpu.memory_space<vmem>>) semaphore(%run_scoped3A_1407 : memref<!tpu.dma_semaphore, #tpu.memory_space<semaphore_mem>>) {add = true}
      %dma_wait3A_1414 = arith.constant 0 : i32
      %dma_wait3A_1415 = tpu.memref_slice %arg7[%run_scoped3A_344, %dma_wait3A_1414] : memref<8x128xi32, #tpu.memory_space<vmem>> -> memref<1x128xi32, #tpu.memory_space<vmem>>
      %dma_wait3A_1416 = tpu.memref_squeeze %dma_wait3A_1415 : memref<1x128xi32, #tpu.memory_space<vmem>> -> memref<128xi32, #tpu.memory_space<vmem>>
      %dma_wait3A_1417 = arith.constant 0 : i32
      %dma_wait3A_1418 = arith.constant 0 : i32
      %dma_wait3A_1419 = tpu.memref_slice %arg6[%dma_wait3A_1417, %dma_wait3A_1418] : memref<10112x128xf32, #tpu.memory_space<vmem_shared>> -> memref<10112x128xf32, #tpu.memory_space<vmem_shared>>
      tpu.wait_indirect_dma semaphore(%run_scoped3A_1407 : memref<!tpu.dma_semaphore, #tpu.memory_space<semaphore_mem>>) src(%arg9 : memref<128x128xf32, #tpu.memory_space<vmem>>) dst(%dma_wait3A_1419 : memref<10112x128xf32, #tpu.memory_space<vmem_shared>>)
      tpu.yield
    }) : () -> ()
    %dma_start3A_345 = arith.constant 6 : i32
    %dma_start3A_346 = arith.constant 0 : i32
    %dma_start3A_347 = tpu.memref_slice %arg7[%dma_start3A_345, %dma_start3A_346] : memref<8x128xi32, #tpu.memory_space<vmem>> -> memref<1x128xi32, #tpu.memory_space<vmem>>
    %dma_start3A_348 = tpu.memref_squeeze %dma_start3A_347 : memref<1x128xi32, #tpu.memory_space<vmem>> -> memref<128xi32, #tpu.memory_space<vmem>>
    %dma_start3A_349 = arith.constant 0 : i32
    %dma_start3A_350 = arith.constant 0 : i32
    %dma_start3A_351 = tpu.memref_slice %arg2[%dma_start3A_349, %dma_start3A_350] : memref<10000x128xf32, #tpu.memory_space<hbm>> -> memref<10000x128xf32, #tpu.memory_space<hbm>>
    tpu.enqueue_indirect_dma source(%dma_start3A_351 : memref<10000x128xf32, #tpu.memory_space<hbm>>) target(%arg10 : memref<128x128xf32, #tpu.memory_space<vmem>>) offsets(%dma_start3A_348 : memref<128xi32, #tpu.memory_space<vmem>>) semaphore(%arg12 : memref<!tpu.dma_semaphore, #tpu.memory_space<semaphore_mem>>)
    %dma_wait3A_352 = arith.constant 6 : i32
    %dma_wait3A_353 = arith.constant 0 : i32
    %dma_wait3A_354 = tpu.memref_slice %arg7[%dma_wait3A_352, %dma_wait3A_353] : memref<8x128xi32, #tpu.memory_space<vmem>> -> memref<1x128xi32, #tpu.memory_space<vmem>>
    %dma_wait3A_355 = tpu.memref_squeeze %dma_wait3A_354 : memref<1x128xi32, #tpu.memory_space<vmem>> -> memref<128xi32, #tpu.memory_space<vmem>>
    %dma_wait3A_356 = arith.constant 0 : i32
    %dma_wait3A_357 = arith.constant 0 : i32
    %dma_wait3A_358 = tpu.memref_slice %arg2[%dma_wait3A_356, %dma_wait3A_357] : memref<10000x128xf32, #tpu.memory_space<hbm>> -> memref<10000x128xf32, #tpu.memory_space<hbm>>
    tpu.wait_indirect_dma semaphore(%arg12 : memref<!tpu.dma_semaphore, #tpu.memory_space<semaphore_mem>>) src(%dma_wait3A_358 : memref<10000x128xf32, #tpu.memory_space<hbm>>) dst(%arg10 : memref<128x128xf32, #tpu.memory_space<vmem>>)
    %run_scoped3A_359 = arith.constant 7 : i32
    "tpu.region"() ({
      %run_scoped3A_1407 = tpu.sem_alloc : memref<!tpu.dma_semaphore, #tpu.memory_space<semaphore_mem>>
      %dma_start3A_1408 = arith.constant 0 : i32
      %dma_start3A_1409 = tpu.memref_slice %arg7[%run_scoped3A_359, %dma_start3A_1408] : memref<8x128xi32, #tpu.memory_space<vmem>> -> memref<1x128xi32, #tpu.memory_space<vmem>>
      %dma_start3A_1410 = tpu.memref_squeeze %dma_start3A_1409 : memref<1x128xi32, #tpu.memory_space<vmem>> -> memref<128xi32, #tpu.memory_space<vmem>>
      %dma_start3A_1411 = arith.constant 0 : i32
      %dma_start3A_1412 = arith.constant 0 : i32
      %dma_start3A_1413 = tpu.memref_slice %arg6[%dma_start3A_1411, %dma_start3A_1412] : memref<10112x128xf32, #tpu.memory_space<vmem_shared>> -> memref<10112x128xf32, #tpu.memory_space<vmem_shared>>
      tpu.enqueue_indirect_dma source(%arg10 : memref<128x128xf32, #tpu.memory_space<vmem>>) target(%dma_start3A_1413 : memref<10112x128xf32, #tpu.memory_space<vmem_shared>>) offsets(%dma_start3A_1410 : memref<128xi32, #tpu.memory_space<vmem>>) semaphore(%run_scoped3A_1407 : memref<!tpu.dma_semaphore, #tpu.memory_space<semaphore_mem>>) {add = true}
      %dma_wait3A_1414 = arith.constant 0 : i32
      %dma_wait3A_1415 = tpu.memref_slice %arg7[%run_scoped3A_359, %dma_wait3A_1414] : memref<8x128xi32, #tpu.memory_space<vmem>> -> memref<1x128xi32, #tpu.memory_space<vmem>>
      %dma_wait3A_1416 = tpu.memref_squeeze %dma_wait3A_1415 : memref<1x128xi32, #tpu.memory_space<vmem>> -> memref<128xi32, #tpu.memory_space<vmem>>
      %dma_wait3A_1417 = arith.constant 0 : i32
      %dma_wait3A_1418 = arith.constant 0 : i32
      %dma_wait3A_1419 = tpu.memref_slice %arg6[%dma_wait3A_1417, %dma_wait3A_1418] : memref<10112x128xf32, #tpu.memory_space<vmem_shared>> -> memref<10112x128xf32, #tpu.memory_space<vmem_shared>>
      tpu.wait_indirect_dma semaphore(%run_scoped3A_1407 : memref<!tpu.dma_semaphore, #tpu.memory_space<semaphore_mem>>) src(%arg10 : memref<128x128xf32, #tpu.memory_space<vmem>>) dst(%dma_wait3A_1419 : memref<10112x128xf32, #tpu.memory_space<vmem_shared>>)
      tpu.yield
    }) : () -> ()
    %add3A_360 = arith.constant 48 : i32
    %add3A_361 = arith.addi %mul3A_4, %add3A_360 : i32
    %dma_start3A_362 = arith.constant 0 : i32
    %dma_start3A_363 = tpu.memref_slice %arg3[%add3A_361, %dma_start3A_362] : memref<5120x128xi32, #tpu.memory_space<hbm>> -> memref<8x128xi32, #tpu.memory_space<hbm>>
    %dma_start3A_364 = arith.constant 0 : i32
    %dma_start3A_365 = tpu.memref_slice %arg3[%add3A_361, %dma_start3A_364] : memref<5120x128xi32, #tpu.memory_space<hbm>> -> memref<8x128xi32, #tpu.memory_space<hbm>>
    tpu.enqueue_dma source(%dma_start3A_365 : memref<8x128xi32, #tpu.memory_space<hbm>>) target(%arg7 : memref<8x128xi32, #tpu.memory_space<vmem>>) target_semaphore(%arg13 : memref<!tpu.dma_semaphore, #tpu.memory_space<semaphore_mem>>)
    %dma_wait3A_366 = arith.constant 0 : i32
    %dma_wait3A_367 = tpu.memref_slice %arg3[%add3A_291, %dma_wait3A_366] : memref<5120x128xi32, #tpu.memory_space<hbm>> -> memref<8x128xi32, #tpu.memory_space<hbm>>
    %dma_wait3A_368 = arith.constant 0 : i32
    %dma_wait3A_369 = tpu.memref_slice %arg3[%add3A_291, %dma_wait3A_368] : memref<5120x128xi32, #tpu.memory_space<hbm>> -> memref<8x128xi32, #tpu.memory_space<hbm>>
    tpu.wait_dma2 semaphore(%arg14 : memref<!tpu.dma_semaphore, #tpu.memory_space<semaphore_mem>>) src(%dma_wait3A_369 : memref<8x128xi32, #tpu.memory_space<hbm>>) dst(%arg8 : memref<8x128xi32, #tpu.memory_space<vmem>>)
    %dma_start3A_370 = arith.constant 0 : i32
    %dma_start3A_371 = arith.constant 0 : i32
    %dma_start3A_372 = tpu.memref_slice %arg8[%dma_start3A_370, %dma_start3A_371] : memref<8x128xi32, #tpu.memory_space<vmem>> -> memref<1x128xi32, #tpu.memory_space<vmem>>
    %dma_start3A_373 = tpu.memref_squeeze %dma_start3A_372 : memref<1x128xi32, #tpu.memory_space<vmem>> -> memref<128xi32, #tpu.memory_space<vmem>>
    %dma_start3A_374 = arith.constant 0 : i32
    %dma_start3A_375 = arith.constant 0 : i32
    %dma_start3A_376 = tpu.memref_slice %arg2[%dma_start3A_374, %dma_start3A_375] : memref<10000x128xf32, #tpu.memory_space<hbm>> -> memref<10000x128xf32, #tpu.memory_space<hbm>>
    tpu.enqueue_indirect_dma source(%dma_start3A_376 : memref<10000x128xf32, #tpu.memory_space<hbm>>) target(%arg9 : memref<128x128xf32, #tpu.memory_space<vmem>>) offsets(%dma_start3A_373 : memref<128xi32, #tpu.memory_space<vmem>>) semaphore(%arg11 : memref<!tpu.dma_semaphore, #tpu.memory_space<semaphore_mem>>)
    %dma_wait3A_377 = arith.constant 0 : i32
    %dma_wait3A_378 = arith.constant 0 : i32
    %dma_wait3A_379 = tpu.memref_slice %arg8[%dma_wait3A_377, %dma_wait3A_378] : memref<8x128xi32, #tpu.memory_space<vmem>> -> memref<1x128xi32, #tpu.memory_space<vmem>>
    %dma_wait3A_380 = tpu.memref_squeeze %dma_wait3A_379 : memref<1x128xi32, #tpu.memory_space<vmem>> -> memref<128xi32, #tpu.memory_space<vmem>>
    %dma_wait3A_381 = arith.constant 0 : i32
    %dma_wait3A_382 = arith.constant 0 : i32
    %dma_wait3A_383 = tpu.memref_slice %arg2[%dma_wait3A_381, %dma_wait3A_382] : memref<10000x128xf32, #tpu.memory_space<hbm>> -> memref<10000x128xf32, #tpu.memory_space<hbm>>
    tpu.wait_indirect_dma semaphore(%arg11 : memref<!tpu.dma_semaphore, #tpu.memory_space<semaphore_mem>>) src(%dma_wait3A_383 : memref<10000x128xf32, #tpu.memory_space<hbm>>) dst(%arg9 : memref<128x128xf32, #tpu.memory_space<vmem>>)
    %run_scoped3A_384 = arith.constant 1 : i32
    "tpu.region"() ({
      %run_scoped3A_1407 = tpu.sem_alloc : memref<!tpu.dma_semaphore, #tpu.memory_space<semaphore_mem>>
      %dma_start3A_1408 = arith.constant 0 : i32
      %dma_start3A_1409 = tpu.memref_slice %arg8[%run_scoped3A_384, %dma_start3A_1408] : memref<8x128xi32, #tpu.memory_space<vmem>> -> memref<1x128xi32, #tpu.memory_space<vmem>>
      %dma_start3A_1410 = tpu.memref_squeeze %dma_start3A_1409 : memref<1x128xi32, #tpu.memory_space<vmem>> -> memref<128xi32, #tpu.memory_space<vmem>>
      %dma_start3A_1411 = arith.constant 0 : i32
      %dma_start3A_1412 = arith.constant 0 : i32
      %dma_start3A_1413 = tpu.memref_slice %arg6[%dma_start3A_1411, %dma_start3A_1412] : memref<10112x128xf32, #tpu.memory_space<vmem_shared>> -> memref<10112x128xf32, #tpu.memory_space<vmem_shared>>
      tpu.enqueue_indirect_dma source(%arg9 : memref<128x128xf32, #tpu.memory_space<vmem>>) target(%dma_start3A_1413 : memref<10112x128xf32, #tpu.memory_space<vmem_shared>>) offsets(%dma_start3A_1410 : memref<128xi32, #tpu.memory_space<vmem>>) semaphore(%run_scoped3A_1407 : memref<!tpu.dma_semaphore, #tpu.memory_space<semaphore_mem>>) {add = true}
      %dma_wait3A_1414 = arith.constant 0 : i32
      %dma_wait3A_1415 = tpu.memref_slice %arg8[%run_scoped3A_384, %dma_wait3A_1414] : memref<8x128xi32, #tpu.memory_space<vmem>> -> memref<1x128xi32, #tpu.memory_space<vmem>>
      %dma_wait3A_1416 = tpu.memref_squeeze %dma_wait3A_1415 : memref<1x128xi32, #tpu.memory_space<vmem>> -> memref<128xi32, #tpu.memory_space<vmem>>
      %dma_wait3A_1417 = arith.constant 0 : i32
      %dma_wait3A_1418 = arith.constant 0 : i32
      %dma_wait3A_1419 = tpu.memref_slice %arg6[%dma_wait3A_1417, %dma_wait3A_1418] : memref<10112x128xf32, #tpu.memory_space<vmem_shared>> -> memref<10112x128xf32, #tpu.memory_space<vmem_shared>>
      tpu.wait_indirect_dma semaphore(%run_scoped3A_1407 : memref<!tpu.dma_semaphore, #tpu.memory_space<semaphore_mem>>) src(%arg9 : memref<128x128xf32, #tpu.memory_space<vmem>>) dst(%dma_wait3A_1419 : memref<10112x128xf32, #tpu.memory_space<vmem_shared>>)
      tpu.yield
    }) : () -> ()
    %dma_start3A_385 = arith.constant 2 : i32
    %dma_start3A_386 = arith.constant 0 : i32
    %dma_start3A_387 = tpu.memref_slice %arg8[%dma_start3A_385, %dma_start3A_386] : memref<8x128xi32, #tpu.memory_space<vmem>> -> memref<1x128xi32, #tpu.memory_space<vmem>>
    %dma_start3A_388 = tpu.memref_squeeze %dma_start3A_387 : memref<1x128xi32, #tpu.memory_space<vmem>> -> memref<128xi32, #tpu.memory_space<vmem>>
    %dma_start3A_389 = arith.constant 0 : i32
    %dma_start3A_390 = arith.constant 0 : i32
    %dma_start3A_391 = tpu.memref_slice %arg2[%dma_start3A_389, %dma_start3A_390] : memref<10000x128xf32, #tpu.memory_space<hbm>> -> memref<10000x128xf32, #tpu.memory_space<hbm>>
    tpu.enqueue_indirect_dma source(%dma_start3A_391 : memref<10000x128xf32, #tpu.memory_space<hbm>>) target(%arg10 : memref<128x128xf32, #tpu.memory_space<vmem>>) offsets(%dma_start3A_388 : memref<128xi32, #tpu.memory_space<vmem>>) semaphore(%arg12 : memref<!tpu.dma_semaphore, #tpu.memory_space<semaphore_mem>>)
    %dma_wait3A_392 = arith.constant 2 : i32
    %dma_wait3A_393 = arith.constant 0 : i32
    %dma_wait3A_394 = tpu.memref_slice %arg8[%dma_wait3A_392, %dma_wait3A_393] : memref<8x128xi32, #tpu.memory_space<vmem>> -> memref<1x128xi32, #tpu.memory_space<vmem>>
    %dma_wait3A_395 = tpu.memref_squeeze %dma_wait3A_394 : memref<1x128xi32, #tpu.memory_space<vmem>> -> memref<128xi32, #tpu.memory_space<vmem>>
    %dma_wait3A_396 = arith.constant 0 : i32
    %dma_wait3A_397 = arith.constant 0 : i32
    %dma_wait3A_398 = tpu.memref_slice %arg2[%dma_wait3A_396, %dma_wait3A_397] : memref<10000x128xf32, #tpu.memory_space<hbm>> -> memref<10000x128xf32, #tpu.memory_space<hbm>>
    tpu.wait_indirect_dma semaphore(%arg12 : memref<!tpu.dma_semaphore, #tpu.memory_space<semaphore_mem>>) src(%dma_wait3A_398 : memref<10000x128xf32, #tpu.memory_space<hbm>>) dst(%arg10 : memref<128x128xf32, #tpu.memory_space<vmem>>)
    %run_scoped3A_399 = arith.constant 3 : i32
    "tpu.region"() ({
      %run_scoped3A_1407 = tpu.sem_alloc : memref<!tpu.dma_semaphore, #tpu.memory_space<semaphore_mem>>
      %dma_start3A_1408 = arith.constant 0 : i32
      %dma_start3A_1409 = tpu.memref_slice %arg8[%run_scoped3A_399, %dma_start3A_1408] : memref<8x128xi32, #tpu.memory_space<vmem>> -> memref<1x128xi32, #tpu.memory_space<vmem>>
      %dma_start3A_1410 = tpu.memref_squeeze %dma_start3A_1409 : memref<1x128xi32, #tpu.memory_space<vmem>> -> memref<128xi32, #tpu.memory_space<vmem>>
      %dma_start3A_1411 = arith.constant 0 : i32
      %dma_start3A_1412 = arith.constant 0 : i32
      %dma_start3A_1413 = tpu.memref_slice %arg6[%dma_start3A_1411, %dma_start3A_1412] : memref<10112x128xf32, #tpu.memory_space<vmem_shared>> -> memref<10112x128xf32, #tpu.memory_space<vmem_shared>>
      tpu.enqueue_indirect_dma source(%arg10 : memref<128x128xf32, #tpu.memory_space<vmem>>) target(%dma_start3A_1413 : memref<10112x128xf32, #tpu.memory_space<vmem_shared>>) offsets(%dma_start3A_1410 : memref<128xi32, #tpu.memory_space<vmem>>) semaphore(%run_scoped3A_1407 : memref<!tpu.dma_semaphore, #tpu.memory_space<semaphore_mem>>) {add = true}
      %dma_wait3A_1414 = arith.constant 0 : i32
      %dma_wait3A_1415 = tpu.memref_slice %arg8[%run_scoped3A_399, %dma_wait3A_1414] : memref<8x128xi32, #tpu.memory_space<vmem>> -> memref<1x128xi32, #tpu.memory_space<vmem>>
      %dma_wait3A_1416 = tpu.memref_squeeze %dma_wait3A_1415 : memref<1x128xi32, #tpu.memory_space<vmem>> -> memref<128xi32, #tpu.memory_space<vmem>>
      %dma_wait3A_1417 = arith.constant 0 : i32
      %dma_wait3A_1418 = arith.constant 0 : i32
      %dma_wait3A_1419 = tpu.memref_slice %arg6[%dma_wait3A_1417, %dma_wait3A_1418] : memref<10112x128xf32, #tpu.memory_space<vmem_shared>> -> memref<10112x128xf32, #tpu.memory_space<vmem_shared>>
      tpu.wait_indirect_dma semaphore(%run_scoped3A_1407 : memref<!tpu.dma_semaphore, #tpu.memory_space<semaphore_mem>>) src(%arg10 : memref<128x128xf32, #tpu.memory_space<vmem>>) dst(%dma_wait3A_1419 : memref<10112x128xf32, #tpu.memory_space<vmem_shared>>)
      tpu.yield
    }) : () -> ()
    %dma_start3A_400 = arith.constant 4 : i32
    %dma_start3A_401 = arith.constant 0 : i32
    %dma_start3A_402 = tpu.memref_slice %arg8[%dma_start3A_400, %dma_start3A_401] : memref<8x128xi32, #tpu.memory_space<vmem>> -> memref<1x128xi32, #tpu.memory_space<vmem>>
    %dma_start3A_403 = tpu.memref_squeeze %dma_start3A_402 : memref<1x128xi32, #tpu.memory_space<vmem>> -> memref<128xi32, #tpu.memory_space<vmem>>
    %dma_start3A_404 = arith.constant 0 : i32
    %dma_start3A_405 = arith.constant 0 : i32
    %dma_start3A_406 = tpu.memref_slice %arg2[%dma_start3A_404, %dma_start3A_405] : memref<10000x128xf32, #tpu.memory_space<hbm>> -> memref<10000x128xf32, #tpu.memory_space<hbm>>
    tpu.enqueue_indirect_dma source(%dma_start3A_406 : memref<10000x128xf32, #tpu.memory_space<hbm>>) target(%arg9 : memref<128x128xf32, #tpu.memory_space<vmem>>) offsets(%dma_start3A_403 : memref<128xi32, #tpu.memory_space<vmem>>) semaphore(%arg11 : memref<!tpu.dma_semaphore, #tpu.memory_space<semaphore_mem>>)
    %dma_wait3A_407 = arith.constant 4 : i32
    %dma_wait3A_408 = arith.constant 0 : i32
    %dma_wait3A_409 = tpu.memref_slice %arg8[%dma_wait3A_407, %dma_wait3A_408] : memref<8x128xi32, #tpu.memory_space<vmem>> -> memref<1x128xi32, #tpu.memory_space<vmem>>
    %dma_wait3A_410 = tpu.memref_squeeze %dma_wait3A_409 : memref<1x128xi32, #tpu.memory_space<vmem>> -> memref<128xi32, #tpu.memory_space<vmem>>
    %dma_wait3A_411 = arith.constant 0 : i32
    %dma_wait3A_412 = arith.constant 0 : i32
    %dma_wait3A_413 = tpu.memref_slice %arg2[%dma_wait3A_411, %dma_wait3A_412] : memref<10000x128xf32, #tpu.memory_space<hbm>> -> memref<10000x128xf32, #tpu.memory_space<hbm>>
    tpu.wait_indirect_dma semaphore(%arg11 : memref<!tpu.dma_semaphore, #tpu.memory_space<semaphore_mem>>) src(%dma_wait3A_413 : memref<10000x128xf32, #tpu.memory_space<hbm>>) dst(%arg9 : memref<128x128xf32, #tpu.memory_space<vmem>>)
    %run_scoped3A_414 = arith.constant 5 : i32
    "tpu.region"() ({
      %run_scoped3A_1407 = tpu.sem_alloc : memref<!tpu.dma_semaphore, #tpu.memory_space<semaphore_mem>>
      %dma_start3A_1408 = arith.constant 0 : i32
      %dma_start3A_1409 = tpu.memref_slice %arg8[%run_scoped3A_414, %dma_start3A_1408] : memref<8x128xi32, #tpu.memory_space<vmem>> -> memref<1x128xi32, #tpu.memory_space<vmem>>
      %dma_start3A_1410 = tpu.memref_squeeze %dma_start3A_1409 : memref<1x128xi32, #tpu.memory_space<vmem>> -> memref<128xi32, #tpu.memory_space<vmem>>
      %dma_start3A_1411 = arith.constant 0 : i32
      %dma_start3A_1412 = arith.constant 0 : i32
      %dma_start3A_1413 = tpu.memref_slice %arg6[%dma_start3A_1411, %dma_start3A_1412] : memref<10112x128xf32, #tpu.memory_space<vmem_shared>> -> memref<10112x128xf32, #tpu.memory_space<vmem_shared>>
      tpu.enqueue_indirect_dma source(%arg9 : memref<128x128xf32, #tpu.memory_space<vmem>>) target(%dma_start3A_1413 : memref<10112x128xf32, #tpu.memory_space<vmem_shared>>) offsets(%dma_start3A_1410 : memref<128xi32, #tpu.memory_space<vmem>>) semaphore(%run_scoped3A_1407 : memref<!tpu.dma_semaphore, #tpu.memory_space<semaphore_mem>>) {add = true}
      %dma_wait3A_1414 = arith.constant 0 : i32
      %dma_wait3A_1415 = tpu.memref_slice %arg8[%run_scoped3A_414, %dma_wait3A_1414] : memref<8x128xi32, #tpu.memory_space<vmem>> -> memref<1x128xi32, #tpu.memory_space<vmem>>
      %dma_wait3A_1416 = tpu.memref_squeeze %dma_wait3A_1415 : memref<1x128xi32, #tpu.memory_space<vmem>> -> memref<128xi32, #tpu.memory_space<vmem>>
      %dma_wait3A_1417 = arith.constant 0 : i32
      %dma_wait3A_1418 = arith.constant 0 : i32
      %dma_wait3A_1419 = tpu.memref_slice %arg6[%dma_wait3A_1417, %dma_wait3A_1418] : memref<10112x128xf32, #tpu.memory_space<vmem_shared>> -> memref<10112x128xf32, #tpu.memory_space<vmem_shared>>
      tpu.wait_indirect_dma semaphore(%run_scoped3A_1407 : memref<!tpu.dma_semaphore, #tpu.memory_space<semaphore_mem>>) src(%arg9 : memref<128x128xf32, #tpu.memory_space<vmem>>) dst(%dma_wait3A_1419 : memref<10112x128xf32, #tpu.memory_space<vmem_shared>>)
      tpu.yield
    }) : () -> ()
    %dma_start3A_415 = arith.constant 6 : i32
    %dma_start3A_416 = arith.constant 0 : i32
    %dma_start3A_417 = tpu.memref_slice %arg8[%dma_start3A_415, %dma_start3A_416] : memref<8x128xi32, #tpu.memory_space<vmem>> -> memref<1x128xi32, #tpu.memory_space<vmem>>
    %dma_start3A_418 = tpu.memref_squeeze %dma_start3A_417 : memref<1x128xi32, #tpu.memory_space<vmem>> -> memref<128xi32, #tpu.memory_space<vmem>>
    %dma_start3A_419 = arith.constant 0 : i32
    %dma_start3A_420 = arith.constant 0 : i32
    %dma_start3A_421 = tpu.memref_slice %arg2[%dma_start3A_419, %dma_start3A_420] : memref<10000x128xf32, #tpu.memory_space<hbm>> -> memref<10000x128xf32, #tpu.memory_space<hbm>>
    tpu.enqueue_indirect_dma source(%dma_start3A_421 : memref<10000x128xf32, #tpu.memory_space<hbm>>) target(%arg10 : memref<128x128xf32, #tpu.memory_space<vmem>>) offsets(%dma_start3A_418 : memref<128xi32, #tpu.memory_space<vmem>>) semaphore(%arg12 : memref<!tpu.dma_semaphore, #tpu.memory_space<semaphore_mem>>)
    %dma_wait3A_422 = arith.constant 6 : i32
    %dma_wait3A_423 = arith.constant 0 : i32
    %dma_wait3A_424 = tpu.memref_slice %arg8[%dma_wait3A_422, %dma_wait3A_423] : memref<8x128xi32, #tpu.memory_space<vmem>> -> memref<1x128xi32, #tpu.memory_space<vmem>>
    %dma_wait3A_425 = tpu.memref_squeeze %dma_wait3A_424 : memref<1x128xi32, #tpu.memory_space<vmem>> -> memref<128xi32, #tpu.memory_space<vmem>>
    %dma_wait3A_426 = arith.constant 0 : i32
    %dma_wait3A_427 = arith.constant 0 : i32
    %dma_wait3A_428 = tpu.memref_slice %arg2[%dma_wait3A_426, %dma_wait3A_427] : memref<10000x128xf32, #tpu.memory_space<hbm>> -> memref<10000x128xf32, #tpu.memory_space<hbm>>
    tpu.wait_indirect_dma semaphore(%arg12 : memref<!tpu.dma_semaphore, #tpu.memory_space<semaphore_mem>>) src(%dma_wait3A_428 : memref<10000x128xf32, #tpu.memory_space<hbm>>) dst(%arg10 : memref<128x128xf32, #tpu.memory_space<vmem>>)
    %run_scoped3A_429 = arith.constant 7 : i32
    "tpu.region"() ({
      %run_scoped3A_1407 = tpu.sem_alloc : memref<!tpu.dma_semaphore, #tpu.memory_space<semaphore_mem>>
      %dma_start3A_1408 = arith.constant 0 : i32
      %dma_start3A_1409 = tpu.memref_slice %arg8[%run_scoped3A_429, %dma_start3A_1408] : memref<8x128xi32, #tpu.memory_space<vmem>> -> memref<1x128xi32, #tpu.memory_space<vmem>>
      %dma_start3A_1410 = tpu.memref_squeeze %dma_start3A_1409 : memref<1x128xi32, #tpu.memory_space<vmem>> -> memref<128xi32, #tpu.memory_space<vmem>>
      %dma_start3A_1411 = arith.constant 0 : i32
      %dma_start3A_1412 = arith.constant 0 : i32
      %dma_start3A_1413 = tpu.memref_slice %arg6[%dma_start3A_1411, %dma_start3A_1412] : memref<10112x128xf32, #tpu.memory_space<vmem_shared>> -> memref<10112x128xf32, #tpu.memory_space<vmem_shared>>
      tpu.enqueue_indirect_dma source(%arg10 : memref<128x128xf32, #tpu.memory_space<vmem>>) target(%dma_start3A_1413 : memref<10112x128xf32, #tpu.memory_space<vmem_shared>>) offsets(%dma_start3A_1410 : memref<128xi32, #tpu.memory_space<vmem>>) semaphore(%run_scoped3A_1407 : memref<!tpu.dma_semaphore, #tpu.memory_space<semaphore_mem>>) {add = true}
      %dma_wait3A_1414 = arith.constant 0 : i32
      %dma_wait3A_1415 = tpu.memref_slice %arg8[%run_scoped3A_429, %dma_wait3A_1414] : memref<8x128xi32, #tpu.memory_space<vmem>> -> memref<1x128xi32, #tpu.memory_space<vmem>>
      %dma_wait3A_1416 = tpu.memref_squeeze %dma_wait3A_1415 : memref<1x128xi32, #tpu.memory_space<vmem>> -> memref<128xi32, #tpu.memory_space<vmem>>
      %dma_wait3A_1417 = arith.constant 0 : i32
      %dma_wait3A_1418 = arith.constant 0 : i32
      %dma_wait3A_1419 = tpu.memref_slice %arg6[%dma_wait3A_1417, %dma_wait3A_1418] : memref<10112x128xf32, #tpu.memory_space<vmem_shared>> -> memref<10112x128xf32, #tpu.memory_space<vmem_shared>>
      tpu.wait_indirect_dma semaphore(%run_scoped3A_1407 : memref<!tpu.dma_semaphore, #tpu.memory_space<semaphore_mem>>) src(%arg10 : memref<128x128xf32, #tpu.memory_space<vmem>>) dst(%dma_wait3A_1419 : memref<10112x128xf32, #tpu.memory_space<vmem_shared>>)
      tpu.yield
    }) : () -> ()
    %add3A_430 = arith.constant 56 : i32
    %add3A_431 = arith.addi %mul3A_4, %add3A_430 : i32
    %dma_start3A_432 = arith.constant 0 : i32
    %dma_start3A_433 = tpu.memref_slice %arg3[%add3A_431, %dma_start3A_432] : memref<5120x128xi32, #tpu.memory_space<hbm>> -> memref<8x128xi32, #tpu.memory_space<hbm>>
    %dma_start3A_434 = arith.constant 0 : i32
    %dma_start3A_435 = tpu.memref_slice %arg3[%add3A_431, %dma_start3A_434] : memref<5120x128xi32, #tpu.memory_space<hbm>> -> memref<8x128xi32, #tpu.memory_space<hbm>>
    tpu.enqueue_dma source(%dma_start3A_435 : memref<8x128xi32, #tpu.memory_space<hbm>>) target(%arg8 : memref<8x128xi32, #tpu.memory_space<vmem>>) target_semaphore(%arg14 : memref<!tpu.dma_semaphore, #tpu.memory_space<semaphore_mem>>)
    %dma_wait3A_436 = arith.constant 0 : i32
    %dma_wait3A_437 = tpu.memref_slice %arg3[%add3A_361, %dma_wait3A_436] : memref<5120x128xi32, #tpu.memory_space<hbm>> -> memref<8x128xi32, #tpu.memory_space<hbm>>
    %dma_wait3A_438 = arith.constant 0 : i32
    %dma_wait3A_439 = tpu.memref_slice %arg3[%add3A_361, %dma_wait3A_438] : memref<5120x128xi32, #tpu.memory_space<hbm>> -> memref<8x128xi32, #tpu.memory_space<hbm>>
    tpu.wait_dma2 semaphore(%arg13 : memref<!tpu.dma_semaphore, #tpu.memory_space<semaphore_mem>>) src(%dma_wait3A_439 : memref<8x128xi32, #tpu.memory_space<hbm>>) dst(%arg7 : memref<8x128xi32, #tpu.memory_space<vmem>>)
    %dma_start3A_440 = arith.constant 0 : i32
    %dma_start3A_441 = arith.constant 0 : i32
    %dma_start3A_442 = tpu.memref_slice %arg7[%dma_start3A_440, %dma_start3A_441] : memref<8x128xi32, #tpu.memory_space<vmem>> -> memref<1x128xi32, #tpu.memory_space<vmem>>
    %dma_start3A_443 = tpu.memref_squeeze %dma_start3A_442 : memref<1x128xi32, #tpu.memory_space<vmem>> -> memref<128xi32, #tpu.memory_space<vmem>>
    %dma_start3A_444 = arith.constant 0 : i32
    %dma_start3A_445 = arith.constant 0 : i32
    %dma_start3A_446 = tpu.memref_slice %arg2[%dma_start3A_444, %dma_start3A_445] : memref<10000x128xf32, #tpu.memory_space<hbm>> -> memref<10000x128xf32, #tpu.memory_space<hbm>>
    tpu.enqueue_indirect_dma source(%dma_start3A_446 : memref<10000x128xf32, #tpu.memory_space<hbm>>) target(%arg9 : memref<128x128xf32, #tpu.memory_space<vmem>>) offsets(%dma_start3A_443 : memref<128xi32, #tpu.memory_space<vmem>>) semaphore(%arg11 : memref<!tpu.dma_semaphore, #tpu.memory_space<semaphore_mem>>)
    %dma_wait3A_447 = arith.constant 0 : i32
    %dma_wait3A_448 = arith.constant 0 : i32
    %dma_wait3A_449 = tpu.memref_slice %arg7[%dma_wait3A_447, %dma_wait3A_448] : memref<8x128xi32, #tpu.memory_space<vmem>> -> memref<1x128xi32, #tpu.memory_space<vmem>>
    %dma_wait3A_450 = tpu.memref_squeeze %dma_wait3A_449 : memref<1x128xi32, #tpu.memory_space<vmem>> -> memref<128xi32, #tpu.memory_space<vmem>>
    %dma_wait3A_451 = arith.constant 0 : i32
    %dma_wait3A_452 = arith.constant 0 : i32
    %dma_wait3A_453 = tpu.memref_slice %arg2[%dma_wait3A_451, %dma_wait3A_452] : memref<10000x128xf32, #tpu.memory_space<hbm>> -> memref<10000x128xf32, #tpu.memory_space<hbm>>
    tpu.wait_indirect_dma semaphore(%arg11 : memref<!tpu.dma_semaphore, #tpu.memory_space<semaphore_mem>>) src(%dma_wait3A_453 : memref<10000x128xf32, #tpu.memory_space<hbm>>) dst(%arg9 : memref<128x128xf32, #tpu.memory_space<vmem>>)
    %run_scoped3A_454 = arith.constant 1 : i32
    "tpu.region"() ({
      %run_scoped3A_1407 = tpu.sem_alloc : memref<!tpu.dma_semaphore, #tpu.memory_space<semaphore_mem>>
      %dma_start3A_1408 = arith.constant 0 : i32
      %dma_start3A_1409 = tpu.memref_slice %arg7[%run_scoped3A_454, %dma_start3A_1408] : memref<8x128xi32, #tpu.memory_space<vmem>> -> memref<1x128xi32, #tpu.memory_space<vmem>>
      %dma_start3A_1410 = tpu.memref_squeeze %dma_start3A_1409 : memref<1x128xi32, #tpu.memory_space<vmem>> -> memref<128xi32, #tpu.memory_space<vmem>>
      %dma_start3A_1411 = arith.constant 0 : i32
      %dma_start3A_1412 = arith.constant 0 : i32
      %dma_start3A_1413 = tpu.memref_slice %arg6[%dma_start3A_1411, %dma_start3A_1412] : memref<10112x128xf32, #tpu.memory_space<vmem_shared>> -> memref<10112x128xf32, #tpu.memory_space<vmem_shared>>
      tpu.enqueue_indirect_dma source(%arg9 : memref<128x128xf32, #tpu.memory_space<vmem>>) target(%dma_start3A_1413 : memref<10112x128xf32, #tpu.memory_space<vmem_shared>>) offsets(%dma_start3A_1410 : memref<128xi32, #tpu.memory_space<vmem>>) semaphore(%run_scoped3A_1407 : memref<!tpu.dma_semaphore, #tpu.memory_space<semaphore_mem>>) {add = true}
      %dma_wait3A_1414 = arith.constant 0 : i32
      %dma_wait3A_1415 = tpu.memref_slice %arg7[%run_scoped3A_454, %dma_wait3A_1414] : memref<8x128xi32, #tpu.memory_space<vmem>> -> memref<1x128xi32, #tpu.memory_space<vmem>>
      %dma_wait3A_1416 = tpu.memref_squeeze %dma_wait3A_1415 : memref<1x128xi32, #tpu.memory_space<vmem>> -> memref<128xi32, #tpu.memory_space<vmem>>
      %dma_wait3A_1417 = arith.constant 0 : i32
      %dma_wait3A_1418 = arith.constant 0 : i32
      %dma_wait3A_1419 = tpu.memref_slice %arg6[%dma_wait3A_1417, %dma_wait3A_1418] : memref<10112x128xf32, #tpu.memory_space<vmem_shared>> -> memref<10112x128xf32, #tpu.memory_space<vmem_shared>>
      tpu.wait_indirect_dma semaphore(%run_scoped3A_1407 : memref<!tpu.dma_semaphore, #tpu.memory_space<semaphore_mem>>) src(%arg9 : memref<128x128xf32, #tpu.memory_space<vmem>>) dst(%dma_wait3A_1419 : memref<10112x128xf32, #tpu.memory_space<vmem_shared>>)
      tpu.yield
    }) : () -> ()
    %dma_start3A_455 = arith.constant 2 : i32
    %dma_start3A_456 = arith.constant 0 : i32
    %dma_start3A_457 = tpu.memref_slice %arg7[%dma_start3A_455, %dma_start3A_456] : memref<8x128xi32, #tpu.memory_space<vmem>> -> memref<1x128xi32, #tpu.memory_space<vmem>>
    %dma_start3A_458 = tpu.memref_squeeze %dma_start3A_457 : memref<1x128xi32, #tpu.memory_space<vmem>> -> memref<128xi32, #tpu.memory_space<vmem>>
    %dma_start3A_459 = arith.constant 0 : i32
    %dma_start3A_460 = arith.constant 0 : i32
    %dma_start3A_461 = tpu.memref_slice %arg2[%dma_start3A_459, %dma_start3A_460] : memref<10000x128xf32, #tpu.memory_space<hbm>> -> memref<10000x128xf32, #tpu.memory_space<hbm>>
    tpu.enqueue_indirect_dma source(%dma_start3A_461 : memref<10000x128xf32, #tpu.memory_space<hbm>>) target(%arg10 : memref<128x128xf32, #tpu.memory_space<vmem>>) offsets(%dma_start3A_458 : memref<128xi32, #tpu.memory_space<vmem>>) semaphore(%arg12 : memref<!tpu.dma_semaphore, #tpu.memory_space<semaphore_mem>>)
    %dma_wait3A_462 = arith.constant 2 : i32
    %dma_wait3A_463 = arith.constant 0 : i32
    %dma_wait3A_464 = tpu.memref_slice %arg7[%dma_wait3A_462, %dma_wait3A_463] : memref<8x128xi32, #tpu.memory_space<vmem>> -> memref<1x128xi32, #tpu.memory_space<vmem>>
    %dma_wait3A_465 = tpu.memref_squeeze %dma_wait3A_464 : memref<1x128xi32, #tpu.memory_space<vmem>> -> memref<128xi32, #tpu.memory_space<vmem>>
    %dma_wait3A_466 = arith.constant 0 : i32
    %dma_wait3A_467 = arith.constant 0 : i32
    %dma_wait3A_468 = tpu.memref_slice %arg2[%dma_wait3A_466, %dma_wait3A_467] : memref<10000x128xf32, #tpu.memory_space<hbm>> -> memref<10000x128xf32, #tpu.memory_space<hbm>>
    tpu.wait_indirect_dma semaphore(%arg12 : memref<!tpu.dma_semaphore, #tpu.memory_space<semaphore_mem>>) src(%dma_wait3A_468 : memref<10000x128xf32, #tpu.memory_space<hbm>>) dst(%arg10 : memref<128x128xf32, #tpu.memory_space<vmem>>)
    %run_scoped3A_469 = arith.constant 3 : i32
    "tpu.region"() ({
      %run_scoped3A_1407 = tpu.sem_alloc : memref<!tpu.dma_semaphore, #tpu.memory_space<semaphore_mem>>
      %dma_start3A_1408 = arith.constant 0 : i32
      %dma_start3A_1409 = tpu.memref_slice %arg7[%run_scoped3A_469, %dma_start3A_1408] : memref<8x128xi32, #tpu.memory_space<vmem>> -> memref<1x128xi32, #tpu.memory_space<vmem>>
      %dma_start3A_1410 = tpu.memref_squeeze %dma_start3A_1409 : memref<1x128xi32, #tpu.memory_space<vmem>> -> memref<128xi32, #tpu.memory_space<vmem>>
      %dma_start3A_1411 = arith.constant 0 : i32
      %dma_start3A_1412 = arith.constant 0 : i32
      %dma_start3A_1413 = tpu.memref_slice %arg6[%dma_start3A_1411, %dma_start3A_1412] : memref<10112x128xf32, #tpu.memory_space<vmem_shared>> -> memref<10112x128xf32, #tpu.memory_space<vmem_shared>>
      tpu.enqueue_indirect_dma source(%arg10 : memref<128x128xf32, #tpu.memory_space<vmem>>) target(%dma_start3A_1413 : memref<10112x128xf32, #tpu.memory_space<vmem_shared>>) offsets(%dma_start3A_1410 : memref<128xi32, #tpu.memory_space<vmem>>) semaphore(%run_scoped3A_1407 : memref<!tpu.dma_semaphore, #tpu.memory_space<semaphore_mem>>) {add = true}
      %dma_wait3A_1414 = arith.constant 0 : i32
      %dma_wait3A_1415 = tpu.memref_slice %arg7[%run_scoped3A_469, %dma_wait3A_1414] : memref<8x128xi32, #tpu.memory_space<vmem>> -> memref<1x128xi32, #tpu.memory_space<vmem>>
      %dma_wait3A_1416 = tpu.memref_squeeze %dma_wait3A_1415 : memref<1x128xi32, #tpu.memory_space<vmem>> -> memref<128xi32, #tpu.memory_space<vmem>>
      %dma_wait3A_1417 = arith.constant 0 : i32
      %dma_wait3A_1418 = arith.constant 0 : i32
      %dma_wait3A_1419 = tpu.memref_slice %arg6[%dma_wait3A_1417, %dma_wait3A_1418] : memref<10112x128xf32, #tpu.memory_space<vmem_shared>> -> memref<10112x128xf32, #tpu.memory_space<vmem_shared>>
      tpu.wait_indirect_dma semaphore(%run_scoped3A_1407 : memref<!tpu.dma_semaphore, #tpu.memory_space<semaphore_mem>>) src(%arg10 : memref<128x128xf32, #tpu.memory_space<vmem>>) dst(%dma_wait3A_1419 : memref<10112x128xf32, #tpu.memory_space<vmem_shared>>)
      tpu.yield
    }) : () -> ()
    %dma_start3A_470 = arith.constant 4 : i32
    %dma_start3A_471 = arith.constant 0 : i32
    %dma_start3A_472 = tpu.memref_slice %arg7[%dma_start3A_470, %dma_start3A_471] : memref<8x128xi32, #tpu.memory_space<vmem>> -> memref<1x128xi32, #tpu.memory_space<vmem>>
    %dma_start3A_473 = tpu.memref_squeeze %dma_start3A_472 : memref<1x128xi32, #tpu.memory_space<vmem>> -> memref<128xi32, #tpu.memory_space<vmem>>
    %dma_start3A_474 = arith.constant 0 : i32
    %dma_start3A_475 = arith.constant 0 : i32
    %dma_start3A_476 = tpu.memref_slice %arg2[%dma_start3A_474, %dma_start3A_475] : memref<10000x128xf32, #tpu.memory_space<hbm>> -> memref<10000x128xf32, #tpu.memory_space<hbm>>
    tpu.enqueue_indirect_dma source(%dma_start3A_476 : memref<10000x128xf32, #tpu.memory_space<hbm>>) target(%arg9 : memref<128x128xf32, #tpu.memory_space<vmem>>) offsets(%dma_start3A_473 : memref<128xi32, #tpu.memory_space<vmem>>) semaphore(%arg11 : memref<!tpu.dma_semaphore, #tpu.memory_space<semaphore_mem>>)
    %dma_wait3A_477 = arith.constant 4 : i32
    %dma_wait3A_478 = arith.constant 0 : i32
    %dma_wait3A_479 = tpu.memref_slice %arg7[%dma_wait3A_477, %dma_wait3A_478] : memref<8x128xi32, #tpu.memory_space<vmem>> -> memref<1x128xi32, #tpu.memory_space<vmem>>
    %dma_wait3A_480 = tpu.memref_squeeze %dma_wait3A_479 : memref<1x128xi32, #tpu.memory_space<vmem>> -> memref<128xi32, #tpu.memory_space<vmem>>
    %dma_wait3A_481 = arith.constant 0 : i32
    %dma_wait3A_482 = arith.constant 0 : i32
    %dma_wait3A_483 = tpu.memref_slice %arg2[%dma_wait3A_481, %dma_wait3A_482] : memref<10000x128xf32, #tpu.memory_space<hbm>> -> memref<10000x128xf32, #tpu.memory_space<hbm>>
    tpu.wait_indirect_dma semaphore(%arg11 : memref<!tpu.dma_semaphore, #tpu.memory_space<semaphore_mem>>) src(%dma_wait3A_483 : memref<10000x128xf32, #tpu.memory_space<hbm>>) dst(%arg9 : memref<128x128xf32, #tpu.memory_space<vmem>>)
    %run_scoped3A_484 = arith.constant 5 : i32
    "tpu.region"() ({
      %run_scoped3A_1407 = tpu.sem_alloc : memref<!tpu.dma_semaphore, #tpu.memory_space<semaphore_mem>>
      %dma_start3A_1408 = arith.constant 0 : i32
      %dma_start3A_1409 = tpu.memref_slice %arg7[%run_scoped3A_484, %dma_start3A_1408] : memref<8x128xi32, #tpu.memory_space<vmem>> -> memref<1x128xi32, #tpu.memory_space<vmem>>
      %dma_start3A_1410 = tpu.memref_squeeze %dma_start3A_1409 : memref<1x128xi32, #tpu.memory_space<vmem>> -> memref<128xi32, #tpu.memory_space<vmem>>
      %dma_start3A_1411 = arith.constant 0 : i32
      %dma_start3A_1412 = arith.constant 0 : i32
      %dma_start3A_1413 = tpu.memref_slice %arg6[%dma_start3A_1411, %dma_start3A_1412] : memref<10112x128xf32, #tpu.memory_space<vmem_shared>> -> memref<10112x128xf32, #tpu.memory_space<vmem_shared>>
      tpu.enqueue_indirect_dma source(%arg9 : memref<128x128xf32, #tpu.memory_space<vmem>>) target(%dma_start3A_1413 : memref<10112x128xf32, #tpu.memory_space<vmem_shared>>) offsets(%dma_start3A_1410 : memref<128xi32, #tpu.memory_space<vmem>>) semaphore(%run_scoped3A_1407 : memref<!tpu.dma_semaphore, #tpu.memory_space<semaphore_mem>>) {add = true}
      %dma_wait3A_1414 = arith.constant 0 : i32
      %dma_wait3A_1415 = tpu.memref_slice %arg7[%run_scoped3A_484, %dma_wait3A_1414] : memref<8x128xi32, #tpu.memory_space<vmem>> -> memref<1x128xi32, #tpu.memory_space<vmem>>
      %dma_wait3A_1416 = tpu.memref_squeeze %dma_wait3A_1415 : memref<1x128xi32, #tpu.memory_space<vmem>> -> memref<128xi32, #tpu.memory_space<vmem>>
      %dma_wait3A_1417 = arith.constant 0 : i32
      %dma_wait3A_1418 = arith.constant 0 : i32
      %dma_wait3A_1419 = tpu.memref_slice %arg6[%dma_wait3A_1417, %dma_wait3A_1418] : memref<10112x128xf32, #tpu.memory_space<vmem_shared>> -> memref<10112x128xf32, #tpu.memory_space<vmem_shared>>
      tpu.wait_indirect_dma semaphore(%run_scoped3A_1407 : memref<!tpu.dma_semaphore, #tpu.memory_space<semaphore_mem>>) src(%arg9 : memref<128x128xf32, #tpu.memory_space<vmem>>) dst(%dma_wait3A_1419 : memref<10112x128xf32, #tpu.memory_space<vmem_shared>>)
      tpu.yield
    }) : () -> ()
    %dma_start3A_485 = arith.constant 6 : i32
    %dma_start3A_486 = arith.constant 0 : i32
    %dma_start3A_487 = tpu.memref_slice %arg7[%dma_start3A_485, %dma_start3A_486] : memref<8x128xi32, #tpu.memory_space<vmem>> -> memref<1x128xi32, #tpu.memory_space<vmem>>
    %dma_start3A_488 = tpu.memref_squeeze %dma_start3A_487 : memref<1x128xi32, #tpu.memory_space<vmem>> -> memref<128xi32, #tpu.memory_space<vmem>>
    %dma_start3A_489 = arith.constant 0 : i32
    %dma_start3A_490 = arith.constant 0 : i32
    %dma_start3A_491 = tpu.memref_slice %arg2[%dma_start3A_489, %dma_start3A_490] : memref<10000x128xf32, #tpu.memory_space<hbm>> -> memref<10000x128xf32, #tpu.memory_space<hbm>>
    tpu.enqueue_indirect_dma source(%dma_start3A_491 : memref<10000x128xf32, #tpu.memory_space<hbm>>) target(%arg10 : memref<128x128xf32, #tpu.memory_space<vmem>>) offsets(%dma_start3A_488 : memref<128xi32, #tpu.memory_space<vmem>>) semaphore(%arg12 : memref<!tpu.dma_semaphore, #tpu.memory_space<semaphore_mem>>)
    %dma_wait3A_492 = arith.constant 6 : i32
    %dma_wait3A_493 = arith.constant 0 : i32
    %dma_wait3A_494 = tpu.memref_slice %arg7[%dma_wait3A_492, %dma_wait3A_493] : memref<8x128xi32, #tpu.memory_space<vmem>> -> memref<1x128xi32, #tpu.memory_space<vmem>>
    %dma_wait3A_495 = tpu.memref_squeeze %dma_wait3A_494 : memref<1x128xi32, #tpu.memory_space<vmem>> -> memref<128xi32, #tpu.memory_space<vmem>>
    %dma_wait3A_496 = arith.constant 0 : i32
    %dma_wait3A_497 = arith.constant 0 : i32
    %dma_wait3A_498 = tpu.memref_slice %arg2[%dma_wait3A_496, %dma_wait3A_497] : memref<10000x128xf32, #tpu.memory_space<hbm>> -> memref<10000x128xf32, #tpu.memory_space<hbm>>
    tpu.wait_indirect_dma semaphore(%arg12 : memref<!tpu.dma_semaphore, #tpu.memory_space<semaphore_mem>>) src(%dma_wait3A_498 : memref<10000x128xf32, #tpu.memory_space<hbm>>) dst(%arg10 : memref<128x128xf32, #tpu.memory_space<vmem>>)
    %run_scoped3A_499 = arith.constant 7 : i32
    "tpu.region"() ({
      %run_scoped3A_1407 = tpu.sem_alloc : memref<!tpu.dma_semaphore, #tpu.memory_space<semaphore_mem>>
      %dma_start3A_1408 = arith.constant 0 : i32
      %dma_start3A_1409 = tpu.memref_slice %arg7[%run_scoped3A_499, %dma_start3A_1408] : memref<8x128xi32, #tpu.memory_space<vmem>> -> memref<1x128xi32, #tpu.memory_space<vmem>>
      %dma_start3A_1410 = tpu.memref_squeeze %dma_start3A_1409 : memref<1x128xi32, #tpu.memory_space<vmem>> -> memref<128xi32, #tpu.memory_space<vmem>>
      %dma_start3A_1411 = arith.constant 0 : i32
      %dma_start3A_1412 = arith.constant 0 : i32
      %dma_start3A_1413 = tpu.memref_slice %arg6[%dma_start3A_1411, %dma_start3A_1412] : memref<10112x128xf32, #tpu.memory_space<vmem_shared>> -> memref<10112x128xf32, #tpu.memory_space<vmem_shared>>
      tpu.enqueue_indirect_dma source(%arg10 : memref<128x128xf32, #tpu.memory_space<vmem>>) target(%dma_start3A_1413 : memref<10112x128xf32, #tpu.memory_space<vmem_shared>>) offsets(%dma_start3A_1410 : memref<128xi32, #tpu.memory_space<vmem>>) semaphore(%run_scoped3A_1407 : memref<!tpu.dma_semaphore, #tpu.memory_space<semaphore_mem>>) {add = true}
      %dma_wait3A_1414 = arith.constant 0 : i32
      %dma_wait3A_1415 = tpu.memref_slice %arg7[%run_scoped3A_499, %dma_wait3A_1414] : memref<8x128xi32, #tpu.memory_space<vmem>> -> memref<1x128xi32, #tpu.memory_space<vmem>>
      %dma_wait3A_1416 = tpu.memref_squeeze %dma_wait3A_1415 : memref<1x128xi32, #tpu.memory_space<vmem>> -> memref<128xi32, #tpu.memory_space<vmem>>
      %dma_wait3A_1417 = arith.constant 0 : i32
      %dma_wait3A_1418 = arith.constant 0 : i32
      %dma_wait3A_1419 = tpu.memref_slice %arg6[%dma_wait3A_1417, %dma_wait3A_1418] : memref<10112x128xf32, #tpu.memory_space<vmem_shared>> -> memref<10112x128xf32, #tpu.memory_space<vmem_shared>>
      tpu.wait_indirect_dma semaphore(%run_scoped3A_1407 : memref<!tpu.dma_semaphore, #tpu.memory_space<semaphore_mem>>) src(%arg10 : memref<128x128xf32, #tpu.memory_space<vmem>>) dst(%dma_wait3A_1419 : memref<10112x128xf32, #tpu.memory_space<vmem_shared>>)
      tpu.yield
    }) : () -> ()
    %add3A_500 = arith.constant 64 : i32
    %add3A_501 = arith.addi %mul3A_4, %add3A_500 : i32
    %dma_start3A_502 = arith.constant 0 : i32
    %dma_start3A_503 = tpu.memref_slice %arg3[%add3A_501, %dma_start3A_502] : memref<5120x128xi32, #tpu.memory_space<hbm>> -> memref<8x128xi32, #tpu.memory_space<hbm>>
    %dma_start3A_504 = arith.constant 0 : i32
    %dma_start3A_505 = tpu.memref_slice %arg3[%add3A_501, %dma_start3A_504] : memref<5120x128xi32, #tpu.memory_space<hbm>> -> memref<8x128xi32, #tpu.memory_space<hbm>>
    tpu.enqueue_dma source(%dma_start3A_505 : memref<8x128xi32, #tpu.memory_space<hbm>>) target(%arg7 : memref<8x128xi32, #tpu.memory_space<vmem>>) target_semaphore(%arg13 : memref<!tpu.dma_semaphore, #tpu.memory_space<semaphore_mem>>)
    %dma_wait3A_506 = arith.constant 0 : i32
    %dma_wait3A_507 = tpu.memref_slice %arg3[%add3A_431, %dma_wait3A_506] : memref<5120x128xi32, #tpu.memory_space<hbm>> -> memref<8x128xi32, #tpu.memory_space<hbm>>
    %dma_wait3A_508 = arith.constant 0 : i32
    %dma_wait3A_509 = tpu.memref_slice %arg3[%add3A_431, %dma_wait3A_508] : memref<5120x128xi32, #tpu.memory_space<hbm>> -> memref<8x128xi32, #tpu.memory_space<hbm>>
    tpu.wait_dma2 semaphore(%arg14 : memref<!tpu.dma_semaphore, #tpu.memory_space<semaphore_mem>>) src(%dma_wait3A_509 : memref<8x128xi32, #tpu.memory_space<hbm>>) dst(%arg8 : memref<8x128xi32, #tpu.memory_space<vmem>>)
    %dma_start3A_510 = arith.constant 0 : i32
    %dma_start3A_511 = arith.constant 0 : i32
    %dma_start3A_512 = tpu.memref_slice %arg8[%dma_start3A_510, %dma_start3A_511] : memref<8x128xi32, #tpu.memory_space<vmem>> -> memref<1x128xi32, #tpu.memory_space<vmem>>
    %dma_start3A_513 = tpu.memref_squeeze %dma_start3A_512 : memref<1x128xi32, #tpu.memory_space<vmem>> -> memref<128xi32, #tpu.memory_space<vmem>>
    %dma_start3A_514 = arith.constant 0 : i32
    %dma_start3A_515 = arith.constant 0 : i32
    %dma_start3A_516 = tpu.memref_slice %arg2[%dma_start3A_514, %dma_start3A_515] : memref<10000x128xf32, #tpu.memory_space<hbm>> -> memref<10000x128xf32, #tpu.memory_space<hbm>>
    tpu.enqueue_indirect_dma source(%dma_start3A_516 : memref<10000x128xf32, #tpu.memory_space<hbm>>) target(%arg9 : memref<128x128xf32, #tpu.memory_space<vmem>>) offsets(%dma_start3A_513 : memref<128xi32, #tpu.memory_space<vmem>>) semaphore(%arg11 : memref<!tpu.dma_semaphore, #tpu.memory_space<semaphore_mem>>)
    %dma_wait3A_517 = arith.constant 0 : i32
    %dma_wait3A_518 = arith.constant 0 : i32
    %dma_wait3A_519 = tpu.memref_slice %arg8[%dma_wait3A_517, %dma_wait3A_518] : memref<8x128xi32, #tpu.memory_space<vmem>> -> memref<1x128xi32, #tpu.memory_space<vmem>>
    %dma_wait3A_520 = tpu.memref_squeeze %dma_wait3A_519 : memref<1x128xi32, #tpu.memory_space<vmem>> -> memref<128xi32, #tpu.memory_space<vmem>>
    %dma_wait3A_521 = arith.constant 0 : i32
    %dma_wait3A_522 = arith.constant 0 : i32
    %dma_wait3A_523 = tpu.memref_slice %arg2[%dma_wait3A_521, %dma_wait3A_522] : memref<10000x128xf32, #tpu.memory_space<hbm>> -> memref<10000x128xf32, #tpu.memory_space<hbm>>
    tpu.wait_indirect_dma semaphore(%arg11 : memref<!tpu.dma_semaphore, #tpu.memory_space<semaphore_mem>>) src(%dma_wait3A_523 : memref<10000x128xf32, #tpu.memory_space<hbm>>) dst(%arg9 : memref<128x128xf32, #tpu.memory_space<vmem>>)
    %run_scoped3A_524 = arith.constant 1 : i32
    "tpu.region"() ({
      %run_scoped3A_1407 = tpu.sem_alloc : memref<!tpu.dma_semaphore, #tpu.memory_space<semaphore_mem>>
      %dma_start3A_1408 = arith.constant 0 : i32
      %dma_start3A_1409 = tpu.memref_slice %arg8[%run_scoped3A_524, %dma_start3A_1408] : memref<8x128xi32, #tpu.memory_space<vmem>> -> memref<1x128xi32, #tpu.memory_space<vmem>>
      %dma_start3A_1410 = tpu.memref_squeeze %dma_start3A_1409 : memref<1x128xi32, #tpu.memory_space<vmem>> -> memref<128xi32, #tpu.memory_space<vmem>>
      %dma_start3A_1411 = arith.constant 0 : i32
      %dma_start3A_1412 = arith.constant 0 : i32
      %dma_start3A_1413 = tpu.memref_slice %arg6[%dma_start3A_1411, %dma_start3A_1412] : memref<10112x128xf32, #tpu.memory_space<vmem_shared>> -> memref<10112x128xf32, #tpu.memory_space<vmem_shared>>
      tpu.enqueue_indirect_dma source(%arg9 : memref<128x128xf32, #tpu.memory_space<vmem>>) target(%dma_start3A_1413 : memref<10112x128xf32, #tpu.memory_space<vmem_shared>>) offsets(%dma_start3A_1410 : memref<128xi32, #tpu.memory_space<vmem>>) semaphore(%run_scoped3A_1407 : memref<!tpu.dma_semaphore, #tpu.memory_space<semaphore_mem>>) {add = true}
      %dma_wait3A_1414 = arith.constant 0 : i32
      %dma_wait3A_1415 = tpu.memref_slice %arg8[%run_scoped3A_524, %dma_wait3A_1414] : memref<8x128xi32, #tpu.memory_space<vmem>> -> memref<1x128xi32, #tpu.memory_space<vmem>>
      %dma_wait3A_1416 = tpu.memref_squeeze %dma_wait3A_1415 : memref<1x128xi32, #tpu.memory_space<vmem>> -> memref<128xi32, #tpu.memory_space<vmem>>
      %dma_wait3A_1417 = arith.constant 0 : i32
      %dma_wait3A_1418 = arith.constant 0 : i32
      %dma_wait3A_1419 = tpu.memref_slice %arg6[%dma_wait3A_1417, %dma_wait3A_1418] : memref<10112x128xf32, #tpu.memory_space<vmem_shared>> -> memref<10112x128xf32, #tpu.memory_space<vmem_shared>>
      tpu.wait_indirect_dma semaphore(%run_scoped3A_1407 : memref<!tpu.dma_semaphore, #tpu.memory_space<semaphore_mem>>) src(%arg9 : memref<128x128xf32, #tpu.memory_space<vmem>>) dst(%dma_wait3A_1419 : memref<10112x128xf32, #tpu.memory_space<vmem_shared>>)
      tpu.yield
    }) : () -> ()
    %dma_start3A_525 = arith.constant 2 : i32
    %dma_start3A_526 = arith.constant 0 : i32
    %dma_start3A_527 = tpu.memref_slice %arg8[%dma_start3A_525, %dma_start3A_526] : memref<8x128xi32, #tpu.memory_space<vmem>> -> memref<1x128xi32, #tpu.memory_space<vmem>>
    %dma_start3A_528 = tpu.memref_squeeze %dma_start3A_527 : memref<1x128xi32, #tpu.memory_space<vmem>> -> memref<128xi32, #tpu.memory_space<vmem>>
    %dma_start3A_529 = arith.constant 0 : i32
    %dma_start3A_530 = arith.constant 0 : i32
    %dma_start3A_531 = tpu.memref_slice %arg2[%dma_start3A_529, %dma_start3A_530] : memref<10000x128xf32, #tpu.memory_space<hbm>> -> memref<10000x128xf32, #tpu.memory_space<hbm>>
    tpu.enqueue_indirect_dma source(%dma_start3A_531 : memref<10000x128xf32, #tpu.memory_space<hbm>>) target(%arg10 : memref<128x128xf32, #tpu.memory_space<vmem>>) offsets(%dma_start3A_528 : memref<128xi32, #tpu.memory_space<vmem>>) semaphore(%arg12 : memref<!tpu.dma_semaphore, #tpu.memory_space<semaphore_mem>>)
    %dma_wait3A_532 = arith.constant 2 : i32
    %dma_wait3A_533 = arith.constant 0 : i32
    %dma_wait3A_534 = tpu.memref_slice %arg8[%dma_wait3A_532, %dma_wait3A_533] : memref<8x128xi32, #tpu.memory_space<vmem>> -> memref<1x128xi32, #tpu.memory_space<vmem>>
    %dma_wait3A_535 = tpu.memref_squeeze %dma_wait3A_534 : memref<1x128xi32, #tpu.memory_space<vmem>> -> memref<128xi32, #tpu.memory_space<vmem>>
    %dma_wait3A_536 = arith.constant 0 : i32
    %dma_wait3A_537 = arith.constant 0 : i32
    %dma_wait3A_538 = tpu.memref_slice %arg2[%dma_wait3A_536, %dma_wait3A_537] : memref<10000x128xf32, #tpu.memory_space<hbm>> -> memref<10000x128xf32, #tpu.memory_space<hbm>>
    tpu.wait_indirect_dma semaphore(%arg12 : memref<!tpu.dma_semaphore, #tpu.memory_space<semaphore_mem>>) src(%dma_wait3A_538 : memref<10000x128xf32, #tpu.memory_space<hbm>>) dst(%arg10 : memref<128x128xf32, #tpu.memory_space<vmem>>)
    %run_scoped3A_539 = arith.constant 3 : i32
    "tpu.region"() ({
      %run_scoped3A_1407 = tpu.sem_alloc : memref<!tpu.dma_semaphore, #tpu.memory_space<semaphore_mem>>
      %dma_start3A_1408 = arith.constant 0 : i32
      %dma_start3A_1409 = tpu.memref_slice %arg8[%run_scoped3A_539, %dma_start3A_1408] : memref<8x128xi32, #tpu.memory_space<vmem>> -> memref<1x128xi32, #tpu.memory_space<vmem>>
      %dma_start3A_1410 = tpu.memref_squeeze %dma_start3A_1409 : memref<1x128xi32, #tpu.memory_space<vmem>> -> memref<128xi32, #tpu.memory_space<vmem>>
      %dma_start3A_1411 = arith.constant 0 : i32
      %dma_start3A_1412 = arith.constant 0 : i32
      %dma_start3A_1413 = tpu.memref_slice %arg6[%dma_start3A_1411, %dma_start3A_1412] : memref<10112x128xf32, #tpu.memory_space<vmem_shared>> -> memref<10112x128xf32, #tpu.memory_space<vmem_shared>>
      tpu.enqueue_indirect_dma source(%arg10 : memref<128x128xf32, #tpu.memory_space<vmem>>) target(%dma_start3A_1413 : memref<10112x128xf32, #tpu.memory_space<vmem_shared>>) offsets(%dma_start3A_1410 : memref<128xi32, #tpu.memory_space<vmem>>) semaphore(%run_scoped3A_1407 : memref<!tpu.dma_semaphore, #tpu.memory_space<semaphore_mem>>) {add = true}
      %dma_wait3A_1414 = arith.constant 0 : i32
      %dma_wait3A_1415 = tpu.memref_slice %arg8[%run_scoped3A_539, %dma_wait3A_1414] : memref<8x128xi32, #tpu.memory_space<vmem>> -> memref<1x128xi32, #tpu.memory_space<vmem>>
      %dma_wait3A_1416 = tpu.memref_squeeze %dma_wait3A_1415 : memref<1x128xi32, #tpu.memory_space<vmem>> -> memref<128xi32, #tpu.memory_space<vmem>>
      %dma_wait3A_1417 = arith.constant 0 : i32
      %dma_wait3A_1418 = arith.constant 0 : i32
      %dma_wait3A_1419 = tpu.memref_slice %arg6[%dma_wait3A_1417, %dma_wait3A_1418] : memref<10112x128xf32, #tpu.memory_space<vmem_shared>> -> memref<10112x128xf32, #tpu.memory_space<vmem_shared>>
      tpu.wait_indirect_dma semaphore(%run_scoped3A_1407 : memref<!tpu.dma_semaphore, #tpu.memory_space<semaphore_mem>>) src(%arg10 : memref<128x128xf32, #tpu.memory_space<vmem>>) dst(%dma_wait3A_1419 : memref<10112x128xf32, #tpu.memory_space<vmem_shared>>)
      tpu.yield
    }) : () -> ()
    %dma_start3A_540 = arith.constant 4 : i32
    %dma_start3A_541 = arith.constant 0 : i32
    %dma_start3A_542 = tpu.memref_slice %arg8[%dma_start3A_540, %dma_start3A_541] : memref<8x128xi32, #tpu.memory_space<vmem>> -> memref<1x128xi32, #tpu.memory_space<vmem>>
    %dma_start3A_543 = tpu.memref_squeeze %dma_start3A_542 : memref<1x128xi32, #tpu.memory_space<vmem>> -> memref<128xi32, #tpu.memory_space<vmem>>
    %dma_start3A_544 = arith.constant 0 : i32
    %dma_start3A_545 = arith.constant 0 : i32
    %dma_start3A_546 = tpu.memref_slice %arg2[%dma_start3A_544, %dma_start3A_545] : memref<10000x128xf32, #tpu.memory_space<hbm>> -> memref<10000x128xf32, #tpu.memory_space<hbm>>
    tpu.enqueue_indirect_dma source(%dma_start3A_546 : memref<10000x128xf32, #tpu.memory_space<hbm>>) target(%arg9 : memref<128x128xf32, #tpu.memory_space<vmem>>) offsets(%dma_start3A_543 : memref<128xi32, #tpu.memory_space<vmem>>) semaphore(%arg11 : memref<!tpu.dma_semaphore, #tpu.memory_space<semaphore_mem>>)
    %dma_wait3A_547 = arith.constant 4 : i32
    %dma_wait3A_548 = arith.constant 0 : i32
    %dma_wait3A_549 = tpu.memref_slice %arg8[%dma_wait3A_547, %dma_wait3A_548] : memref<8x128xi32, #tpu.memory_space<vmem>> -> memref<1x128xi32, #tpu.memory_space<vmem>>
    %dma_wait3A_550 = tpu.memref_squeeze %dma_wait3A_549 : memref<1x128xi32, #tpu.memory_space<vmem>> -> memref<128xi32, #tpu.memory_space<vmem>>
    %dma_wait3A_551 = arith.constant 0 : i32
    %dma_wait3A_552 = arith.constant 0 : i32
    %dma_wait3A_553 = tpu.memref_slice %arg2[%dma_wait3A_551, %dma_wait3A_552] : memref<10000x128xf32, #tpu.memory_space<hbm>> -> memref<10000x128xf32, #tpu.memory_space<hbm>>
    tpu.wait_indirect_dma semaphore(%arg11 : memref<!tpu.dma_semaphore, #tpu.memory_space<semaphore_mem>>) src(%dma_wait3A_553 : memref<10000x128xf32, #tpu.memory_space<hbm>>) dst(%arg9 : memref<128x128xf32, #tpu.memory_space<vmem>>)
    %run_scoped3A_554 = arith.constant 5 : i32
    "tpu.region"() ({
      %run_scoped3A_1407 = tpu.sem_alloc : memref<!tpu.dma_semaphore, #tpu.memory_space<semaphore_mem>>
      %dma_start3A_1408 = arith.constant 0 : i32
      %dma_start3A_1409 = tpu.memref_slice %arg8[%run_scoped3A_554, %dma_start3A_1408] : memref<8x128xi32, #tpu.memory_space<vmem>> -> memref<1x128xi32, #tpu.memory_space<vmem>>
      %dma_start3A_1410 = tpu.memref_squeeze %dma_start3A_1409 : memref<1x128xi32, #tpu.memory_space<vmem>> -> memref<128xi32, #tpu.memory_space<vmem>>
      %dma_start3A_1411 = arith.constant 0 : i32
      %dma_start3A_1412 = arith.constant 0 : i32
      %dma_start3A_1413 = tpu.memref_slice %arg6[%dma_start3A_1411, %dma_start3A_1412] : memref<10112x128xf32, #tpu.memory_space<vmem_shared>> -> memref<10112x128xf32, #tpu.memory_space<vmem_shared>>
      tpu.enqueue_indirect_dma source(%arg9 : memref<128x128xf32, #tpu.memory_space<vmem>>) target(%dma_start3A_1413 : memref<10112x128xf32, #tpu.memory_space<vmem_shared>>) offsets(%dma_start3A_1410 : memref<128xi32, #tpu.memory_space<vmem>>) semaphore(%run_scoped3A_1407 : memref<!tpu.dma_semaphore, #tpu.memory_space<semaphore_mem>>) {add = true}
      %dma_wait3A_1414 = arith.constant 0 : i32
      %dma_wait3A_1415 = tpu.memref_slice %arg8[%run_scoped3A_554, %dma_wait3A_1414] : memref<8x128xi32, #tpu.memory_space<vmem>> -> memref<1x128xi32, #tpu.memory_space<vmem>>
      %dma_wait3A_1416 = tpu.memref_squeeze %dma_wait3A_1415 : memref<1x128xi32, #tpu.memory_space<vmem>> -> memref<128xi32, #tpu.memory_space<vmem>>
      %dma_wait3A_1417 = arith.constant 0 : i32
      %dma_wait3A_1418 = arith.constant 0 : i32
      %dma_wait3A_1419 = tpu.memref_slice %arg6[%dma_wait3A_1417, %dma_wait3A_1418] : memref<10112x128xf32, #tpu.memory_space<vmem_shared>> -> memref<10112x128xf32, #tpu.memory_space<vmem_shared>>
      tpu.wait_indirect_dma semaphore(%run_scoped3A_1407 : memref<!tpu.dma_semaphore, #tpu.memory_space<semaphore_mem>>) src(%arg9 : memref<128x128xf32, #tpu.memory_space<vmem>>) dst(%dma_wait3A_1419 : memref<10112x128xf32, #tpu.memory_space<vmem_shared>>)
      tpu.yield
    }) : () -> ()
    %dma_start3A_555 = arith.constant 6 : i32
    %dma_start3A_556 = arith.constant 0 : i32
    %dma_start3A_557 = tpu.memref_slice %arg8[%dma_start3A_555, %dma_start3A_556] : memref<8x128xi32, #tpu.memory_space<vmem>> -> memref<1x128xi32, #tpu.memory_space<vmem>>
    %dma_start3A_558 = tpu.memref_squeeze %dma_start3A_557 : memref<1x128xi32, #tpu.memory_space<vmem>> -> memref<128xi32, #tpu.memory_space<vmem>>
    %dma_start3A_559 = arith.constant 0 : i32
    %dma_start3A_560 = arith.constant 0 : i32
    %dma_start3A_561 = tpu.memref_slice %arg2[%dma_start3A_559, %dma_start3A_560] : memref<10000x128xf32, #tpu.memory_space<hbm>> -> memref<10000x128xf32, #tpu.memory_space<hbm>>
    tpu.enqueue_indirect_dma source(%dma_start3A_561 : memref<10000x128xf32, #tpu.memory_space<hbm>>) target(%arg10 : memref<128x128xf32, #tpu.memory_space<vmem>>) offsets(%dma_start3A_558 : memref<128xi32, #tpu.memory_space<vmem>>) semaphore(%arg12 : memref<!tpu.dma_semaphore, #tpu.memory_space<semaphore_mem>>)
    %dma_wait3A_562 = arith.constant 6 : i32
    %dma_wait3A_563 = arith.constant 0 : i32
    %dma_wait3A_564 = tpu.memref_slice %arg8[%dma_wait3A_562, %dma_wait3A_563] : memref<8x128xi32, #tpu.memory_space<vmem>> -> memref<1x128xi32, #tpu.memory_space<vmem>>
    %dma_wait3A_565 = tpu.memref_squeeze %dma_wait3A_564 : memref<1x128xi32, #tpu.memory_space<vmem>> -> memref<128xi32, #tpu.memory_space<vmem>>
    %dma_wait3A_566 = arith.constant 0 : i32
    %dma_wait3A_567 = arith.constant 0 : i32
    %dma_wait3A_568 = tpu.memref_slice %arg2[%dma_wait3A_566, %dma_wait3A_567] : memref<10000x128xf32, #tpu.memory_space<hbm>> -> memref<10000x128xf32, #tpu.memory_space<hbm>>
    tpu.wait_indirect_dma semaphore(%arg12 : memref<!tpu.dma_semaphore, #tpu.memory_space<semaphore_mem>>) src(%dma_wait3A_568 : memref<10000x128xf32, #tpu.memory_space<hbm>>) dst(%arg10 : memref<128x128xf32, #tpu.memory_space<vmem>>)
    %run_scoped3A_569 = arith.constant 7 : i32
    "tpu.region"() ({
      %run_scoped3A_1407 = tpu.sem_alloc : memref<!tpu.dma_semaphore, #tpu.memory_space<semaphore_mem>>
      %dma_start3A_1408 = arith.constant 0 : i32
      %dma_start3A_1409 = tpu.memref_slice %arg8[%run_scoped3A_569, %dma_start3A_1408] : memref<8x128xi32, #tpu.memory_space<vmem>> -> memref<1x128xi32, #tpu.memory_space<vmem>>
      %dma_start3A_1410 = tpu.memref_squeeze %dma_start3A_1409 : memref<1x128xi32, #tpu.memory_space<vmem>> -> memref<128xi32, #tpu.memory_space<vmem>>
      %dma_start3A_1411 = arith.constant 0 : i32
      %dma_start3A_1412 = arith.constant 0 : i32
      %dma_start3A_1413 = tpu.memref_slice %arg6[%dma_start3A_1411, %dma_start3A_1412] : memref<10112x128xf32, #tpu.memory_space<vmem_shared>> -> memref<10112x128xf32, #tpu.memory_space<vmem_shared>>
      tpu.enqueue_indirect_dma source(%arg10 : memref<128x128xf32, #tpu.memory_space<vmem>>) target(%dma_start3A_1413 : memref<10112x128xf32, #tpu.memory_space<vmem_shared>>) offsets(%dma_start3A_1410 : memref<128xi32, #tpu.memory_space<vmem>>) semaphore(%run_scoped3A_1407 : memref<!tpu.dma_semaphore, #tpu.memory_space<semaphore_mem>>) {add = true}
      %dma_wait3A_1414 = arith.constant 0 : i32
      %dma_wait3A_1415 = tpu.memref_slice %arg8[%run_scoped3A_569, %dma_wait3A_1414] : memref<8x128xi32, #tpu.memory_space<vmem>> -> memref<1x128xi32, #tpu.memory_space<vmem>>
      %dma_wait3A_1416 = tpu.memref_squeeze %dma_wait3A_1415 : memref<1x128xi32, #tpu.memory_space<vmem>> -> memref<128xi32, #tpu.memory_space<vmem>>
      %dma_wait3A_1417 = arith.constant 0 : i32
      %dma_wait3A_1418 = arith.constant 0 : i32
      %dma_wait3A_1419 = tpu.memref_slice %arg6[%dma_wait3A_1417, %dma_wait3A_1418] : memref<10112x128xf32, #tpu.memory_space<vmem_shared>> -> memref<10112x128xf32, #tpu.memory_space<vmem_shared>>
      tpu.wait_indirect_dma semaphore(%run_scoped3A_1407 : memref<!tpu.dma_semaphore, #tpu.memory_space<semaphore_mem>>) src(%arg10 : memref<128x128xf32, #tpu.memory_space<vmem>>) dst(%dma_wait3A_1419 : memref<10112x128xf32, #tpu.memory_space<vmem_shared>>)
      tpu.yield
    }) : () -> ()
    %add3A_570 = arith.constant 72 : i32
    %add3A_571 = arith.addi %mul3A_4, %add3A_570 : i32
    %dma_start3A_572 = arith.constant 0 : i32
    %dma_start3A_573 = tpu.memref_slice %arg3[%add3A_571, %dma_start3A_572] : memref<5120x128xi32, #tpu.memory_space<hbm>> -> memref<8x128xi32, #tpu.memory_space<hbm>>
    %dma_start3A_574 = arith.constant 0 : i32
    %dma_start3A_575 = tpu.memref_slice %arg3[%add3A_571, %dma_start3A_574] : memref<5120x128xi32, #tpu.memory_space<hbm>> -> memref<8x128xi32, #tpu.memory_space<hbm>>
    tpu.enqueue_dma source(%dma_start3A_575 : memref<8x128xi32, #tpu.memory_space<hbm>>) target(%arg8 : memref<8x128xi32, #tpu.memory_space<vmem>>) target_semaphore(%arg14 : memref<!tpu.dma_semaphore, #tpu.memory_space<semaphore_mem>>)
    %dma_wait3A_576 = arith.constant 0 : i32
    %dma_wait3A_577 = tpu.memref_slice %arg3[%add3A_501, %dma_wait3A_576] : memref<5120x128xi32, #tpu.memory_space<hbm>> -> memref<8x128xi32, #tpu.memory_space<hbm>>
    %dma_wait3A_578 = arith.constant 0 : i32
    %dma_wait3A_579 = tpu.memref_slice %arg3[%add3A_501, %dma_wait3A_578] : memref<5120x128xi32, #tpu.memory_space<hbm>> -> memref<8x128xi32, #tpu.memory_space<hbm>>
    tpu.wait_dma2 semaphore(%arg13 : memref<!tpu.dma_semaphore, #tpu.memory_space<semaphore_mem>>) src(%dma_wait3A_579 : memref<8x128xi32, #tpu.memory_space<hbm>>) dst(%arg7 : memref<8x128xi32, #tpu.memory_space<vmem>>)
    %dma_start3A_580 = arith.constant 0 : i32
    %dma_start3A_581 = arith.constant 0 : i32
    %dma_start3A_582 = tpu.memref_slice %arg7[%dma_start3A_580, %dma_start3A_581] : memref<8x128xi32, #tpu.memory_space<vmem>> -> memref<1x128xi32, #tpu.memory_space<vmem>>
    %dma_start3A_583 = tpu.memref_squeeze %dma_start3A_582 : memref<1x128xi32, #tpu.memory_space<vmem>> -> memref<128xi32, #tpu.memory_space<vmem>>
    %dma_start3A_584 = arith.constant 0 : i32
    %dma_start3A_585 = arith.constant 0 : i32
    %dma_start3A_586 = tpu.memref_slice %arg2[%dma_start3A_584, %dma_start3A_585] : memref<10000x128xf32, #tpu.memory_space<hbm>> -> memref<10000x128xf32, #tpu.memory_space<hbm>>
    tpu.enqueue_indirect_dma source(%dma_start3A_586 : memref<10000x128xf32, #tpu.memory_space<hbm>>) target(%arg9 : memref<128x128xf32, #tpu.memory_space<vmem>>) offsets(%dma_start3A_583 : memref<128xi32, #tpu.memory_space<vmem>>) semaphore(%arg11 : memref<!tpu.dma_semaphore, #tpu.memory_space<semaphore_mem>>)
    %dma_wait3A_587 = arith.constant 0 : i32
    %dma_wait3A_588 = arith.constant 0 : i32
    %dma_wait3A_589 = tpu.memref_slice %arg7[%dma_wait3A_587, %dma_wait3A_588] : memref<8x128xi32, #tpu.memory_space<vmem>> -> memref<1x128xi32, #tpu.memory_space<vmem>>
    %dma_wait3A_590 = tpu.memref_squeeze %dma_wait3A_589 : memref<1x128xi32, #tpu.memory_space<vmem>> -> memref<128xi32, #tpu.memory_space<vmem>>
    %dma_wait3A_591 = arith.constant 0 : i32
    %dma_wait3A_592 = arith.constant 0 : i32
    %dma_wait3A_593 = tpu.memref_slice %arg2[%dma_wait3A_591, %dma_wait3A_592] : memref<10000x128xf32, #tpu.memory_space<hbm>> -> memref<10000x128xf32, #tpu.memory_space<hbm>>
    tpu.wait_indirect_dma semaphore(%arg11 : memref<!tpu.dma_semaphore, #tpu.memory_space<semaphore_mem>>) src(%dma_wait3A_593 : memref<10000x128xf32, #tpu.memory_space<hbm>>) dst(%arg9 : memref<128x128xf32, #tpu.memory_space<vmem>>)
    %run_scoped3A_594 = arith.constant 1 : i32
    "tpu.region"() ({
      %run_scoped3A_1407 = tpu.sem_alloc : memref<!tpu.dma_semaphore, #tpu.memory_space<semaphore_mem>>
      %dma_start3A_1408 = arith.constant 0 : i32
      %dma_start3A_1409 = tpu.memref_slice %arg7[%run_scoped3A_594, %dma_start3A_1408] : memref<8x128xi32, #tpu.memory_space<vmem>> -> memref<1x128xi32, #tpu.memory_space<vmem>>
      %dma_start3A_1410 = tpu.memref_squeeze %dma_start3A_1409 : memref<1x128xi32, #tpu.memory_space<vmem>> -> memref<128xi32, #tpu.memory_space<vmem>>
      %dma_start3A_1411 = arith.constant 0 : i32
      %dma_start3A_1412 = arith.constant 0 : i32
      %dma_start3A_1413 = tpu.memref_slice %arg6[%dma_start3A_1411, %dma_start3A_1412] : memref<10112x128xf32, #tpu.memory_space<vmem_shared>> -> memref<10112x128xf32, #tpu.memory_space<vmem_shared>>
      tpu.enqueue_indirect_dma source(%arg9 : memref<128x128xf32, #tpu.memory_space<vmem>>) target(%dma_start3A_1413 : memref<10112x128xf32, #tpu.memory_space<vmem_shared>>) offsets(%dma_start3A_1410 : memref<128xi32, #tpu.memory_space<vmem>>) semaphore(%run_scoped3A_1407 : memref<!tpu.dma_semaphore, #tpu.memory_space<semaphore_mem>>) {add = true}
      %dma_wait3A_1414 = arith.constant 0 : i32
      %dma_wait3A_1415 = tpu.memref_slice %arg7[%run_scoped3A_594, %dma_wait3A_1414] : memref<8x128xi32, #tpu.memory_space<vmem>> -> memref<1x128xi32, #tpu.memory_space<vmem>>
      %dma_wait3A_1416 = tpu.memref_squeeze %dma_wait3A_1415 : memref<1x128xi32, #tpu.memory_space<vmem>> -> memref<128xi32, #tpu.memory_space<vmem>>
      %dma_wait3A_1417 = arith.constant 0 : i32
      %dma_wait3A_1418 = arith.constant 0 : i32
      %dma_wait3A_1419 = tpu.memref_slice %arg6[%dma_wait3A_1417, %dma_wait3A_1418] : memref<10112x128xf32, #tpu.memory_space<vmem_shared>> -> memref<10112x128xf32, #tpu.memory_space<vmem_shared>>
      tpu.wait_indirect_dma semaphore(%run_scoped3A_1407 : memref<!tpu.dma_semaphore, #tpu.memory_space<semaphore_mem>>) src(%arg9 : memref<128x128xf32, #tpu.memory_space<vmem>>) dst(%dma_wait3A_1419 : memref<10112x128xf32, #tpu.memory_space<vmem_shared>>)
      tpu.yield
    }) : () -> ()
    %dma_start3A_595 = arith.constant 2 : i32
    %dma_start3A_596 = arith.constant 0 : i32
    %dma_start3A_597 = tpu.memref_slice %arg7[%dma_start3A_595, %dma_start3A_596] : memref<8x128xi32, #tpu.memory_space<vmem>> -> memref<1x128xi32, #tpu.memory_space<vmem>>
    %dma_start3A_598 = tpu.memref_squeeze %dma_start3A_597 : memref<1x128xi32, #tpu.memory_space<vmem>> -> memref<128xi32, #tpu.memory_space<vmem>>
    %dma_start3A_599 = arith.constant 0 : i32
    %dma_start3A_600 = arith.constant 0 : i32
    %dma_start3A_601 = tpu.memref_slice %arg2[%dma_start3A_599, %dma_start3A_600] : memref<10000x128xf32, #tpu.memory_space<hbm>> -> memref<10000x128xf32, #tpu.memory_space<hbm>>
    tpu.enqueue_indirect_dma source(%dma_start3A_601 : memref<10000x128xf32, #tpu.memory_space<hbm>>) target(%arg10 : memref<128x128xf32, #tpu.memory_space<vmem>>) offsets(%dma_start3A_598 : memref<128xi32, #tpu.memory_space<vmem>>) semaphore(%arg12 : memref<!tpu.dma_semaphore, #tpu.memory_space<semaphore_mem>>)
    %dma_wait3A_602 = arith.constant 2 : i32
    %dma_wait3A_603 = arith.constant 0 : i32
    %dma_wait3A_604 = tpu.memref_slice %arg7[%dma_wait3A_602, %dma_wait3A_603] : memref<8x128xi32, #tpu.memory_space<vmem>> -> memref<1x128xi32, #tpu.memory_space<vmem>>
    %dma_wait3A_605 = tpu.memref_squeeze %dma_wait3A_604 : memref<1x128xi32, #tpu.memory_space<vmem>> -> memref<128xi32, #tpu.memory_space<vmem>>
    %dma_wait3A_606 = arith.constant 0 : i32
    %dma_wait3A_607 = arith.constant 0 : i32
    %dma_wait3A_608 = tpu.memref_slice %arg2[%dma_wait3A_606, %dma_wait3A_607] : memref<10000x128xf32, #tpu.memory_space<hbm>> -> memref<10000x128xf32, #tpu.memory_space<hbm>>
    tpu.wait_indirect_dma semaphore(%arg12 : memref<!tpu.dma_semaphore, #tpu.memory_space<semaphore_mem>>) src(%dma_wait3A_608 : memref<10000x128xf32, #tpu.memory_space<hbm>>) dst(%arg10 : memref<128x128xf32, #tpu.memory_space<vmem>>)
    %run_scoped3A_609 = arith.constant 3 : i32
    "tpu.region"() ({
      %run_scoped3A_1407 = tpu.sem_alloc : memref<!tpu.dma_semaphore, #tpu.memory_space<semaphore_mem>>
      %dma_start3A_1408 = arith.constant 0 : i32
      %dma_start3A_1409 = tpu.memref_slice %arg7[%run_scoped3A_609, %dma_start3A_1408] : memref<8x128xi32, #tpu.memory_space<vmem>> -> memref<1x128xi32, #tpu.memory_space<vmem>>
      %dma_start3A_1410 = tpu.memref_squeeze %dma_start3A_1409 : memref<1x128xi32, #tpu.memory_space<vmem>> -> memref<128xi32, #tpu.memory_space<vmem>>
      %dma_start3A_1411 = arith.constant 0 : i32
      %dma_start3A_1412 = arith.constant 0 : i32
      %dma_start3A_1413 = tpu.memref_slice %arg6[%dma_start3A_1411, %dma_start3A_1412] : memref<10112x128xf32, #tpu.memory_space<vmem_shared>> -> memref<10112x128xf32, #tpu.memory_space<vmem_shared>>
      tpu.enqueue_indirect_dma source(%arg10 : memref<128x128xf32, #tpu.memory_space<vmem>>) target(%dma_start3A_1413 : memref<10112x128xf32, #tpu.memory_space<vmem_shared>>) offsets(%dma_start3A_1410 : memref<128xi32, #tpu.memory_space<vmem>>) semaphore(%run_scoped3A_1407 : memref<!tpu.dma_semaphore, #tpu.memory_space<semaphore_mem>>) {add = true}
      %dma_wait3A_1414 = arith.constant 0 : i32
      %dma_wait3A_1415 = tpu.memref_slice %arg7[%run_scoped3A_609, %dma_wait3A_1414] : memref<8x128xi32, #tpu.memory_space<vmem>> -> memref<1x128xi32, #tpu.memory_space<vmem>>
      %dma_wait3A_1416 = tpu.memref_squeeze %dma_wait3A_1415 : memref<1x128xi32, #tpu.memory_space<vmem>> -> memref<128xi32, #tpu.memory_space<vmem>>
      %dma_wait3A_1417 = arith.constant 0 : i32
      %dma_wait3A_1418 = arith.constant 0 : i32
      %dma_wait3A_1419 = tpu.memref_slice %arg6[%dma_wait3A_1417, %dma_wait3A_1418] : memref<10112x128xf32, #tpu.memory_space<vmem_shared>> -> memref<10112x128xf32, #tpu.memory_space<vmem_shared>>
      tpu.wait_indirect_dma semaphore(%run_scoped3A_1407 : memref<!tpu.dma_semaphore, #tpu.memory_space<semaphore_mem>>) src(%arg10 : memref<128x128xf32, #tpu.memory_space<vmem>>) dst(%dma_wait3A_1419 : memref<10112x128xf32, #tpu.memory_space<vmem_shared>>)
      tpu.yield
    }) : () -> ()
    %dma_start3A_610 = arith.constant 4 : i32
    %dma_start3A_611 = arith.constant 0 : i32
    %dma_start3A_612 = tpu.memref_slice %arg7[%dma_start3A_610, %dma_start3A_611] : memref<8x128xi32, #tpu.memory_space<vmem>> -> memref<1x128xi32, #tpu.memory_space<vmem>>
    %dma_start3A_613 = tpu.memref_squeeze %dma_start3A_612 : memref<1x128xi32, #tpu.memory_space<vmem>> -> memref<128xi32, #tpu.memory_space<vmem>>
    %dma_start3A_614 = arith.constant 0 : i32
    %dma_start3A_615 = arith.constant 0 : i32
    %dma_start3A_616 = tpu.memref_slice %arg2[%dma_start3A_614, %dma_start3A_615] : memref<10000x128xf32, #tpu.memory_space<hbm>> -> memref<10000x128xf32, #tpu.memory_space<hbm>>
    tpu.enqueue_indirect_dma source(%dma_start3A_616 : memref<10000x128xf32, #tpu.memory_space<hbm>>) target(%arg9 : memref<128x128xf32, #tpu.memory_space<vmem>>) offsets(%dma_start3A_613 : memref<128xi32, #tpu.memory_space<vmem>>) semaphore(%arg11 : memref<!tpu.dma_semaphore, #tpu.memory_space<semaphore_mem>>)
    %dma_wait3A_617 = arith.constant 4 : i32
    %dma_wait3A_618 = arith.constant 0 : i32
    %dma_wait3A_619 = tpu.memref_slice %arg7[%dma_wait3A_617, %dma_wait3A_618] : memref<8x128xi32, #tpu.memory_space<vmem>> -> memref<1x128xi32, #tpu.memory_space<vmem>>
    %dma_wait3A_620 = tpu.memref_squeeze %dma_wait3A_619 : memref<1x128xi32, #tpu.memory_space<vmem>> -> memref<128xi32, #tpu.memory_space<vmem>>
    %dma_wait3A_621 = arith.constant 0 : i32
    %dma_wait3A_622 = arith.constant 0 : i32
    %dma_wait3A_623 = tpu.memref_slice %arg2[%dma_wait3A_621, %dma_wait3A_622] : memref<10000x128xf32, #tpu.memory_space<hbm>> -> memref<10000x128xf32, #tpu.memory_space<hbm>>
    tpu.wait_indirect_dma semaphore(%arg11 : memref<!tpu.dma_semaphore, #tpu.memory_space<semaphore_mem>>) src(%dma_wait3A_623 : memref<10000x128xf32, #tpu.memory_space<hbm>>) dst(%arg9 : memref<128x128xf32, #tpu.memory_space<vmem>>)
    %run_scoped3A_624 = arith.constant 5 : i32
    "tpu.region"() ({
      %run_scoped3A_1407 = tpu.sem_alloc : memref<!tpu.dma_semaphore, #tpu.memory_space<semaphore_mem>>
      %dma_start3A_1408 = arith.constant 0 : i32
      %dma_start3A_1409 = tpu.memref_slice %arg7[%run_scoped3A_624, %dma_start3A_1408] : memref<8x128xi32, #tpu.memory_space<vmem>> -> memref<1x128xi32, #tpu.memory_space<vmem>>
      %dma_start3A_1410 = tpu.memref_squeeze %dma_start3A_1409 : memref<1x128xi32, #tpu.memory_space<vmem>> -> memref<128xi32, #tpu.memory_space<vmem>>
      %dma_start3A_1411 = arith.constant 0 : i32
      %dma_start3A_1412 = arith.constant 0 : i32
      %dma_start3A_1413 = tpu.memref_slice %arg6[%dma_start3A_1411, %dma_start3A_1412] : memref<10112x128xf32, #tpu.memory_space<vmem_shared>> -> memref<10112x128xf32, #tpu.memory_space<vmem_shared>>
      tpu.enqueue_indirect_dma source(%arg9 : memref<128x128xf32, #tpu.memory_space<vmem>>) target(%dma_start3A_1413 : memref<10112x128xf32, #tpu.memory_space<vmem_shared>>) offsets(%dma_start3A_1410 : memref<128xi32, #tpu.memory_space<vmem>>) semaphore(%run_scoped3A_1407 : memref<!tpu.dma_semaphore, #tpu.memory_space<semaphore_mem>>) {add = true}
      %dma_wait3A_1414 = arith.constant 0 : i32
      %dma_wait3A_1415 = tpu.memref_slice %arg7[%run_scoped3A_624, %dma_wait3A_1414] : memref<8x128xi32, #tpu.memory_space<vmem>> -> memref<1x128xi32, #tpu.memory_space<vmem>>
      %dma_wait3A_1416 = tpu.memref_squeeze %dma_wait3A_1415 : memref<1x128xi32, #tpu.memory_space<vmem>> -> memref<128xi32, #tpu.memory_space<vmem>>
      %dma_wait3A_1417 = arith.constant 0 : i32
      %dma_wait3A_1418 = arith.constant 0 : i32
      %dma_wait3A_1419 = tpu.memref_slice %arg6[%dma_wait3A_1417, %dma_wait3A_1418] : memref<10112x128xf32, #tpu.memory_space<vmem_shared>> -> memref<10112x128xf32, #tpu.memory_space<vmem_shared>>
      tpu.wait_indirect_dma semaphore(%run_scoped3A_1407 : memref<!tpu.dma_semaphore, #tpu.memory_space<semaphore_mem>>) src(%arg9 : memref<128x128xf32, #tpu.memory_space<vmem>>) dst(%dma_wait3A_1419 : memref<10112x128xf32, #tpu.memory_space<vmem_shared>>)
      tpu.yield
    }) : () -> ()
    %dma_start3A_625 = arith.constant 6 : i32
    %dma_start3A_626 = arith.constant 0 : i32
    %dma_start3A_627 = tpu.memref_slice %arg7[%dma_start3A_625, %dma_start3A_626] : memref<8x128xi32, #tpu.memory_space<vmem>> -> memref<1x128xi32, #tpu.memory_space<vmem>>
    %dma_start3A_628 = tpu.memref_squeeze %dma_start3A_627 : memref<1x128xi32, #tpu.memory_space<vmem>> -> memref<128xi32, #tpu.memory_space<vmem>>
    %dma_start3A_629 = arith.constant 0 : i32
    %dma_start3A_630 = arith.constant 0 : i32
    %dma_start3A_631 = tpu.memref_slice %arg2[%dma_start3A_629, %dma_start3A_630] : memref<10000x128xf32, #tpu.memory_space<hbm>> -> memref<10000x128xf32, #tpu.memory_space<hbm>>
    tpu.enqueue_indirect_dma source(%dma_start3A_631 : memref<10000x128xf32, #tpu.memory_space<hbm>>) target(%arg10 : memref<128x128xf32, #tpu.memory_space<vmem>>) offsets(%dma_start3A_628 : memref<128xi32, #tpu.memory_space<vmem>>) semaphore(%arg12 : memref<!tpu.dma_semaphore, #tpu.memory_space<semaphore_mem>>)
    %dma_wait3A_632 = arith.constant 6 : i32
    %dma_wait3A_633 = arith.constant 0 : i32
    %dma_wait3A_634 = tpu.memref_slice %arg7[%dma_wait3A_632, %dma_wait3A_633] : memref<8x128xi32, #tpu.memory_space<vmem>> -> memref<1x128xi32, #tpu.memory_space<vmem>>
    %dma_wait3A_635 = tpu.memref_squeeze %dma_wait3A_634 : memref<1x128xi32, #tpu.memory_space<vmem>> -> memref<128xi32, #tpu.memory_space<vmem>>
    %dma_wait3A_636 = arith.constant 0 : i32
    %dma_wait3A_637 = arith.constant 0 : i32
    %dma_wait3A_638 = tpu.memref_slice %arg2[%dma_wait3A_636, %dma_wait3A_637] : memref<10000x128xf32, #tpu.memory_space<hbm>> -> memref<10000x128xf32, #tpu.memory_space<hbm>>
    tpu.wait_indirect_dma semaphore(%arg12 : memref<!tpu.dma_semaphore, #tpu.memory_space<semaphore_mem>>) src(%dma_wait3A_638 : memref<10000x128xf32, #tpu.memory_space<hbm>>) dst(%arg10 : memref<128x128xf32, #tpu.memory_space<vmem>>)
    %run_scoped3A_639 = arith.constant 7 : i32
    "tpu.region"() ({
      %run_scoped3A_1407 = tpu.sem_alloc : memref<!tpu.dma_semaphore, #tpu.memory_space<semaphore_mem>>
      %dma_start3A_1408 = arith.constant 0 : i32
      %dma_start3A_1409 = tpu.memref_slice %arg7[%run_scoped3A_639, %dma_start3A_1408] : memref<8x128xi32, #tpu.memory_space<vmem>> -> memref<1x128xi32, #tpu.memory_space<vmem>>
      %dma_start3A_1410 = tpu.memref_squeeze %dma_start3A_1409 : memref<1x128xi32, #tpu.memory_space<vmem>> -> memref<128xi32, #tpu.memory_space<vmem>>
      %dma_start3A_1411 = arith.constant 0 : i32
      %dma_start3A_1412 = arith.constant 0 : i32
      %dma_start3A_1413 = tpu.memref_slice %arg6[%dma_start3A_1411, %dma_start3A_1412] : memref<10112x128xf32, #tpu.memory_space<vmem_shared>> -> memref<10112x128xf32, #tpu.memory_space<vmem_shared>>
      tpu.enqueue_indirect_dma source(%arg10 : memref<128x128xf32, #tpu.memory_space<vmem>>) target(%dma_start3A_1413 : memref<10112x128xf32, #tpu.memory_space<vmem_shared>>) offsets(%dma_start3A_1410 : memref<128xi32, #tpu.memory_space<vmem>>) semaphore(%run_scoped3A_1407 : memref<!tpu.dma_semaphore, #tpu.memory_space<semaphore_mem>>) {add = true}
      %dma_wait3A_1414 = arith.constant 0 : i32
      %dma_wait3A_1415 = tpu.memref_slice %arg7[%run_scoped3A_639, %dma_wait3A_1414] : memref<8x128xi32, #tpu.memory_space<vmem>> -> memref<1x128xi32, #tpu.memory_space<vmem>>
      %dma_wait3A_1416 = tpu.memref_squeeze %dma_wait3A_1415 : memref<1x128xi32, #tpu.memory_space<vmem>> -> memref<128xi32, #tpu.memory_space<vmem>>
      %dma_wait3A_1417 = arith.constant 0 : i32
      %dma_wait3A_1418 = arith.constant 0 : i32
      %dma_wait3A_1419 = tpu.memref_slice %arg6[%dma_wait3A_1417, %dma_wait3A_1418] : memref<10112x128xf32, #tpu.memory_space<vmem_shared>> -> memref<10112x128xf32, #tpu.memory_space<vmem_shared>>
      tpu.wait_indirect_dma semaphore(%run_scoped3A_1407 : memref<!tpu.dma_semaphore, #tpu.memory_space<semaphore_mem>>) src(%arg10 : memref<128x128xf32, #tpu.memory_space<vmem>>) dst(%dma_wait3A_1419 : memref<10112x128xf32, #tpu.memory_space<vmem_shared>>)
      tpu.yield
    }) : () -> ()
    %add3A_640 = arith.constant 80 : i32
    %add3A_641 = arith.addi %mul3A_4, %add3A_640 : i32
    %dma_start3A_642 = arith.constant 0 : i32
    %dma_start3A_643 = tpu.memref_slice %arg3[%add3A_641, %dma_start3A_642] : memref<5120x128xi32, #tpu.memory_space<hbm>> -> memref<8x128xi32, #tpu.memory_space<hbm>>
    %dma_start3A_644 = arith.constant 0 : i32
    %dma_start3A_645 = tpu.memref_slice %arg3[%add3A_641, %dma_start3A_644] : memref<5120x128xi32, #tpu.memory_space<hbm>> -> memref<8x128xi32, #tpu.memory_space<hbm>>
    tpu.enqueue_dma source(%dma_start3A_645 : memref<8x128xi32, #tpu.memory_space<hbm>>) target(%arg7 : memref<8x128xi32, #tpu.memory_space<vmem>>) target_semaphore(%arg13 : memref<!tpu.dma_semaphore, #tpu.memory_space<semaphore_mem>>)
    %dma_wait3A_646 = arith.constant 0 : i32
    %dma_wait3A_647 = tpu.memref_slice %arg3[%add3A_571, %dma_wait3A_646] : memref<5120x128xi32, #tpu.memory_space<hbm>> -> memref<8x128xi32, #tpu.memory_space<hbm>>
    %dma_wait3A_648 = arith.constant 0 : i32
    %dma_wait3A_649 = tpu.memref_slice %arg3[%add3A_571, %dma_wait3A_648] : memref<5120x128xi32, #tpu.memory_space<hbm>> -> memref<8x128xi32, #tpu.memory_space<hbm>>
    tpu.wait_dma2 semaphore(%arg14 : memref<!tpu.dma_semaphore, #tpu.memory_space<semaphore_mem>>) src(%dma_wait3A_649 : memref<8x128xi32, #tpu.memory_space<hbm>>) dst(%arg8 : memref<8x128xi32, #tpu.memory_space<vmem>>)
    %dma_start3A_650 = arith.constant 0 : i32
    %dma_start3A_651 = arith.constant 0 : i32
    %dma_start3A_652 = tpu.memref_slice %arg8[%dma_start3A_650, %dma_start3A_651] : memref<8x128xi32, #tpu.memory_space<vmem>> -> memref<1x128xi32, #tpu.memory_space<vmem>>
    %dma_start3A_653 = tpu.memref_squeeze %dma_start3A_652 : memref<1x128xi32, #tpu.memory_space<vmem>> -> memref<128xi32, #tpu.memory_space<vmem>>
    %dma_start3A_654 = arith.constant 0 : i32
    %dma_start3A_655 = arith.constant 0 : i32
    %dma_start3A_656 = tpu.memref_slice %arg2[%dma_start3A_654, %dma_start3A_655] : memref<10000x128xf32, #tpu.memory_space<hbm>> -> memref<10000x128xf32, #tpu.memory_space<hbm>>
    tpu.enqueue_indirect_dma source(%dma_start3A_656 : memref<10000x128xf32, #tpu.memory_space<hbm>>) target(%arg9 : memref<128x128xf32, #tpu.memory_space<vmem>>) offsets(%dma_start3A_653 : memref<128xi32, #tpu.memory_space<vmem>>) semaphore(%arg11 : memref<!tpu.dma_semaphore, #tpu.memory_space<semaphore_mem>>)
    %dma_wait3A_657 = arith.constant 0 : i32
    %dma_wait3A_658 = arith.constant 0 : i32
    %dma_wait3A_659 = tpu.memref_slice %arg8[%dma_wait3A_657, %dma_wait3A_658] : memref<8x128xi32, #tpu.memory_space<vmem>> -> memref<1x128xi32, #tpu.memory_space<vmem>>
    %dma_wait3A_660 = tpu.memref_squeeze %dma_wait3A_659 : memref<1x128xi32, #tpu.memory_space<vmem>> -> memref<128xi32, #tpu.memory_space<vmem>>
    %dma_wait3A_661 = arith.constant 0 : i32
    %dma_wait3A_662 = arith.constant 0 : i32
    %dma_wait3A_663 = tpu.memref_slice %arg2[%dma_wait3A_661, %dma_wait3A_662] : memref<10000x128xf32, #tpu.memory_space<hbm>> -> memref<10000x128xf32, #tpu.memory_space<hbm>>
    tpu.wait_indirect_dma semaphore(%arg11 : memref<!tpu.dma_semaphore, #tpu.memory_space<semaphore_mem>>) src(%dma_wait3A_663 : memref<10000x128xf32, #tpu.memory_space<hbm>>) dst(%arg9 : memref<128x128xf32, #tpu.memory_space<vmem>>)
    %run_scoped3A_664 = arith.constant 1 : i32
    "tpu.region"() ({
      %run_scoped3A_1407 = tpu.sem_alloc : memref<!tpu.dma_semaphore, #tpu.memory_space<semaphore_mem>>
      %dma_start3A_1408 = arith.constant 0 : i32
      %dma_start3A_1409 = tpu.memref_slice %arg8[%run_scoped3A_664, %dma_start3A_1408] : memref<8x128xi32, #tpu.memory_space<vmem>> -> memref<1x128xi32, #tpu.memory_space<vmem>>
      %dma_start3A_1410 = tpu.memref_squeeze %dma_start3A_1409 : memref<1x128xi32, #tpu.memory_space<vmem>> -> memref<128xi32, #tpu.memory_space<vmem>>
      %dma_start3A_1411 = arith.constant 0 : i32
      %dma_start3A_1412 = arith.constant 0 : i32
      %dma_start3A_1413 = tpu.memref_slice %arg6[%dma_start3A_1411, %dma_start3A_1412] : memref<10112x128xf32, #tpu.memory_space<vmem_shared>> -> memref<10112x128xf32, #tpu.memory_space<vmem_shared>>
      tpu.enqueue_indirect_dma source(%arg9 : memref<128x128xf32, #tpu.memory_space<vmem>>) target(%dma_start3A_1413 : memref<10112x128xf32, #tpu.memory_space<vmem_shared>>) offsets(%dma_start3A_1410 : memref<128xi32, #tpu.memory_space<vmem>>) semaphore(%run_scoped3A_1407 : memref<!tpu.dma_semaphore, #tpu.memory_space<semaphore_mem>>) {add = true}
      %dma_wait3A_1414 = arith.constant 0 : i32
      %dma_wait3A_1415 = tpu.memref_slice %arg8[%run_scoped3A_664, %dma_wait3A_1414] : memref<8x128xi32, #tpu.memory_space<vmem>> -> memref<1x128xi32, #tpu.memory_space<vmem>>
      %dma_wait3A_1416 = tpu.memref_squeeze %dma_wait3A_1415 : memref<1x128xi32, #tpu.memory_space<vmem>> -> memref<128xi32, #tpu.memory_space<vmem>>
      %dma_wait3A_1417 = arith.constant 0 : i32
      %dma_wait3A_1418 = arith.constant 0 : i32
      %dma_wait3A_1419 = tpu.memref_slice %arg6[%dma_wait3A_1417, %dma_wait3A_1418] : memref<10112x128xf32, #tpu.memory_space<vmem_shared>> -> memref<10112x128xf32, #tpu.memory_space<vmem_shared>>
      tpu.wait_indirect_dma semaphore(%run_scoped3A_1407 : memref<!tpu.dma_semaphore, #tpu.memory_space<semaphore_mem>>) src(%arg9 : memref<128x128xf32, #tpu.memory_space<vmem>>) dst(%dma_wait3A_1419 : memref<10112x128xf32, #tpu.memory_space<vmem_shared>>)
      tpu.yield
    }) : () -> ()
    %dma_start3A_665 = arith.constant 2 : i32
    %dma_start3A_666 = arith.constant 0 : i32
    %dma_start3A_667 = tpu.memref_slice %arg8[%dma_start3A_665, %dma_start3A_666] : memref<8x128xi32, #tpu.memory_space<vmem>> -> memref<1x128xi32, #tpu.memory_space<vmem>>
    %dma_start3A_668 = tpu.memref_squeeze %dma_start3A_667 : memref<1x128xi32, #tpu.memory_space<vmem>> -> memref<128xi32, #tpu.memory_space<vmem>>
    %dma_start3A_669 = arith.constant 0 : i32
    %dma_start3A_670 = arith.constant 0 : i32
    %dma_start3A_671 = tpu.memref_slice %arg2[%dma_start3A_669, %dma_start3A_670] : memref<10000x128xf32, #tpu.memory_space<hbm>> -> memref<10000x128xf32, #tpu.memory_space<hbm>>
    tpu.enqueue_indirect_dma source(%dma_start3A_671 : memref<10000x128xf32, #tpu.memory_space<hbm>>) target(%arg10 : memref<128x128xf32, #tpu.memory_space<vmem>>) offsets(%dma_start3A_668 : memref<128xi32, #tpu.memory_space<vmem>>) semaphore(%arg12 : memref<!tpu.dma_semaphore, #tpu.memory_space<semaphore_mem>>)
    %dma_wait3A_672 = arith.constant 2 : i32
    %dma_wait3A_673 = arith.constant 0 : i32
    %dma_wait3A_674 = tpu.memref_slice %arg8[%dma_wait3A_672, %dma_wait3A_673] : memref<8x128xi32, #tpu.memory_space<vmem>> -> memref<1x128xi32, #tpu.memory_space<vmem>>
    %dma_wait3A_675 = tpu.memref_squeeze %dma_wait3A_674 : memref<1x128xi32, #tpu.memory_space<vmem>> -> memref<128xi32, #tpu.memory_space<vmem>>
    %dma_wait3A_676 = arith.constant 0 : i32
    %dma_wait3A_677 = arith.constant 0 : i32
    %dma_wait3A_678 = tpu.memref_slice %arg2[%dma_wait3A_676, %dma_wait3A_677] : memref<10000x128xf32, #tpu.memory_space<hbm>> -> memref<10000x128xf32, #tpu.memory_space<hbm>>
    tpu.wait_indirect_dma semaphore(%arg12 : memref<!tpu.dma_semaphore, #tpu.memory_space<semaphore_mem>>) src(%dma_wait3A_678 : memref<10000x128xf32, #tpu.memory_space<hbm>>) dst(%arg10 : memref<128x128xf32, #tpu.memory_space<vmem>>)
    %run_scoped3A_679 = arith.constant 3 : i32
    "tpu.region"() ({
      %run_scoped3A_1407 = tpu.sem_alloc : memref<!tpu.dma_semaphore, #tpu.memory_space<semaphore_mem>>
      %dma_start3A_1408 = arith.constant 0 : i32
      %dma_start3A_1409 = tpu.memref_slice %arg8[%run_scoped3A_679, %dma_start3A_1408] : memref<8x128xi32, #tpu.memory_space<vmem>> -> memref<1x128xi32, #tpu.memory_space<vmem>>
      %dma_start3A_1410 = tpu.memref_squeeze %dma_start3A_1409 : memref<1x128xi32, #tpu.memory_space<vmem>> -> memref<128xi32, #tpu.memory_space<vmem>>
      %dma_start3A_1411 = arith.constant 0 : i32
      %dma_start3A_1412 = arith.constant 0 : i32
      %dma_start3A_1413 = tpu.memref_slice %arg6[%dma_start3A_1411, %dma_start3A_1412] : memref<10112x128xf32, #tpu.memory_space<vmem_shared>> -> memref<10112x128xf32, #tpu.memory_space<vmem_shared>>
      tpu.enqueue_indirect_dma source(%arg10 : memref<128x128xf32, #tpu.memory_space<vmem>>) target(%dma_start3A_1413 : memref<10112x128xf32, #tpu.memory_space<vmem_shared>>) offsets(%dma_start3A_1410 : memref<128xi32, #tpu.memory_space<vmem>>) semaphore(%run_scoped3A_1407 : memref<!tpu.dma_semaphore, #tpu.memory_space<semaphore_mem>>) {add = true}
      %dma_wait3A_1414 = arith.constant 0 : i32
      %dma_wait3A_1415 = tpu.memref_slice %arg8[%run_scoped3A_679, %dma_wait3A_1414] : memref<8x128xi32, #tpu.memory_space<vmem>> -> memref<1x128xi32, #tpu.memory_space<vmem>>
      %dma_wait3A_1416 = tpu.memref_squeeze %dma_wait3A_1415 : memref<1x128xi32, #tpu.memory_space<vmem>> -> memref<128xi32, #tpu.memory_space<vmem>>
      %dma_wait3A_1417 = arith.constant 0 : i32
      %dma_wait3A_1418 = arith.constant 0 : i32
      %dma_wait3A_1419 = tpu.memref_slice %arg6[%dma_wait3A_1417, %dma_wait3A_1418] : memref<10112x128xf32, #tpu.memory_space<vmem_shared>> -> memref<10112x128xf32, #tpu.memory_space<vmem_shared>>
      tpu.wait_indirect_dma semaphore(%run_scoped3A_1407 : memref<!tpu.dma_semaphore, #tpu.memory_space<semaphore_mem>>) src(%arg10 : memref<128x128xf32, #tpu.memory_space<vmem>>) dst(%dma_wait3A_1419 : memref<10112x128xf32, #tpu.memory_space<vmem_shared>>)
      tpu.yield
    }) : () -> ()
    %dma_start3A_680 = arith.constant 4 : i32
    %dma_start3A_681 = arith.constant 0 : i32
    %dma_start3A_682 = tpu.memref_slice %arg8[%dma_start3A_680, %dma_start3A_681] : memref<8x128xi32, #tpu.memory_space<vmem>> -> memref<1x128xi32, #tpu.memory_space<vmem>>
    %dma_start3A_683 = tpu.memref_squeeze %dma_start3A_682 : memref<1x128xi32, #tpu.memory_space<vmem>> -> memref<128xi32, #tpu.memory_space<vmem>>
    %dma_start3A_684 = arith.constant 0 : i32
    %dma_start3A_685 = arith.constant 0 : i32
    %dma_start3A_686 = tpu.memref_slice %arg2[%dma_start3A_684, %dma_start3A_685] : memref<10000x128xf32, #tpu.memory_space<hbm>> -> memref<10000x128xf32, #tpu.memory_space<hbm>>
    tpu.enqueue_indirect_dma source(%dma_start3A_686 : memref<10000x128xf32, #tpu.memory_space<hbm>>) target(%arg9 : memref<128x128xf32, #tpu.memory_space<vmem>>) offsets(%dma_start3A_683 : memref<128xi32, #tpu.memory_space<vmem>>) semaphore(%arg11 : memref<!tpu.dma_semaphore, #tpu.memory_space<semaphore_mem>>)
    %dma_wait3A_687 = arith.constant 4 : i32
    %dma_wait3A_688 = arith.constant 0 : i32
    %dma_wait3A_689 = tpu.memref_slice %arg8[%dma_wait3A_687, %dma_wait3A_688] : memref<8x128xi32, #tpu.memory_space<vmem>> -> memref<1x128xi32, #tpu.memory_space<vmem>>
    %dma_wait3A_690 = tpu.memref_squeeze %dma_wait3A_689 : memref<1x128xi32, #tpu.memory_space<vmem>> -> memref<128xi32, #tpu.memory_space<vmem>>
    %dma_wait3A_691 = arith.constant 0 : i32
    %dma_wait3A_692 = arith.constant 0 : i32
    %dma_wait3A_693 = tpu.memref_slice %arg2[%dma_wait3A_691, %dma_wait3A_692] : memref<10000x128xf32, #tpu.memory_space<hbm>> -> memref<10000x128xf32, #tpu.memory_space<hbm>>
    tpu.wait_indirect_dma semaphore(%arg11 : memref<!tpu.dma_semaphore, #tpu.memory_space<semaphore_mem>>) src(%dma_wait3A_693 : memref<10000x128xf32, #tpu.memory_space<hbm>>) dst(%arg9 : memref<128x128xf32, #tpu.memory_space<vmem>>)
    %run_scoped3A_694 = arith.constant 5 : i32
    "tpu.region"() ({
      %run_scoped3A_1407 = tpu.sem_alloc : memref<!tpu.dma_semaphore, #tpu.memory_space<semaphore_mem>>
      %dma_start3A_1408 = arith.constant 0 : i32
      %dma_start3A_1409 = tpu.memref_slice %arg8[%run_scoped3A_694, %dma_start3A_1408] : memref<8x128xi32, #tpu.memory_space<vmem>> -> memref<1x128xi32, #tpu.memory_space<vmem>>
      %dma_start3A_1410 = tpu.memref_squeeze %dma_start3A_1409 : memref<1x128xi32, #tpu.memory_space<vmem>> -> memref<128xi32, #tpu.memory_space<vmem>>
      %dma_start3A_1411 = arith.constant 0 : i32
      %dma_start3A_1412 = arith.constant 0 : i32
      %dma_start3A_1413 = tpu.memref_slice %arg6[%dma_start3A_1411, %dma_start3A_1412] : memref<10112x128xf32, #tpu.memory_space<vmem_shared>> -> memref<10112x128xf32, #tpu.memory_space<vmem_shared>>
      tpu.enqueue_indirect_dma source(%arg9 : memref<128x128xf32, #tpu.memory_space<vmem>>) target(%dma_start3A_1413 : memref<10112x128xf32, #tpu.memory_space<vmem_shared>>) offsets(%dma_start3A_1410 : memref<128xi32, #tpu.memory_space<vmem>>) semaphore(%run_scoped3A_1407 : memref<!tpu.dma_semaphore, #tpu.memory_space<semaphore_mem>>) {add = true}
      %dma_wait3A_1414 = arith.constant 0 : i32
      %dma_wait3A_1415 = tpu.memref_slice %arg8[%run_scoped3A_694, %dma_wait3A_1414] : memref<8x128xi32, #tpu.memory_space<vmem>> -> memref<1x128xi32, #tpu.memory_space<vmem>>
      %dma_wait3A_1416 = tpu.memref_squeeze %dma_wait3A_1415 : memref<1x128xi32, #tpu.memory_space<vmem>> -> memref<128xi32, #tpu.memory_space<vmem>>
      %dma_wait3A_1417 = arith.constant 0 : i32
      %dma_wait3A_1418 = arith.constant 0 : i32
      %dma_wait3A_1419 = tpu.memref_slice %arg6[%dma_wait3A_1417, %dma_wait3A_1418] : memref<10112x128xf32, #tpu.memory_space<vmem_shared>> -> memref<10112x128xf32, #tpu.memory_space<vmem_shared>>
      tpu.wait_indirect_dma semaphore(%run_scoped3A_1407 : memref<!tpu.dma_semaphore, #tpu.memory_space<semaphore_mem>>) src(%arg9 : memref<128x128xf32, #tpu.memory_space<vmem>>) dst(%dma_wait3A_1419 : memref<10112x128xf32, #tpu.memory_space<vmem_shared>>)
      tpu.yield
    }) : () -> ()
    %dma_start3A_695 = arith.constant 6 : i32
    %dma_start3A_696 = arith.constant 0 : i32
    %dma_start3A_697 = tpu.memref_slice %arg8[%dma_start3A_695, %dma_start3A_696] : memref<8x128xi32, #tpu.memory_space<vmem>> -> memref<1x128xi32, #tpu.memory_space<vmem>>
    %dma_start3A_698 = tpu.memref_squeeze %dma_start3A_697 : memref<1x128xi32, #tpu.memory_space<vmem>> -> memref<128xi32, #tpu.memory_space<vmem>>
    %dma_start3A_699 = arith.constant 0 : i32
    %dma_start3A_700 = arith.constant 0 : i32
    %dma_start3A_701 = tpu.memref_slice %arg2[%dma_start3A_699, %dma_start3A_700] : memref<10000x128xf32, #tpu.memory_space<hbm>> -> memref<10000x128xf32, #tpu.memory_space<hbm>>
    tpu.enqueue_indirect_dma source(%dma_start3A_701 : memref<10000x128xf32, #tpu.memory_space<hbm>>) target(%arg10 : memref<128x128xf32, #tpu.memory_space<vmem>>) offsets(%dma_start3A_698 : memref<128xi32, #tpu.memory_space<vmem>>) semaphore(%arg12 : memref<!tpu.dma_semaphore, #tpu.memory_space<semaphore_mem>>)
    %dma_wait3A_702 = arith.constant 6 : i32
    %dma_wait3A_703 = arith.constant 0 : i32
    %dma_wait3A_704 = tpu.memref_slice %arg8[%dma_wait3A_702, %dma_wait3A_703] : memref<8x128xi32, #tpu.memory_space<vmem>> -> memref<1x128xi32, #tpu.memory_space<vmem>>
    %dma_wait3A_705 = tpu.memref_squeeze %dma_wait3A_704 : memref<1x128xi32, #tpu.memory_space<vmem>> -> memref<128xi32, #tpu.memory_space<vmem>>
    %dma_wait3A_706 = arith.constant 0 : i32
    %dma_wait3A_707 = arith.constant 0 : i32
    %dma_wait3A_708 = tpu.memref_slice %arg2[%dma_wait3A_706, %dma_wait3A_707] : memref<10000x128xf32, #tpu.memory_space<hbm>> -> memref<10000x128xf32, #tpu.memory_space<hbm>>
    tpu.wait_indirect_dma semaphore(%arg12 : memref<!tpu.dma_semaphore, #tpu.memory_space<semaphore_mem>>) src(%dma_wait3A_708 : memref<10000x128xf32, #tpu.memory_space<hbm>>) dst(%arg10 : memref<128x128xf32, #tpu.memory_space<vmem>>)
    %run_scoped3A_709 = arith.constant 7 : i32
    "tpu.region"() ({
      %run_scoped3A_1407 = tpu.sem_alloc : memref<!tpu.dma_semaphore, #tpu.memory_space<semaphore_mem>>
      %dma_start3A_1408 = arith.constant 0 : i32
      %dma_start3A_1409 = tpu.memref_slice %arg8[%run_scoped3A_709, %dma_start3A_1408] : memref<8x128xi32, #tpu.memory_space<vmem>> -> memref<1x128xi32, #tpu.memory_space<vmem>>
      %dma_start3A_1410 = tpu.memref_squeeze %dma_start3A_1409 : memref<1x128xi32, #tpu.memory_space<vmem>> -> memref<128xi32, #tpu.memory_space<vmem>>
      %dma_start3A_1411 = arith.constant 0 : i32
      %dma_start3A_1412 = arith.constant 0 : i32
      %dma_start3A_1413 = tpu.memref_slice %arg6[%dma_start3A_1411, %dma_start3A_1412] : memref<10112x128xf32, #tpu.memory_space<vmem_shared>> -> memref<10112x128xf32, #tpu.memory_space<vmem_shared>>
      tpu.enqueue_indirect_dma source(%arg10 : memref<128x128xf32, #tpu.memory_space<vmem>>) target(%dma_start3A_1413 : memref<10112x128xf32, #tpu.memory_space<vmem_shared>>) offsets(%dma_start3A_1410 : memref<128xi32, #tpu.memory_space<vmem>>) semaphore(%run_scoped3A_1407 : memref<!tpu.dma_semaphore, #tpu.memory_space<semaphore_mem>>) {add = true}
      %dma_wait3A_1414 = arith.constant 0 : i32
      %dma_wait3A_1415 = tpu.memref_slice %arg8[%run_scoped3A_709, %dma_wait3A_1414] : memref<8x128xi32, #tpu.memory_space<vmem>> -> memref<1x128xi32, #tpu.memory_space<vmem>>
      %dma_wait3A_1416 = tpu.memref_squeeze %dma_wait3A_1415 : memref<1x128xi32, #tpu.memory_space<vmem>> -> memref<128xi32, #tpu.memory_space<vmem>>
      %dma_wait3A_1417 = arith.constant 0 : i32
      %dma_wait3A_1418 = arith.constant 0 : i32
      %dma_wait3A_1419 = tpu.memref_slice %arg6[%dma_wait3A_1417, %dma_wait3A_1418] : memref<10112x128xf32, #tpu.memory_space<vmem_shared>> -> memref<10112x128xf32, #tpu.memory_space<vmem_shared>>
      tpu.wait_indirect_dma semaphore(%run_scoped3A_1407 : memref<!tpu.dma_semaphore, #tpu.memory_space<semaphore_mem>>) src(%arg10 : memref<128x128xf32, #tpu.memory_space<vmem>>) dst(%dma_wait3A_1419 : memref<10112x128xf32, #tpu.memory_space<vmem_shared>>)
      tpu.yield
    }) : () -> ()
    %add3A_710 = arith.constant 88 : i32
    %add3A_711 = arith.addi %mul3A_4, %add3A_710 : i32
    %dma_start3A_712 = arith.constant 0 : i32
    %dma_start3A_713 = tpu.memref_slice %arg3[%add3A_711, %dma_start3A_712] : memref<5120x128xi32, #tpu.memory_space<hbm>> -> memref<8x128xi32, #tpu.memory_space<hbm>>
    %dma_start3A_714 = arith.constant 0 : i32
    %dma_start3A_715 = tpu.memref_slice %arg3[%add3A_711, %dma_start3A_714] : memref<5120x128xi32, #tpu.memory_space<hbm>> -> memref<8x128xi32, #tpu.memory_space<hbm>>
    tpu.enqueue_dma source(%dma_start3A_715 : memref<8x128xi32, #tpu.memory_space<hbm>>) target(%arg8 : memref<8x128xi32, #tpu.memory_space<vmem>>) target_semaphore(%arg14 : memref<!tpu.dma_semaphore, #tpu.memory_space<semaphore_mem>>)
    %dma_wait3A_716 = arith.constant 0 : i32
    %dma_wait3A_717 = tpu.memref_slice %arg3[%add3A_641, %dma_wait3A_716] : memref<5120x128xi32, #tpu.memory_space<hbm>> -> memref<8x128xi32, #tpu.memory_space<hbm>>
    %dma_wait3A_718 = arith.constant 0 : i32
    %dma_wait3A_719 = tpu.memref_slice %arg3[%add3A_641, %dma_wait3A_718] : memref<5120x128xi32, #tpu.memory_space<hbm>> -> memref<8x128xi32, #tpu.memory_space<hbm>>
    tpu.wait_dma2 semaphore(%arg13 : memref<!tpu.dma_semaphore, #tpu.memory_space<semaphore_mem>>) src(%dma_wait3A_719 : memref<8x128xi32, #tpu.memory_space<hbm>>) dst(%arg7 : memref<8x128xi32, #tpu.memory_space<vmem>>)
    %dma_start3A_720 = arith.constant 0 : i32
    %dma_start3A_721 = arith.constant 0 : i32
    %dma_start3A_722 = tpu.memref_slice %arg7[%dma_start3A_720, %dma_start3A_721] : memref<8x128xi32, #tpu.memory_space<vmem>> -> memref<1x128xi32, #tpu.memory_space<vmem>>
    %dma_start3A_723 = tpu.memref_squeeze %dma_start3A_722 : memref<1x128xi32, #tpu.memory_space<vmem>> -> memref<128xi32, #tpu.memory_space<vmem>>
    %dma_start3A_724 = arith.constant 0 : i32
    %dma_start3A_725 = arith.constant 0 : i32
    %dma_start3A_726 = tpu.memref_slice %arg2[%dma_start3A_724, %dma_start3A_725] : memref<10000x128xf32, #tpu.memory_space<hbm>> -> memref<10000x128xf32, #tpu.memory_space<hbm>>
    tpu.enqueue_indirect_dma source(%dma_start3A_726 : memref<10000x128xf32, #tpu.memory_space<hbm>>) target(%arg9 : memref<128x128xf32, #tpu.memory_space<vmem>>) offsets(%dma_start3A_723 : memref<128xi32, #tpu.memory_space<vmem>>) semaphore(%arg11 : memref<!tpu.dma_semaphore, #tpu.memory_space<semaphore_mem>>)
    %dma_wait3A_727 = arith.constant 0 : i32
    %dma_wait3A_728 = arith.constant 0 : i32
    %dma_wait3A_729 = tpu.memref_slice %arg7[%dma_wait3A_727, %dma_wait3A_728] : memref<8x128xi32, #tpu.memory_space<vmem>> -> memref<1x128xi32, #tpu.memory_space<vmem>>
    %dma_wait3A_730 = tpu.memref_squeeze %dma_wait3A_729 : memref<1x128xi32, #tpu.memory_space<vmem>> -> memref<128xi32, #tpu.memory_space<vmem>>
    %dma_wait3A_731 = arith.constant 0 : i32
    %dma_wait3A_732 = arith.constant 0 : i32
    %dma_wait3A_733 = tpu.memref_slice %arg2[%dma_wait3A_731, %dma_wait3A_732] : memref<10000x128xf32, #tpu.memory_space<hbm>> -> memref<10000x128xf32, #tpu.memory_space<hbm>>
    tpu.wait_indirect_dma semaphore(%arg11 : memref<!tpu.dma_semaphore, #tpu.memory_space<semaphore_mem>>) src(%dma_wait3A_733 : memref<10000x128xf32, #tpu.memory_space<hbm>>) dst(%arg9 : memref<128x128xf32, #tpu.memory_space<vmem>>)
    %run_scoped3A_734 = arith.constant 1 : i32
    "tpu.region"() ({
      %run_scoped3A_1407 = tpu.sem_alloc : memref<!tpu.dma_semaphore, #tpu.memory_space<semaphore_mem>>
      %dma_start3A_1408 = arith.constant 0 : i32
      %dma_start3A_1409 = tpu.memref_slice %arg7[%run_scoped3A_734, %dma_start3A_1408] : memref<8x128xi32, #tpu.memory_space<vmem>> -> memref<1x128xi32, #tpu.memory_space<vmem>>
      %dma_start3A_1410 = tpu.memref_squeeze %dma_start3A_1409 : memref<1x128xi32, #tpu.memory_space<vmem>> -> memref<128xi32, #tpu.memory_space<vmem>>
      %dma_start3A_1411 = arith.constant 0 : i32
      %dma_start3A_1412 = arith.constant 0 : i32
      %dma_start3A_1413 = tpu.memref_slice %arg6[%dma_start3A_1411, %dma_start3A_1412] : memref<10112x128xf32, #tpu.memory_space<vmem_shared>> -> memref<10112x128xf32, #tpu.memory_space<vmem_shared>>
      tpu.enqueue_indirect_dma source(%arg9 : memref<128x128xf32, #tpu.memory_space<vmem>>) target(%dma_start3A_1413 : memref<10112x128xf32, #tpu.memory_space<vmem_shared>>) offsets(%dma_start3A_1410 : memref<128xi32, #tpu.memory_space<vmem>>) semaphore(%run_scoped3A_1407 : memref<!tpu.dma_semaphore, #tpu.memory_space<semaphore_mem>>) {add = true}
      %dma_wait3A_1414 = arith.constant 0 : i32
      %dma_wait3A_1415 = tpu.memref_slice %arg7[%run_scoped3A_734, %dma_wait3A_1414] : memref<8x128xi32, #tpu.memory_space<vmem>> -> memref<1x128xi32, #tpu.memory_space<vmem>>
      %dma_wait3A_1416 = tpu.memref_squeeze %dma_wait3A_1415 : memref<1x128xi32, #tpu.memory_space<vmem>> -> memref<128xi32, #tpu.memory_space<vmem>>
      %dma_wait3A_1417 = arith.constant 0 : i32
      %dma_wait3A_1418 = arith.constant 0 : i32
      %dma_wait3A_1419 = tpu.memref_slice %arg6[%dma_wait3A_1417, %dma_wait3A_1418] : memref<10112x128xf32, #tpu.memory_space<vmem_shared>> -> memref<10112x128xf32, #tpu.memory_space<vmem_shared>>
      tpu.wait_indirect_dma semaphore(%run_scoped3A_1407 : memref<!tpu.dma_semaphore, #tpu.memory_space<semaphore_mem>>) src(%arg9 : memref<128x128xf32, #tpu.memory_space<vmem>>) dst(%dma_wait3A_1419 : memref<10112x128xf32, #tpu.memory_space<vmem_shared>>)
      tpu.yield
    }) : () -> ()
    %dma_start3A_735 = arith.constant 2 : i32
    %dma_start3A_736 = arith.constant 0 : i32
    %dma_start3A_737 = tpu.memref_slice %arg7[%dma_start3A_735, %dma_start3A_736] : memref<8x128xi32, #tpu.memory_space<vmem>> -> memref<1x128xi32, #tpu.memory_space<vmem>>
    %dma_start3A_738 = tpu.memref_squeeze %dma_start3A_737 : memref<1x128xi32, #tpu.memory_space<vmem>> -> memref<128xi32, #tpu.memory_space<vmem>>
    %dma_start3A_739 = arith.constant 0 : i32
    %dma_start3A_740 = arith.constant 0 : i32
    %dma_start3A_741 = tpu.memref_slice %arg2[%dma_start3A_739, %dma_start3A_740] : memref<10000x128xf32, #tpu.memory_space<hbm>> -> memref<10000x128xf32, #tpu.memory_space<hbm>>
    tpu.enqueue_indirect_dma source(%dma_start3A_741 : memref<10000x128xf32, #tpu.memory_space<hbm>>) target(%arg10 : memref<128x128xf32, #tpu.memory_space<vmem>>) offsets(%dma_start3A_738 : memref<128xi32, #tpu.memory_space<vmem>>) semaphore(%arg12 : memref<!tpu.dma_semaphore, #tpu.memory_space<semaphore_mem>>)
    %dma_wait3A_742 = arith.constant 2 : i32
    %dma_wait3A_743 = arith.constant 0 : i32
    %dma_wait3A_744 = tpu.memref_slice %arg7[%dma_wait3A_742, %dma_wait3A_743] : memref<8x128xi32, #tpu.memory_space<vmem>> -> memref<1x128xi32, #tpu.memory_space<vmem>>
    %dma_wait3A_745 = tpu.memref_squeeze %dma_wait3A_744 : memref<1x128xi32, #tpu.memory_space<vmem>> -> memref<128xi32, #tpu.memory_space<vmem>>
    %dma_wait3A_746 = arith.constant 0 : i32
    %dma_wait3A_747 = arith.constant 0 : i32
    %dma_wait3A_748 = tpu.memref_slice %arg2[%dma_wait3A_746, %dma_wait3A_747] : memref<10000x128xf32, #tpu.memory_space<hbm>> -> memref<10000x128xf32, #tpu.memory_space<hbm>>
    tpu.wait_indirect_dma semaphore(%arg12 : memref<!tpu.dma_semaphore, #tpu.memory_space<semaphore_mem>>) src(%dma_wait3A_748 : memref<10000x128xf32, #tpu.memory_space<hbm>>) dst(%arg10 : memref<128x128xf32, #tpu.memory_space<vmem>>)
    %run_scoped3A_749 = arith.constant 3 : i32
    "tpu.region"() ({
      %run_scoped3A_1407 = tpu.sem_alloc : memref<!tpu.dma_semaphore, #tpu.memory_space<semaphore_mem>>
      %dma_start3A_1408 = arith.constant 0 : i32
      %dma_start3A_1409 = tpu.memref_slice %arg7[%run_scoped3A_749, %dma_start3A_1408] : memref<8x128xi32, #tpu.memory_space<vmem>> -> memref<1x128xi32, #tpu.memory_space<vmem>>
      %dma_start3A_1410 = tpu.memref_squeeze %dma_start3A_1409 : memref<1x128xi32, #tpu.memory_space<vmem>> -> memref<128xi32, #tpu.memory_space<vmem>>
      %dma_start3A_1411 = arith.constant 0 : i32
      %dma_start3A_1412 = arith.constant 0 : i32
      %dma_start3A_1413 = tpu.memref_slice %arg6[%dma_start3A_1411, %dma_start3A_1412] : memref<10112x128xf32, #tpu.memory_space<vmem_shared>> -> memref<10112x128xf32, #tpu.memory_space<vmem_shared>>
      tpu.enqueue_indirect_dma source(%arg10 : memref<128x128xf32, #tpu.memory_space<vmem>>) target(%dma_start3A_1413 : memref<10112x128xf32, #tpu.memory_space<vmem_shared>>) offsets(%dma_start3A_1410 : memref<128xi32, #tpu.memory_space<vmem>>) semaphore(%run_scoped3A_1407 : memref<!tpu.dma_semaphore, #tpu.memory_space<semaphore_mem>>) {add = true}
      %dma_wait3A_1414 = arith.constant 0 : i32
      %dma_wait3A_1415 = tpu.memref_slice %arg7[%run_scoped3A_749, %dma_wait3A_1414] : memref<8x128xi32, #tpu.memory_space<vmem>> -> memref<1x128xi32, #tpu.memory_space<vmem>>
      %dma_wait3A_1416 = tpu.memref_squeeze %dma_wait3A_1415 : memref<1x128xi32, #tpu.memory_space<vmem>> -> memref<128xi32, #tpu.memory_space<vmem>>
      %dma_wait3A_1417 = arith.constant 0 : i32
      %dma_wait3A_1418 = arith.constant 0 : i32
      %dma_wait3A_1419 = tpu.memref_slice %arg6[%dma_wait3A_1417, %dma_wait3A_1418] : memref<10112x128xf32, #tpu.memory_space<vmem_shared>> -> memref<10112x128xf32, #tpu.memory_space<vmem_shared>>
      tpu.wait_indirect_dma semaphore(%run_scoped3A_1407 : memref<!tpu.dma_semaphore, #tpu.memory_space<semaphore_mem>>) src(%arg10 : memref<128x128xf32, #tpu.memory_space<vmem>>) dst(%dma_wait3A_1419 : memref<10112x128xf32, #tpu.memory_space<vmem_shared>>)
      tpu.yield
    }) : () -> ()
    %dma_start3A_750 = arith.constant 4 : i32
    %dma_start3A_751 = arith.constant 0 : i32
    %dma_start3A_752 = tpu.memref_slice %arg7[%dma_start3A_750, %dma_start3A_751] : memref<8x128xi32, #tpu.memory_space<vmem>> -> memref<1x128xi32, #tpu.memory_space<vmem>>
    %dma_start3A_753 = tpu.memref_squeeze %dma_start3A_752 : memref<1x128xi32, #tpu.memory_space<vmem>> -> memref<128xi32, #tpu.memory_space<vmem>>
    %dma_start3A_754 = arith.constant 0 : i32
    %dma_start3A_755 = arith.constant 0 : i32
    %dma_start3A_756 = tpu.memref_slice %arg2[%dma_start3A_754, %dma_start3A_755] : memref<10000x128xf32, #tpu.memory_space<hbm>> -> memref<10000x128xf32, #tpu.memory_space<hbm>>
    tpu.enqueue_indirect_dma source(%dma_start3A_756 : memref<10000x128xf32, #tpu.memory_space<hbm>>) target(%arg9 : memref<128x128xf32, #tpu.memory_space<vmem>>) offsets(%dma_start3A_753 : memref<128xi32, #tpu.memory_space<vmem>>) semaphore(%arg11 : memref<!tpu.dma_semaphore, #tpu.memory_space<semaphore_mem>>)
    %dma_wait3A_757 = arith.constant 4 : i32
    %dma_wait3A_758 = arith.constant 0 : i32
    %dma_wait3A_759 = tpu.memref_slice %arg7[%dma_wait3A_757, %dma_wait3A_758] : memref<8x128xi32, #tpu.memory_space<vmem>> -> memref<1x128xi32, #tpu.memory_space<vmem>>
    %dma_wait3A_760 = tpu.memref_squeeze %dma_wait3A_759 : memref<1x128xi32, #tpu.memory_space<vmem>> -> memref<128xi32, #tpu.memory_space<vmem>>
    %dma_wait3A_761 = arith.constant 0 : i32
    %dma_wait3A_762 = arith.constant 0 : i32
    %dma_wait3A_763 = tpu.memref_slice %arg2[%dma_wait3A_761, %dma_wait3A_762] : memref<10000x128xf32, #tpu.memory_space<hbm>> -> memref<10000x128xf32, #tpu.memory_space<hbm>>
    tpu.wait_indirect_dma semaphore(%arg11 : memref<!tpu.dma_semaphore, #tpu.memory_space<semaphore_mem>>) src(%dma_wait3A_763 : memref<10000x128xf32, #tpu.memory_space<hbm>>) dst(%arg9 : memref<128x128xf32, #tpu.memory_space<vmem>>)
    %run_scoped3A_764 = arith.constant 5 : i32
    "tpu.region"() ({
      %run_scoped3A_1407 = tpu.sem_alloc : memref<!tpu.dma_semaphore, #tpu.memory_space<semaphore_mem>>
      %dma_start3A_1408 = arith.constant 0 : i32
      %dma_start3A_1409 = tpu.memref_slice %arg7[%run_scoped3A_764, %dma_start3A_1408] : memref<8x128xi32, #tpu.memory_space<vmem>> -> memref<1x128xi32, #tpu.memory_space<vmem>>
      %dma_start3A_1410 = tpu.memref_squeeze %dma_start3A_1409 : memref<1x128xi32, #tpu.memory_space<vmem>> -> memref<128xi32, #tpu.memory_space<vmem>>
      %dma_start3A_1411 = arith.constant 0 : i32
      %dma_start3A_1412 = arith.constant 0 : i32
      %dma_start3A_1413 = tpu.memref_slice %arg6[%dma_start3A_1411, %dma_start3A_1412] : memref<10112x128xf32, #tpu.memory_space<vmem_shared>> -> memref<10112x128xf32, #tpu.memory_space<vmem_shared>>
      tpu.enqueue_indirect_dma source(%arg9 : memref<128x128xf32, #tpu.memory_space<vmem>>) target(%dma_start3A_1413 : memref<10112x128xf32, #tpu.memory_space<vmem_shared>>) offsets(%dma_start3A_1410 : memref<128xi32, #tpu.memory_space<vmem>>) semaphore(%run_scoped3A_1407 : memref<!tpu.dma_semaphore, #tpu.memory_space<semaphore_mem>>) {add = true}
      %dma_wait3A_1414 = arith.constant 0 : i32
      %dma_wait3A_1415 = tpu.memref_slice %arg7[%run_scoped3A_764, %dma_wait3A_1414] : memref<8x128xi32, #tpu.memory_space<vmem>> -> memref<1x128xi32, #tpu.memory_space<vmem>>
      %dma_wait3A_1416 = tpu.memref_squeeze %dma_wait3A_1415 : memref<1x128xi32, #tpu.memory_space<vmem>> -> memref<128xi32, #tpu.memory_space<vmem>>
      %dma_wait3A_1417 = arith.constant 0 : i32
      %dma_wait3A_1418 = arith.constant 0 : i32
      %dma_wait3A_1419 = tpu.memref_slice %arg6[%dma_wait3A_1417, %dma_wait3A_1418] : memref<10112x128xf32, #tpu.memory_space<vmem_shared>> -> memref<10112x128xf32, #tpu.memory_space<vmem_shared>>
      tpu.wait_indirect_dma semaphore(%run_scoped3A_1407 : memref<!tpu.dma_semaphore, #tpu.memory_space<semaphore_mem>>) src(%arg9 : memref<128x128xf32, #tpu.memory_space<vmem>>) dst(%dma_wait3A_1419 : memref<10112x128xf32, #tpu.memory_space<vmem_shared>>)
      tpu.yield
    }) : () -> ()
    %dma_start3A_765 = arith.constant 6 : i32
    %dma_start3A_766 = arith.constant 0 : i32
    %dma_start3A_767 = tpu.memref_slice %arg7[%dma_start3A_765, %dma_start3A_766] : memref<8x128xi32, #tpu.memory_space<vmem>> -> memref<1x128xi32, #tpu.memory_space<vmem>>
    %dma_start3A_768 = tpu.memref_squeeze %dma_start3A_767 : memref<1x128xi32, #tpu.memory_space<vmem>> -> memref<128xi32, #tpu.memory_space<vmem>>
    %dma_start3A_769 = arith.constant 0 : i32
    %dma_start3A_770 = arith.constant 0 : i32
    %dma_start3A_771 = tpu.memref_slice %arg2[%dma_start3A_769, %dma_start3A_770] : memref<10000x128xf32, #tpu.memory_space<hbm>> -> memref<10000x128xf32, #tpu.memory_space<hbm>>
    tpu.enqueue_indirect_dma source(%dma_start3A_771 : memref<10000x128xf32, #tpu.memory_space<hbm>>) target(%arg10 : memref<128x128xf32, #tpu.memory_space<vmem>>) offsets(%dma_start3A_768 : memref<128xi32, #tpu.memory_space<vmem>>) semaphore(%arg12 : memref<!tpu.dma_semaphore, #tpu.memory_space<semaphore_mem>>)
    %dma_wait3A_772 = arith.constant 6 : i32
    %dma_wait3A_773 = arith.constant 0 : i32
    %dma_wait3A_774 = tpu.memref_slice %arg7[%dma_wait3A_772, %dma_wait3A_773] : memref<8x128xi32, #tpu.memory_space<vmem>> -> memref<1x128xi32, #tpu.memory_space<vmem>>
    %dma_wait3A_775 = tpu.memref_squeeze %dma_wait3A_774 : memref<1x128xi32, #tpu.memory_space<vmem>> -> memref<128xi32, #tpu.memory_space<vmem>>
    %dma_wait3A_776 = arith.constant 0 : i32
    %dma_wait3A_777 = arith.constant 0 : i32
    %dma_wait3A_778 = tpu.memref_slice %arg2[%dma_wait3A_776, %dma_wait3A_777] : memref<10000x128xf32, #tpu.memory_space<hbm>> -> memref<10000x128xf32, #tpu.memory_space<hbm>>
    tpu.wait_indirect_dma semaphore(%arg12 : memref<!tpu.dma_semaphore, #tpu.memory_space<semaphore_mem>>) src(%dma_wait3A_778 : memref<10000x128xf32, #tpu.memory_space<hbm>>) dst(%arg10 : memref<128x128xf32, #tpu.memory_space<vmem>>)
    %run_scoped3A_779 = arith.constant 7 : i32
    "tpu.region"() ({
      %run_scoped3A_1407 = tpu.sem_alloc : memref<!tpu.dma_semaphore, #tpu.memory_space<semaphore_mem>>
      %dma_start3A_1408 = arith.constant 0 : i32
      %dma_start3A_1409 = tpu.memref_slice %arg7[%run_scoped3A_779, %dma_start3A_1408] : memref<8x128xi32, #tpu.memory_space<vmem>> -> memref<1x128xi32, #tpu.memory_space<vmem>>
      %dma_start3A_1410 = tpu.memref_squeeze %dma_start3A_1409 : memref<1x128xi32, #tpu.memory_space<vmem>> -> memref<128xi32, #tpu.memory_space<vmem>>
      %dma_start3A_1411 = arith.constant 0 : i32
      %dma_start3A_1412 = arith.constant 0 : i32
      %dma_start3A_1413 = tpu.memref_slice %arg6[%dma_start3A_1411, %dma_start3A_1412] : memref<10112x128xf32, #tpu.memory_space<vmem_shared>> -> memref<10112x128xf32, #tpu.memory_space<vmem_shared>>
      tpu.enqueue_indirect_dma source(%arg10 : memref<128x128xf32, #tpu.memory_space<vmem>>) target(%dma_start3A_1413 : memref<10112x128xf32, #tpu.memory_space<vmem_shared>>) offsets(%dma_start3A_1410 : memref<128xi32, #tpu.memory_space<vmem>>) semaphore(%run_scoped3A_1407 : memref<!tpu.dma_semaphore, #tpu.memory_space<semaphore_mem>>) {add = true}
      %dma_wait3A_1414 = arith.constant 0 : i32
      %dma_wait3A_1415 = tpu.memref_slice %arg7[%run_scoped3A_779, %dma_wait3A_1414] : memref<8x128xi32, #tpu.memory_space<vmem>> -> memref<1x128xi32, #tpu.memory_space<vmem>>
      %dma_wait3A_1416 = tpu.memref_squeeze %dma_wait3A_1415 : memref<1x128xi32, #tpu.memory_space<vmem>> -> memref<128xi32, #tpu.memory_space<vmem>>
      %dma_wait3A_1417 = arith.constant 0 : i32
      %dma_wait3A_1418 = arith.constant 0 : i32
      %dma_wait3A_1419 = tpu.memref_slice %arg6[%dma_wait3A_1417, %dma_wait3A_1418] : memref<10112x128xf32, #tpu.memory_space<vmem_shared>> -> memref<10112x128xf32, #tpu.memory_space<vmem_shared>>
      tpu.wait_indirect_dma semaphore(%run_scoped3A_1407 : memref<!tpu.dma_semaphore, #tpu.memory_space<semaphore_mem>>) src(%arg10 : memref<128x128xf32, #tpu.memory_space<vmem>>) dst(%dma_wait3A_1419 : memref<10112x128xf32, #tpu.memory_space<vmem_shared>>)
      tpu.yield
    }) : () -> ()
    %add3A_780 = arith.constant 96 : i32
    %add3A_781 = arith.addi %mul3A_4, %add3A_780 : i32
    %dma_start3A_782 = arith.constant 0 : i32
    %dma_start3A_783 = tpu.memref_slice %arg3[%add3A_781, %dma_start3A_782] : memref<5120x128xi32, #tpu.memory_space<hbm>> -> memref<8x128xi32, #tpu.memory_space<hbm>>
    %dma_start3A_784 = arith.constant 0 : i32
    %dma_start3A_785 = tpu.memref_slice %arg3[%add3A_781, %dma_start3A_784] : memref<5120x128xi32, #tpu.memory_space<hbm>> -> memref<8x128xi32, #tpu.memory_space<hbm>>
    tpu.enqueue_dma source(%dma_start3A_785 : memref<8x128xi32, #tpu.memory_space<hbm>>) target(%arg7 : memref<8x128xi32, #tpu.memory_space<vmem>>) target_semaphore(%arg13 : memref<!tpu.dma_semaphore, #tpu.memory_space<semaphore_mem>>)
    %dma_wait3A_786 = arith.constant 0 : i32
    %dma_wait3A_787 = tpu.memref_slice %arg3[%add3A_711, %dma_wait3A_786] : memref<5120x128xi32, #tpu.memory_space<hbm>> -> memref<8x128xi32, #tpu.memory_space<hbm>>
    %dma_wait3A_788 = arith.constant 0 : i32
    %dma_wait3A_789 = tpu.memref_slice %arg3[%add3A_711, %dma_wait3A_788] : memref<5120x128xi32, #tpu.memory_space<hbm>> -> memref<8x128xi32, #tpu.memory_space<hbm>>
    tpu.wait_dma2 semaphore(%arg14 : memref<!tpu.dma_semaphore, #tpu.memory_space<semaphore_mem>>) src(%dma_wait3A_789 : memref<8x128xi32, #tpu.memory_space<hbm>>) dst(%arg8 : memref<8x128xi32, #tpu.memory_space<vmem>>)
    %dma_start3A_790 = arith.constant 0 : i32
    %dma_start3A_791 = arith.constant 0 : i32
    %dma_start3A_792 = tpu.memref_slice %arg8[%dma_start3A_790, %dma_start3A_791] : memref<8x128xi32, #tpu.memory_space<vmem>> -> memref<1x128xi32, #tpu.memory_space<vmem>>
    %dma_start3A_793 = tpu.memref_squeeze %dma_start3A_792 : memref<1x128xi32, #tpu.memory_space<vmem>> -> memref<128xi32, #tpu.memory_space<vmem>>
    %dma_start3A_794 = arith.constant 0 : i32
    %dma_start3A_795 = arith.constant 0 : i32
    %dma_start3A_796 = tpu.memref_slice %arg2[%dma_start3A_794, %dma_start3A_795] : memref<10000x128xf32, #tpu.memory_space<hbm>> -> memref<10000x128xf32, #tpu.memory_space<hbm>>
    tpu.enqueue_indirect_dma source(%dma_start3A_796 : memref<10000x128xf32, #tpu.memory_space<hbm>>) target(%arg9 : memref<128x128xf32, #tpu.memory_space<vmem>>) offsets(%dma_start3A_793 : memref<128xi32, #tpu.memory_space<vmem>>) semaphore(%arg11 : memref<!tpu.dma_semaphore, #tpu.memory_space<semaphore_mem>>)
    %dma_wait3A_797 = arith.constant 0 : i32
    %dma_wait3A_798 = arith.constant 0 : i32
    %dma_wait3A_799 = tpu.memref_slice %arg8[%dma_wait3A_797, %dma_wait3A_798] : memref<8x128xi32, #tpu.memory_space<vmem>> -> memref<1x128xi32, #tpu.memory_space<vmem>>
    %dma_wait3A_800 = tpu.memref_squeeze %dma_wait3A_799 : memref<1x128xi32, #tpu.memory_space<vmem>> -> memref<128xi32, #tpu.memory_space<vmem>>
    %dma_wait3A_801 = arith.constant 0 : i32
    %dma_wait3A_802 = arith.constant 0 : i32
    %dma_wait3A_803 = tpu.memref_slice %arg2[%dma_wait3A_801, %dma_wait3A_802] : memref<10000x128xf32, #tpu.memory_space<hbm>> -> memref<10000x128xf32, #tpu.memory_space<hbm>>
    tpu.wait_indirect_dma semaphore(%arg11 : memref<!tpu.dma_semaphore, #tpu.memory_space<semaphore_mem>>) src(%dma_wait3A_803 : memref<10000x128xf32, #tpu.memory_space<hbm>>) dst(%arg9 : memref<128x128xf32, #tpu.memory_space<vmem>>)
    %run_scoped3A_804 = arith.constant 1 : i32
    "tpu.region"() ({
      %run_scoped3A_1407 = tpu.sem_alloc : memref<!tpu.dma_semaphore, #tpu.memory_space<semaphore_mem>>
      %dma_start3A_1408 = arith.constant 0 : i32
      %dma_start3A_1409 = tpu.memref_slice %arg8[%run_scoped3A_804, %dma_start3A_1408] : memref<8x128xi32, #tpu.memory_space<vmem>> -> memref<1x128xi32, #tpu.memory_space<vmem>>
      %dma_start3A_1410 = tpu.memref_squeeze %dma_start3A_1409 : memref<1x128xi32, #tpu.memory_space<vmem>> -> memref<128xi32, #tpu.memory_space<vmem>>
      %dma_start3A_1411 = arith.constant 0 : i32
      %dma_start3A_1412 = arith.constant 0 : i32
      %dma_start3A_1413 = tpu.memref_slice %arg6[%dma_start3A_1411, %dma_start3A_1412] : memref<10112x128xf32, #tpu.memory_space<vmem_shared>> -> memref<10112x128xf32, #tpu.memory_space<vmem_shared>>
      tpu.enqueue_indirect_dma source(%arg9 : memref<128x128xf32, #tpu.memory_space<vmem>>) target(%dma_start3A_1413 : memref<10112x128xf32, #tpu.memory_space<vmem_shared>>) offsets(%dma_start3A_1410 : memref<128xi32, #tpu.memory_space<vmem>>) semaphore(%run_scoped3A_1407 : memref<!tpu.dma_semaphore, #tpu.memory_space<semaphore_mem>>) {add = true}
      %dma_wait3A_1414 = arith.constant 0 : i32
      %dma_wait3A_1415 = tpu.memref_slice %arg8[%run_scoped3A_804, %dma_wait3A_1414] : memref<8x128xi32, #tpu.memory_space<vmem>> -> memref<1x128xi32, #tpu.memory_space<vmem>>
      %dma_wait3A_1416 = tpu.memref_squeeze %dma_wait3A_1415 : memref<1x128xi32, #tpu.memory_space<vmem>> -> memref<128xi32, #tpu.memory_space<vmem>>
      %dma_wait3A_1417 = arith.constant 0 : i32
      %dma_wait3A_1418 = arith.constant 0 : i32
      %dma_wait3A_1419 = tpu.memref_slice %arg6[%dma_wait3A_1417, %dma_wait3A_1418] : memref<10112x128xf32, #tpu.memory_space<vmem_shared>> -> memref<10112x128xf32, #tpu.memory_space<vmem_shared>>
      tpu.wait_indirect_dma semaphore(%run_scoped3A_1407 : memref<!tpu.dma_semaphore, #tpu.memory_space<semaphore_mem>>) src(%arg9 : memref<128x128xf32, #tpu.memory_space<vmem>>) dst(%dma_wait3A_1419 : memref<10112x128xf32, #tpu.memory_space<vmem_shared>>)
      tpu.yield
    }) : () -> ()
    %dma_start3A_805 = arith.constant 2 : i32
    %dma_start3A_806 = arith.constant 0 : i32
    %dma_start3A_807 = tpu.memref_slice %arg8[%dma_start3A_805, %dma_start3A_806] : memref<8x128xi32, #tpu.memory_space<vmem>> -> memref<1x128xi32, #tpu.memory_space<vmem>>
    %dma_start3A_808 = tpu.memref_squeeze %dma_start3A_807 : memref<1x128xi32, #tpu.memory_space<vmem>> -> memref<128xi32, #tpu.memory_space<vmem>>
    %dma_start3A_809 = arith.constant 0 : i32
    %dma_start3A_810 = arith.constant 0 : i32
    %dma_start3A_811 = tpu.memref_slice %arg2[%dma_start3A_809, %dma_start3A_810] : memref<10000x128xf32, #tpu.memory_space<hbm>> -> memref<10000x128xf32, #tpu.memory_space<hbm>>
    tpu.enqueue_indirect_dma source(%dma_start3A_811 : memref<10000x128xf32, #tpu.memory_space<hbm>>) target(%arg10 : memref<128x128xf32, #tpu.memory_space<vmem>>) offsets(%dma_start3A_808 : memref<128xi32, #tpu.memory_space<vmem>>) semaphore(%arg12 : memref<!tpu.dma_semaphore, #tpu.memory_space<semaphore_mem>>)
    %dma_wait3A_812 = arith.constant 2 : i32
    %dma_wait3A_813 = arith.constant 0 : i32
    %dma_wait3A_814 = tpu.memref_slice %arg8[%dma_wait3A_812, %dma_wait3A_813] : memref<8x128xi32, #tpu.memory_space<vmem>> -> memref<1x128xi32, #tpu.memory_space<vmem>>
    %dma_wait3A_815 = tpu.memref_squeeze %dma_wait3A_814 : memref<1x128xi32, #tpu.memory_space<vmem>> -> memref<128xi32, #tpu.memory_space<vmem>>
    %dma_wait3A_816 = arith.constant 0 : i32
    %dma_wait3A_817 = arith.constant 0 : i32
    %dma_wait3A_818 = tpu.memref_slice %arg2[%dma_wait3A_816, %dma_wait3A_817] : memref<10000x128xf32, #tpu.memory_space<hbm>> -> memref<10000x128xf32, #tpu.memory_space<hbm>>
    tpu.wait_indirect_dma semaphore(%arg12 : memref<!tpu.dma_semaphore, #tpu.memory_space<semaphore_mem>>) src(%dma_wait3A_818 : memref<10000x128xf32, #tpu.memory_space<hbm>>) dst(%arg10 : memref<128x128xf32, #tpu.memory_space<vmem>>)
    %run_scoped3A_819 = arith.constant 3 : i32
    "tpu.region"() ({
      %run_scoped3A_1407 = tpu.sem_alloc : memref<!tpu.dma_semaphore, #tpu.memory_space<semaphore_mem>>
      %dma_start3A_1408 = arith.constant 0 : i32
      %dma_start3A_1409 = tpu.memref_slice %arg8[%run_scoped3A_819, %dma_start3A_1408] : memref<8x128xi32, #tpu.memory_space<vmem>> -> memref<1x128xi32, #tpu.memory_space<vmem>>
      %dma_start3A_1410 = tpu.memref_squeeze %dma_start3A_1409 : memref<1x128xi32, #tpu.memory_space<vmem>> -> memref<128xi32, #tpu.memory_space<vmem>>
      %dma_start3A_1411 = arith.constant 0 : i32
      %dma_start3A_1412 = arith.constant 0 : i32
      %dma_start3A_1413 = tpu.memref_slice %arg6[%dma_start3A_1411, %dma_start3A_1412] : memref<10112x128xf32, #tpu.memory_space<vmem_shared>> -> memref<10112x128xf32, #tpu.memory_space<vmem_shared>>
      tpu.enqueue_indirect_dma source(%arg10 : memref<128x128xf32, #tpu.memory_space<vmem>>) target(%dma_start3A_1413 : memref<10112x128xf32, #tpu.memory_space<vmem_shared>>) offsets(%dma_start3A_1410 : memref<128xi32, #tpu.memory_space<vmem>>) semaphore(%run_scoped3A_1407 : memref<!tpu.dma_semaphore, #tpu.memory_space<semaphore_mem>>) {add = true}
      %dma_wait3A_1414 = arith.constant 0 : i32
      %dma_wait3A_1415 = tpu.memref_slice %arg8[%run_scoped3A_819, %dma_wait3A_1414] : memref<8x128xi32, #tpu.memory_space<vmem>> -> memref<1x128xi32, #tpu.memory_space<vmem>>
      %dma_wait3A_1416 = tpu.memref_squeeze %dma_wait3A_1415 : memref<1x128xi32, #tpu.memory_space<vmem>> -> memref<128xi32, #tpu.memory_space<vmem>>
      %dma_wait3A_1417 = arith.constant 0 : i32
      %dma_wait3A_1418 = arith.constant 0 : i32
      %dma_wait3A_1419 = tpu.memref_slice %arg6[%dma_wait3A_1417, %dma_wait3A_1418] : memref<10112x128xf32, #tpu.memory_space<vmem_shared>> -> memref<10112x128xf32, #tpu.memory_space<vmem_shared>>
      tpu.wait_indirect_dma semaphore(%run_scoped3A_1407 : memref<!tpu.dma_semaphore, #tpu.memory_space<semaphore_mem>>) src(%arg10 : memref<128x128xf32, #tpu.memory_space<vmem>>) dst(%dma_wait3A_1419 : memref<10112x128xf32, #tpu.memory_space<vmem_shared>>)
      tpu.yield
    }) : () -> ()
    %dma_start3A_820 = arith.constant 4 : i32
    %dma_start3A_821 = arith.constant 0 : i32
    %dma_start3A_822 = tpu.memref_slice %arg8[%dma_start3A_820, %dma_start3A_821] : memref<8x128xi32, #tpu.memory_space<vmem>> -> memref<1x128xi32, #tpu.memory_space<vmem>>
    %dma_start3A_823 = tpu.memref_squeeze %dma_start3A_822 : memref<1x128xi32, #tpu.memory_space<vmem>> -> memref<128xi32, #tpu.memory_space<vmem>>
    %dma_start3A_824 = arith.constant 0 : i32
    %dma_start3A_825 = arith.constant 0 : i32
    %dma_start3A_826 = tpu.memref_slice %arg2[%dma_start3A_824, %dma_start3A_825] : memref<10000x128xf32, #tpu.memory_space<hbm>> -> memref<10000x128xf32, #tpu.memory_space<hbm>>
    tpu.enqueue_indirect_dma source(%dma_start3A_826 : memref<10000x128xf32, #tpu.memory_space<hbm>>) target(%arg9 : memref<128x128xf32, #tpu.memory_space<vmem>>) offsets(%dma_start3A_823 : memref<128xi32, #tpu.memory_space<vmem>>) semaphore(%arg11 : memref<!tpu.dma_semaphore, #tpu.memory_space<semaphore_mem>>)
    %dma_wait3A_827 = arith.constant 4 : i32
    %dma_wait3A_828 = arith.constant 0 : i32
    %dma_wait3A_829 = tpu.memref_slice %arg8[%dma_wait3A_827, %dma_wait3A_828] : memref<8x128xi32, #tpu.memory_space<vmem>> -> memref<1x128xi32, #tpu.memory_space<vmem>>
    %dma_wait3A_830 = tpu.memref_squeeze %dma_wait3A_829 : memref<1x128xi32, #tpu.memory_space<vmem>> -> memref<128xi32, #tpu.memory_space<vmem>>
    %dma_wait3A_831 = arith.constant 0 : i32
    %dma_wait3A_832 = arith.constant 0 : i32
    %dma_wait3A_833 = tpu.memref_slice %arg2[%dma_wait3A_831, %dma_wait3A_832] : memref<10000x128xf32, #tpu.memory_space<hbm>> -> memref<10000x128xf32, #tpu.memory_space<hbm>>
    tpu.wait_indirect_dma semaphore(%arg11 : memref<!tpu.dma_semaphore, #tpu.memory_space<semaphore_mem>>) src(%dma_wait3A_833 : memref<10000x128xf32, #tpu.memory_space<hbm>>) dst(%arg9 : memref<128x128xf32, #tpu.memory_space<vmem>>)
    %run_scoped3A_834 = arith.constant 5 : i32
    "tpu.region"() ({
      %run_scoped3A_1407 = tpu.sem_alloc : memref<!tpu.dma_semaphore, #tpu.memory_space<semaphore_mem>>
      %dma_start3A_1408 = arith.constant 0 : i32
      %dma_start3A_1409 = tpu.memref_slice %arg8[%run_scoped3A_834, %dma_start3A_1408] : memref<8x128xi32, #tpu.memory_space<vmem>> -> memref<1x128xi32, #tpu.memory_space<vmem>>
      %dma_start3A_1410 = tpu.memref_squeeze %dma_start3A_1409 : memref<1x128xi32, #tpu.memory_space<vmem>> -> memref<128xi32, #tpu.memory_space<vmem>>
      %dma_start3A_1411 = arith.constant 0 : i32
      %dma_start3A_1412 = arith.constant 0 : i32
      %dma_start3A_1413 = tpu.memref_slice %arg6[%dma_start3A_1411, %dma_start3A_1412] : memref<10112x128xf32, #tpu.memory_space<vmem_shared>> -> memref<10112x128xf32, #tpu.memory_space<vmem_shared>>
      tpu.enqueue_indirect_dma source(%arg9 : memref<128x128xf32, #tpu.memory_space<vmem>>) target(%dma_start3A_1413 : memref<10112x128xf32, #tpu.memory_space<vmem_shared>>) offsets(%dma_start3A_1410 : memref<128xi32, #tpu.memory_space<vmem>>) semaphore(%run_scoped3A_1407 : memref<!tpu.dma_semaphore, #tpu.memory_space<semaphore_mem>>) {add = true}
      %dma_wait3A_1414 = arith.constant 0 : i32
      %dma_wait3A_1415 = tpu.memref_slice %arg8[%run_scoped3A_834, %dma_wait3A_1414] : memref<8x128xi32, #tpu.memory_space<vmem>> -> memref<1x128xi32, #tpu.memory_space<vmem>>
      %dma_wait3A_1416 = tpu.memref_squeeze %dma_wait3A_1415 : memref<1x128xi32, #tpu.memory_space<vmem>> -> memref<128xi32, #tpu.memory_space<vmem>>
      %dma_wait3A_1417 = arith.constant 0 : i32
      %dma_wait3A_1418 = arith.constant 0 : i32
      %dma_wait3A_1419 = tpu.memref_slice %arg6[%dma_wait3A_1417, %dma_wait3A_1418] : memref<10112x128xf32, #tpu.memory_space<vmem_shared>> -> memref<10112x128xf32, #tpu.memory_space<vmem_shared>>
      tpu.wait_indirect_dma semaphore(%run_scoped3A_1407 : memref<!tpu.dma_semaphore, #tpu.memory_space<semaphore_mem>>) src(%arg9 : memref<128x128xf32, #tpu.memory_space<vmem>>) dst(%dma_wait3A_1419 : memref<10112x128xf32, #tpu.memory_space<vmem_shared>>)
      tpu.yield
    }) : () -> ()
    %dma_start3A_835 = arith.constant 6 : i32
    %dma_start3A_836 = arith.constant 0 : i32
    %dma_start3A_837 = tpu.memref_slice %arg8[%dma_start3A_835, %dma_start3A_836] : memref<8x128xi32, #tpu.memory_space<vmem>> -> memref<1x128xi32, #tpu.memory_space<vmem>>
    %dma_start3A_838 = tpu.memref_squeeze %dma_start3A_837 : memref<1x128xi32, #tpu.memory_space<vmem>> -> memref<128xi32, #tpu.memory_space<vmem>>
    %dma_start3A_839 = arith.constant 0 : i32
    %dma_start3A_840 = arith.constant 0 : i32
    %dma_start3A_841 = tpu.memref_slice %arg2[%dma_start3A_839, %dma_start3A_840] : memref<10000x128xf32, #tpu.memory_space<hbm>> -> memref<10000x128xf32, #tpu.memory_space<hbm>>
    tpu.enqueue_indirect_dma source(%dma_start3A_841 : memref<10000x128xf32, #tpu.memory_space<hbm>>) target(%arg10 : memref<128x128xf32, #tpu.memory_space<vmem>>) offsets(%dma_start3A_838 : memref<128xi32, #tpu.memory_space<vmem>>) semaphore(%arg12 : memref<!tpu.dma_semaphore, #tpu.memory_space<semaphore_mem>>)
    %dma_wait3A_842 = arith.constant 6 : i32
    %dma_wait3A_843 = arith.constant 0 : i32
    %dma_wait3A_844 = tpu.memref_slice %arg8[%dma_wait3A_842, %dma_wait3A_843] : memref<8x128xi32, #tpu.memory_space<vmem>> -> memref<1x128xi32, #tpu.memory_space<vmem>>
    %dma_wait3A_845 = tpu.memref_squeeze %dma_wait3A_844 : memref<1x128xi32, #tpu.memory_space<vmem>> -> memref<128xi32, #tpu.memory_space<vmem>>
    %dma_wait3A_846 = arith.constant 0 : i32
    %dma_wait3A_847 = arith.constant 0 : i32
    %dma_wait3A_848 = tpu.memref_slice %arg2[%dma_wait3A_846, %dma_wait3A_847] : memref<10000x128xf32, #tpu.memory_space<hbm>> -> memref<10000x128xf32, #tpu.memory_space<hbm>>
    tpu.wait_indirect_dma semaphore(%arg12 : memref<!tpu.dma_semaphore, #tpu.memory_space<semaphore_mem>>) src(%dma_wait3A_848 : memref<10000x128xf32, #tpu.memory_space<hbm>>) dst(%arg10 : memref<128x128xf32, #tpu.memory_space<vmem>>)
    %run_scoped3A_849 = arith.constant 7 : i32
    "tpu.region"() ({
      %run_scoped3A_1407 = tpu.sem_alloc : memref<!tpu.dma_semaphore, #tpu.memory_space<semaphore_mem>>
      %dma_start3A_1408 = arith.constant 0 : i32
      %dma_start3A_1409 = tpu.memref_slice %arg8[%run_scoped3A_849, %dma_start3A_1408] : memref<8x128xi32, #tpu.memory_space<vmem>> -> memref<1x128xi32, #tpu.memory_space<vmem>>
      %dma_start3A_1410 = tpu.memref_squeeze %dma_start3A_1409 : memref<1x128xi32, #tpu.memory_space<vmem>> -> memref<128xi32, #tpu.memory_space<vmem>>
      %dma_start3A_1411 = arith.constant 0 : i32
      %dma_start3A_1412 = arith.constant 0 : i32
      %dma_start3A_1413 = tpu.memref_slice %arg6[%dma_start3A_1411, %dma_start3A_1412] : memref<10112x128xf32, #tpu.memory_space<vmem_shared>> -> memref<10112x128xf32, #tpu.memory_space<vmem_shared>>
      tpu.enqueue_indirect_dma source(%arg10 : memref<128x128xf32, #tpu.memory_space<vmem>>) target(%dma_start3A_1413 : memref<10112x128xf32, #tpu.memory_space<vmem_shared>>) offsets(%dma_start3A_1410 : memref<128xi32, #tpu.memory_space<vmem>>) semaphore(%run_scoped3A_1407 : memref<!tpu.dma_semaphore, #tpu.memory_space<semaphore_mem>>) {add = true}
      %dma_wait3A_1414 = arith.constant 0 : i32
      %dma_wait3A_1415 = tpu.memref_slice %arg8[%run_scoped3A_849, %dma_wait3A_1414] : memref<8x128xi32, #tpu.memory_space<vmem>> -> memref<1x128xi32, #tpu.memory_space<vmem>>
      %dma_wait3A_1416 = tpu.memref_squeeze %dma_wait3A_1415 : memref<1x128xi32, #tpu.memory_space<vmem>> -> memref<128xi32, #tpu.memory_space<vmem>>
      %dma_wait3A_1417 = arith.constant 0 : i32
      %dma_wait3A_1418 = arith.constant 0 : i32
      %dma_wait3A_1419 = tpu.memref_slice %arg6[%dma_wait3A_1417, %dma_wait3A_1418] : memref<10112x128xf32, #tpu.memory_space<vmem_shared>> -> memref<10112x128xf32, #tpu.memory_space<vmem_shared>>
      tpu.wait_indirect_dma semaphore(%run_scoped3A_1407 : memref<!tpu.dma_semaphore, #tpu.memory_space<semaphore_mem>>) src(%arg10 : memref<128x128xf32, #tpu.memory_space<vmem>>) dst(%dma_wait3A_1419 : memref<10112x128xf32, #tpu.memory_space<vmem_shared>>)
      tpu.yield
    }) : () -> ()
    %add3A_850 = arith.constant 104 : i32
    %add3A_851 = arith.addi %mul3A_4, %add3A_850 : i32
    %dma_start3A_852 = arith.constant 0 : i32
    %dma_start3A_853 = tpu.memref_slice %arg3[%add3A_851, %dma_start3A_852] : memref<5120x128xi32, #tpu.memory_space<hbm>> -> memref<8x128xi32, #tpu.memory_space<hbm>>
    %dma_start3A_854 = arith.constant 0 : i32
    %dma_start3A_855 = tpu.memref_slice %arg3[%add3A_851, %dma_start3A_854] : memref<5120x128xi32, #tpu.memory_space<hbm>> -> memref<8x128xi32, #tpu.memory_space<hbm>>
    tpu.enqueue_dma source(%dma_start3A_855 : memref<8x128xi32, #tpu.memory_space<hbm>>) target(%arg8 : memref<8x128xi32, #tpu.memory_space<vmem>>) target_semaphore(%arg14 : memref<!tpu.dma_semaphore, #tpu.memory_space<semaphore_mem>>)
    %dma_wait3A_856 = arith.constant 0 : i32
    %dma_wait3A_857 = tpu.memref_slice %arg3[%add3A_781, %dma_wait3A_856] : memref<5120x128xi32, #tpu.memory_space<hbm>> -> memref<8x128xi32, #tpu.memory_space<hbm>>
    %dma_wait3A_858 = arith.constant 0 : i32
    %dma_wait3A_859 = tpu.memref_slice %arg3[%add3A_781, %dma_wait3A_858] : memref<5120x128xi32, #tpu.memory_space<hbm>> -> memref<8x128xi32, #tpu.memory_space<hbm>>
    tpu.wait_dma2 semaphore(%arg13 : memref<!tpu.dma_semaphore, #tpu.memory_space<semaphore_mem>>) src(%dma_wait3A_859 : memref<8x128xi32, #tpu.memory_space<hbm>>) dst(%arg7 : memref<8x128xi32, #tpu.memory_space<vmem>>)
    %dma_start3A_860 = arith.constant 0 : i32
    %dma_start3A_861 = arith.constant 0 : i32
    %dma_start3A_862 = tpu.memref_slice %arg7[%dma_start3A_860, %dma_start3A_861] : memref<8x128xi32, #tpu.memory_space<vmem>> -> memref<1x128xi32, #tpu.memory_space<vmem>>
    %dma_start3A_863 = tpu.memref_squeeze %dma_start3A_862 : memref<1x128xi32, #tpu.memory_space<vmem>> -> memref<128xi32, #tpu.memory_space<vmem>>
    %dma_start3A_864 = arith.constant 0 : i32
    %dma_start3A_865 = arith.constant 0 : i32
    %dma_start3A_866 = tpu.memref_slice %arg2[%dma_start3A_864, %dma_start3A_865] : memref<10000x128xf32, #tpu.memory_space<hbm>> -> memref<10000x128xf32, #tpu.memory_space<hbm>>
    tpu.enqueue_indirect_dma source(%dma_start3A_866 : memref<10000x128xf32, #tpu.memory_space<hbm>>) target(%arg9 : memref<128x128xf32, #tpu.memory_space<vmem>>) offsets(%dma_start3A_863 : memref<128xi32, #tpu.memory_space<vmem>>) semaphore(%arg11 : memref<!tpu.dma_semaphore, #tpu.memory_space<semaphore_mem>>)
    %dma_wait3A_867 = arith.constant 0 : i32
    %dma_wait3A_868 = arith.constant 0 : i32
    %dma_wait3A_869 = tpu.memref_slice %arg7[%dma_wait3A_867, %dma_wait3A_868] : memref<8x128xi32, #tpu.memory_space<vmem>> -> memref<1x128xi32, #tpu.memory_space<vmem>>
    %dma_wait3A_870 = tpu.memref_squeeze %dma_wait3A_869 : memref<1x128xi32, #tpu.memory_space<vmem>> -> memref<128xi32, #tpu.memory_space<vmem>>
    %dma_wait3A_871 = arith.constant 0 : i32
    %dma_wait3A_872 = arith.constant 0 : i32
    %dma_wait3A_873 = tpu.memref_slice %arg2[%dma_wait3A_871, %dma_wait3A_872] : memref<10000x128xf32, #tpu.memory_space<hbm>> -> memref<10000x128xf32, #tpu.memory_space<hbm>>
    tpu.wait_indirect_dma semaphore(%arg11 : memref<!tpu.dma_semaphore, #tpu.memory_space<semaphore_mem>>) src(%dma_wait3A_873 : memref<10000x128xf32, #tpu.memory_space<hbm>>) dst(%arg9 : memref<128x128xf32, #tpu.memory_space<vmem>>)
    %run_scoped3A_874 = arith.constant 1 : i32
    "tpu.region"() ({
      %run_scoped3A_1407 = tpu.sem_alloc : memref<!tpu.dma_semaphore, #tpu.memory_space<semaphore_mem>>
      %dma_start3A_1408 = arith.constant 0 : i32
      %dma_start3A_1409 = tpu.memref_slice %arg7[%run_scoped3A_874, %dma_start3A_1408] : memref<8x128xi32, #tpu.memory_space<vmem>> -> memref<1x128xi32, #tpu.memory_space<vmem>>
      %dma_start3A_1410 = tpu.memref_squeeze %dma_start3A_1409 : memref<1x128xi32, #tpu.memory_space<vmem>> -> memref<128xi32, #tpu.memory_space<vmem>>
      %dma_start3A_1411 = arith.constant 0 : i32
      %dma_start3A_1412 = arith.constant 0 : i32
      %dma_start3A_1413 = tpu.memref_slice %arg6[%dma_start3A_1411, %dma_start3A_1412] : memref<10112x128xf32, #tpu.memory_space<vmem_shared>> -> memref<10112x128xf32, #tpu.memory_space<vmem_shared>>
      tpu.enqueue_indirect_dma source(%arg9 : memref<128x128xf32, #tpu.memory_space<vmem>>) target(%dma_start3A_1413 : memref<10112x128xf32, #tpu.memory_space<vmem_shared>>) offsets(%dma_start3A_1410 : memref<128xi32, #tpu.memory_space<vmem>>) semaphore(%run_scoped3A_1407 : memref<!tpu.dma_semaphore, #tpu.memory_space<semaphore_mem>>) {add = true}
      %dma_wait3A_1414 = arith.constant 0 : i32
      %dma_wait3A_1415 = tpu.memref_slice %arg7[%run_scoped3A_874, %dma_wait3A_1414] : memref<8x128xi32, #tpu.memory_space<vmem>> -> memref<1x128xi32, #tpu.memory_space<vmem>>
      %dma_wait3A_1416 = tpu.memref_squeeze %dma_wait3A_1415 : memref<1x128xi32, #tpu.memory_space<vmem>> -> memref<128xi32, #tpu.memory_space<vmem>>
      %dma_wait3A_1417 = arith.constant 0 : i32
      %dma_wait3A_1418 = arith.constant 0 : i32
      %dma_wait3A_1419 = tpu.memref_slice %arg6[%dma_wait3A_1417, %dma_wait3A_1418] : memref<10112x128xf32, #tpu.memory_space<vmem_shared>> -> memref<10112x128xf32, #tpu.memory_space<vmem_shared>>
      tpu.wait_indirect_dma semaphore(%run_scoped3A_1407 : memref<!tpu.dma_semaphore, #tpu.memory_space<semaphore_mem>>) src(%arg9 : memref<128x128xf32, #tpu.memory_space<vmem>>) dst(%dma_wait3A_1419 : memref<10112x128xf32, #tpu.memory_space<vmem_shared>>)
      tpu.yield
    }) : () -> ()
    %dma_start3A_875 = arith.constant 2 : i32
    %dma_start3A_876 = arith.constant 0 : i32
    %dma_start3A_877 = tpu.memref_slice %arg7[%dma_start3A_875, %dma_start3A_876] : memref<8x128xi32, #tpu.memory_space<vmem>> -> memref<1x128xi32, #tpu.memory_space<vmem>>
    %dma_start3A_878 = tpu.memref_squeeze %dma_start3A_877 : memref<1x128xi32, #tpu.memory_space<vmem>> -> memref<128xi32, #tpu.memory_space<vmem>>
    %dma_start3A_879 = arith.constant 0 : i32
    %dma_start3A_880 = arith.constant 0 : i32
    %dma_start3A_881 = tpu.memref_slice %arg2[%dma_start3A_879, %dma_start3A_880] : memref<10000x128xf32, #tpu.memory_space<hbm>> -> memref<10000x128xf32, #tpu.memory_space<hbm>>
    tpu.enqueue_indirect_dma source(%dma_start3A_881 : memref<10000x128xf32, #tpu.memory_space<hbm>>) target(%arg10 : memref<128x128xf32, #tpu.memory_space<vmem>>) offsets(%dma_start3A_878 : memref<128xi32, #tpu.memory_space<vmem>>) semaphore(%arg12 : memref<!tpu.dma_semaphore, #tpu.memory_space<semaphore_mem>>)
    %dma_wait3A_882 = arith.constant 2 : i32
    %dma_wait3A_883 = arith.constant 0 : i32
    %dma_wait3A_884 = tpu.memref_slice %arg7[%dma_wait3A_882, %dma_wait3A_883] : memref<8x128xi32, #tpu.memory_space<vmem>> -> memref<1x128xi32, #tpu.memory_space<vmem>>
    %dma_wait3A_885 = tpu.memref_squeeze %dma_wait3A_884 : memref<1x128xi32, #tpu.memory_space<vmem>> -> memref<128xi32, #tpu.memory_space<vmem>>
    %dma_wait3A_886 = arith.constant 0 : i32
    %dma_wait3A_887 = arith.constant 0 : i32
    %dma_wait3A_888 = tpu.memref_slice %arg2[%dma_wait3A_886, %dma_wait3A_887] : memref<10000x128xf32, #tpu.memory_space<hbm>> -> memref<10000x128xf32, #tpu.memory_space<hbm>>
    tpu.wait_indirect_dma semaphore(%arg12 : memref<!tpu.dma_semaphore, #tpu.memory_space<semaphore_mem>>) src(%dma_wait3A_888 : memref<10000x128xf32, #tpu.memory_space<hbm>>) dst(%arg10 : memref<128x128xf32, #tpu.memory_space<vmem>>)
    %run_scoped3A_889 = arith.constant 3 : i32
    "tpu.region"() ({
      %run_scoped3A_1407 = tpu.sem_alloc : memref<!tpu.dma_semaphore, #tpu.memory_space<semaphore_mem>>
      %dma_start3A_1408 = arith.constant 0 : i32
      %dma_start3A_1409 = tpu.memref_slice %arg7[%run_scoped3A_889, %dma_start3A_1408] : memref<8x128xi32, #tpu.memory_space<vmem>> -> memref<1x128xi32, #tpu.memory_space<vmem>>
      %dma_start3A_1410 = tpu.memref_squeeze %dma_start3A_1409 : memref<1x128xi32, #tpu.memory_space<vmem>> -> memref<128xi32, #tpu.memory_space<vmem>>
      %dma_start3A_1411 = arith.constant 0 : i32
      %dma_start3A_1412 = arith.constant 0 : i32
      %dma_start3A_1413 = tpu.memref_slice %arg6[%dma_start3A_1411, %dma_start3A_1412] : memref<10112x128xf32, #tpu.memory_space<vmem_shared>> -> memref<10112x128xf32, #tpu.memory_space<vmem_shared>>
      tpu.enqueue_indirect_dma source(%arg10 : memref<128x128xf32, #tpu.memory_space<vmem>>) target(%dma_start3A_1413 : memref<10112x128xf32, #tpu.memory_space<vmem_shared>>) offsets(%dma_start3A_1410 : memref<128xi32, #tpu.memory_space<vmem>>) semaphore(%run_scoped3A_1407 : memref<!tpu.dma_semaphore, #tpu.memory_space<semaphore_mem>>) {add = true}
      %dma_wait3A_1414 = arith.constant 0 : i32
      %dma_wait3A_1415 = tpu.memref_slice %arg7[%run_scoped3A_889, %dma_wait3A_1414] : memref<8x128xi32, #tpu.memory_space<vmem>> -> memref<1x128xi32, #tpu.memory_space<vmem>>
      %dma_wait3A_1416 = tpu.memref_squeeze %dma_wait3A_1415 : memref<1x128xi32, #tpu.memory_space<vmem>> -> memref<128xi32, #tpu.memory_space<vmem>>
      %dma_wait3A_1417 = arith.constant 0 : i32
      %dma_wait3A_1418 = arith.constant 0 : i32
      %dma_wait3A_1419 = tpu.memref_slice %arg6[%dma_wait3A_1417, %dma_wait3A_1418] : memref<10112x128xf32, #tpu.memory_space<vmem_shared>> -> memref<10112x128xf32, #tpu.memory_space<vmem_shared>>
      tpu.wait_indirect_dma semaphore(%run_scoped3A_1407 : memref<!tpu.dma_semaphore, #tpu.memory_space<semaphore_mem>>) src(%arg10 : memref<128x128xf32, #tpu.memory_space<vmem>>) dst(%dma_wait3A_1419 : memref<10112x128xf32, #tpu.memory_space<vmem_shared>>)
      tpu.yield
    }) : () -> ()
    %dma_start3A_890 = arith.constant 4 : i32
    %dma_start3A_891 = arith.constant 0 : i32
    %dma_start3A_892 = tpu.memref_slice %arg7[%dma_start3A_890, %dma_start3A_891] : memref<8x128xi32, #tpu.memory_space<vmem>> -> memref<1x128xi32, #tpu.memory_space<vmem>>
    %dma_start3A_893 = tpu.memref_squeeze %dma_start3A_892 : memref<1x128xi32, #tpu.memory_space<vmem>> -> memref<128xi32, #tpu.memory_space<vmem>>
    %dma_start3A_894 = arith.constant 0 : i32
    %dma_start3A_895 = arith.constant 0 : i32
    %dma_start3A_896 = tpu.memref_slice %arg2[%dma_start3A_894, %dma_start3A_895] : memref<10000x128xf32, #tpu.memory_space<hbm>> -> memref<10000x128xf32, #tpu.memory_space<hbm>>
    tpu.enqueue_indirect_dma source(%dma_start3A_896 : memref<10000x128xf32, #tpu.memory_space<hbm>>) target(%arg9 : memref<128x128xf32, #tpu.memory_space<vmem>>) offsets(%dma_start3A_893 : memref<128xi32, #tpu.memory_space<vmem>>) semaphore(%arg11 : memref<!tpu.dma_semaphore, #tpu.memory_space<semaphore_mem>>)
    %dma_wait3A_897 = arith.constant 4 : i32
    %dma_wait3A_898 = arith.constant 0 : i32
    %dma_wait3A_899 = tpu.memref_slice %arg7[%dma_wait3A_897, %dma_wait3A_898] : memref<8x128xi32, #tpu.memory_space<vmem>> -> memref<1x128xi32, #tpu.memory_space<vmem>>
    %dma_wait3A_900 = tpu.memref_squeeze %dma_wait3A_899 : memref<1x128xi32, #tpu.memory_space<vmem>> -> memref<128xi32, #tpu.memory_space<vmem>>
    %dma_wait3A_901 = arith.constant 0 : i32
    %dma_wait3A_902 = arith.constant 0 : i32
    %dma_wait3A_903 = tpu.memref_slice %arg2[%dma_wait3A_901, %dma_wait3A_902] : memref<10000x128xf32, #tpu.memory_space<hbm>> -> memref<10000x128xf32, #tpu.memory_space<hbm>>
    tpu.wait_indirect_dma semaphore(%arg11 : memref<!tpu.dma_semaphore, #tpu.memory_space<semaphore_mem>>) src(%dma_wait3A_903 : memref<10000x128xf32, #tpu.memory_space<hbm>>) dst(%arg9 : memref<128x128xf32, #tpu.memory_space<vmem>>)
    %run_scoped3A_904 = arith.constant 5 : i32
    "tpu.region"() ({
      %run_scoped3A_1407 = tpu.sem_alloc : memref<!tpu.dma_semaphore, #tpu.memory_space<semaphore_mem>>
      %dma_start3A_1408 = arith.constant 0 : i32
      %dma_start3A_1409 = tpu.memref_slice %arg7[%run_scoped3A_904, %dma_start3A_1408] : memref<8x128xi32, #tpu.memory_space<vmem>> -> memref<1x128xi32, #tpu.memory_space<vmem>>
      %dma_start3A_1410 = tpu.memref_squeeze %dma_start3A_1409 : memref<1x128xi32, #tpu.memory_space<vmem>> -> memref<128xi32, #tpu.memory_space<vmem>>
      %dma_start3A_1411 = arith.constant 0 : i32
      %dma_start3A_1412 = arith.constant 0 : i32
      %dma_start3A_1413 = tpu.memref_slice %arg6[%dma_start3A_1411, %dma_start3A_1412] : memref<10112x128xf32, #tpu.memory_space<vmem_shared>> -> memref<10112x128xf32, #tpu.memory_space<vmem_shared>>
      tpu.enqueue_indirect_dma source(%arg9 : memref<128x128xf32, #tpu.memory_space<vmem>>) target(%dma_start3A_1413 : memref<10112x128xf32, #tpu.memory_space<vmem_shared>>) offsets(%dma_start3A_1410 : memref<128xi32, #tpu.memory_space<vmem>>) semaphore(%run_scoped3A_1407 : memref<!tpu.dma_semaphore, #tpu.memory_space<semaphore_mem>>) {add = true}
      %dma_wait3A_1414 = arith.constant 0 : i32
      %dma_wait3A_1415 = tpu.memref_slice %arg7[%run_scoped3A_904, %dma_wait3A_1414] : memref<8x128xi32, #tpu.memory_space<vmem>> -> memref<1x128xi32, #tpu.memory_space<vmem>>
      %dma_wait3A_1416 = tpu.memref_squeeze %dma_wait3A_1415 : memref<1x128xi32, #tpu.memory_space<vmem>> -> memref<128xi32, #tpu.memory_space<vmem>>
      %dma_wait3A_1417 = arith.constant 0 : i32
      %dma_wait3A_1418 = arith.constant 0 : i32
      %dma_wait3A_1419 = tpu.memref_slice %arg6[%dma_wait3A_1417, %dma_wait3A_1418] : memref<10112x128xf32, #tpu.memory_space<vmem_shared>> -> memref<10112x128xf32, #tpu.memory_space<vmem_shared>>
      tpu.wait_indirect_dma semaphore(%run_scoped3A_1407 : memref<!tpu.dma_semaphore, #tpu.memory_space<semaphore_mem>>) src(%arg9 : memref<128x128xf32, #tpu.memory_space<vmem>>) dst(%dma_wait3A_1419 : memref<10112x128xf32, #tpu.memory_space<vmem_shared>>)
      tpu.yield
    }) : () -> ()
    %dma_start3A_905 = arith.constant 6 : i32
    %dma_start3A_906 = arith.constant 0 : i32
    %dma_start3A_907 = tpu.memref_slice %arg7[%dma_start3A_905, %dma_start3A_906] : memref<8x128xi32, #tpu.memory_space<vmem>> -> memref<1x128xi32, #tpu.memory_space<vmem>>
    %dma_start3A_908 = tpu.memref_squeeze %dma_start3A_907 : memref<1x128xi32, #tpu.memory_space<vmem>> -> memref<128xi32, #tpu.memory_space<vmem>>
    %dma_start3A_909 = arith.constant 0 : i32
    %dma_start3A_910 = arith.constant 0 : i32
    %dma_start3A_911 = tpu.memref_slice %arg2[%dma_start3A_909, %dma_start3A_910] : memref<10000x128xf32, #tpu.memory_space<hbm>> -> memref<10000x128xf32, #tpu.memory_space<hbm>>
    tpu.enqueue_indirect_dma source(%dma_start3A_911 : memref<10000x128xf32, #tpu.memory_space<hbm>>) target(%arg10 : memref<128x128xf32, #tpu.memory_space<vmem>>) offsets(%dma_start3A_908 : memref<128xi32, #tpu.memory_space<vmem>>) semaphore(%arg12 : memref<!tpu.dma_semaphore, #tpu.memory_space<semaphore_mem>>)
    %dma_wait3A_912 = arith.constant 6 : i32
    %dma_wait3A_913 = arith.constant 0 : i32
    %dma_wait3A_914 = tpu.memref_slice %arg7[%dma_wait3A_912, %dma_wait3A_913] : memref<8x128xi32, #tpu.memory_space<vmem>> -> memref<1x128xi32, #tpu.memory_space<vmem>>
    %dma_wait3A_915 = tpu.memref_squeeze %dma_wait3A_914 : memref<1x128xi32, #tpu.memory_space<vmem>> -> memref<128xi32, #tpu.memory_space<vmem>>
    %dma_wait3A_916 = arith.constant 0 : i32
    %dma_wait3A_917 = arith.constant 0 : i32
    %dma_wait3A_918 = tpu.memref_slice %arg2[%dma_wait3A_916, %dma_wait3A_917] : memref<10000x128xf32, #tpu.memory_space<hbm>> -> memref<10000x128xf32, #tpu.memory_space<hbm>>
    tpu.wait_indirect_dma semaphore(%arg12 : memref<!tpu.dma_semaphore, #tpu.memory_space<semaphore_mem>>) src(%dma_wait3A_918 : memref<10000x128xf32, #tpu.memory_space<hbm>>) dst(%arg10 : memref<128x128xf32, #tpu.memory_space<vmem>>)
    %run_scoped3A_919 = arith.constant 7 : i32
    "tpu.region"() ({
      %run_scoped3A_1407 = tpu.sem_alloc : memref<!tpu.dma_semaphore, #tpu.memory_space<semaphore_mem>>
      %dma_start3A_1408 = arith.constant 0 : i32
      %dma_start3A_1409 = tpu.memref_slice %arg7[%run_scoped3A_919, %dma_start3A_1408] : memref<8x128xi32, #tpu.memory_space<vmem>> -> memref<1x128xi32, #tpu.memory_space<vmem>>
      %dma_start3A_1410 = tpu.memref_squeeze %dma_start3A_1409 : memref<1x128xi32, #tpu.memory_space<vmem>> -> memref<128xi32, #tpu.memory_space<vmem>>
      %dma_start3A_1411 = arith.constant 0 : i32
      %dma_start3A_1412 = arith.constant 0 : i32
      %dma_start3A_1413 = tpu.memref_slice %arg6[%dma_start3A_1411, %dma_start3A_1412] : memref<10112x128xf32, #tpu.memory_space<vmem_shared>> -> memref<10112x128xf32, #tpu.memory_space<vmem_shared>>
      tpu.enqueue_indirect_dma source(%arg10 : memref<128x128xf32, #tpu.memory_space<vmem>>) target(%dma_start3A_1413 : memref<10112x128xf32, #tpu.memory_space<vmem_shared>>) offsets(%dma_start3A_1410 : memref<128xi32, #tpu.memory_space<vmem>>) semaphore(%run_scoped3A_1407 : memref<!tpu.dma_semaphore, #tpu.memory_space<semaphore_mem>>) {add = true}
      %dma_wait3A_1414 = arith.constant 0 : i32
      %dma_wait3A_1415 = tpu.memref_slice %arg7[%run_scoped3A_919, %dma_wait3A_1414] : memref<8x128xi32, #tpu.memory_space<vmem>> -> memref<1x128xi32, #tpu.memory_space<vmem>>
      %dma_wait3A_1416 = tpu.memref_squeeze %dma_wait3A_1415 : memref<1x128xi32, #tpu.memory_space<vmem>> -> memref<128xi32, #tpu.memory_space<vmem>>
      %dma_wait3A_1417 = arith.constant 0 : i32
      %dma_wait3A_1418 = arith.constant 0 : i32
      %dma_wait3A_1419 = tpu.memref_slice %arg6[%dma_wait3A_1417, %dma_wait3A_1418] : memref<10112x128xf32, #tpu.memory_space<vmem_shared>> -> memref<10112x128xf32, #tpu.memory_space<vmem_shared>>
      tpu.wait_indirect_dma semaphore(%run_scoped3A_1407 : memref<!tpu.dma_semaphore, #tpu.memory_space<semaphore_mem>>) src(%arg10 : memref<128x128xf32, #tpu.memory_space<vmem>>) dst(%dma_wait3A_1419 : memref<10112x128xf32, #tpu.memory_space<vmem_shared>>)
      tpu.yield
    }) : () -> ()
    %add3A_920 = arith.constant 112 : i32
    %add3A_921 = arith.addi %mul3A_4, %add3A_920 : i32
    %dma_start3A_922 = arith.constant 0 : i32
    %dma_start3A_923 = tpu.memref_slice %arg3[%add3A_921, %dma_start3A_922] : memref<5120x128xi32, #tpu.memory_space<hbm>> -> memref<8x128xi32, #tpu.memory_space<hbm>>
    %dma_start3A_924 = arith.constant 0 : i32
    %dma_start3A_925 = tpu.memref_slice %arg3[%add3A_921, %dma_start3A_924] : memref<5120x128xi32, #tpu.memory_space<hbm>> -> memref<8x128xi32, #tpu.memory_space<hbm>>
    tpu.enqueue_dma source(%dma_start3A_925 : memref<8x128xi32, #tpu.memory_space<hbm>>) target(%arg7 : memref<8x128xi32, #tpu.memory_space<vmem>>) target_semaphore(%arg13 : memref<!tpu.dma_semaphore, #tpu.memory_space<semaphore_mem>>)
    %dma_wait3A_926 = arith.constant 0 : i32
    %dma_wait3A_927 = tpu.memref_slice %arg3[%add3A_851, %dma_wait3A_926] : memref<5120x128xi32, #tpu.memory_space<hbm>> -> memref<8x128xi32, #tpu.memory_space<hbm>>
    %dma_wait3A_928 = arith.constant 0 : i32
    %dma_wait3A_929 = tpu.memref_slice %arg3[%add3A_851, %dma_wait3A_928] : memref<5120x128xi32, #tpu.memory_space<hbm>> -> memref<8x128xi32, #tpu.memory_space<hbm>>
    tpu.wait_dma2 semaphore(%arg14 : memref<!tpu.dma_semaphore, #tpu.memory_space<semaphore_mem>>) src(%dma_wait3A_929 : memref<8x128xi32, #tpu.memory_space<hbm>>) dst(%arg8 : memref<8x128xi32, #tpu.memory_space<vmem>>)
    %dma_start3A_930 = arith.constant 0 : i32
    %dma_start3A_931 = arith.constant 0 : i32
    %dma_start3A_932 = tpu.memref_slice %arg8[%dma_start3A_930, %dma_start3A_931] : memref<8x128xi32, #tpu.memory_space<vmem>> -> memref<1x128xi32, #tpu.memory_space<vmem>>
    %dma_start3A_933 = tpu.memref_squeeze %dma_start3A_932 : memref<1x128xi32, #tpu.memory_space<vmem>> -> memref<128xi32, #tpu.memory_space<vmem>>
    %dma_start3A_934 = arith.constant 0 : i32
    %dma_start3A_935 = arith.constant 0 : i32
    %dma_start3A_936 = tpu.memref_slice %arg2[%dma_start3A_934, %dma_start3A_935] : memref<10000x128xf32, #tpu.memory_space<hbm>> -> memref<10000x128xf32, #tpu.memory_space<hbm>>
    tpu.enqueue_indirect_dma source(%dma_start3A_936 : memref<10000x128xf32, #tpu.memory_space<hbm>>) target(%arg9 : memref<128x128xf32, #tpu.memory_space<vmem>>) offsets(%dma_start3A_933 : memref<128xi32, #tpu.memory_space<vmem>>) semaphore(%arg11 : memref<!tpu.dma_semaphore, #tpu.memory_space<semaphore_mem>>)
    %dma_wait3A_937 = arith.constant 0 : i32
    %dma_wait3A_938 = arith.constant 0 : i32
    %dma_wait3A_939 = tpu.memref_slice %arg8[%dma_wait3A_937, %dma_wait3A_938] : memref<8x128xi32, #tpu.memory_space<vmem>> -> memref<1x128xi32, #tpu.memory_space<vmem>>
    %dma_wait3A_940 = tpu.memref_squeeze %dma_wait3A_939 : memref<1x128xi32, #tpu.memory_space<vmem>> -> memref<128xi32, #tpu.memory_space<vmem>>
    %dma_wait3A_941 = arith.constant 0 : i32
    %dma_wait3A_942 = arith.constant 0 : i32
    %dma_wait3A_943 = tpu.memref_slice %arg2[%dma_wait3A_941, %dma_wait3A_942] : memref<10000x128xf32, #tpu.memory_space<hbm>> -> memref<10000x128xf32, #tpu.memory_space<hbm>>
    tpu.wait_indirect_dma semaphore(%arg11 : memref<!tpu.dma_semaphore, #tpu.memory_space<semaphore_mem>>) src(%dma_wait3A_943 : memref<10000x128xf32, #tpu.memory_space<hbm>>) dst(%arg9 : memref<128x128xf32, #tpu.memory_space<vmem>>)
    %run_scoped3A_944 = arith.constant 1 : i32
    "tpu.region"() ({
      %run_scoped3A_1407 = tpu.sem_alloc : memref<!tpu.dma_semaphore, #tpu.memory_space<semaphore_mem>>
      %dma_start3A_1408 = arith.constant 0 : i32
      %dma_start3A_1409 = tpu.memref_slice %arg8[%run_scoped3A_944, %dma_start3A_1408] : memref<8x128xi32, #tpu.memory_space<vmem>> -> memref<1x128xi32, #tpu.memory_space<vmem>>
      %dma_start3A_1410 = tpu.memref_squeeze %dma_start3A_1409 : memref<1x128xi32, #tpu.memory_space<vmem>> -> memref<128xi32, #tpu.memory_space<vmem>>
      %dma_start3A_1411 = arith.constant 0 : i32
      %dma_start3A_1412 = arith.constant 0 : i32
      %dma_start3A_1413 = tpu.memref_slice %arg6[%dma_start3A_1411, %dma_start3A_1412] : memref<10112x128xf32, #tpu.memory_space<vmem_shared>> -> memref<10112x128xf32, #tpu.memory_space<vmem_shared>>
      tpu.enqueue_indirect_dma source(%arg9 : memref<128x128xf32, #tpu.memory_space<vmem>>) target(%dma_start3A_1413 : memref<10112x128xf32, #tpu.memory_space<vmem_shared>>) offsets(%dma_start3A_1410 : memref<128xi32, #tpu.memory_space<vmem>>) semaphore(%run_scoped3A_1407 : memref<!tpu.dma_semaphore, #tpu.memory_space<semaphore_mem>>) {add = true}
      %dma_wait3A_1414 = arith.constant 0 : i32
      %dma_wait3A_1415 = tpu.memref_slice %arg8[%run_scoped3A_944, %dma_wait3A_1414] : memref<8x128xi32, #tpu.memory_space<vmem>> -> memref<1x128xi32, #tpu.memory_space<vmem>>
      %dma_wait3A_1416 = tpu.memref_squeeze %dma_wait3A_1415 : memref<1x128xi32, #tpu.memory_space<vmem>> -> memref<128xi32, #tpu.memory_space<vmem>>
      %dma_wait3A_1417 = arith.constant 0 : i32
      %dma_wait3A_1418 = arith.constant 0 : i32
      %dma_wait3A_1419 = tpu.memref_slice %arg6[%dma_wait3A_1417, %dma_wait3A_1418] : memref<10112x128xf32, #tpu.memory_space<vmem_shared>> -> memref<10112x128xf32, #tpu.memory_space<vmem_shared>>
      tpu.wait_indirect_dma semaphore(%run_scoped3A_1407 : memref<!tpu.dma_semaphore, #tpu.memory_space<semaphore_mem>>) src(%arg9 : memref<128x128xf32, #tpu.memory_space<vmem>>) dst(%dma_wait3A_1419 : memref<10112x128xf32, #tpu.memory_space<vmem_shared>>)
      tpu.yield
    }) : () -> ()
    %dma_start3A_945 = arith.constant 2 : i32
    %dma_start3A_946 = arith.constant 0 : i32
    %dma_start3A_947 = tpu.memref_slice %arg8[%dma_start3A_945, %dma_start3A_946] : memref<8x128xi32, #tpu.memory_space<vmem>> -> memref<1x128xi32, #tpu.memory_space<vmem>>
    %dma_start3A_948 = tpu.memref_squeeze %dma_start3A_947 : memref<1x128xi32, #tpu.memory_space<vmem>> -> memref<128xi32, #tpu.memory_space<vmem>>
    %dma_start3A_949 = arith.constant 0 : i32
    %dma_start3A_950 = arith.constant 0 : i32
    %dma_start3A_951 = tpu.memref_slice %arg2[%dma_start3A_949, %dma_start3A_950] : memref<10000x128xf32, #tpu.memory_space<hbm>> -> memref<10000x128xf32, #tpu.memory_space<hbm>>
    tpu.enqueue_indirect_dma source(%dma_start3A_951 : memref<10000x128xf32, #tpu.memory_space<hbm>>) target(%arg10 : memref<128x128xf32, #tpu.memory_space<vmem>>) offsets(%dma_start3A_948 : memref<128xi32, #tpu.memory_space<vmem>>) semaphore(%arg12 : memref<!tpu.dma_semaphore, #tpu.memory_space<semaphore_mem>>)
    %dma_wait3A_952 = arith.constant 2 : i32
    %dma_wait3A_953 = arith.constant 0 : i32
    %dma_wait3A_954 = tpu.memref_slice %arg8[%dma_wait3A_952, %dma_wait3A_953] : memref<8x128xi32, #tpu.memory_space<vmem>> -> memref<1x128xi32, #tpu.memory_space<vmem>>
    %dma_wait3A_955 = tpu.memref_squeeze %dma_wait3A_954 : memref<1x128xi32, #tpu.memory_space<vmem>> -> memref<128xi32, #tpu.memory_space<vmem>>
    %dma_wait3A_956 = arith.constant 0 : i32
    %dma_wait3A_957 = arith.constant 0 : i32
    %dma_wait3A_958 = tpu.memref_slice %arg2[%dma_wait3A_956, %dma_wait3A_957] : memref<10000x128xf32, #tpu.memory_space<hbm>> -> memref<10000x128xf32, #tpu.memory_space<hbm>>
    tpu.wait_indirect_dma semaphore(%arg12 : memref<!tpu.dma_semaphore, #tpu.memory_space<semaphore_mem>>) src(%dma_wait3A_958 : memref<10000x128xf32, #tpu.memory_space<hbm>>) dst(%arg10 : memref<128x128xf32, #tpu.memory_space<vmem>>)
    %run_scoped3A_959 = arith.constant 3 : i32
    "tpu.region"() ({
      %run_scoped3A_1407 = tpu.sem_alloc : memref<!tpu.dma_semaphore, #tpu.memory_space<semaphore_mem>>
      %dma_start3A_1408 = arith.constant 0 : i32
      %dma_start3A_1409 = tpu.memref_slice %arg8[%run_scoped3A_959, %dma_start3A_1408] : memref<8x128xi32, #tpu.memory_space<vmem>> -> memref<1x128xi32, #tpu.memory_space<vmem>>
      %dma_start3A_1410 = tpu.memref_squeeze %dma_start3A_1409 : memref<1x128xi32, #tpu.memory_space<vmem>> -> memref<128xi32, #tpu.memory_space<vmem>>
      %dma_start3A_1411 = arith.constant 0 : i32
      %dma_start3A_1412 = arith.constant 0 : i32
      %dma_start3A_1413 = tpu.memref_slice %arg6[%dma_start3A_1411, %dma_start3A_1412] : memref<10112x128xf32, #tpu.memory_space<vmem_shared>> -> memref<10112x128xf32, #tpu.memory_space<vmem_shared>>
      tpu.enqueue_indirect_dma source(%arg10 : memref<128x128xf32, #tpu.memory_space<vmem>>) target(%dma_start3A_1413 : memref<10112x128xf32, #tpu.memory_space<vmem_shared>>) offsets(%dma_start3A_1410 : memref<128xi32, #tpu.memory_space<vmem>>) semaphore(%run_scoped3A_1407 : memref<!tpu.dma_semaphore, #tpu.memory_space<semaphore_mem>>) {add = true}
      %dma_wait3A_1414 = arith.constant 0 : i32
      %dma_wait3A_1415 = tpu.memref_slice %arg8[%run_scoped3A_959, %dma_wait3A_1414] : memref<8x128xi32, #tpu.memory_space<vmem>> -> memref<1x128xi32, #tpu.memory_space<vmem>>
      %dma_wait3A_1416 = tpu.memref_squeeze %dma_wait3A_1415 : memref<1x128xi32, #tpu.memory_space<vmem>> -> memref<128xi32, #tpu.memory_space<vmem>>
      %dma_wait3A_1417 = arith.constant 0 : i32
      %dma_wait3A_1418 = arith.constant 0 : i32
      %dma_wait3A_1419 = tpu.memref_slice %arg6[%dma_wait3A_1417, %dma_wait3A_1418] : memref<10112x128xf32, #tpu.memory_space<vmem_shared>> -> memref<10112x128xf32, #tpu.memory_space<vmem_shared>>
      tpu.wait_indirect_dma semaphore(%run_scoped3A_1407 : memref<!tpu.dma_semaphore, #tpu.memory_space<semaphore_mem>>) src(%arg10 : memref<128x128xf32, #tpu.memory_space<vmem>>) dst(%dma_wait3A_1419 : memref<10112x128xf32, #tpu.memory_space<vmem_shared>>)
      tpu.yield
    }) : () -> ()
    %dma_start3A_960 = arith.constant 4 : i32
    %dma_start3A_961 = arith.constant 0 : i32
    %dma_start3A_962 = tpu.memref_slice %arg8[%dma_start3A_960, %dma_start3A_961] : memref<8x128xi32, #tpu.memory_space<vmem>> -> memref<1x128xi32, #tpu.memory_space<vmem>>
    %dma_start3A_963 = tpu.memref_squeeze %dma_start3A_962 : memref<1x128xi32, #tpu.memory_space<vmem>> -> memref<128xi32, #tpu.memory_space<vmem>>
    %dma_start3A_964 = arith.constant 0 : i32
    %dma_start3A_965 = arith.constant 0 : i32
    %dma_start3A_966 = tpu.memref_slice %arg2[%dma_start3A_964, %dma_start3A_965] : memref<10000x128xf32, #tpu.memory_space<hbm>> -> memref<10000x128xf32, #tpu.memory_space<hbm>>
    tpu.enqueue_indirect_dma source(%dma_start3A_966 : memref<10000x128xf32, #tpu.memory_space<hbm>>) target(%arg9 : memref<128x128xf32, #tpu.memory_space<vmem>>) offsets(%dma_start3A_963 : memref<128xi32, #tpu.memory_space<vmem>>) semaphore(%arg11 : memref<!tpu.dma_semaphore, #tpu.memory_space<semaphore_mem>>)
    %dma_wait3A_967 = arith.constant 4 : i32
    %dma_wait3A_968 = arith.constant 0 : i32
    %dma_wait3A_969 = tpu.memref_slice %arg8[%dma_wait3A_967, %dma_wait3A_968] : memref<8x128xi32, #tpu.memory_space<vmem>> -> memref<1x128xi32, #tpu.memory_space<vmem>>
    %dma_wait3A_970 = tpu.memref_squeeze %dma_wait3A_969 : memref<1x128xi32, #tpu.memory_space<vmem>> -> memref<128xi32, #tpu.memory_space<vmem>>
    %dma_wait3A_971 = arith.constant 0 : i32
    %dma_wait3A_972 = arith.constant 0 : i32
    %dma_wait3A_973 = tpu.memref_slice %arg2[%dma_wait3A_971, %dma_wait3A_972] : memref<10000x128xf32, #tpu.memory_space<hbm>> -> memref<10000x128xf32, #tpu.memory_space<hbm>>
    tpu.wait_indirect_dma semaphore(%arg11 : memref<!tpu.dma_semaphore, #tpu.memory_space<semaphore_mem>>) src(%dma_wait3A_973 : memref<10000x128xf32, #tpu.memory_space<hbm>>) dst(%arg9 : memref<128x128xf32, #tpu.memory_space<vmem>>)
    %run_scoped3A_974 = arith.constant 5 : i32
    "tpu.region"() ({
      %run_scoped3A_1407 = tpu.sem_alloc : memref<!tpu.dma_semaphore, #tpu.memory_space<semaphore_mem>>
      %dma_start3A_1408 = arith.constant 0 : i32
      %dma_start3A_1409 = tpu.memref_slice %arg8[%run_scoped3A_974, %dma_start3A_1408] : memref<8x128xi32, #tpu.memory_space<vmem>> -> memref<1x128xi32, #tpu.memory_space<vmem>>
      %dma_start3A_1410 = tpu.memref_squeeze %dma_start3A_1409 : memref<1x128xi32, #tpu.memory_space<vmem>> -> memref<128xi32, #tpu.memory_space<vmem>>
      %dma_start3A_1411 = arith.constant 0 : i32
      %dma_start3A_1412 = arith.constant 0 : i32
      %dma_start3A_1413 = tpu.memref_slice %arg6[%dma_start3A_1411, %dma_start3A_1412] : memref<10112x128xf32, #tpu.memory_space<vmem_shared>> -> memref<10112x128xf32, #tpu.memory_space<vmem_shared>>
      tpu.enqueue_indirect_dma source(%arg9 : memref<128x128xf32, #tpu.memory_space<vmem>>) target(%dma_start3A_1413 : memref<10112x128xf32, #tpu.memory_space<vmem_shared>>) offsets(%dma_start3A_1410 : memref<128xi32, #tpu.memory_space<vmem>>) semaphore(%run_scoped3A_1407 : memref<!tpu.dma_semaphore, #tpu.memory_space<semaphore_mem>>) {add = true}
      %dma_wait3A_1414 = arith.constant 0 : i32
      %dma_wait3A_1415 = tpu.memref_slice %arg8[%run_scoped3A_974, %dma_wait3A_1414] : memref<8x128xi32, #tpu.memory_space<vmem>> -> memref<1x128xi32, #tpu.memory_space<vmem>>
      %dma_wait3A_1416 = tpu.memref_squeeze %dma_wait3A_1415 : memref<1x128xi32, #tpu.memory_space<vmem>> -> memref<128xi32, #tpu.memory_space<vmem>>
      %dma_wait3A_1417 = arith.constant 0 : i32
      %dma_wait3A_1418 = arith.constant 0 : i32
      %dma_wait3A_1419 = tpu.memref_slice %arg6[%dma_wait3A_1417, %dma_wait3A_1418] : memref<10112x128xf32, #tpu.memory_space<vmem_shared>> -> memref<10112x128xf32, #tpu.memory_space<vmem_shared>>
      tpu.wait_indirect_dma semaphore(%run_scoped3A_1407 : memref<!tpu.dma_semaphore, #tpu.memory_space<semaphore_mem>>) src(%arg9 : memref<128x128xf32, #tpu.memory_space<vmem>>) dst(%dma_wait3A_1419 : memref<10112x128xf32, #tpu.memory_space<vmem_shared>>)
      tpu.yield
    }) : () -> ()
    %dma_start3A_975 = arith.constant 6 : i32
    %dma_start3A_976 = arith.constant 0 : i32
    %dma_start3A_977 = tpu.memref_slice %arg8[%dma_start3A_975, %dma_start3A_976] : memref<8x128xi32, #tpu.memory_space<vmem>> -> memref<1x128xi32, #tpu.memory_space<vmem>>
    %dma_start3A_978 = tpu.memref_squeeze %dma_start3A_977 : memref<1x128xi32, #tpu.memory_space<vmem>> -> memref<128xi32, #tpu.memory_space<vmem>>
    %dma_start3A_979 = arith.constant 0 : i32
    %dma_start3A_980 = arith.constant 0 : i32
    %dma_start3A_981 = tpu.memref_slice %arg2[%dma_start3A_979, %dma_start3A_980] : memref<10000x128xf32, #tpu.memory_space<hbm>> -> memref<10000x128xf32, #tpu.memory_space<hbm>>
    tpu.enqueue_indirect_dma source(%dma_start3A_981 : memref<10000x128xf32, #tpu.memory_space<hbm>>) target(%arg10 : memref<128x128xf32, #tpu.memory_space<vmem>>) offsets(%dma_start3A_978 : memref<128xi32, #tpu.memory_space<vmem>>) semaphore(%arg12 : memref<!tpu.dma_semaphore, #tpu.memory_space<semaphore_mem>>)
    %dma_wait3A_982 = arith.constant 6 : i32
    %dma_wait3A_983 = arith.constant 0 : i32
    %dma_wait3A_984 = tpu.memref_slice %arg8[%dma_wait3A_982, %dma_wait3A_983] : memref<8x128xi32, #tpu.memory_space<vmem>> -> memref<1x128xi32, #tpu.memory_space<vmem>>
    %dma_wait3A_985 = tpu.memref_squeeze %dma_wait3A_984 : memref<1x128xi32, #tpu.memory_space<vmem>> -> memref<128xi32, #tpu.memory_space<vmem>>
    %dma_wait3A_986 = arith.constant 0 : i32
    %dma_wait3A_987 = arith.constant 0 : i32
    %dma_wait3A_988 = tpu.memref_slice %arg2[%dma_wait3A_986, %dma_wait3A_987] : memref<10000x128xf32, #tpu.memory_space<hbm>> -> memref<10000x128xf32, #tpu.memory_space<hbm>>
    tpu.wait_indirect_dma semaphore(%arg12 : memref<!tpu.dma_semaphore, #tpu.memory_space<semaphore_mem>>) src(%dma_wait3A_988 : memref<10000x128xf32, #tpu.memory_space<hbm>>) dst(%arg10 : memref<128x128xf32, #tpu.memory_space<vmem>>)
    %run_scoped3A_989 = arith.constant 7 : i32
    "tpu.region"() ({
      %run_scoped3A_1407 = tpu.sem_alloc : memref<!tpu.dma_semaphore, #tpu.memory_space<semaphore_mem>>
      %dma_start3A_1408 = arith.constant 0 : i32
      %dma_start3A_1409 = tpu.memref_slice %arg8[%run_scoped3A_989, %dma_start3A_1408] : memref<8x128xi32, #tpu.memory_space<vmem>> -> memref<1x128xi32, #tpu.memory_space<vmem>>
      %dma_start3A_1410 = tpu.memref_squeeze %dma_start3A_1409 : memref<1x128xi32, #tpu.memory_space<vmem>> -> memref<128xi32, #tpu.memory_space<vmem>>
      %dma_start3A_1411 = arith.constant 0 : i32
      %dma_start3A_1412 = arith.constant 0 : i32
      %dma_start3A_1413 = tpu.memref_slice %arg6[%dma_start3A_1411, %dma_start3A_1412] : memref<10112x128xf32, #tpu.memory_space<vmem_shared>> -> memref<10112x128xf32, #tpu.memory_space<vmem_shared>>
      tpu.enqueue_indirect_dma source(%arg10 : memref<128x128xf32, #tpu.memory_space<vmem>>) target(%dma_start3A_1413 : memref<10112x128xf32, #tpu.memory_space<vmem_shared>>) offsets(%dma_start3A_1410 : memref<128xi32, #tpu.memory_space<vmem>>) semaphore(%run_scoped3A_1407 : memref<!tpu.dma_semaphore, #tpu.memory_space<semaphore_mem>>) {add = true}
      %dma_wait3A_1414 = arith.constant 0 : i32
      %dma_wait3A_1415 = tpu.memref_slice %arg8[%run_scoped3A_989, %dma_wait3A_1414] : memref<8x128xi32, #tpu.memory_space<vmem>> -> memref<1x128xi32, #tpu.memory_space<vmem>>
      %dma_wait3A_1416 = tpu.memref_squeeze %dma_wait3A_1415 : memref<1x128xi32, #tpu.memory_space<vmem>> -> memref<128xi32, #tpu.memory_space<vmem>>
      %dma_wait3A_1417 = arith.constant 0 : i32
      %dma_wait3A_1418 = arith.constant 0 : i32
      %dma_wait3A_1419 = tpu.memref_slice %arg6[%dma_wait3A_1417, %dma_wait3A_1418] : memref<10112x128xf32, #tpu.memory_space<vmem_shared>> -> memref<10112x128xf32, #tpu.memory_space<vmem_shared>>
      tpu.wait_indirect_dma semaphore(%run_scoped3A_1407 : memref<!tpu.dma_semaphore, #tpu.memory_space<semaphore_mem>>) src(%arg10 : memref<128x128xf32, #tpu.memory_space<vmem>>) dst(%dma_wait3A_1419 : memref<10112x128xf32, #tpu.memory_space<vmem_shared>>)
      tpu.yield
    }) : () -> ()
    %add3A_990 = arith.constant 120 : i32
    %add3A_991 = arith.addi %mul3A_4, %add3A_990 : i32
    %dma_start3A_992 = arith.constant 0 : i32
    %dma_start3A_993 = tpu.memref_slice %arg3[%add3A_991, %dma_start3A_992] : memref<5120x128xi32, #tpu.memory_space<hbm>> -> memref<8x128xi32, #tpu.memory_space<hbm>>
    %dma_start3A_994 = arith.constant 0 : i32
    %dma_start3A_995 = tpu.memref_slice %arg3[%add3A_991, %dma_start3A_994] : memref<5120x128xi32, #tpu.memory_space<hbm>> -> memref<8x128xi32, #tpu.memory_space<hbm>>
    tpu.enqueue_dma source(%dma_start3A_995 : memref<8x128xi32, #tpu.memory_space<hbm>>) target(%arg8 : memref<8x128xi32, #tpu.memory_space<vmem>>) target_semaphore(%arg14 : memref<!tpu.dma_semaphore, #tpu.memory_space<semaphore_mem>>)
    %dma_wait3A_996 = arith.constant 0 : i32
    %dma_wait3A_997 = tpu.memref_slice %arg3[%add3A_921, %dma_wait3A_996] : memref<5120x128xi32, #tpu.memory_space<hbm>> -> memref<8x128xi32, #tpu.memory_space<hbm>>
    %dma_wait3A_998 = arith.constant 0 : i32
    %dma_wait3A_999 = tpu.memref_slice %arg3[%add3A_921, %dma_wait3A_998] : memref<5120x128xi32, #tpu.memory_space<hbm>> -> memref<8x128xi32, #tpu.memory_space<hbm>>
    tpu.wait_dma2 semaphore(%arg13 : memref<!tpu.dma_semaphore, #tpu.memory_space<semaphore_mem>>) src(%dma_wait3A_999 : memref<8x128xi32, #tpu.memory_space<hbm>>) dst(%arg7 : memref<8x128xi32, #tpu.memory_space<vmem>>)
    %dma_start3A_1000 = arith.constant 0 : i32
    %dma_start3A_1001 = arith.constant 0 : i32
    %dma_start3A_1002 = tpu.memref_slice %arg7[%dma_start3A_1000, %dma_start3A_1001] : memref<8x128xi32, #tpu.memory_space<vmem>> -> memref<1x128xi32, #tpu.memory_space<vmem>>
    %dma_start3A_1003 = tpu.memref_squeeze %dma_start3A_1002 : memref<1x128xi32, #tpu.memory_space<vmem>> -> memref<128xi32, #tpu.memory_space<vmem>>
    %dma_start3A_1004 = arith.constant 0 : i32
    %dma_start3A_1005 = arith.constant 0 : i32
    %dma_start3A_1006 = tpu.memref_slice %arg2[%dma_start3A_1004, %dma_start3A_1005] : memref<10000x128xf32, #tpu.memory_space<hbm>> -> memref<10000x128xf32, #tpu.memory_space<hbm>>
    tpu.enqueue_indirect_dma source(%dma_start3A_1006 : memref<10000x128xf32, #tpu.memory_space<hbm>>) target(%arg9 : memref<128x128xf32, #tpu.memory_space<vmem>>) offsets(%dma_start3A_1003 : memref<128xi32, #tpu.memory_space<vmem>>) semaphore(%arg11 : memref<!tpu.dma_semaphore, #tpu.memory_space<semaphore_mem>>)
    %dma_wait3A_1007 = arith.constant 0 : i32
    %dma_wait3A_1008 = arith.constant 0 : i32
    %dma_wait3A_1009 = tpu.memref_slice %arg7[%dma_wait3A_1007, %dma_wait3A_1008] : memref<8x128xi32, #tpu.memory_space<vmem>> -> memref<1x128xi32, #tpu.memory_space<vmem>>
    %dma_wait3A_1010 = tpu.memref_squeeze %dma_wait3A_1009 : memref<1x128xi32, #tpu.memory_space<vmem>> -> memref<128xi32, #tpu.memory_space<vmem>>
    %dma_wait3A_1011 = arith.constant 0 : i32
    %dma_wait3A_1012 = arith.constant 0 : i32
    %dma_wait3A_1013 = tpu.memref_slice %arg2[%dma_wait3A_1011, %dma_wait3A_1012] : memref<10000x128xf32, #tpu.memory_space<hbm>> -> memref<10000x128xf32, #tpu.memory_space<hbm>>
    tpu.wait_indirect_dma semaphore(%arg11 : memref<!tpu.dma_semaphore, #tpu.memory_space<semaphore_mem>>) src(%dma_wait3A_1013 : memref<10000x128xf32, #tpu.memory_space<hbm>>) dst(%arg9 : memref<128x128xf32, #tpu.memory_space<vmem>>)
    %run_scoped3A_1014 = arith.constant 1 : i32
    "tpu.region"() ({
      %run_scoped3A_1407 = tpu.sem_alloc : memref<!tpu.dma_semaphore, #tpu.memory_space<semaphore_mem>>
      %dma_start3A_1408 = arith.constant 0 : i32
      %dma_start3A_1409 = tpu.memref_slice %arg7[%run_scoped3A_1014, %dma_start3A_1408] : memref<8x128xi32, #tpu.memory_space<vmem>> -> memref<1x128xi32, #tpu.memory_space<vmem>>
      %dma_start3A_1410 = tpu.memref_squeeze %dma_start3A_1409 : memref<1x128xi32, #tpu.memory_space<vmem>> -> memref<128xi32, #tpu.memory_space<vmem>>
      %dma_start3A_1411 = arith.constant 0 : i32
      %dma_start3A_1412 = arith.constant 0 : i32
      %dma_start3A_1413 = tpu.memref_slice %arg6[%dma_start3A_1411, %dma_start3A_1412] : memref<10112x128xf32, #tpu.memory_space<vmem_shared>> -> memref<10112x128xf32, #tpu.memory_space<vmem_shared>>
      tpu.enqueue_indirect_dma source(%arg9 : memref<128x128xf32, #tpu.memory_space<vmem>>) target(%dma_start3A_1413 : memref<10112x128xf32, #tpu.memory_space<vmem_shared>>) offsets(%dma_start3A_1410 : memref<128xi32, #tpu.memory_space<vmem>>) semaphore(%run_scoped3A_1407 : memref<!tpu.dma_semaphore, #tpu.memory_space<semaphore_mem>>) {add = true}
      %dma_wait3A_1414 = arith.constant 0 : i32
      %dma_wait3A_1415 = tpu.memref_slice %arg7[%run_scoped3A_1014, %dma_wait3A_1414] : memref<8x128xi32, #tpu.memory_space<vmem>> -> memref<1x128xi32, #tpu.memory_space<vmem>>
      %dma_wait3A_1416 = tpu.memref_squeeze %dma_wait3A_1415 : memref<1x128xi32, #tpu.memory_space<vmem>> -> memref<128xi32, #tpu.memory_space<vmem>>
      %dma_wait3A_1417 = arith.constant 0 : i32
      %dma_wait3A_1418 = arith.constant 0 : i32
      %dma_wait3A_1419 = tpu.memref_slice %arg6[%dma_wait3A_1417, %dma_wait3A_1418] : memref<10112x128xf32, #tpu.memory_space<vmem_shared>> -> memref<10112x128xf32, #tpu.memory_space<vmem_shared>>
      tpu.wait_indirect_dma semaphore(%run_scoped3A_1407 : memref<!tpu.dma_semaphore, #tpu.memory_space<semaphore_mem>>) src(%arg9 : memref<128x128xf32, #tpu.memory_space<vmem>>) dst(%dma_wait3A_1419 : memref<10112x128xf32, #tpu.memory_space<vmem_shared>>)
      tpu.yield
    }) : () -> ()
    %dma_start3A_1015 = arith.constant 2 : i32
    %dma_start3A_1016 = arith.constant 0 : i32
    %dma_start3A_1017 = tpu.memref_slice %arg7[%dma_start3A_1015, %dma_start3A_1016] : memref<8x128xi32, #tpu.memory_space<vmem>> -> memref<1x128xi32, #tpu.memory_space<vmem>>
    %dma_start3A_1018 = tpu.memref_squeeze %dma_start3A_1017 : memref<1x128xi32, #tpu.memory_space<vmem>> -> memref<128xi32, #tpu.memory_space<vmem>>
    %dma_start3A_1019 = arith.constant 0 : i32
    %dma_start3A_1020 = arith.constant 0 : i32
    %dma_start3A_1021 = tpu.memref_slice %arg2[%dma_start3A_1019, %dma_start3A_1020] : memref<10000x128xf32, #tpu.memory_space<hbm>> -> memref<10000x128xf32, #tpu.memory_space<hbm>>
    tpu.enqueue_indirect_dma source(%dma_start3A_1021 : memref<10000x128xf32, #tpu.memory_space<hbm>>) target(%arg10 : memref<128x128xf32, #tpu.memory_space<vmem>>) offsets(%dma_start3A_1018 : memref<128xi32, #tpu.memory_space<vmem>>) semaphore(%arg12 : memref<!tpu.dma_semaphore, #tpu.memory_space<semaphore_mem>>)
    %dma_wait3A_1022 = arith.constant 2 : i32
    %dma_wait3A_1023 = arith.constant 0 : i32
    %dma_wait3A_1024 = tpu.memref_slice %arg7[%dma_wait3A_1022, %dma_wait3A_1023] : memref<8x128xi32, #tpu.memory_space<vmem>> -> memref<1x128xi32, #tpu.memory_space<vmem>>
    %dma_wait3A_1025 = tpu.memref_squeeze %dma_wait3A_1024 : memref<1x128xi32, #tpu.memory_space<vmem>> -> memref<128xi32, #tpu.memory_space<vmem>>
    %dma_wait3A_1026 = arith.constant 0 : i32
    %dma_wait3A_1027 = arith.constant 0 : i32
    %dma_wait3A_1028 = tpu.memref_slice %arg2[%dma_wait3A_1026, %dma_wait3A_1027] : memref<10000x128xf32, #tpu.memory_space<hbm>> -> memref<10000x128xf32, #tpu.memory_space<hbm>>
    tpu.wait_indirect_dma semaphore(%arg12 : memref<!tpu.dma_semaphore, #tpu.memory_space<semaphore_mem>>) src(%dma_wait3A_1028 : memref<10000x128xf32, #tpu.memory_space<hbm>>) dst(%arg10 : memref<128x128xf32, #tpu.memory_space<vmem>>)
    %run_scoped3A_1029 = arith.constant 3 : i32
    "tpu.region"() ({
      %run_scoped3A_1407 = tpu.sem_alloc : memref<!tpu.dma_semaphore, #tpu.memory_space<semaphore_mem>>
      %dma_start3A_1408 = arith.constant 0 : i32
      %dma_start3A_1409 = tpu.memref_slice %arg7[%run_scoped3A_1029, %dma_start3A_1408] : memref<8x128xi32, #tpu.memory_space<vmem>> -> memref<1x128xi32, #tpu.memory_space<vmem>>
      %dma_start3A_1410 = tpu.memref_squeeze %dma_start3A_1409 : memref<1x128xi32, #tpu.memory_space<vmem>> -> memref<128xi32, #tpu.memory_space<vmem>>
      %dma_start3A_1411 = arith.constant 0 : i32
      %dma_start3A_1412 = arith.constant 0 : i32
      %dma_start3A_1413 = tpu.memref_slice %arg6[%dma_start3A_1411, %dma_start3A_1412] : memref<10112x128xf32, #tpu.memory_space<vmem_shared>> -> memref<10112x128xf32, #tpu.memory_space<vmem_shared>>
      tpu.enqueue_indirect_dma source(%arg10 : memref<128x128xf32, #tpu.memory_space<vmem>>) target(%dma_start3A_1413 : memref<10112x128xf32, #tpu.memory_space<vmem_shared>>) offsets(%dma_start3A_1410 : memref<128xi32, #tpu.memory_space<vmem>>) semaphore(%run_scoped3A_1407 : memref<!tpu.dma_semaphore, #tpu.memory_space<semaphore_mem>>) {add = true}
      %dma_wait3A_1414 = arith.constant 0 : i32
      %dma_wait3A_1415 = tpu.memref_slice %arg7[%run_scoped3A_1029, %dma_wait3A_1414] : memref<8x128xi32, #tpu.memory_space<vmem>> -> memref<1x128xi32, #tpu.memory_space<vmem>>
      %dma_wait3A_1416 = tpu.memref_squeeze %dma_wait3A_1415 : memref<1x128xi32, #tpu.memory_space<vmem>> -> memref<128xi32, #tpu.memory_space<vmem>>
      %dma_wait3A_1417 = arith.constant 0 : i32
      %dma_wait3A_1418 = arith.constant 0 : i32
      %dma_wait3A_1419 = tpu.memref_slice %arg6[%dma_wait3A_1417, %dma_wait3A_1418] : memref<10112x128xf32, #tpu.memory_space<vmem_shared>> -> memref<10112x128xf32, #tpu.memory_space<vmem_shared>>
      tpu.wait_indirect_dma semaphore(%run_scoped3A_1407 : memref<!tpu.dma_semaphore, #tpu.memory_space<semaphore_mem>>) src(%arg10 : memref<128x128xf32, #tpu.memory_space<vmem>>) dst(%dma_wait3A_1419 : memref<10112x128xf32, #tpu.memory_space<vmem_shared>>)
      tpu.yield
    }) : () -> ()
    %dma_start3A_1030 = arith.constant 4 : i32
    %dma_start3A_1031 = arith.constant 0 : i32
    %dma_start3A_1032 = tpu.memref_slice %arg7[%dma_start3A_1030, %dma_start3A_1031] : memref<8x128xi32, #tpu.memory_space<vmem>> -> memref<1x128xi32, #tpu.memory_space<vmem>>
    %dma_start3A_1033 = tpu.memref_squeeze %dma_start3A_1032 : memref<1x128xi32, #tpu.memory_space<vmem>> -> memref<128xi32, #tpu.memory_space<vmem>>
    %dma_start3A_1034 = arith.constant 0 : i32
    %dma_start3A_1035 = arith.constant 0 : i32
    %dma_start3A_1036 = tpu.memref_slice %arg2[%dma_start3A_1034, %dma_start3A_1035] : memref<10000x128xf32, #tpu.memory_space<hbm>> -> memref<10000x128xf32, #tpu.memory_space<hbm>>
    tpu.enqueue_indirect_dma source(%dma_start3A_1036 : memref<10000x128xf32, #tpu.memory_space<hbm>>) target(%arg9 : memref<128x128xf32, #tpu.memory_space<vmem>>) offsets(%dma_start3A_1033 : memref<128xi32, #tpu.memory_space<vmem>>) semaphore(%arg11 : memref<!tpu.dma_semaphore, #tpu.memory_space<semaphore_mem>>)
    %dma_wait3A_1037 = arith.constant 4 : i32
    %dma_wait3A_1038 = arith.constant 0 : i32
    %dma_wait3A_1039 = tpu.memref_slice %arg7[%dma_wait3A_1037, %dma_wait3A_1038] : memref<8x128xi32, #tpu.memory_space<vmem>> -> memref<1x128xi32, #tpu.memory_space<vmem>>
    %dma_wait3A_1040 = tpu.memref_squeeze %dma_wait3A_1039 : memref<1x128xi32, #tpu.memory_space<vmem>> -> memref<128xi32, #tpu.memory_space<vmem>>
    %dma_wait3A_1041 = arith.constant 0 : i32
    %dma_wait3A_1042 = arith.constant 0 : i32
    %dma_wait3A_1043 = tpu.memref_slice %arg2[%dma_wait3A_1041, %dma_wait3A_1042] : memref<10000x128xf32, #tpu.memory_space<hbm>> -> memref<10000x128xf32, #tpu.memory_space<hbm>>
    tpu.wait_indirect_dma semaphore(%arg11 : memref<!tpu.dma_semaphore, #tpu.memory_space<semaphore_mem>>) src(%dma_wait3A_1043 : memref<10000x128xf32, #tpu.memory_space<hbm>>) dst(%arg9 : memref<128x128xf32, #tpu.memory_space<vmem>>)
    %run_scoped3A_1044 = arith.constant 5 : i32
    "tpu.region"() ({
      %run_scoped3A_1407 = tpu.sem_alloc : memref<!tpu.dma_semaphore, #tpu.memory_space<semaphore_mem>>
      %dma_start3A_1408 = arith.constant 0 : i32
      %dma_start3A_1409 = tpu.memref_slice %arg7[%run_scoped3A_1044, %dma_start3A_1408] : memref<8x128xi32, #tpu.memory_space<vmem>> -> memref<1x128xi32, #tpu.memory_space<vmem>>
      %dma_start3A_1410 = tpu.memref_squeeze %dma_start3A_1409 : memref<1x128xi32, #tpu.memory_space<vmem>> -> memref<128xi32, #tpu.memory_space<vmem>>
      %dma_start3A_1411 = arith.constant 0 : i32
      %dma_start3A_1412 = arith.constant 0 : i32
      %dma_start3A_1413 = tpu.memref_slice %arg6[%dma_start3A_1411, %dma_start3A_1412] : memref<10112x128xf32, #tpu.memory_space<vmem_shared>> -> memref<10112x128xf32, #tpu.memory_space<vmem_shared>>
      tpu.enqueue_indirect_dma source(%arg9 : memref<128x128xf32, #tpu.memory_space<vmem>>) target(%dma_start3A_1413 : memref<10112x128xf32, #tpu.memory_space<vmem_shared>>) offsets(%dma_start3A_1410 : memref<128xi32, #tpu.memory_space<vmem>>) semaphore(%run_scoped3A_1407 : memref<!tpu.dma_semaphore, #tpu.memory_space<semaphore_mem>>) {add = true}
      %dma_wait3A_1414 = arith.constant 0 : i32
      %dma_wait3A_1415 = tpu.memref_slice %arg7[%run_scoped3A_1044, %dma_wait3A_1414] : memref<8x128xi32, #tpu.memory_space<vmem>> -> memref<1x128xi32, #tpu.memory_space<vmem>>
      %dma_wait3A_1416 = tpu.memref_squeeze %dma_wait3A_1415 : memref<1x128xi32, #tpu.memory_space<vmem>> -> memref<128xi32, #tpu.memory_space<vmem>>
      %dma_wait3A_1417 = arith.constant 0 : i32
      %dma_wait3A_1418 = arith.constant 0 : i32
      %dma_wait3A_1419 = tpu.memref_slice %arg6[%dma_wait3A_1417, %dma_wait3A_1418] : memref<10112x128xf32, #tpu.memory_space<vmem_shared>> -> memref<10112x128xf32, #tpu.memory_space<vmem_shared>>
      tpu.wait_indirect_dma semaphore(%run_scoped3A_1407 : memref<!tpu.dma_semaphore, #tpu.memory_space<semaphore_mem>>) src(%arg9 : memref<128x128xf32, #tpu.memory_space<vmem>>) dst(%dma_wait3A_1419 : memref<10112x128xf32, #tpu.memory_space<vmem_shared>>)
      tpu.yield
    }) : () -> ()
    %dma_start3A_1045 = arith.constant 6 : i32
    %dma_start3A_1046 = arith.constant 0 : i32
    %dma_start3A_1047 = tpu.memref_slice %arg7[%dma_start3A_1045, %dma_start3A_1046] : memref<8x128xi32, #tpu.memory_space<vmem>> -> memref<1x128xi32, #tpu.memory_space<vmem>>
    %dma_start3A_1048 = tpu.memref_squeeze %dma_start3A_1047 : memref<1x128xi32, #tpu.memory_space<vmem>> -> memref<128xi32, #tpu.memory_space<vmem>>
    %dma_start3A_1049 = arith.constant 0 : i32
    %dma_start3A_1050 = arith.constant 0 : i32
    %dma_start3A_1051 = tpu.memref_slice %arg2[%dma_start3A_1049, %dma_start3A_1050] : memref<10000x128xf32, #tpu.memory_space<hbm>> -> memref<10000x128xf32, #tpu.memory_space<hbm>>
    tpu.enqueue_indirect_dma source(%dma_start3A_1051 : memref<10000x128xf32, #tpu.memory_space<hbm>>) target(%arg10 : memref<128x128xf32, #tpu.memory_space<vmem>>) offsets(%dma_start3A_1048 : memref<128xi32, #tpu.memory_space<vmem>>) semaphore(%arg12 : memref<!tpu.dma_semaphore, #tpu.memory_space<semaphore_mem>>)
    %dma_wait3A_1052 = arith.constant 6 : i32
    %dma_wait3A_1053 = arith.constant 0 : i32
    %dma_wait3A_1054 = tpu.memref_slice %arg7[%dma_wait3A_1052, %dma_wait3A_1053] : memref<8x128xi32, #tpu.memory_space<vmem>> -> memref<1x128xi32, #tpu.memory_space<vmem>>
    %dma_wait3A_1055 = tpu.memref_squeeze %dma_wait3A_1054 : memref<1x128xi32, #tpu.memory_space<vmem>> -> memref<128xi32, #tpu.memory_space<vmem>>
    %dma_wait3A_1056 = arith.constant 0 : i32
    %dma_wait3A_1057 = arith.constant 0 : i32
    %dma_wait3A_1058 = tpu.memref_slice %arg2[%dma_wait3A_1056, %dma_wait3A_1057] : memref<10000x128xf32, #tpu.memory_space<hbm>> -> memref<10000x128xf32, #tpu.memory_space<hbm>>
    tpu.wait_indirect_dma semaphore(%arg12 : memref<!tpu.dma_semaphore, #tpu.memory_space<semaphore_mem>>) src(%dma_wait3A_1058 : memref<10000x128xf32, #tpu.memory_space<hbm>>) dst(%arg10 : memref<128x128xf32, #tpu.memory_space<vmem>>)
    %run_scoped3A_1059 = arith.constant 7 : i32
    "tpu.region"() ({
      %run_scoped3A_1407 = tpu.sem_alloc : memref<!tpu.dma_semaphore, #tpu.memory_space<semaphore_mem>>
      %dma_start3A_1408 = arith.constant 0 : i32
      %dma_start3A_1409 = tpu.memref_slice %arg7[%run_scoped3A_1059, %dma_start3A_1408] : memref<8x128xi32, #tpu.memory_space<vmem>> -> memref<1x128xi32, #tpu.memory_space<vmem>>
      %dma_start3A_1410 = tpu.memref_squeeze %dma_start3A_1409 : memref<1x128xi32, #tpu.memory_space<vmem>> -> memref<128xi32, #tpu.memory_space<vmem>>
      %dma_start3A_1411 = arith.constant 0 : i32
      %dma_start3A_1412 = arith.constant 0 : i32
      %dma_start3A_1413 = tpu.memref_slice %arg6[%dma_start3A_1411, %dma_start3A_1412] : memref<10112x128xf32, #tpu.memory_space<vmem_shared>> -> memref<10112x128xf32, #tpu.memory_space<vmem_shared>>
      tpu.enqueue_indirect_dma source(%arg10 : memref<128x128xf32, #tpu.memory_space<vmem>>) target(%dma_start3A_1413 : memref<10112x128xf32, #tpu.memory_space<vmem_shared>>) offsets(%dma_start3A_1410 : memref<128xi32, #tpu.memory_space<vmem>>) semaphore(%run_scoped3A_1407 : memref<!tpu.dma_semaphore, #tpu.memory_space<semaphore_mem>>) {add = true}
      %dma_wait3A_1414 = arith.constant 0 : i32
      %dma_wait3A_1415 = tpu.memref_slice %arg7[%run_scoped3A_1059, %dma_wait3A_1414] : memref<8x128xi32, #tpu.memory_space<vmem>> -> memref<1x128xi32, #tpu.memory_space<vmem>>
      %dma_wait3A_1416 = tpu.memref_squeeze %dma_wait3A_1415 : memref<1x128xi32, #tpu.memory_space<vmem>> -> memref<128xi32, #tpu.memory_space<vmem>>
      %dma_wait3A_1417 = arith.constant 0 : i32
      %dma_wait3A_1418 = arith.constant 0 : i32
      %dma_wait3A_1419 = tpu.memref_slice %arg6[%dma_wait3A_1417, %dma_wait3A_1418] : memref<10112x128xf32, #tpu.memory_space<vmem_shared>> -> memref<10112x128xf32, #tpu.memory_space<vmem_shared>>
      tpu.wait_indirect_dma semaphore(%run_scoped3A_1407 : memref<!tpu.dma_semaphore, #tpu.memory_space<semaphore_mem>>) src(%arg10 : memref<128x128xf32, #tpu.memory_space<vmem>>) dst(%dma_wait3A_1419 : memref<10112x128xf32, #tpu.memory_space<vmem_shared>>)
      tpu.yield
    }) : () -> ()
    %add3A_1060 = arith.constant 128 : i32
    %add3A_1061 = arith.addi %mul3A_4, %add3A_1060 : i32
    %dma_start3A_1062 = arith.constant 0 : i32
    %dma_start3A_1063 = tpu.memref_slice %arg3[%add3A_1061, %dma_start3A_1062] : memref<5120x128xi32, #tpu.memory_space<hbm>> -> memref<8x128xi32, #tpu.memory_space<hbm>>
    %dma_start3A_1064 = arith.constant 0 : i32
    %dma_start3A_1065 = tpu.memref_slice %arg3[%add3A_1061, %dma_start3A_1064] : memref<5120x128xi32, #tpu.memory_space<hbm>> -> memref<8x128xi32, #tpu.memory_space<hbm>>
    tpu.enqueue_dma source(%dma_start3A_1065 : memref<8x128xi32, #tpu.memory_space<hbm>>) target(%arg7 : memref<8x128xi32, #tpu.memory_space<vmem>>) target_semaphore(%arg13 : memref<!tpu.dma_semaphore, #tpu.memory_space<semaphore_mem>>)
    %dma_wait3A_1066 = arith.constant 0 : i32
    %dma_wait3A_1067 = tpu.memref_slice %arg3[%add3A_991, %dma_wait3A_1066] : memref<5120x128xi32, #tpu.memory_space<hbm>> -> memref<8x128xi32, #tpu.memory_space<hbm>>
    %dma_wait3A_1068 = arith.constant 0 : i32
    %dma_wait3A_1069 = tpu.memref_slice %arg3[%add3A_991, %dma_wait3A_1068] : memref<5120x128xi32, #tpu.memory_space<hbm>> -> memref<8x128xi32, #tpu.memory_space<hbm>>
    tpu.wait_dma2 semaphore(%arg14 : memref<!tpu.dma_semaphore, #tpu.memory_space<semaphore_mem>>) src(%dma_wait3A_1069 : memref<8x128xi32, #tpu.memory_space<hbm>>) dst(%arg8 : memref<8x128xi32, #tpu.memory_space<vmem>>)
    %dma_start3A_1070 = arith.constant 0 : i32
    %dma_start3A_1071 = arith.constant 0 : i32
    %dma_start3A_1072 = tpu.memref_slice %arg8[%dma_start3A_1070, %dma_start3A_1071] : memref<8x128xi32, #tpu.memory_space<vmem>> -> memref<1x128xi32, #tpu.memory_space<vmem>>
    %dma_start3A_1073 = tpu.memref_squeeze %dma_start3A_1072 : memref<1x128xi32, #tpu.memory_space<vmem>> -> memref<128xi32, #tpu.memory_space<vmem>>
    %dma_start3A_1074 = arith.constant 0 : i32
    %dma_start3A_1075 = arith.constant 0 : i32
    %dma_start3A_1076 = tpu.memref_slice %arg2[%dma_start3A_1074, %dma_start3A_1075] : memref<10000x128xf32, #tpu.memory_space<hbm>> -> memref<10000x128xf32, #tpu.memory_space<hbm>>
    tpu.enqueue_indirect_dma source(%dma_start3A_1076 : memref<10000x128xf32, #tpu.memory_space<hbm>>) target(%arg9 : memref<128x128xf32, #tpu.memory_space<vmem>>) offsets(%dma_start3A_1073 : memref<128xi32, #tpu.memory_space<vmem>>) semaphore(%arg11 : memref<!tpu.dma_semaphore, #tpu.memory_space<semaphore_mem>>)
    %dma_wait3A_1077 = arith.constant 0 : i32
    %dma_wait3A_1078 = arith.constant 0 : i32
    %dma_wait3A_1079 = tpu.memref_slice %arg8[%dma_wait3A_1077, %dma_wait3A_1078] : memref<8x128xi32, #tpu.memory_space<vmem>> -> memref<1x128xi32, #tpu.memory_space<vmem>>
    %dma_wait3A_1080 = tpu.memref_squeeze %dma_wait3A_1079 : memref<1x128xi32, #tpu.memory_space<vmem>> -> memref<128xi32, #tpu.memory_space<vmem>>
    %dma_wait3A_1081 = arith.constant 0 : i32
    %dma_wait3A_1082 = arith.constant 0 : i32
    %dma_wait3A_1083 = tpu.memref_slice %arg2[%dma_wait3A_1081, %dma_wait3A_1082] : memref<10000x128xf32, #tpu.memory_space<hbm>> -> memref<10000x128xf32, #tpu.memory_space<hbm>>
    tpu.wait_indirect_dma semaphore(%arg11 : memref<!tpu.dma_semaphore, #tpu.memory_space<semaphore_mem>>) src(%dma_wait3A_1083 : memref<10000x128xf32, #tpu.memory_space<hbm>>) dst(%arg9 : memref<128x128xf32, #tpu.memory_space<vmem>>)
    %run_scoped3A_1084 = arith.constant 1 : i32
    "tpu.region"() ({
      %run_scoped3A_1407 = tpu.sem_alloc : memref<!tpu.dma_semaphore, #tpu.memory_space<semaphore_mem>>
      %dma_start3A_1408 = arith.constant 0 : i32
      %dma_start3A_1409 = tpu.memref_slice %arg8[%run_scoped3A_1084, %dma_start3A_1408] : memref<8x128xi32, #tpu.memory_space<vmem>> -> memref<1x128xi32, #tpu.memory_space<vmem>>
      %dma_start3A_1410 = tpu.memref_squeeze %dma_start3A_1409 : memref<1x128xi32, #tpu.memory_space<vmem>> -> memref<128xi32, #tpu.memory_space<vmem>>
      %dma_start3A_1411 = arith.constant 0 : i32
      %dma_start3A_1412 = arith.constant 0 : i32
      %dma_start3A_1413 = tpu.memref_slice %arg6[%dma_start3A_1411, %dma_start3A_1412] : memref<10112x128xf32, #tpu.memory_space<vmem_shared>> -> memref<10112x128xf32, #tpu.memory_space<vmem_shared>>
      tpu.enqueue_indirect_dma source(%arg9 : memref<128x128xf32, #tpu.memory_space<vmem>>) target(%dma_start3A_1413 : memref<10112x128xf32, #tpu.memory_space<vmem_shared>>) offsets(%dma_start3A_1410 : memref<128xi32, #tpu.memory_space<vmem>>) semaphore(%run_scoped3A_1407 : memref<!tpu.dma_semaphore, #tpu.memory_space<semaphore_mem>>) {add = true}
      %dma_wait3A_1414 = arith.constant 0 : i32
      %dma_wait3A_1415 = tpu.memref_slice %arg8[%run_scoped3A_1084, %dma_wait3A_1414] : memref<8x128xi32, #tpu.memory_space<vmem>> -> memref<1x128xi32, #tpu.memory_space<vmem>>
      %dma_wait3A_1416 = tpu.memref_squeeze %dma_wait3A_1415 : memref<1x128xi32, #tpu.memory_space<vmem>> -> memref<128xi32, #tpu.memory_space<vmem>>
      %dma_wait3A_1417 = arith.constant 0 : i32
      %dma_wait3A_1418 = arith.constant 0 : i32
      %dma_wait3A_1419 = tpu.memref_slice %arg6[%dma_wait3A_1417, %dma_wait3A_1418] : memref<10112x128xf32, #tpu.memory_space<vmem_shared>> -> memref<10112x128xf32, #tpu.memory_space<vmem_shared>>
      tpu.wait_indirect_dma semaphore(%run_scoped3A_1407 : memref<!tpu.dma_semaphore, #tpu.memory_space<semaphore_mem>>) src(%arg9 : memref<128x128xf32, #tpu.memory_space<vmem>>) dst(%dma_wait3A_1419 : memref<10112x128xf32, #tpu.memory_space<vmem_shared>>)
      tpu.yield
    }) : () -> ()
    %dma_start3A_1085 = arith.constant 2 : i32
    %dma_start3A_1086 = arith.constant 0 : i32
    %dma_start3A_1087 = tpu.memref_slice %arg8[%dma_start3A_1085, %dma_start3A_1086] : memref<8x128xi32, #tpu.memory_space<vmem>> -> memref<1x128xi32, #tpu.memory_space<vmem>>
    %dma_start3A_1088 = tpu.memref_squeeze %dma_start3A_1087 : memref<1x128xi32, #tpu.memory_space<vmem>> -> memref<128xi32, #tpu.memory_space<vmem>>
    %dma_start3A_1089 = arith.constant 0 : i32
    %dma_start3A_1090 = arith.constant 0 : i32
    %dma_start3A_1091 = tpu.memref_slice %arg2[%dma_start3A_1089, %dma_start3A_1090] : memref<10000x128xf32, #tpu.memory_space<hbm>> -> memref<10000x128xf32, #tpu.memory_space<hbm>>
    tpu.enqueue_indirect_dma source(%dma_start3A_1091 : memref<10000x128xf32, #tpu.memory_space<hbm>>) target(%arg10 : memref<128x128xf32, #tpu.memory_space<vmem>>) offsets(%dma_start3A_1088 : memref<128xi32, #tpu.memory_space<vmem>>) semaphore(%arg12 : memref<!tpu.dma_semaphore, #tpu.memory_space<semaphore_mem>>)
    %dma_wait3A_1092 = arith.constant 2 : i32
    %dma_wait3A_1093 = arith.constant 0 : i32
    %dma_wait3A_1094 = tpu.memref_slice %arg8[%dma_wait3A_1092, %dma_wait3A_1093] : memref<8x128xi32, #tpu.memory_space<vmem>> -> memref<1x128xi32, #tpu.memory_space<vmem>>
    %dma_wait3A_1095 = tpu.memref_squeeze %dma_wait3A_1094 : memref<1x128xi32, #tpu.memory_space<vmem>> -> memref<128xi32, #tpu.memory_space<vmem>>
    %dma_wait3A_1096 = arith.constant 0 : i32
    %dma_wait3A_1097 = arith.constant 0 : i32
    %dma_wait3A_1098 = tpu.memref_slice %arg2[%dma_wait3A_1096, %dma_wait3A_1097] : memref<10000x128xf32, #tpu.memory_space<hbm>> -> memref<10000x128xf32, #tpu.memory_space<hbm>>
    tpu.wait_indirect_dma semaphore(%arg12 : memref<!tpu.dma_semaphore, #tpu.memory_space<semaphore_mem>>) src(%dma_wait3A_1098 : memref<10000x128xf32, #tpu.memory_space<hbm>>) dst(%arg10 : memref<128x128xf32, #tpu.memory_space<vmem>>)
    %run_scoped3A_1099 = arith.constant 3 : i32
    "tpu.region"() ({
      %run_scoped3A_1407 = tpu.sem_alloc : memref<!tpu.dma_semaphore, #tpu.memory_space<semaphore_mem>>
      %dma_start3A_1408 = arith.constant 0 : i32
      %dma_start3A_1409 = tpu.memref_slice %arg8[%run_scoped3A_1099, %dma_start3A_1408] : memref<8x128xi32, #tpu.memory_space<vmem>> -> memref<1x128xi32, #tpu.memory_space<vmem>>
      %dma_start3A_1410 = tpu.memref_squeeze %dma_start3A_1409 : memref<1x128xi32, #tpu.memory_space<vmem>> -> memref<128xi32, #tpu.memory_space<vmem>>
      %dma_start3A_1411 = arith.constant 0 : i32
      %dma_start3A_1412 = arith.constant 0 : i32
      %dma_start3A_1413 = tpu.memref_slice %arg6[%dma_start3A_1411, %dma_start3A_1412] : memref<10112x128xf32, #tpu.memory_space<vmem_shared>> -> memref<10112x128xf32, #tpu.memory_space<vmem_shared>>
      tpu.enqueue_indirect_dma source(%arg10 : memref<128x128xf32, #tpu.memory_space<vmem>>) target(%dma_start3A_1413 : memref<10112x128xf32, #tpu.memory_space<vmem_shared>>) offsets(%dma_start3A_1410 : memref<128xi32, #tpu.memory_space<vmem>>) semaphore(%run_scoped3A_1407 : memref<!tpu.dma_semaphore, #tpu.memory_space<semaphore_mem>>) {add = true}
      %dma_wait3A_1414 = arith.constant 0 : i32
      %dma_wait3A_1415 = tpu.memref_slice %arg8[%run_scoped3A_1099, %dma_wait3A_1414] : memref<8x128xi32, #tpu.memory_space<vmem>> -> memref<1x128xi32, #tpu.memory_space<vmem>>
      %dma_wait3A_1416 = tpu.memref_squeeze %dma_wait3A_1415 : memref<1x128xi32, #tpu.memory_space<vmem>> -> memref<128xi32, #tpu.memory_space<vmem>>
      %dma_wait3A_1417 = arith.constant 0 : i32
      %dma_wait3A_1418 = arith.constant 0 : i32
      %dma_wait3A_1419 = tpu.memref_slice %arg6[%dma_wait3A_1417, %dma_wait3A_1418] : memref<10112x128xf32, #tpu.memory_space<vmem_shared>> -> memref<10112x128xf32, #tpu.memory_space<vmem_shared>>
      tpu.wait_indirect_dma semaphore(%run_scoped3A_1407 : memref<!tpu.dma_semaphore, #tpu.memory_space<semaphore_mem>>) src(%arg10 : memref<128x128xf32, #tpu.memory_space<vmem>>) dst(%dma_wait3A_1419 : memref<10112x128xf32, #tpu.memory_space<vmem_shared>>)
      tpu.yield
    }) : () -> ()
    %dma_start3A_1100 = arith.constant 4 : i32
    %dma_start3A_1101 = arith.constant 0 : i32
    %dma_start3A_1102 = tpu.memref_slice %arg8[%dma_start3A_1100, %dma_start3A_1101] : memref<8x128xi32, #tpu.memory_space<vmem>> -> memref<1x128xi32, #tpu.memory_space<vmem>>
    %dma_start3A_1103 = tpu.memref_squeeze %dma_start3A_1102 : memref<1x128xi32, #tpu.memory_space<vmem>> -> memref<128xi32, #tpu.memory_space<vmem>>
    %dma_start3A_1104 = arith.constant 0 : i32
    %dma_start3A_1105 = arith.constant 0 : i32
    %dma_start3A_1106 = tpu.memref_slice %arg2[%dma_start3A_1104, %dma_start3A_1105] : memref<10000x128xf32, #tpu.memory_space<hbm>> -> memref<10000x128xf32, #tpu.memory_space<hbm>>
    tpu.enqueue_indirect_dma source(%dma_start3A_1106 : memref<10000x128xf32, #tpu.memory_space<hbm>>) target(%arg9 : memref<128x128xf32, #tpu.memory_space<vmem>>) offsets(%dma_start3A_1103 : memref<128xi32, #tpu.memory_space<vmem>>) semaphore(%arg11 : memref<!tpu.dma_semaphore, #tpu.memory_space<semaphore_mem>>)
    %dma_wait3A_1107 = arith.constant 4 : i32
    %dma_wait3A_1108 = arith.constant 0 : i32
    %dma_wait3A_1109 = tpu.memref_slice %arg8[%dma_wait3A_1107, %dma_wait3A_1108] : memref<8x128xi32, #tpu.memory_space<vmem>> -> memref<1x128xi32, #tpu.memory_space<vmem>>
    %dma_wait3A_1110 = tpu.memref_squeeze %dma_wait3A_1109 : memref<1x128xi32, #tpu.memory_space<vmem>> -> memref<128xi32, #tpu.memory_space<vmem>>
    %dma_wait3A_1111 = arith.constant 0 : i32
    %dma_wait3A_1112 = arith.constant 0 : i32
    %dma_wait3A_1113 = tpu.memref_slice %arg2[%dma_wait3A_1111, %dma_wait3A_1112] : memref<10000x128xf32, #tpu.memory_space<hbm>> -> memref<10000x128xf32, #tpu.memory_space<hbm>>
    tpu.wait_indirect_dma semaphore(%arg11 : memref<!tpu.dma_semaphore, #tpu.memory_space<semaphore_mem>>) src(%dma_wait3A_1113 : memref<10000x128xf32, #tpu.memory_space<hbm>>) dst(%arg9 : memref<128x128xf32, #tpu.memory_space<vmem>>)
    %run_scoped3A_1114 = arith.constant 5 : i32
    "tpu.region"() ({
      %run_scoped3A_1407 = tpu.sem_alloc : memref<!tpu.dma_semaphore, #tpu.memory_space<semaphore_mem>>
      %dma_start3A_1408 = arith.constant 0 : i32
      %dma_start3A_1409 = tpu.memref_slice %arg8[%run_scoped3A_1114, %dma_start3A_1408] : memref<8x128xi32, #tpu.memory_space<vmem>> -> memref<1x128xi32, #tpu.memory_space<vmem>>
      %dma_start3A_1410 = tpu.memref_squeeze %dma_start3A_1409 : memref<1x128xi32, #tpu.memory_space<vmem>> -> memref<128xi32, #tpu.memory_space<vmem>>
      %dma_start3A_1411 = arith.constant 0 : i32
      %dma_start3A_1412 = arith.constant 0 : i32
      %dma_start3A_1413 = tpu.memref_slice %arg6[%dma_start3A_1411, %dma_start3A_1412] : memref<10112x128xf32, #tpu.memory_space<vmem_shared>> -> memref<10112x128xf32, #tpu.memory_space<vmem_shared>>
      tpu.enqueue_indirect_dma source(%arg9 : memref<128x128xf32, #tpu.memory_space<vmem>>) target(%dma_start3A_1413 : memref<10112x128xf32, #tpu.memory_space<vmem_shared>>) offsets(%dma_start3A_1410 : memref<128xi32, #tpu.memory_space<vmem>>) semaphore(%run_scoped3A_1407 : memref<!tpu.dma_semaphore, #tpu.memory_space<semaphore_mem>>) {add = true}
      %dma_wait3A_1414 = arith.constant 0 : i32
      %dma_wait3A_1415 = tpu.memref_slice %arg8[%run_scoped3A_1114, %dma_wait3A_1414] : memref<8x128xi32, #tpu.memory_space<vmem>> -> memref<1x128xi32, #tpu.memory_space<vmem>>
      %dma_wait3A_1416 = tpu.memref_squeeze %dma_wait3A_1415 : memref<1x128xi32, #tpu.memory_space<vmem>> -> memref<128xi32, #tpu.memory_space<vmem>>
      %dma_wait3A_1417 = arith.constant 0 : i32
      %dma_wait3A_1418 = arith.constant 0 : i32
      %dma_wait3A_1419 = tpu.memref_slice %arg6[%dma_wait3A_1417, %dma_wait3A_1418] : memref<10112x128xf32, #tpu.memory_space<vmem_shared>> -> memref<10112x128xf32, #tpu.memory_space<vmem_shared>>
      tpu.wait_indirect_dma semaphore(%run_scoped3A_1407 : memref<!tpu.dma_semaphore, #tpu.memory_space<semaphore_mem>>) src(%arg9 : memref<128x128xf32, #tpu.memory_space<vmem>>) dst(%dma_wait3A_1419 : memref<10112x128xf32, #tpu.memory_space<vmem_shared>>)
      tpu.yield
    }) : () -> ()
    %dma_start3A_1115 = arith.constant 6 : i32
    %dma_start3A_1116 = arith.constant 0 : i32
    %dma_start3A_1117 = tpu.memref_slice %arg8[%dma_start3A_1115, %dma_start3A_1116] : memref<8x128xi32, #tpu.memory_space<vmem>> -> memref<1x128xi32, #tpu.memory_space<vmem>>
    %dma_start3A_1118 = tpu.memref_squeeze %dma_start3A_1117 : memref<1x128xi32, #tpu.memory_space<vmem>> -> memref<128xi32, #tpu.memory_space<vmem>>
    %dma_start3A_1119 = arith.constant 0 : i32
    %dma_start3A_1120 = arith.constant 0 : i32
    %dma_start3A_1121 = tpu.memref_slice %arg2[%dma_start3A_1119, %dma_start3A_1120] : memref<10000x128xf32, #tpu.memory_space<hbm>> -> memref<10000x128xf32, #tpu.memory_space<hbm>>
    tpu.enqueue_indirect_dma source(%dma_start3A_1121 : memref<10000x128xf32, #tpu.memory_space<hbm>>) target(%arg10 : memref<128x128xf32, #tpu.memory_space<vmem>>) offsets(%dma_start3A_1118 : memref<128xi32, #tpu.memory_space<vmem>>) semaphore(%arg12 : memref<!tpu.dma_semaphore, #tpu.memory_space<semaphore_mem>>)
    %dma_wait3A_1122 = arith.constant 6 : i32
    %dma_wait3A_1123 = arith.constant 0 : i32
    %dma_wait3A_1124 = tpu.memref_slice %arg8[%dma_wait3A_1122, %dma_wait3A_1123] : memref<8x128xi32, #tpu.memory_space<vmem>> -> memref<1x128xi32, #tpu.memory_space<vmem>>
    %dma_wait3A_1125 = tpu.memref_squeeze %dma_wait3A_1124 : memref<1x128xi32, #tpu.memory_space<vmem>> -> memref<128xi32, #tpu.memory_space<vmem>>
    %dma_wait3A_1126 = arith.constant 0 : i32
    %dma_wait3A_1127 = arith.constant 0 : i32
    %dma_wait3A_1128 = tpu.memref_slice %arg2[%dma_wait3A_1126, %dma_wait3A_1127] : memref<10000x128xf32, #tpu.memory_space<hbm>> -> memref<10000x128xf32, #tpu.memory_space<hbm>>
    tpu.wait_indirect_dma semaphore(%arg12 : memref<!tpu.dma_semaphore, #tpu.memory_space<semaphore_mem>>) src(%dma_wait3A_1128 : memref<10000x128xf32, #tpu.memory_space<hbm>>) dst(%arg10 : memref<128x128xf32, #tpu.memory_space<vmem>>)
    %run_scoped3A_1129 = arith.constant 7 : i32
    "tpu.region"() ({
      %run_scoped3A_1407 = tpu.sem_alloc : memref<!tpu.dma_semaphore, #tpu.memory_space<semaphore_mem>>
      %dma_start3A_1408 = arith.constant 0 : i32
      %dma_start3A_1409 = tpu.memref_slice %arg8[%run_scoped3A_1129, %dma_start3A_1408] : memref<8x128xi32, #tpu.memory_space<vmem>> -> memref<1x128xi32, #tpu.memory_space<vmem>>
      %dma_start3A_1410 = tpu.memref_squeeze %dma_start3A_1409 : memref<1x128xi32, #tpu.memory_space<vmem>> -> memref<128xi32, #tpu.memory_space<vmem>>
      %dma_start3A_1411 = arith.constant 0 : i32
      %dma_start3A_1412 = arith.constant 0 : i32
      %dma_start3A_1413 = tpu.memref_slice %arg6[%dma_start3A_1411, %dma_start3A_1412] : memref<10112x128xf32, #tpu.memory_space<vmem_shared>> -> memref<10112x128xf32, #tpu.memory_space<vmem_shared>>
      tpu.enqueue_indirect_dma source(%arg10 : memref<128x128xf32, #tpu.memory_space<vmem>>) target(%dma_start3A_1413 : memref<10112x128xf32, #tpu.memory_space<vmem_shared>>) offsets(%dma_start3A_1410 : memref<128xi32, #tpu.memory_space<vmem>>) semaphore(%run_scoped3A_1407 : memref<!tpu.dma_semaphore, #tpu.memory_space<semaphore_mem>>) {add = true}
      %dma_wait3A_1414 = arith.constant 0 : i32
      %dma_wait3A_1415 = tpu.memref_slice %arg8[%run_scoped3A_1129, %dma_wait3A_1414] : memref<8x128xi32, #tpu.memory_space<vmem>> -> memref<1x128xi32, #tpu.memory_space<vmem>>
      %dma_wait3A_1416 = tpu.memref_squeeze %dma_wait3A_1415 : memref<1x128xi32, #tpu.memory_space<vmem>> -> memref<128xi32, #tpu.memory_space<vmem>>
      %dma_wait3A_1417 = arith.constant 0 : i32
      %dma_wait3A_1418 = arith.constant 0 : i32
      %dma_wait3A_1419 = tpu.memref_slice %arg6[%dma_wait3A_1417, %dma_wait3A_1418] : memref<10112x128xf32, #tpu.memory_space<vmem_shared>> -> memref<10112x128xf32, #tpu.memory_space<vmem_shared>>
      tpu.wait_indirect_dma semaphore(%run_scoped3A_1407 : memref<!tpu.dma_semaphore, #tpu.memory_space<semaphore_mem>>) src(%arg10 : memref<128x128xf32, #tpu.memory_space<vmem>>) dst(%dma_wait3A_1419 : memref<10112x128xf32, #tpu.memory_space<vmem_shared>>)
      tpu.yield
    }) : () -> ()
    %add3A_1130 = arith.constant 136 : i32
    %add3A_1131 = arith.addi %mul3A_4, %add3A_1130 : i32
    %dma_start3A_1132 = arith.constant 0 : i32
    %dma_start3A_1133 = tpu.memref_slice %arg3[%add3A_1131, %dma_start3A_1132] : memref<5120x128xi32, #tpu.memory_space<hbm>> -> memref<8x128xi32, #tpu.memory_space<hbm>>
    %dma_start3A_1134 = arith.constant 0 : i32
    %dma_start3A_1135 = tpu.memref_slice %arg3[%add3A_1131, %dma_start3A_1134] : memref<5120x128xi32, #tpu.memory_space<hbm>> -> memref<8x128xi32, #tpu.memory_space<hbm>>
    tpu.enqueue_dma source(%dma_start3A_1135 : memref<8x128xi32, #tpu.memory_space<hbm>>) target(%arg8 : memref<8x128xi32, #tpu.memory_space<vmem>>) target_semaphore(%arg14 : memref<!tpu.dma_semaphore, #tpu.memory_space<semaphore_mem>>)
    %dma_wait3A_1136 = arith.constant 0 : i32
    %dma_wait3A_1137 = tpu.memref_slice %arg3[%add3A_1061, %dma_wait3A_1136] : memref<5120x128xi32, #tpu.memory_space<hbm>> -> memref<8x128xi32, #tpu.memory_space<hbm>>
    %dma_wait3A_1138 = arith.constant 0 : i32
    %dma_wait3A_1139 = tpu.memref_slice %arg3[%add3A_1061, %dma_wait3A_1138] : memref<5120x128xi32, #tpu.memory_space<hbm>> -> memref<8x128xi32, #tpu.memory_space<hbm>>
    tpu.wait_dma2 semaphore(%arg13 : memref<!tpu.dma_semaphore, #tpu.memory_space<semaphore_mem>>) src(%dma_wait3A_1139 : memref<8x128xi32, #tpu.memory_space<hbm>>) dst(%arg7 : memref<8x128xi32, #tpu.memory_space<vmem>>)
    %dma_start3A_1140 = arith.constant 0 : i32
    %dma_start3A_1141 = arith.constant 0 : i32
    %dma_start3A_1142 = tpu.memref_slice %arg7[%dma_start3A_1140, %dma_start3A_1141] : memref<8x128xi32, #tpu.memory_space<vmem>> -> memref<1x128xi32, #tpu.memory_space<vmem>>
    %dma_start3A_1143 = tpu.memref_squeeze %dma_start3A_1142 : memref<1x128xi32, #tpu.memory_space<vmem>> -> memref<128xi32, #tpu.memory_space<vmem>>
    %dma_start3A_1144 = arith.constant 0 : i32
    %dma_start3A_1145 = arith.constant 0 : i32
    %dma_start3A_1146 = tpu.memref_slice %arg2[%dma_start3A_1144, %dma_start3A_1145] : memref<10000x128xf32, #tpu.memory_space<hbm>> -> memref<10000x128xf32, #tpu.memory_space<hbm>>
    tpu.enqueue_indirect_dma source(%dma_start3A_1146 : memref<10000x128xf32, #tpu.memory_space<hbm>>) target(%arg9 : memref<128x128xf32, #tpu.memory_space<vmem>>) offsets(%dma_start3A_1143 : memref<128xi32, #tpu.memory_space<vmem>>) semaphore(%arg11 : memref<!tpu.dma_semaphore, #tpu.memory_space<semaphore_mem>>)
    %dma_wait3A_1147 = arith.constant 0 : i32
    %dma_wait3A_1148 = arith.constant 0 : i32
    %dma_wait3A_1149 = tpu.memref_slice %arg7[%dma_wait3A_1147, %dma_wait3A_1148] : memref<8x128xi32, #tpu.memory_space<vmem>> -> memref<1x128xi32, #tpu.memory_space<vmem>>
    %dma_wait3A_1150 = tpu.memref_squeeze %dma_wait3A_1149 : memref<1x128xi32, #tpu.memory_space<vmem>> -> memref<128xi32, #tpu.memory_space<vmem>>
    %dma_wait3A_1151 = arith.constant 0 : i32
    %dma_wait3A_1152 = arith.constant 0 : i32
    %dma_wait3A_1153 = tpu.memref_slice %arg2[%dma_wait3A_1151, %dma_wait3A_1152] : memref<10000x128xf32, #tpu.memory_space<hbm>> -> memref<10000x128xf32, #tpu.memory_space<hbm>>
    tpu.wait_indirect_dma semaphore(%arg11 : memref<!tpu.dma_semaphore, #tpu.memory_space<semaphore_mem>>) src(%dma_wait3A_1153 : memref<10000x128xf32, #tpu.memory_space<hbm>>) dst(%arg9 : memref<128x128xf32, #tpu.memory_space<vmem>>)
    %run_scoped3A_1154 = arith.constant 1 : i32
    "tpu.region"() ({
      %run_scoped3A_1407 = tpu.sem_alloc : memref<!tpu.dma_semaphore, #tpu.memory_space<semaphore_mem>>
      %dma_start3A_1408 = arith.constant 0 : i32
      %dma_start3A_1409 = tpu.memref_slice %arg7[%run_scoped3A_1154, %dma_start3A_1408] : memref<8x128xi32, #tpu.memory_space<vmem>> -> memref<1x128xi32, #tpu.memory_space<vmem>>
      %dma_start3A_1410 = tpu.memref_squeeze %dma_start3A_1409 : memref<1x128xi32, #tpu.memory_space<vmem>> -> memref<128xi32, #tpu.memory_space<vmem>>
      %dma_start3A_1411 = arith.constant 0 : i32
      %dma_start3A_1412 = arith.constant 0 : i32
      %dma_start3A_1413 = tpu.memref_slice %arg6[%dma_start3A_1411, %dma_start3A_1412] : memref<10112x128xf32, #tpu.memory_space<vmem_shared>> -> memref<10112x128xf32, #tpu.memory_space<vmem_shared>>
      tpu.enqueue_indirect_dma source(%arg9 : memref<128x128xf32, #tpu.memory_space<vmem>>) target(%dma_start3A_1413 : memref<10112x128xf32, #tpu.memory_space<vmem_shared>>) offsets(%dma_start3A_1410 : memref<128xi32, #tpu.memory_space<vmem>>) semaphore(%run_scoped3A_1407 : memref<!tpu.dma_semaphore, #tpu.memory_space<semaphore_mem>>) {add = true}
      %dma_wait3A_1414 = arith.constant 0 : i32
      %dma_wait3A_1415 = tpu.memref_slice %arg7[%run_scoped3A_1154, %dma_wait3A_1414] : memref<8x128xi32, #tpu.memory_space<vmem>> -> memref<1x128xi32, #tpu.memory_space<vmem>>
      %dma_wait3A_1416 = tpu.memref_squeeze %dma_wait3A_1415 : memref<1x128xi32, #tpu.memory_space<vmem>> -> memref<128xi32, #tpu.memory_space<vmem>>
      %dma_wait3A_1417 = arith.constant 0 : i32
      %dma_wait3A_1418 = arith.constant 0 : i32
      %dma_wait3A_1419 = tpu.memref_slice %arg6[%dma_wait3A_1417, %dma_wait3A_1418] : memref<10112x128xf32, #tpu.memory_space<vmem_shared>> -> memref<10112x128xf32, #tpu.memory_space<vmem_shared>>
      tpu.wait_indirect_dma semaphore(%run_scoped3A_1407 : memref<!tpu.dma_semaphore, #tpu.memory_space<semaphore_mem>>) src(%arg9 : memref<128x128xf32, #tpu.memory_space<vmem>>) dst(%dma_wait3A_1419 : memref<10112x128xf32, #tpu.memory_space<vmem_shared>>)
      tpu.yield
    }) : () -> ()
    %dma_start3A_1155 = arith.constant 2 : i32
    %dma_start3A_1156 = arith.constant 0 : i32
    %dma_start3A_1157 = tpu.memref_slice %arg7[%dma_start3A_1155, %dma_start3A_1156] : memref<8x128xi32, #tpu.memory_space<vmem>> -> memref<1x128xi32, #tpu.memory_space<vmem>>
    %dma_start3A_1158 = tpu.memref_squeeze %dma_start3A_1157 : memref<1x128xi32, #tpu.memory_space<vmem>> -> memref<128xi32, #tpu.memory_space<vmem>>
    %dma_start3A_1159 = arith.constant 0 : i32
    %dma_start3A_1160 = arith.constant 0 : i32
    %dma_start3A_1161 = tpu.memref_slice %arg2[%dma_start3A_1159, %dma_start3A_1160] : memref<10000x128xf32, #tpu.memory_space<hbm>> -> memref<10000x128xf32, #tpu.memory_space<hbm>>
    tpu.enqueue_indirect_dma source(%dma_start3A_1161 : memref<10000x128xf32, #tpu.memory_space<hbm>>) target(%arg10 : memref<128x128xf32, #tpu.memory_space<vmem>>) offsets(%dma_start3A_1158 : memref<128xi32, #tpu.memory_space<vmem>>) semaphore(%arg12 : memref<!tpu.dma_semaphore, #tpu.memory_space<semaphore_mem>>)
    %dma_wait3A_1162 = arith.constant 2 : i32
    %dma_wait3A_1163 = arith.constant 0 : i32
    %dma_wait3A_1164 = tpu.memref_slice %arg7[%dma_wait3A_1162, %dma_wait3A_1163] : memref<8x128xi32, #tpu.memory_space<vmem>> -> memref<1x128xi32, #tpu.memory_space<vmem>>
    %dma_wait3A_1165 = tpu.memref_squeeze %dma_wait3A_1164 : memref<1x128xi32, #tpu.memory_space<vmem>> -> memref<128xi32, #tpu.memory_space<vmem>>
    %dma_wait3A_1166 = arith.constant 0 : i32
    %dma_wait3A_1167 = arith.constant 0 : i32
    %dma_wait3A_1168 = tpu.memref_slice %arg2[%dma_wait3A_1166, %dma_wait3A_1167] : memref<10000x128xf32, #tpu.memory_space<hbm>> -> memref<10000x128xf32, #tpu.memory_space<hbm>>
    tpu.wait_indirect_dma semaphore(%arg12 : memref<!tpu.dma_semaphore, #tpu.memory_space<semaphore_mem>>) src(%dma_wait3A_1168 : memref<10000x128xf32, #tpu.memory_space<hbm>>) dst(%arg10 : memref<128x128xf32, #tpu.memory_space<vmem>>)
    %run_scoped3A_1169 = arith.constant 3 : i32
    "tpu.region"() ({
      %run_scoped3A_1407 = tpu.sem_alloc : memref<!tpu.dma_semaphore, #tpu.memory_space<semaphore_mem>>
      %dma_start3A_1408 = arith.constant 0 : i32
      %dma_start3A_1409 = tpu.memref_slice %arg7[%run_scoped3A_1169, %dma_start3A_1408] : memref<8x128xi32, #tpu.memory_space<vmem>> -> memref<1x128xi32, #tpu.memory_space<vmem>>
      %dma_start3A_1410 = tpu.memref_squeeze %dma_start3A_1409 : memref<1x128xi32, #tpu.memory_space<vmem>> -> memref<128xi32, #tpu.memory_space<vmem>>
      %dma_start3A_1411 = arith.constant 0 : i32
      %dma_start3A_1412 = arith.constant 0 : i32
      %dma_start3A_1413 = tpu.memref_slice %arg6[%dma_start3A_1411, %dma_start3A_1412] : memref<10112x128xf32, #tpu.memory_space<vmem_shared>> -> memref<10112x128xf32, #tpu.memory_space<vmem_shared>>
      tpu.enqueue_indirect_dma source(%arg10 : memref<128x128xf32, #tpu.memory_space<vmem>>) target(%dma_start3A_1413 : memref<10112x128xf32, #tpu.memory_space<vmem_shared>>) offsets(%dma_start3A_1410 : memref<128xi32, #tpu.memory_space<vmem>>) semaphore(%run_scoped3A_1407 : memref<!tpu.dma_semaphore, #tpu.memory_space<semaphore_mem>>) {add = true}
      %dma_wait3A_1414 = arith.constant 0 : i32
      %dma_wait3A_1415 = tpu.memref_slice %arg7[%run_scoped3A_1169, %dma_wait3A_1414] : memref<8x128xi32, #tpu.memory_space<vmem>> -> memref<1x128xi32, #tpu.memory_space<vmem>>
      %dma_wait3A_1416 = tpu.memref_squeeze %dma_wait3A_1415 : memref<1x128xi32, #tpu.memory_space<vmem>> -> memref<128xi32, #tpu.memory_space<vmem>>
      %dma_wait3A_1417 = arith.constant 0 : i32
      %dma_wait3A_1418 = arith.constant 0 : i32
      %dma_wait3A_1419 = tpu.memref_slice %arg6[%dma_wait3A_1417, %dma_wait3A_1418] : memref<10112x128xf32, #tpu.memory_space<vmem_shared>> -> memref<10112x128xf32, #tpu.memory_space<vmem_shared>>
      tpu.wait_indirect_dma semaphore(%run_scoped3A_1407 : memref<!tpu.dma_semaphore, #tpu.memory_space<semaphore_mem>>) src(%arg10 : memref<128x128xf32, #tpu.memory_space<vmem>>) dst(%dma_wait3A_1419 : memref<10112x128xf32, #tpu.memory_space<vmem_shared>>)
      tpu.yield
    }) : () -> ()
    %dma_start3A_1170 = arith.constant 4 : i32
    %dma_start3A_1171 = arith.constant 0 : i32
    %dma_start3A_1172 = tpu.memref_slice %arg7[%dma_start3A_1170, %dma_start3A_1171] : memref<8x128xi32, #tpu.memory_space<vmem>> -> memref<1x128xi32, #tpu.memory_space<vmem>>
    %dma_start3A_1173 = tpu.memref_squeeze %dma_start3A_1172 : memref<1x128xi32, #tpu.memory_space<vmem>> -> memref<128xi32, #tpu.memory_space<vmem>>
    %dma_start3A_1174 = arith.constant 0 : i32
    %dma_start3A_1175 = arith.constant 0 : i32
    %dma_start3A_1176 = tpu.memref_slice %arg2[%dma_start3A_1174, %dma_start3A_1175] : memref<10000x128xf32, #tpu.memory_space<hbm>> -> memref<10000x128xf32, #tpu.memory_space<hbm>>
    tpu.enqueue_indirect_dma source(%dma_start3A_1176 : memref<10000x128xf32, #tpu.memory_space<hbm>>) target(%arg9 : memref<128x128xf32, #tpu.memory_space<vmem>>) offsets(%dma_start3A_1173 : memref<128xi32, #tpu.memory_space<vmem>>) semaphore(%arg11 : memref<!tpu.dma_semaphore, #tpu.memory_space<semaphore_mem>>)
    %dma_wait3A_1177 = arith.constant 4 : i32
    %dma_wait3A_1178 = arith.constant 0 : i32
    %dma_wait3A_1179 = tpu.memref_slice %arg7[%dma_wait3A_1177, %dma_wait3A_1178] : memref<8x128xi32, #tpu.memory_space<vmem>> -> memref<1x128xi32, #tpu.memory_space<vmem>>
    %dma_wait3A_1180 = tpu.memref_squeeze %dma_wait3A_1179 : memref<1x128xi32, #tpu.memory_space<vmem>> -> memref<128xi32, #tpu.memory_space<vmem>>
    %dma_wait3A_1181 = arith.constant 0 : i32
    %dma_wait3A_1182 = arith.constant 0 : i32
    %dma_wait3A_1183 = tpu.memref_slice %arg2[%dma_wait3A_1181, %dma_wait3A_1182] : memref<10000x128xf32, #tpu.memory_space<hbm>> -> memref<10000x128xf32, #tpu.memory_space<hbm>>
    tpu.wait_indirect_dma semaphore(%arg11 : memref<!tpu.dma_semaphore, #tpu.memory_space<semaphore_mem>>) src(%dma_wait3A_1183 : memref<10000x128xf32, #tpu.memory_space<hbm>>) dst(%arg9 : memref<128x128xf32, #tpu.memory_space<vmem>>)
    %run_scoped3A_1184 = arith.constant 5 : i32
    "tpu.region"() ({
      %run_scoped3A_1407 = tpu.sem_alloc : memref<!tpu.dma_semaphore, #tpu.memory_space<semaphore_mem>>
      %dma_start3A_1408 = arith.constant 0 : i32
      %dma_start3A_1409 = tpu.memref_slice %arg7[%run_scoped3A_1184, %dma_start3A_1408] : memref<8x128xi32, #tpu.memory_space<vmem>> -> memref<1x128xi32, #tpu.memory_space<vmem>>
      %dma_start3A_1410 = tpu.memref_squeeze %dma_start3A_1409 : memref<1x128xi32, #tpu.memory_space<vmem>> -> memref<128xi32, #tpu.memory_space<vmem>>
      %dma_start3A_1411 = arith.constant 0 : i32
      %dma_start3A_1412 = arith.constant 0 : i32
      %dma_start3A_1413 = tpu.memref_slice %arg6[%dma_start3A_1411, %dma_start3A_1412] : memref<10112x128xf32, #tpu.memory_space<vmem_shared>> -> memref<10112x128xf32, #tpu.memory_space<vmem_shared>>
      tpu.enqueue_indirect_dma source(%arg9 : memref<128x128xf32, #tpu.memory_space<vmem>>) target(%dma_start3A_1413 : memref<10112x128xf32, #tpu.memory_space<vmem_shared>>) offsets(%dma_start3A_1410 : memref<128xi32, #tpu.memory_space<vmem>>) semaphore(%run_scoped3A_1407 : memref<!tpu.dma_semaphore, #tpu.memory_space<semaphore_mem>>) {add = true}
      %dma_wait3A_1414 = arith.constant 0 : i32
      %dma_wait3A_1415 = tpu.memref_slice %arg7[%run_scoped3A_1184, %dma_wait3A_1414] : memref<8x128xi32, #tpu.memory_space<vmem>> -> memref<1x128xi32, #tpu.memory_space<vmem>>
      %dma_wait3A_1416 = tpu.memref_squeeze %dma_wait3A_1415 : memref<1x128xi32, #tpu.memory_space<vmem>> -> memref<128xi32, #tpu.memory_space<vmem>>
      %dma_wait3A_1417 = arith.constant 0 : i32
      %dma_wait3A_1418 = arith.constant 0 : i32
      %dma_wait3A_1419 = tpu.memref_slice %arg6[%dma_wait3A_1417, %dma_wait3A_1418] : memref<10112x128xf32, #tpu.memory_space<vmem_shared>> -> memref<10112x128xf32, #tpu.memory_space<vmem_shared>>
      tpu.wait_indirect_dma semaphore(%run_scoped3A_1407 : memref<!tpu.dma_semaphore, #tpu.memory_space<semaphore_mem>>) src(%arg9 : memref<128x128xf32, #tpu.memory_space<vmem>>) dst(%dma_wait3A_1419 : memref<10112x128xf32, #tpu.memory_space<vmem_shared>>)
      tpu.yield
    }) : () -> ()
    %dma_start3A_1185 = arith.constant 6 : i32
    %dma_start3A_1186 = arith.constant 0 : i32
    %dma_start3A_1187 = tpu.memref_slice %arg7[%dma_start3A_1185, %dma_start3A_1186] : memref<8x128xi32, #tpu.memory_space<vmem>> -> memref<1x128xi32, #tpu.memory_space<vmem>>
    %dma_start3A_1188 = tpu.memref_squeeze %dma_start3A_1187 : memref<1x128xi32, #tpu.memory_space<vmem>> -> memref<128xi32, #tpu.memory_space<vmem>>
    %dma_start3A_1189 = arith.constant 0 : i32
    %dma_start3A_1190 = arith.constant 0 : i32
    %dma_start3A_1191 = tpu.memref_slice %arg2[%dma_start3A_1189, %dma_start3A_1190] : memref<10000x128xf32, #tpu.memory_space<hbm>> -> memref<10000x128xf32, #tpu.memory_space<hbm>>
    tpu.enqueue_indirect_dma source(%dma_start3A_1191 : memref<10000x128xf32, #tpu.memory_space<hbm>>) target(%arg10 : memref<128x128xf32, #tpu.memory_space<vmem>>) offsets(%dma_start3A_1188 : memref<128xi32, #tpu.memory_space<vmem>>) semaphore(%arg12 : memref<!tpu.dma_semaphore, #tpu.memory_space<semaphore_mem>>)
    %dma_wait3A_1192 = arith.constant 6 : i32
    %dma_wait3A_1193 = arith.constant 0 : i32
    %dma_wait3A_1194 = tpu.memref_slice %arg7[%dma_wait3A_1192, %dma_wait3A_1193] : memref<8x128xi32, #tpu.memory_space<vmem>> -> memref<1x128xi32, #tpu.memory_space<vmem>>
    %dma_wait3A_1195 = tpu.memref_squeeze %dma_wait3A_1194 : memref<1x128xi32, #tpu.memory_space<vmem>> -> memref<128xi32, #tpu.memory_space<vmem>>
    %dma_wait3A_1196 = arith.constant 0 : i32
    %dma_wait3A_1197 = arith.constant 0 : i32
    %dma_wait3A_1198 = tpu.memref_slice %arg2[%dma_wait3A_1196, %dma_wait3A_1197] : memref<10000x128xf32, #tpu.memory_space<hbm>> -> memref<10000x128xf32, #tpu.memory_space<hbm>>
    tpu.wait_indirect_dma semaphore(%arg12 : memref<!tpu.dma_semaphore, #tpu.memory_space<semaphore_mem>>) src(%dma_wait3A_1198 : memref<10000x128xf32, #tpu.memory_space<hbm>>) dst(%arg10 : memref<128x128xf32, #tpu.memory_space<vmem>>)
    %run_scoped3A_1199 = arith.constant 7 : i32
    "tpu.region"() ({
      %run_scoped3A_1407 = tpu.sem_alloc : memref<!tpu.dma_semaphore, #tpu.memory_space<semaphore_mem>>
      %dma_start3A_1408 = arith.constant 0 : i32
      %dma_start3A_1409 = tpu.memref_slice %arg7[%run_scoped3A_1199, %dma_start3A_1408] : memref<8x128xi32, #tpu.memory_space<vmem>> -> memref<1x128xi32, #tpu.memory_space<vmem>>
      %dma_start3A_1410 = tpu.memref_squeeze %dma_start3A_1409 : memref<1x128xi32, #tpu.memory_space<vmem>> -> memref<128xi32, #tpu.memory_space<vmem>>
      %dma_start3A_1411 = arith.constant 0 : i32
      %dma_start3A_1412 = arith.constant 0 : i32
      %dma_start3A_1413 = tpu.memref_slice %arg6[%dma_start3A_1411, %dma_start3A_1412] : memref<10112x128xf32, #tpu.memory_space<vmem_shared>> -> memref<10112x128xf32, #tpu.memory_space<vmem_shared>>
      tpu.enqueue_indirect_dma source(%arg10 : memref<128x128xf32, #tpu.memory_space<vmem>>) target(%dma_start3A_1413 : memref<10112x128xf32, #tpu.memory_space<vmem_shared>>) offsets(%dma_start3A_1410 : memref<128xi32, #tpu.memory_space<vmem>>) semaphore(%run_scoped3A_1407 : memref<!tpu.dma_semaphore, #tpu.memory_space<semaphore_mem>>) {add = true}
      %dma_wait3A_1414 = arith.constant 0 : i32
      %dma_wait3A_1415 = tpu.memref_slice %arg7[%run_scoped3A_1199, %dma_wait3A_1414] : memref<8x128xi32, #tpu.memory_space<vmem>> -> memref<1x128xi32, #tpu.memory_space<vmem>>
      %dma_wait3A_1416 = tpu.memref_squeeze %dma_wait3A_1415 : memref<1x128xi32, #tpu.memory_space<vmem>> -> memref<128xi32, #tpu.memory_space<vmem>>
      %dma_wait3A_1417 = arith.constant 0 : i32
      %dma_wait3A_1418 = arith.constant 0 : i32
      %dma_wait3A_1419 = tpu.memref_slice %arg6[%dma_wait3A_1417, %dma_wait3A_1418] : memref<10112x128xf32, #tpu.memory_space<vmem_shared>> -> memref<10112x128xf32, #tpu.memory_space<vmem_shared>>
      tpu.wait_indirect_dma semaphore(%run_scoped3A_1407 : memref<!tpu.dma_semaphore, #tpu.memory_space<semaphore_mem>>) src(%arg10 : memref<128x128xf32, #tpu.memory_space<vmem>>) dst(%dma_wait3A_1419 : memref<10112x128xf32, #tpu.memory_space<vmem_shared>>)
      tpu.yield
    }) : () -> ()
    %add3A_1200 = arith.constant 144 : i32
    %add3A_1201 = arith.addi %mul3A_4, %add3A_1200 : i32
    %dma_start3A_1202 = arith.constant 0 : i32
    %dma_start3A_1203 = tpu.memref_slice %arg3[%add3A_1201, %dma_start3A_1202] : memref<5120x128xi32, #tpu.memory_space<hbm>> -> memref<8x128xi32, #tpu.memory_space<hbm>>
    %dma_start3A_1204 = arith.constant 0 : i32
    %dma_start3A_1205 = tpu.memref_slice %arg3[%add3A_1201, %dma_start3A_1204] : memref<5120x128xi32, #tpu.memory_space<hbm>> -> memref<8x128xi32, #tpu.memory_space<hbm>>
    tpu.enqueue_dma source(%dma_start3A_1205 : memref<8x128xi32, #tpu.memory_space<hbm>>) target(%arg7 : memref<8x128xi32, #tpu.memory_space<vmem>>) target_semaphore(%arg13 : memref<!tpu.dma_semaphore, #tpu.memory_space<semaphore_mem>>)
    %dma_wait3A_1206 = arith.constant 0 : i32
    %dma_wait3A_1207 = tpu.memref_slice %arg3[%add3A_1131, %dma_wait3A_1206] : memref<5120x128xi32, #tpu.memory_space<hbm>> -> memref<8x128xi32, #tpu.memory_space<hbm>>
    %dma_wait3A_1208 = arith.constant 0 : i32
    %dma_wait3A_1209 = tpu.memref_slice %arg3[%add3A_1131, %dma_wait3A_1208] : memref<5120x128xi32, #tpu.memory_space<hbm>> -> memref<8x128xi32, #tpu.memory_space<hbm>>
    tpu.wait_dma2 semaphore(%arg14 : memref<!tpu.dma_semaphore, #tpu.memory_space<semaphore_mem>>) src(%dma_wait3A_1209 : memref<8x128xi32, #tpu.memory_space<hbm>>) dst(%arg8 : memref<8x128xi32, #tpu.memory_space<vmem>>)
    %dma_start3A_1210 = arith.constant 0 : i32
    %dma_start3A_1211 = arith.constant 0 : i32
    %dma_start3A_1212 = tpu.memref_slice %arg8[%dma_start3A_1210, %dma_start3A_1211] : memref<8x128xi32, #tpu.memory_space<vmem>> -> memref<1x128xi32, #tpu.memory_space<vmem>>
    %dma_start3A_1213 = tpu.memref_squeeze %dma_start3A_1212 : memref<1x128xi32, #tpu.memory_space<vmem>> -> memref<128xi32, #tpu.memory_space<vmem>>
    %dma_start3A_1214 = arith.constant 0 : i32
    %dma_start3A_1215 = arith.constant 0 : i32
    %dma_start3A_1216 = tpu.memref_slice %arg2[%dma_start3A_1214, %dma_start3A_1215] : memref<10000x128xf32, #tpu.memory_space<hbm>> -> memref<10000x128xf32, #tpu.memory_space<hbm>>
    tpu.enqueue_indirect_dma source(%dma_start3A_1216 : memref<10000x128xf32, #tpu.memory_space<hbm>>) target(%arg9 : memref<128x128xf32, #tpu.memory_space<vmem>>) offsets(%dma_start3A_1213 : memref<128xi32, #tpu.memory_space<vmem>>) semaphore(%arg11 : memref<!tpu.dma_semaphore, #tpu.memory_space<semaphore_mem>>)
    %dma_wait3A_1217 = arith.constant 0 : i32
    %dma_wait3A_1218 = arith.constant 0 : i32
    %dma_wait3A_1219 = tpu.memref_slice %arg8[%dma_wait3A_1217, %dma_wait3A_1218] : memref<8x128xi32, #tpu.memory_space<vmem>> -> memref<1x128xi32, #tpu.memory_space<vmem>>
    %dma_wait3A_1220 = tpu.memref_squeeze %dma_wait3A_1219 : memref<1x128xi32, #tpu.memory_space<vmem>> -> memref<128xi32, #tpu.memory_space<vmem>>
    %dma_wait3A_1221 = arith.constant 0 : i32
    %dma_wait3A_1222 = arith.constant 0 : i32
    %dma_wait3A_1223 = tpu.memref_slice %arg2[%dma_wait3A_1221, %dma_wait3A_1222] : memref<10000x128xf32, #tpu.memory_space<hbm>> -> memref<10000x128xf32, #tpu.memory_space<hbm>>
    tpu.wait_indirect_dma semaphore(%arg11 : memref<!tpu.dma_semaphore, #tpu.memory_space<semaphore_mem>>) src(%dma_wait3A_1223 : memref<10000x128xf32, #tpu.memory_space<hbm>>) dst(%arg9 : memref<128x128xf32, #tpu.memory_space<vmem>>)
    %run_scoped3A_1224 = arith.constant 1 : i32
    "tpu.region"() ({
      %run_scoped3A_1407 = tpu.sem_alloc : memref<!tpu.dma_semaphore, #tpu.memory_space<semaphore_mem>>
      %dma_start3A_1408 = arith.constant 0 : i32
      %dma_start3A_1409 = tpu.memref_slice %arg8[%run_scoped3A_1224, %dma_start3A_1408] : memref<8x128xi32, #tpu.memory_space<vmem>> -> memref<1x128xi32, #tpu.memory_space<vmem>>
      %dma_start3A_1410 = tpu.memref_squeeze %dma_start3A_1409 : memref<1x128xi32, #tpu.memory_space<vmem>> -> memref<128xi32, #tpu.memory_space<vmem>>
      %dma_start3A_1411 = arith.constant 0 : i32
      %dma_start3A_1412 = arith.constant 0 : i32
      %dma_start3A_1413 = tpu.memref_slice %arg6[%dma_start3A_1411, %dma_start3A_1412] : memref<10112x128xf32, #tpu.memory_space<vmem_shared>> -> memref<10112x128xf32, #tpu.memory_space<vmem_shared>>
      tpu.enqueue_indirect_dma source(%arg9 : memref<128x128xf32, #tpu.memory_space<vmem>>) target(%dma_start3A_1413 : memref<10112x128xf32, #tpu.memory_space<vmem_shared>>) offsets(%dma_start3A_1410 : memref<128xi32, #tpu.memory_space<vmem>>) semaphore(%run_scoped3A_1407 : memref<!tpu.dma_semaphore, #tpu.memory_space<semaphore_mem>>) {add = true}
      %dma_wait3A_1414 = arith.constant 0 : i32
      %dma_wait3A_1415 = tpu.memref_slice %arg8[%run_scoped3A_1224, %dma_wait3A_1414] : memref<8x128xi32, #tpu.memory_space<vmem>> -> memref<1x128xi32, #tpu.memory_space<vmem>>
      %dma_wait3A_1416 = tpu.memref_squeeze %dma_wait3A_1415 : memref<1x128xi32, #tpu.memory_space<vmem>> -> memref<128xi32, #tpu.memory_space<vmem>>
      %dma_wait3A_1417 = arith.constant 0 : i32
      %dma_wait3A_1418 = arith.constant 0 : i32
      %dma_wait3A_1419 = tpu.memref_slice %arg6[%dma_wait3A_1417, %dma_wait3A_1418] : memref<10112x128xf32, #tpu.memory_space<vmem_shared>> -> memref<10112x128xf32, #tpu.memory_space<vmem_shared>>
      tpu.wait_indirect_dma semaphore(%run_scoped3A_1407 : memref<!tpu.dma_semaphore, #tpu.memory_space<semaphore_mem>>) src(%arg9 : memref<128x128xf32, #tpu.memory_space<vmem>>) dst(%dma_wait3A_1419 : memref<10112x128xf32, #tpu.memory_space<vmem_shared>>)
      tpu.yield
    }) : () -> ()
    %dma_start3A_1225 = arith.constant 2 : i32
    %dma_start3A_1226 = arith.constant 0 : i32
    %dma_start3A_1227 = tpu.memref_slice %arg8[%dma_start3A_1225, %dma_start3A_1226] : memref<8x128xi32, #tpu.memory_space<vmem>> -> memref<1x128xi32, #tpu.memory_space<vmem>>
    %dma_start3A_1228 = tpu.memref_squeeze %dma_start3A_1227 : memref<1x128xi32, #tpu.memory_space<vmem>> -> memref<128xi32, #tpu.memory_space<vmem>>
    %dma_start3A_1229 = arith.constant 0 : i32
    %dma_start3A_1230 = arith.constant 0 : i32
    %dma_start3A_1231 = tpu.memref_slice %arg2[%dma_start3A_1229, %dma_start3A_1230] : memref<10000x128xf32, #tpu.memory_space<hbm>> -> memref<10000x128xf32, #tpu.memory_space<hbm>>
    tpu.enqueue_indirect_dma source(%dma_start3A_1231 : memref<10000x128xf32, #tpu.memory_space<hbm>>) target(%arg10 : memref<128x128xf32, #tpu.memory_space<vmem>>) offsets(%dma_start3A_1228 : memref<128xi32, #tpu.memory_space<vmem>>) semaphore(%arg12 : memref<!tpu.dma_semaphore, #tpu.memory_space<semaphore_mem>>)
    %dma_wait3A_1232 = arith.constant 2 : i32
    %dma_wait3A_1233 = arith.constant 0 : i32
    %dma_wait3A_1234 = tpu.memref_slice %arg8[%dma_wait3A_1232, %dma_wait3A_1233] : memref<8x128xi32, #tpu.memory_space<vmem>> -> memref<1x128xi32, #tpu.memory_space<vmem>>
    %dma_wait3A_1235 = tpu.memref_squeeze %dma_wait3A_1234 : memref<1x128xi32, #tpu.memory_space<vmem>> -> memref<128xi32, #tpu.memory_space<vmem>>
    %dma_wait3A_1236 = arith.constant 0 : i32
    %dma_wait3A_1237 = arith.constant 0 : i32
    %dma_wait3A_1238 = tpu.memref_slice %arg2[%dma_wait3A_1236, %dma_wait3A_1237] : memref<10000x128xf32, #tpu.memory_space<hbm>> -> memref<10000x128xf32, #tpu.memory_space<hbm>>
    tpu.wait_indirect_dma semaphore(%arg12 : memref<!tpu.dma_semaphore, #tpu.memory_space<semaphore_mem>>) src(%dma_wait3A_1238 : memref<10000x128xf32, #tpu.memory_space<hbm>>) dst(%arg10 : memref<128x128xf32, #tpu.memory_space<vmem>>)
    %run_scoped3A_1239 = arith.constant 3 : i32
    "tpu.region"() ({
      %run_scoped3A_1407 = tpu.sem_alloc : memref<!tpu.dma_semaphore, #tpu.memory_space<semaphore_mem>>
      %dma_start3A_1408 = arith.constant 0 : i32
      %dma_start3A_1409 = tpu.memref_slice %arg8[%run_scoped3A_1239, %dma_start3A_1408] : memref<8x128xi32, #tpu.memory_space<vmem>> -> memref<1x128xi32, #tpu.memory_space<vmem>>
      %dma_start3A_1410 = tpu.memref_squeeze %dma_start3A_1409 : memref<1x128xi32, #tpu.memory_space<vmem>> -> memref<128xi32, #tpu.memory_space<vmem>>
      %dma_start3A_1411 = arith.constant 0 : i32
      %dma_start3A_1412 = arith.constant 0 : i32
      %dma_start3A_1413 = tpu.memref_slice %arg6[%dma_start3A_1411, %dma_start3A_1412] : memref<10112x128xf32, #tpu.memory_space<vmem_shared>> -> memref<10112x128xf32, #tpu.memory_space<vmem_shared>>
      tpu.enqueue_indirect_dma source(%arg10 : memref<128x128xf32, #tpu.memory_space<vmem>>) target(%dma_start3A_1413 : memref<10112x128xf32, #tpu.memory_space<vmem_shared>>) offsets(%dma_start3A_1410 : memref<128xi32, #tpu.memory_space<vmem>>) semaphore(%run_scoped3A_1407 : memref<!tpu.dma_semaphore, #tpu.memory_space<semaphore_mem>>) {add = true}
      %dma_wait3A_1414 = arith.constant 0 : i32
      %dma_wait3A_1415 = tpu.memref_slice %arg8[%run_scoped3A_1239, %dma_wait3A_1414] : memref<8x128xi32, #tpu.memory_space<vmem>> -> memref<1x128xi32, #tpu.memory_space<vmem>>
      %dma_wait3A_1416 = tpu.memref_squeeze %dma_wait3A_1415 : memref<1x128xi32, #tpu.memory_space<vmem>> -> memref<128xi32, #tpu.memory_space<vmem>>
      %dma_wait3A_1417 = arith.constant 0 : i32
      %dma_wait3A_1418 = arith.constant 0 : i32
      %dma_wait3A_1419 = tpu.memref_slice %arg6[%dma_wait3A_1417, %dma_wait3A_1418] : memref<10112x128xf32, #tpu.memory_space<vmem_shared>> -> memref<10112x128xf32, #tpu.memory_space<vmem_shared>>
      tpu.wait_indirect_dma semaphore(%run_scoped3A_1407 : memref<!tpu.dma_semaphore, #tpu.memory_space<semaphore_mem>>) src(%arg10 : memref<128x128xf32, #tpu.memory_space<vmem>>) dst(%dma_wait3A_1419 : memref<10112x128xf32, #tpu.memory_space<vmem_shared>>)
      tpu.yield
    }) : () -> ()
    %dma_start3A_1240 = arith.constant 4 : i32
    %dma_start3A_1241 = arith.constant 0 : i32
    %dma_start3A_1242 = tpu.memref_slice %arg8[%dma_start3A_1240, %dma_start3A_1241] : memref<8x128xi32, #tpu.memory_space<vmem>> -> memref<1x128xi32, #tpu.memory_space<vmem>>
    %dma_start3A_1243 = tpu.memref_squeeze %dma_start3A_1242 : memref<1x128xi32, #tpu.memory_space<vmem>> -> memref<128xi32, #tpu.memory_space<vmem>>
    %dma_start3A_1244 = arith.constant 0 : i32
    %dma_start3A_1245 = arith.constant 0 : i32
    %dma_start3A_1246 = tpu.memref_slice %arg2[%dma_start3A_1244, %dma_start3A_1245] : memref<10000x128xf32, #tpu.memory_space<hbm>> -> memref<10000x128xf32, #tpu.memory_space<hbm>>
    tpu.enqueue_indirect_dma source(%dma_start3A_1246 : memref<10000x128xf32, #tpu.memory_space<hbm>>) target(%arg9 : memref<128x128xf32, #tpu.memory_space<vmem>>) offsets(%dma_start3A_1243 : memref<128xi32, #tpu.memory_space<vmem>>) semaphore(%arg11 : memref<!tpu.dma_semaphore, #tpu.memory_space<semaphore_mem>>)
    %dma_wait3A_1247 = arith.constant 4 : i32
    %dma_wait3A_1248 = arith.constant 0 : i32
    %dma_wait3A_1249 = tpu.memref_slice %arg8[%dma_wait3A_1247, %dma_wait3A_1248] : memref<8x128xi32, #tpu.memory_space<vmem>> -> memref<1x128xi32, #tpu.memory_space<vmem>>
    %dma_wait3A_1250 = tpu.memref_squeeze %dma_wait3A_1249 : memref<1x128xi32, #tpu.memory_space<vmem>> -> memref<128xi32, #tpu.memory_space<vmem>>
    %dma_wait3A_1251 = arith.constant 0 : i32
    %dma_wait3A_1252 = arith.constant 0 : i32
    %dma_wait3A_1253 = tpu.memref_slice %arg2[%dma_wait3A_1251, %dma_wait3A_1252] : memref<10000x128xf32, #tpu.memory_space<hbm>> -> memref<10000x128xf32, #tpu.memory_space<hbm>>
    tpu.wait_indirect_dma semaphore(%arg11 : memref<!tpu.dma_semaphore, #tpu.memory_space<semaphore_mem>>) src(%dma_wait3A_1253 : memref<10000x128xf32, #tpu.memory_space<hbm>>) dst(%arg9 : memref<128x128xf32, #tpu.memory_space<vmem>>)
    %run_scoped3A_1254 = arith.constant 5 : i32
    "tpu.region"() ({
      %run_scoped3A_1407 = tpu.sem_alloc : memref<!tpu.dma_semaphore, #tpu.memory_space<semaphore_mem>>
      %dma_start3A_1408 = arith.constant 0 : i32
      %dma_start3A_1409 = tpu.memref_slice %arg8[%run_scoped3A_1254, %dma_start3A_1408] : memref<8x128xi32, #tpu.memory_space<vmem>> -> memref<1x128xi32, #tpu.memory_space<vmem>>
      %dma_start3A_1410 = tpu.memref_squeeze %dma_start3A_1409 : memref<1x128xi32, #tpu.memory_space<vmem>> -> memref<128xi32, #tpu.memory_space<vmem>>
      %dma_start3A_1411 = arith.constant 0 : i32
      %dma_start3A_1412 = arith.constant 0 : i32
      %dma_start3A_1413 = tpu.memref_slice %arg6[%dma_start3A_1411, %dma_start3A_1412] : memref<10112x128xf32, #tpu.memory_space<vmem_shared>> -> memref<10112x128xf32, #tpu.memory_space<vmem_shared>>
      tpu.enqueue_indirect_dma source(%arg9 : memref<128x128xf32, #tpu.memory_space<vmem>>) target(%dma_start3A_1413 : memref<10112x128xf32, #tpu.memory_space<vmem_shared>>) offsets(%dma_start3A_1410 : memref<128xi32, #tpu.memory_space<vmem>>) semaphore(%run_scoped3A_1407 : memref<!tpu.dma_semaphore, #tpu.memory_space<semaphore_mem>>) {add = true}
      %dma_wait3A_1414 = arith.constant 0 : i32
      %dma_wait3A_1415 = tpu.memref_slice %arg8[%run_scoped3A_1254, %dma_wait3A_1414] : memref<8x128xi32, #tpu.memory_space<vmem>> -> memref<1x128xi32, #tpu.memory_space<vmem>>
      %dma_wait3A_1416 = tpu.memref_squeeze %dma_wait3A_1415 : memref<1x128xi32, #tpu.memory_space<vmem>> -> memref<128xi32, #tpu.memory_space<vmem>>
      %dma_wait3A_1417 = arith.constant 0 : i32
      %dma_wait3A_1418 = arith.constant 0 : i32
      %dma_wait3A_1419 = tpu.memref_slice %arg6[%dma_wait3A_1417, %dma_wait3A_1418] : memref<10112x128xf32, #tpu.memory_space<vmem_shared>> -> memref<10112x128xf32, #tpu.memory_space<vmem_shared>>
      tpu.wait_indirect_dma semaphore(%run_scoped3A_1407 : memref<!tpu.dma_semaphore, #tpu.memory_space<semaphore_mem>>) src(%arg9 : memref<128x128xf32, #tpu.memory_space<vmem>>) dst(%dma_wait3A_1419 : memref<10112x128xf32, #tpu.memory_space<vmem_shared>>)
      tpu.yield
    }) : () -> ()
    %dma_start3A_1255 = arith.constant 6 : i32
    %dma_start3A_1256 = arith.constant 0 : i32
    %dma_start3A_1257 = tpu.memref_slice %arg8[%dma_start3A_1255, %dma_start3A_1256] : memref<8x128xi32, #tpu.memory_space<vmem>> -> memref<1x128xi32, #tpu.memory_space<vmem>>
    %dma_start3A_1258 = tpu.memref_squeeze %dma_start3A_1257 : memref<1x128xi32, #tpu.memory_space<vmem>> -> memref<128xi32, #tpu.memory_space<vmem>>
    %dma_start3A_1259 = arith.constant 0 : i32
    %dma_start3A_1260 = arith.constant 0 : i32
    %dma_start3A_1261 = tpu.memref_slice %arg2[%dma_start3A_1259, %dma_start3A_1260] : memref<10000x128xf32, #tpu.memory_space<hbm>> -> memref<10000x128xf32, #tpu.memory_space<hbm>>
    tpu.enqueue_indirect_dma source(%dma_start3A_1261 : memref<10000x128xf32, #tpu.memory_space<hbm>>) target(%arg10 : memref<128x128xf32, #tpu.memory_space<vmem>>) offsets(%dma_start3A_1258 : memref<128xi32, #tpu.memory_space<vmem>>) semaphore(%arg12 : memref<!tpu.dma_semaphore, #tpu.memory_space<semaphore_mem>>)
    %dma_wait3A_1262 = arith.constant 6 : i32
    %dma_wait3A_1263 = arith.constant 0 : i32
    %dma_wait3A_1264 = tpu.memref_slice %arg8[%dma_wait3A_1262, %dma_wait3A_1263] : memref<8x128xi32, #tpu.memory_space<vmem>> -> memref<1x128xi32, #tpu.memory_space<vmem>>
    %dma_wait3A_1265 = tpu.memref_squeeze %dma_wait3A_1264 : memref<1x128xi32, #tpu.memory_space<vmem>> -> memref<128xi32, #tpu.memory_space<vmem>>
    %dma_wait3A_1266 = arith.constant 0 : i32
    %dma_wait3A_1267 = arith.constant 0 : i32
    %dma_wait3A_1268 = tpu.memref_slice %arg2[%dma_wait3A_1266, %dma_wait3A_1267] : memref<10000x128xf32, #tpu.memory_space<hbm>> -> memref<10000x128xf32, #tpu.memory_space<hbm>>
    tpu.wait_indirect_dma semaphore(%arg12 : memref<!tpu.dma_semaphore, #tpu.memory_space<semaphore_mem>>) src(%dma_wait3A_1268 : memref<10000x128xf32, #tpu.memory_space<hbm>>) dst(%arg10 : memref<128x128xf32, #tpu.memory_space<vmem>>)
    %run_scoped3A_1269 = arith.constant 7 : i32
    "tpu.region"() ({
      %run_scoped3A_1407 = tpu.sem_alloc : memref<!tpu.dma_semaphore, #tpu.memory_space<semaphore_mem>>
      %dma_start3A_1408 = arith.constant 0 : i32
      %dma_start3A_1409 = tpu.memref_slice %arg8[%run_scoped3A_1269, %dma_start3A_1408] : memref<8x128xi32, #tpu.memory_space<vmem>> -> memref<1x128xi32, #tpu.memory_space<vmem>>
      %dma_start3A_1410 = tpu.memref_squeeze %dma_start3A_1409 : memref<1x128xi32, #tpu.memory_space<vmem>> -> memref<128xi32, #tpu.memory_space<vmem>>
      %dma_start3A_1411 = arith.constant 0 : i32
      %dma_start3A_1412 = arith.constant 0 : i32
      %dma_start3A_1413 = tpu.memref_slice %arg6[%dma_start3A_1411, %dma_start3A_1412] : memref<10112x128xf32, #tpu.memory_space<vmem_shared>> -> memref<10112x128xf32, #tpu.memory_space<vmem_shared>>
      tpu.enqueue_indirect_dma source(%arg10 : memref<128x128xf32, #tpu.memory_space<vmem>>) target(%dma_start3A_1413 : memref<10112x128xf32, #tpu.memory_space<vmem_shared>>) offsets(%dma_start3A_1410 : memref<128xi32, #tpu.memory_space<vmem>>) semaphore(%run_scoped3A_1407 : memref<!tpu.dma_semaphore, #tpu.memory_space<semaphore_mem>>) {add = true}
      %dma_wait3A_1414 = arith.constant 0 : i32
      %dma_wait3A_1415 = tpu.memref_slice %arg8[%run_scoped3A_1269, %dma_wait3A_1414] : memref<8x128xi32, #tpu.memory_space<vmem>> -> memref<1x128xi32, #tpu.memory_space<vmem>>
      %dma_wait3A_1416 = tpu.memref_squeeze %dma_wait3A_1415 : memref<1x128xi32, #tpu.memory_space<vmem>> -> memref<128xi32, #tpu.memory_space<vmem>>
      %dma_wait3A_1417 = arith.constant 0 : i32
      %dma_wait3A_1418 = arith.constant 0 : i32
      %dma_wait3A_1419 = tpu.memref_slice %arg6[%dma_wait3A_1417, %dma_wait3A_1418] : memref<10112x128xf32, #tpu.memory_space<vmem_shared>> -> memref<10112x128xf32, #tpu.memory_space<vmem_shared>>
      tpu.wait_indirect_dma semaphore(%run_scoped3A_1407 : memref<!tpu.dma_semaphore, #tpu.memory_space<semaphore_mem>>) src(%arg10 : memref<128x128xf32, #tpu.memory_space<vmem>>) dst(%dma_wait3A_1419 : memref<10112x128xf32, #tpu.memory_space<vmem_shared>>)
      tpu.yield
    }) : () -> ()
    %add3A_1270 = arith.constant 152 : i32
    %add3A_1271 = arith.addi %mul3A_4, %add3A_1270 : i32
    %dma_start3A_1272 = arith.constant 0 : i32
    %dma_start3A_1273 = tpu.memref_slice %arg3[%add3A_1271, %dma_start3A_1272] : memref<5120x128xi32, #tpu.memory_space<hbm>> -> memref<8x128xi32, #tpu.memory_space<hbm>>
    %dma_start3A_1274 = arith.constant 0 : i32
    %dma_start3A_1275 = tpu.memref_slice %arg3[%add3A_1271, %dma_start3A_1274] : memref<5120x128xi32, #tpu.memory_space<hbm>> -> memref<8x128xi32, #tpu.memory_space<hbm>>
    tpu.enqueue_dma source(%dma_start3A_1275 : memref<8x128xi32, #tpu.memory_space<hbm>>) target(%arg8 : memref<8x128xi32, #tpu.memory_space<vmem>>) target_semaphore(%arg14 : memref<!tpu.dma_semaphore, #tpu.memory_space<semaphore_mem>>)
    %dma_wait3A_1276 = arith.constant 0 : i32
    %dma_wait3A_1277 = tpu.memref_slice %arg3[%add3A_1201, %dma_wait3A_1276] : memref<5120x128xi32, #tpu.memory_space<hbm>> -> memref<8x128xi32, #tpu.memory_space<hbm>>
    %dma_wait3A_1278 = arith.constant 0 : i32
    %dma_wait3A_1279 = tpu.memref_slice %arg3[%add3A_1201, %dma_wait3A_1278] : memref<5120x128xi32, #tpu.memory_space<hbm>> -> memref<8x128xi32, #tpu.memory_space<hbm>>
    tpu.wait_dma2 semaphore(%arg13 : memref<!tpu.dma_semaphore, #tpu.memory_space<semaphore_mem>>) src(%dma_wait3A_1279 : memref<8x128xi32, #tpu.memory_space<hbm>>) dst(%arg7 : memref<8x128xi32, #tpu.memory_space<vmem>>)
    %dma_start3A_1280 = arith.constant 0 : i32
    %dma_start3A_1281 = arith.constant 0 : i32
    %dma_start3A_1282 = tpu.memref_slice %arg7[%dma_start3A_1280, %dma_start3A_1281] : memref<8x128xi32, #tpu.memory_space<vmem>> -> memref<1x128xi32, #tpu.memory_space<vmem>>
    %dma_start3A_1283 = tpu.memref_squeeze %dma_start3A_1282 : memref<1x128xi32, #tpu.memory_space<vmem>> -> memref<128xi32, #tpu.memory_space<vmem>>
    %dma_start3A_1284 = arith.constant 0 : i32
    %dma_start3A_1285 = arith.constant 0 : i32
    %dma_start3A_1286 = tpu.memref_slice %arg2[%dma_start3A_1284, %dma_start3A_1285] : memref<10000x128xf32, #tpu.memory_space<hbm>> -> memref<10000x128xf32, #tpu.memory_space<hbm>>
    tpu.enqueue_indirect_dma source(%dma_start3A_1286 : memref<10000x128xf32, #tpu.memory_space<hbm>>) target(%arg9 : memref<128x128xf32, #tpu.memory_space<vmem>>) offsets(%dma_start3A_1283 : memref<128xi32, #tpu.memory_space<vmem>>) semaphore(%arg11 : memref<!tpu.dma_semaphore, #tpu.memory_space<semaphore_mem>>)
    %dma_wait3A_1287 = arith.constant 0 : i32
    %dma_wait3A_1288 = arith.constant 0 : i32
    %dma_wait3A_1289 = tpu.memref_slice %arg7[%dma_wait3A_1287, %dma_wait3A_1288] : memref<8x128xi32, #tpu.memory_space<vmem>> -> memref<1x128xi32, #tpu.memory_space<vmem>>
    %dma_wait3A_1290 = tpu.memref_squeeze %dma_wait3A_1289 : memref<1x128xi32, #tpu.memory_space<vmem>> -> memref<128xi32, #tpu.memory_space<vmem>>
    %dma_wait3A_1291 = arith.constant 0 : i32
    %dma_wait3A_1292 = arith.constant 0 : i32
    %dma_wait3A_1293 = tpu.memref_slice %arg2[%dma_wait3A_1291, %dma_wait3A_1292] : memref<10000x128xf32, #tpu.memory_space<hbm>> -> memref<10000x128xf32, #tpu.memory_space<hbm>>
    tpu.wait_indirect_dma semaphore(%arg11 : memref<!tpu.dma_semaphore, #tpu.memory_space<semaphore_mem>>) src(%dma_wait3A_1293 : memref<10000x128xf32, #tpu.memory_space<hbm>>) dst(%arg9 : memref<128x128xf32, #tpu.memory_space<vmem>>)
    %run_scoped3A_1294 = arith.constant 1 : i32
    "tpu.region"() ({
      %run_scoped3A_1407 = tpu.sem_alloc : memref<!tpu.dma_semaphore, #tpu.memory_space<semaphore_mem>>
      %dma_start3A_1408 = arith.constant 0 : i32
      %dma_start3A_1409 = tpu.memref_slice %arg7[%run_scoped3A_1294, %dma_start3A_1408] : memref<8x128xi32, #tpu.memory_space<vmem>> -> memref<1x128xi32, #tpu.memory_space<vmem>>
      %dma_start3A_1410 = tpu.memref_squeeze %dma_start3A_1409 : memref<1x128xi32, #tpu.memory_space<vmem>> -> memref<128xi32, #tpu.memory_space<vmem>>
      %dma_start3A_1411 = arith.constant 0 : i32
      %dma_start3A_1412 = arith.constant 0 : i32
      %dma_start3A_1413 = tpu.memref_slice %arg6[%dma_start3A_1411, %dma_start3A_1412] : memref<10112x128xf32, #tpu.memory_space<vmem_shared>> -> memref<10112x128xf32, #tpu.memory_space<vmem_shared>>
      tpu.enqueue_indirect_dma source(%arg9 : memref<128x128xf32, #tpu.memory_space<vmem>>) target(%dma_start3A_1413 : memref<10112x128xf32, #tpu.memory_space<vmem_shared>>) offsets(%dma_start3A_1410 : memref<128xi32, #tpu.memory_space<vmem>>) semaphore(%run_scoped3A_1407 : memref<!tpu.dma_semaphore, #tpu.memory_space<semaphore_mem>>) {add = true}
      %dma_wait3A_1414 = arith.constant 0 : i32
      %dma_wait3A_1415 = tpu.memref_slice %arg7[%run_scoped3A_1294, %dma_wait3A_1414] : memref<8x128xi32, #tpu.memory_space<vmem>> -> memref<1x128xi32, #tpu.memory_space<vmem>>
      %dma_wait3A_1416 = tpu.memref_squeeze %dma_wait3A_1415 : memref<1x128xi32, #tpu.memory_space<vmem>> -> memref<128xi32, #tpu.memory_space<vmem>>
      %dma_wait3A_1417 = arith.constant 0 : i32
      %dma_wait3A_1418 = arith.constant 0 : i32
      %dma_wait3A_1419 = tpu.memref_slice %arg6[%dma_wait3A_1417, %dma_wait3A_1418] : memref<10112x128xf32, #tpu.memory_space<vmem_shared>> -> memref<10112x128xf32, #tpu.memory_space<vmem_shared>>
      tpu.wait_indirect_dma semaphore(%run_scoped3A_1407 : memref<!tpu.dma_semaphore, #tpu.memory_space<semaphore_mem>>) src(%arg9 : memref<128x128xf32, #tpu.memory_space<vmem>>) dst(%dma_wait3A_1419 : memref<10112x128xf32, #tpu.memory_space<vmem_shared>>)
      tpu.yield
    }) : () -> ()
    %dma_start3A_1295 = arith.constant 2 : i32
    %dma_start3A_1296 = arith.constant 0 : i32
    %dma_start3A_1297 = tpu.memref_slice %arg7[%dma_start3A_1295, %dma_start3A_1296] : memref<8x128xi32, #tpu.memory_space<vmem>> -> memref<1x128xi32, #tpu.memory_space<vmem>>
    %dma_start3A_1298 = tpu.memref_squeeze %dma_start3A_1297 : memref<1x128xi32, #tpu.memory_space<vmem>> -> memref<128xi32, #tpu.memory_space<vmem>>
    %dma_start3A_1299 = arith.constant 0 : i32
    %dma_start3A_1300 = arith.constant 0 : i32
    %dma_start3A_1301 = tpu.memref_slice %arg2[%dma_start3A_1299, %dma_start3A_1300] : memref<10000x128xf32, #tpu.memory_space<hbm>> -> memref<10000x128xf32, #tpu.memory_space<hbm>>
    tpu.enqueue_indirect_dma source(%dma_start3A_1301 : memref<10000x128xf32, #tpu.memory_space<hbm>>) target(%arg10 : memref<128x128xf32, #tpu.memory_space<vmem>>) offsets(%dma_start3A_1298 : memref<128xi32, #tpu.memory_space<vmem>>) semaphore(%arg12 : memref<!tpu.dma_semaphore, #tpu.memory_space<semaphore_mem>>)
    %dma_wait3A_1302 = arith.constant 2 : i32
    %dma_wait3A_1303 = arith.constant 0 : i32
    %dma_wait3A_1304 = tpu.memref_slice %arg7[%dma_wait3A_1302, %dma_wait3A_1303] : memref<8x128xi32, #tpu.memory_space<vmem>> -> memref<1x128xi32, #tpu.memory_space<vmem>>
    %dma_wait3A_1305 = tpu.memref_squeeze %dma_wait3A_1304 : memref<1x128xi32, #tpu.memory_space<vmem>> -> memref<128xi32, #tpu.memory_space<vmem>>
    %dma_wait3A_1306 = arith.constant 0 : i32
    %dma_wait3A_1307 = arith.constant 0 : i32
    %dma_wait3A_1308 = tpu.memref_slice %arg2[%dma_wait3A_1306, %dma_wait3A_1307] : memref<10000x128xf32, #tpu.memory_space<hbm>> -> memref<10000x128xf32, #tpu.memory_space<hbm>>
    tpu.wait_indirect_dma semaphore(%arg12 : memref<!tpu.dma_semaphore, #tpu.memory_space<semaphore_mem>>) src(%dma_wait3A_1308 : memref<10000x128xf32, #tpu.memory_space<hbm>>) dst(%arg10 : memref<128x128xf32, #tpu.memory_space<vmem>>)
    %run_scoped3A_1309 = arith.constant 3 : i32
    "tpu.region"() ({
      %run_scoped3A_1407 = tpu.sem_alloc : memref<!tpu.dma_semaphore, #tpu.memory_space<semaphore_mem>>
      %dma_start3A_1408 = arith.constant 0 : i32
      %dma_start3A_1409 = tpu.memref_slice %arg7[%run_scoped3A_1309, %dma_start3A_1408] : memref<8x128xi32, #tpu.memory_space<vmem>> -> memref<1x128xi32, #tpu.memory_space<vmem>>
      %dma_start3A_1410 = tpu.memref_squeeze %dma_start3A_1409 : memref<1x128xi32, #tpu.memory_space<vmem>> -> memref<128xi32, #tpu.memory_space<vmem>>
      %dma_start3A_1411 = arith.constant 0 : i32
      %dma_start3A_1412 = arith.constant 0 : i32
      %dma_start3A_1413 = tpu.memref_slice %arg6[%dma_start3A_1411, %dma_start3A_1412] : memref<10112x128xf32, #tpu.memory_space<vmem_shared>> -> memref<10112x128xf32, #tpu.memory_space<vmem_shared>>
      tpu.enqueue_indirect_dma source(%arg10 : memref<128x128xf32, #tpu.memory_space<vmem>>) target(%dma_start3A_1413 : memref<10112x128xf32, #tpu.memory_space<vmem_shared>>) offsets(%dma_start3A_1410 : memref<128xi32, #tpu.memory_space<vmem>>) semaphore(%run_scoped3A_1407 : memref<!tpu.dma_semaphore, #tpu.memory_space<semaphore_mem>>) {add = true}
      %dma_wait3A_1414 = arith.constant 0 : i32
      %dma_wait3A_1415 = tpu.memref_slice %arg7[%run_scoped3A_1309, %dma_wait3A_1414] : memref<8x128xi32, #tpu.memory_space<vmem>> -> memref<1x128xi32, #tpu.memory_space<vmem>>
      %dma_wait3A_1416 = tpu.memref_squeeze %dma_wait3A_1415 : memref<1x128xi32, #tpu.memory_space<vmem>> -> memref<128xi32, #tpu.memory_space<vmem>>
      %dma_wait3A_1417 = arith.constant 0 : i32
      %dma_wait3A_1418 = arith.constant 0 : i32
      %dma_wait3A_1419 = tpu.memref_slice %arg6[%dma_wait3A_1417, %dma_wait3A_1418] : memref<10112x128xf32, #tpu.memory_space<vmem_shared>> -> memref<10112x128xf32, #tpu.memory_space<vmem_shared>>
      tpu.wait_indirect_dma semaphore(%run_scoped3A_1407 : memref<!tpu.dma_semaphore, #tpu.memory_space<semaphore_mem>>) src(%arg10 : memref<128x128xf32, #tpu.memory_space<vmem>>) dst(%dma_wait3A_1419 : memref<10112x128xf32, #tpu.memory_space<vmem_shared>>)
      tpu.yield
    }) : () -> ()
    %dma_start3A_1310 = arith.constant 4 : i32
    %dma_start3A_1311 = arith.constant 0 : i32
    %dma_start3A_1312 = tpu.memref_slice %arg7[%dma_start3A_1310, %dma_start3A_1311] : memref<8x128xi32, #tpu.memory_space<vmem>> -> memref<1x128xi32, #tpu.memory_space<vmem>>
    %dma_start3A_1313 = tpu.memref_squeeze %dma_start3A_1312 : memref<1x128xi32, #tpu.memory_space<vmem>> -> memref<128xi32, #tpu.memory_space<vmem>>
    %dma_start3A_1314 = arith.constant 0 : i32
    %dma_start3A_1315 = arith.constant 0 : i32
    %dma_start3A_1316 = tpu.memref_slice %arg2[%dma_start3A_1314, %dma_start3A_1315] : memref<10000x128xf32, #tpu.memory_space<hbm>> -> memref<10000x128xf32, #tpu.memory_space<hbm>>
    tpu.enqueue_indirect_dma source(%dma_start3A_1316 : memref<10000x128xf32, #tpu.memory_space<hbm>>) target(%arg9 : memref<128x128xf32, #tpu.memory_space<vmem>>) offsets(%dma_start3A_1313 : memref<128xi32, #tpu.memory_space<vmem>>) semaphore(%arg11 : memref<!tpu.dma_semaphore, #tpu.memory_space<semaphore_mem>>)
    %dma_wait3A_1317 = arith.constant 4 : i32
    %dma_wait3A_1318 = arith.constant 0 : i32
    %dma_wait3A_1319 = tpu.memref_slice %arg7[%dma_wait3A_1317, %dma_wait3A_1318] : memref<8x128xi32, #tpu.memory_space<vmem>> -> memref<1x128xi32, #tpu.memory_space<vmem>>
    %dma_wait3A_1320 = tpu.memref_squeeze %dma_wait3A_1319 : memref<1x128xi32, #tpu.memory_space<vmem>> -> memref<128xi32, #tpu.memory_space<vmem>>
    %dma_wait3A_1321 = arith.constant 0 : i32
    %dma_wait3A_1322 = arith.constant 0 : i32
    %dma_wait3A_1323 = tpu.memref_slice %arg2[%dma_wait3A_1321, %dma_wait3A_1322] : memref<10000x128xf32, #tpu.memory_space<hbm>> -> memref<10000x128xf32, #tpu.memory_space<hbm>>
    tpu.wait_indirect_dma semaphore(%arg11 : memref<!tpu.dma_semaphore, #tpu.memory_space<semaphore_mem>>) src(%dma_wait3A_1323 : memref<10000x128xf32, #tpu.memory_space<hbm>>) dst(%arg9 : memref<128x128xf32, #tpu.memory_space<vmem>>)
    %run_scoped3A_1324 = arith.constant 5 : i32
    "tpu.region"() ({
      %run_scoped3A_1407 = tpu.sem_alloc : memref<!tpu.dma_semaphore, #tpu.memory_space<semaphore_mem>>
      %dma_start3A_1408 = arith.constant 0 : i32
      %dma_start3A_1409 = tpu.memref_slice %arg7[%run_scoped3A_1324, %dma_start3A_1408] : memref<8x128xi32, #tpu.memory_space<vmem>> -> memref<1x128xi32, #tpu.memory_space<vmem>>
      %dma_start3A_1410 = tpu.memref_squeeze %dma_start3A_1409 : memref<1x128xi32, #tpu.memory_space<vmem>> -> memref<128xi32, #tpu.memory_space<vmem>>
      %dma_start3A_1411 = arith.constant 0 : i32
      %dma_start3A_1412 = arith.constant 0 : i32
      %dma_start3A_1413 = tpu.memref_slice %arg6[%dma_start3A_1411, %dma_start3A_1412] : memref<10112x128xf32, #tpu.memory_space<vmem_shared>> -> memref<10112x128xf32, #tpu.memory_space<vmem_shared>>
      tpu.enqueue_indirect_dma source(%arg9 : memref<128x128xf32, #tpu.memory_space<vmem>>) target(%dma_start3A_1413 : memref<10112x128xf32, #tpu.memory_space<vmem_shared>>) offsets(%dma_start3A_1410 : memref<128xi32, #tpu.memory_space<vmem>>) semaphore(%run_scoped3A_1407 : memref<!tpu.dma_semaphore, #tpu.memory_space<semaphore_mem>>) {add = true}
      %dma_wait3A_1414 = arith.constant 0 : i32
      %dma_wait3A_1415 = tpu.memref_slice %arg7[%run_scoped3A_1324, %dma_wait3A_1414] : memref<8x128xi32, #tpu.memory_space<vmem>> -> memref<1x128xi32, #tpu.memory_space<vmem>>
      %dma_wait3A_1416 = tpu.memref_squeeze %dma_wait3A_1415 : memref<1x128xi32, #tpu.memory_space<vmem>> -> memref<128xi32, #tpu.memory_space<vmem>>
      %dma_wait3A_1417 = arith.constant 0 : i32
      %dma_wait3A_1418 = arith.constant 0 : i32
      %dma_wait3A_1419 = tpu.memref_slice %arg6[%dma_wait3A_1417, %dma_wait3A_1418] : memref<10112x128xf32, #tpu.memory_space<vmem_shared>> -> memref<10112x128xf32, #tpu.memory_space<vmem_shared>>
      tpu.wait_indirect_dma semaphore(%run_scoped3A_1407 : memref<!tpu.dma_semaphore, #tpu.memory_space<semaphore_mem>>) src(%arg9 : memref<128x128xf32, #tpu.memory_space<vmem>>) dst(%dma_wait3A_1419 : memref<10112x128xf32, #tpu.memory_space<vmem_shared>>)
      tpu.yield
    }) : () -> ()
    %dma_start3A_1325 = arith.constant 6 : i32
    %dma_start3A_1326 = arith.constant 0 : i32
    %dma_start3A_1327 = tpu.memref_slice %arg7[%dma_start3A_1325, %dma_start3A_1326] : memref<8x128xi32, #tpu.memory_space<vmem>> -> memref<1x128xi32, #tpu.memory_space<vmem>>
    %dma_start3A_1328 = tpu.memref_squeeze %dma_start3A_1327 : memref<1x128xi32, #tpu.memory_space<vmem>> -> memref<128xi32, #tpu.memory_space<vmem>>
    %dma_start3A_1329 = arith.constant 0 : i32
    %dma_start3A_1330 = arith.constant 0 : i32
    %dma_start3A_1331 = tpu.memref_slice %arg2[%dma_start3A_1329, %dma_start3A_1330] : memref<10000x128xf32, #tpu.memory_space<hbm>> -> memref<10000x128xf32, #tpu.memory_space<hbm>>
    tpu.enqueue_indirect_dma source(%dma_start3A_1331 : memref<10000x128xf32, #tpu.memory_space<hbm>>) target(%arg10 : memref<128x128xf32, #tpu.memory_space<vmem>>) offsets(%dma_start3A_1328 : memref<128xi32, #tpu.memory_space<vmem>>) semaphore(%arg12 : memref<!tpu.dma_semaphore, #tpu.memory_space<semaphore_mem>>)
    %dma_wait3A_1332 = arith.constant 6 : i32
    %dma_wait3A_1333 = arith.constant 0 : i32
    %dma_wait3A_1334 = tpu.memref_slice %arg7[%dma_wait3A_1332, %dma_wait3A_1333] : memref<8x128xi32, #tpu.memory_space<vmem>> -> memref<1x128xi32, #tpu.memory_space<vmem>>
    %dma_wait3A_1335 = tpu.memref_squeeze %dma_wait3A_1334 : memref<1x128xi32, #tpu.memory_space<vmem>> -> memref<128xi32, #tpu.memory_space<vmem>>
    %dma_wait3A_1336 = arith.constant 0 : i32
    %dma_wait3A_1337 = arith.constant 0 : i32
    %dma_wait3A_1338 = tpu.memref_slice %arg2[%dma_wait3A_1336, %dma_wait3A_1337] : memref<10000x128xf32, #tpu.memory_space<hbm>> -> memref<10000x128xf32, #tpu.memory_space<hbm>>
    tpu.wait_indirect_dma semaphore(%arg12 : memref<!tpu.dma_semaphore, #tpu.memory_space<semaphore_mem>>) src(%dma_wait3A_1338 : memref<10000x128xf32, #tpu.memory_space<hbm>>) dst(%arg10 : memref<128x128xf32, #tpu.memory_space<vmem>>)
    %run_scoped3A_1339 = arith.constant 7 : i32
    "tpu.region"() ({
      %run_scoped3A_1407 = tpu.sem_alloc : memref<!tpu.dma_semaphore, #tpu.memory_space<semaphore_mem>>
      %dma_start3A_1408 = arith.constant 0 : i32
      %dma_start3A_1409 = tpu.memref_slice %arg7[%run_scoped3A_1339, %dma_start3A_1408] : memref<8x128xi32, #tpu.memory_space<vmem>> -> memref<1x128xi32, #tpu.memory_space<vmem>>
      %dma_start3A_1410 = tpu.memref_squeeze %dma_start3A_1409 : memref<1x128xi32, #tpu.memory_space<vmem>> -> memref<128xi32, #tpu.memory_space<vmem>>
      %dma_start3A_1411 = arith.constant 0 : i32
      %dma_start3A_1412 = arith.constant 0 : i32
      %dma_start3A_1413 = tpu.memref_slice %arg6[%dma_start3A_1411, %dma_start3A_1412] : memref<10112x128xf32, #tpu.memory_space<vmem_shared>> -> memref<10112x128xf32, #tpu.memory_space<vmem_shared>>
      tpu.enqueue_indirect_dma source(%arg10 : memref<128x128xf32, #tpu.memory_space<vmem>>) target(%dma_start3A_1413 : memref<10112x128xf32, #tpu.memory_space<vmem_shared>>) offsets(%dma_start3A_1410 : memref<128xi32, #tpu.memory_space<vmem>>) semaphore(%run_scoped3A_1407 : memref<!tpu.dma_semaphore, #tpu.memory_space<semaphore_mem>>) {add = true}
      %dma_wait3A_1414 = arith.constant 0 : i32
      %dma_wait3A_1415 = tpu.memref_slice %arg7[%run_scoped3A_1339, %dma_wait3A_1414] : memref<8x128xi32, #tpu.memory_space<vmem>> -> memref<1x128xi32, #tpu.memory_space<vmem>>
      %dma_wait3A_1416 = tpu.memref_squeeze %dma_wait3A_1415 : memref<1x128xi32, #tpu.memory_space<vmem>> -> memref<128xi32, #tpu.memory_space<vmem>>
      %dma_wait3A_1417 = arith.constant 0 : i32
      %dma_wait3A_1418 = arith.constant 0 : i32
      %dma_wait3A_1419 = tpu.memref_slice %arg6[%dma_wait3A_1417, %dma_wait3A_1418] : memref<10112x128xf32, #tpu.memory_space<vmem_shared>> -> memref<10112x128xf32, #tpu.memory_space<vmem_shared>>
      tpu.wait_indirect_dma semaphore(%run_scoped3A_1407 : memref<!tpu.dma_semaphore, #tpu.memory_space<semaphore_mem>>) src(%arg10 : memref<128x128xf32, #tpu.memory_space<vmem>>) dst(%dma_wait3A_1419 : memref<10112x128xf32, #tpu.memory_space<vmem_shared>>)
      tpu.yield
    }) : () -> ()
    %dma_wait3A_1340 = arith.constant 0 : i32
    %dma_wait3A_1341 = tpu.memref_slice %arg3[%add3A_1271, %dma_wait3A_1340] : memref<5120x128xi32, #tpu.memory_space<hbm>> -> memref<8x128xi32, #tpu.memory_space<hbm>>
    %dma_wait3A_1342 = arith.constant 0 : i32
    %dma_wait3A_1343 = tpu.memref_slice %arg3[%add3A_1271, %dma_wait3A_1342] : memref<5120x128xi32, #tpu.memory_space<hbm>> -> memref<8x128xi32, #tpu.memory_space<hbm>>
    tpu.wait_dma2 semaphore(%arg14 : memref<!tpu.dma_semaphore, #tpu.memory_space<semaphore_mem>>) src(%dma_wait3A_1343 : memref<8x128xi32, #tpu.memory_space<hbm>>) dst(%arg8 : memref<8x128xi32, #tpu.memory_space<vmem>>)
    %dma_start3A_1344 = arith.constant 0 : i32
    %dma_start3A_1345 = arith.constant 0 : i32
    %dma_start3A_1346 = tpu.memref_slice %arg8[%dma_start3A_1344, %dma_start3A_1345] : memref<8x128xi32, #tpu.memory_space<vmem>> -> memref<1x128xi32, #tpu.memory_space<vmem>>
    %dma_start3A_1347 = tpu.memref_squeeze %dma_start3A_1346 : memref<1x128xi32, #tpu.memory_space<vmem>> -> memref<128xi32, #tpu.memory_space<vmem>>
    %dma_start3A_1348 = arith.constant 0 : i32
    %dma_start3A_1349 = arith.constant 0 : i32
    %dma_start3A_1350 = tpu.memref_slice %arg2[%dma_start3A_1348, %dma_start3A_1349] : memref<10000x128xf32, #tpu.memory_space<hbm>> -> memref<10000x128xf32, #tpu.memory_space<hbm>>
    tpu.enqueue_indirect_dma source(%dma_start3A_1350 : memref<10000x128xf32, #tpu.memory_space<hbm>>) target(%arg9 : memref<128x128xf32, #tpu.memory_space<vmem>>) offsets(%dma_start3A_1347 : memref<128xi32, #tpu.memory_space<vmem>>) semaphore(%arg11 : memref<!tpu.dma_semaphore, #tpu.memory_space<semaphore_mem>>)
    %dma_wait3A_1351 = arith.constant 0 : i32
    %dma_wait3A_1352 = arith.constant 0 : i32
    %dma_wait3A_1353 = tpu.memref_slice %arg8[%dma_wait3A_1351, %dma_wait3A_1352] : memref<8x128xi32, #tpu.memory_space<vmem>> -> memref<1x128xi32, #tpu.memory_space<vmem>>
    %dma_wait3A_1354 = tpu.memref_squeeze %dma_wait3A_1353 : memref<1x128xi32, #tpu.memory_space<vmem>> -> memref<128xi32, #tpu.memory_space<vmem>>
    %dma_wait3A_1355 = arith.constant 0 : i32
    %dma_wait3A_1356 = arith.constant 0 : i32
    %dma_wait3A_1357 = tpu.memref_slice %arg2[%dma_wait3A_1355, %dma_wait3A_1356] : memref<10000x128xf32, #tpu.memory_space<hbm>> -> memref<10000x128xf32, #tpu.memory_space<hbm>>
    tpu.wait_indirect_dma semaphore(%arg11 : memref<!tpu.dma_semaphore, #tpu.memory_space<semaphore_mem>>) src(%dma_wait3A_1357 : memref<10000x128xf32, #tpu.memory_space<hbm>>) dst(%arg9 : memref<128x128xf32, #tpu.memory_space<vmem>>)
    %run_scoped3A_1358 = arith.constant 1 : i32
    "tpu.region"() ({
      %run_scoped3A_1407 = tpu.sem_alloc : memref<!tpu.dma_semaphore, #tpu.memory_space<semaphore_mem>>
      %dma_start3A_1408 = arith.constant 0 : i32
      %dma_start3A_1409 = tpu.memref_slice %arg8[%run_scoped3A_1358, %dma_start3A_1408] : memref<8x128xi32, #tpu.memory_space<vmem>> -> memref<1x128xi32, #tpu.memory_space<vmem>>
      %dma_start3A_1410 = tpu.memref_squeeze %dma_start3A_1409 : memref<1x128xi32, #tpu.memory_space<vmem>> -> memref<128xi32, #tpu.memory_space<vmem>>
      %dma_start3A_1411 = arith.constant 0 : i32
      %dma_start3A_1412 = arith.constant 0 : i32
      %dma_start3A_1413 = tpu.memref_slice %arg6[%dma_start3A_1411, %dma_start3A_1412] : memref<10112x128xf32, #tpu.memory_space<vmem_shared>> -> memref<10112x128xf32, #tpu.memory_space<vmem_shared>>
      tpu.enqueue_indirect_dma source(%arg9 : memref<128x128xf32, #tpu.memory_space<vmem>>) target(%dma_start3A_1413 : memref<10112x128xf32, #tpu.memory_space<vmem_shared>>) offsets(%dma_start3A_1410 : memref<128xi32, #tpu.memory_space<vmem>>) semaphore(%run_scoped3A_1407 : memref<!tpu.dma_semaphore, #tpu.memory_space<semaphore_mem>>) {add = true}
      %dma_wait3A_1414 = arith.constant 0 : i32
      %dma_wait3A_1415 = tpu.memref_slice %arg8[%run_scoped3A_1358, %dma_wait3A_1414] : memref<8x128xi32, #tpu.memory_space<vmem>> -> memref<1x128xi32, #tpu.memory_space<vmem>>
      %dma_wait3A_1416 = tpu.memref_squeeze %dma_wait3A_1415 : memref<1x128xi32, #tpu.memory_space<vmem>> -> memref<128xi32, #tpu.memory_space<vmem>>
      %dma_wait3A_1417 = arith.constant 0 : i32
      %dma_wait3A_1418 = arith.constant 0 : i32
      %dma_wait3A_1419 = tpu.memref_slice %arg6[%dma_wait3A_1417, %dma_wait3A_1418] : memref<10112x128xf32, #tpu.memory_space<vmem_shared>> -> memref<10112x128xf32, #tpu.memory_space<vmem_shared>>
      tpu.wait_indirect_dma semaphore(%run_scoped3A_1407 : memref<!tpu.dma_semaphore, #tpu.memory_space<semaphore_mem>>) src(%arg9 : memref<128x128xf32, #tpu.memory_space<vmem>>) dst(%dma_wait3A_1419 : memref<10112x128xf32, #tpu.memory_space<vmem_shared>>)
      tpu.yield
    }) : () -> ()
    %dma_start3A_1359 = arith.constant 2 : i32
    %dma_start3A_1360 = arith.constant 0 : i32
    %dma_start3A_1361 = tpu.memref_slice %arg8[%dma_start3A_1359, %dma_start3A_1360] : memref<8x128xi32, #tpu.memory_space<vmem>> -> memref<1x128xi32, #tpu.memory_space<vmem>>
    %dma_start3A_1362 = tpu.memref_squeeze %dma_start3A_1361 : memref<1x128xi32, #tpu.memory_space<vmem>> -> memref<128xi32, #tpu.memory_space<vmem>>
    %dma_start3A_1363 = arith.constant 0 : i32
    %dma_start3A_1364 = arith.constant 0 : i32
    %dma_start3A_1365 = tpu.memref_slice %arg2[%dma_start3A_1363, %dma_start3A_1364] : memref<10000x128xf32, #tpu.memory_space<hbm>> -> memref<10000x128xf32, #tpu.memory_space<hbm>>
    tpu.enqueue_indirect_dma source(%dma_start3A_1365 : memref<10000x128xf32, #tpu.memory_space<hbm>>) target(%arg10 : memref<128x128xf32, #tpu.memory_space<vmem>>) offsets(%dma_start3A_1362 : memref<128xi32, #tpu.memory_space<vmem>>) semaphore(%arg12 : memref<!tpu.dma_semaphore, #tpu.memory_space<semaphore_mem>>)
    %dma_wait3A_1366 = arith.constant 2 : i32
    %dma_wait3A_1367 = arith.constant 0 : i32
    %dma_wait3A_1368 = tpu.memref_slice %arg8[%dma_wait3A_1366, %dma_wait3A_1367] : memref<8x128xi32, #tpu.memory_space<vmem>> -> memref<1x128xi32, #tpu.memory_space<vmem>>
    %dma_wait3A_1369 = tpu.memref_squeeze %dma_wait3A_1368 : memref<1x128xi32, #tpu.memory_space<vmem>> -> memref<128xi32, #tpu.memory_space<vmem>>
    %dma_wait3A_1370 = arith.constant 0 : i32
    %dma_wait3A_1371 = arith.constant 0 : i32
    %dma_wait3A_1372 = tpu.memref_slice %arg2[%dma_wait3A_1370, %dma_wait3A_1371] : memref<10000x128xf32, #tpu.memory_space<hbm>> -> memref<10000x128xf32, #tpu.memory_space<hbm>>
    tpu.wait_indirect_dma semaphore(%arg12 : memref<!tpu.dma_semaphore, #tpu.memory_space<semaphore_mem>>) src(%dma_wait3A_1372 : memref<10000x128xf32, #tpu.memory_space<hbm>>) dst(%arg10 : memref<128x128xf32, #tpu.memory_space<vmem>>)
    %run_scoped3A_1373 = arith.constant 3 : i32
    "tpu.region"() ({
      %run_scoped3A_1407 = tpu.sem_alloc : memref<!tpu.dma_semaphore, #tpu.memory_space<semaphore_mem>>
      %dma_start3A_1408 = arith.constant 0 : i32
      %dma_start3A_1409 = tpu.memref_slice %arg8[%run_scoped3A_1373, %dma_start3A_1408] : memref<8x128xi32, #tpu.memory_space<vmem>> -> memref<1x128xi32, #tpu.memory_space<vmem>>
      %dma_start3A_1410 = tpu.memref_squeeze %dma_start3A_1409 : memref<1x128xi32, #tpu.memory_space<vmem>> -> memref<128xi32, #tpu.memory_space<vmem>>
      %dma_start3A_1411 = arith.constant 0 : i32
      %dma_start3A_1412 = arith.constant 0 : i32
      %dma_start3A_1413 = tpu.memref_slice %arg6[%dma_start3A_1411, %dma_start3A_1412] : memref<10112x128xf32, #tpu.memory_space<vmem_shared>> -> memref<10112x128xf32, #tpu.memory_space<vmem_shared>>
      tpu.enqueue_indirect_dma source(%arg10 : memref<128x128xf32, #tpu.memory_space<vmem>>) target(%dma_start3A_1413 : memref<10112x128xf32, #tpu.memory_space<vmem_shared>>) offsets(%dma_start3A_1410 : memref<128xi32, #tpu.memory_space<vmem>>) semaphore(%run_scoped3A_1407 : memref<!tpu.dma_semaphore, #tpu.memory_space<semaphore_mem>>) {add = true}
      %dma_wait3A_1414 = arith.constant 0 : i32
      %dma_wait3A_1415 = tpu.memref_slice %arg8[%run_scoped3A_1373, %dma_wait3A_1414] : memref<8x128xi32, #tpu.memory_space<vmem>> -> memref<1x128xi32, #tpu.memory_space<vmem>>
      %dma_wait3A_1416 = tpu.memref_squeeze %dma_wait3A_1415 : memref<1x128xi32, #tpu.memory_space<vmem>> -> memref<128xi32, #tpu.memory_space<vmem>>
      %dma_wait3A_1417 = arith.constant 0 : i32
      %dma_wait3A_1418 = arith.constant 0 : i32
      %dma_wait3A_1419 = tpu.memref_slice %arg6[%dma_wait3A_1417, %dma_wait3A_1418] : memref<10112x128xf32, #tpu.memory_space<vmem_shared>> -> memref<10112x128xf32, #tpu.memory_space<vmem_shared>>
      tpu.wait_indirect_dma semaphore(%run_scoped3A_1407 : memref<!tpu.dma_semaphore, #tpu.memory_space<semaphore_mem>>) src(%arg10 : memref<128x128xf32, #tpu.memory_space<vmem>>) dst(%dma_wait3A_1419 : memref<10112x128xf32, #tpu.memory_space<vmem_shared>>)
      tpu.yield
    }) : () -> ()
    %dma_start3A_1374 = arith.constant 4 : i32
    %dma_start3A_1375 = arith.constant 0 : i32
    %dma_start3A_1376 = tpu.memref_slice %arg8[%dma_start3A_1374, %dma_start3A_1375] : memref<8x128xi32, #tpu.memory_space<vmem>> -> memref<1x128xi32, #tpu.memory_space<vmem>>
    %dma_start3A_1377 = tpu.memref_squeeze %dma_start3A_1376 : memref<1x128xi32, #tpu.memory_space<vmem>> -> memref<128xi32, #tpu.memory_space<vmem>>
    %dma_start3A_1378 = arith.constant 0 : i32
    %dma_start3A_1379 = arith.constant 0 : i32
    %dma_start3A_1380 = tpu.memref_slice %arg2[%dma_start3A_1378, %dma_start3A_1379] : memref<10000x128xf32, #tpu.memory_space<hbm>> -> memref<10000x128xf32, #tpu.memory_space<hbm>>
    tpu.enqueue_indirect_dma source(%dma_start3A_1380 : memref<10000x128xf32, #tpu.memory_space<hbm>>) target(%arg9 : memref<128x128xf32, #tpu.memory_space<vmem>>) offsets(%dma_start3A_1377 : memref<128xi32, #tpu.memory_space<vmem>>) semaphore(%arg11 : memref<!tpu.dma_semaphore, #tpu.memory_space<semaphore_mem>>)
    %dma_wait3A_1381 = arith.constant 4 : i32
    %dma_wait3A_1382 = arith.constant 0 : i32
    %dma_wait3A_1383 = tpu.memref_slice %arg8[%dma_wait3A_1381, %dma_wait3A_1382] : memref<8x128xi32, #tpu.memory_space<vmem>> -> memref<1x128xi32, #tpu.memory_space<vmem>>
    %dma_wait3A_1384 = tpu.memref_squeeze %dma_wait3A_1383 : memref<1x128xi32, #tpu.memory_space<vmem>> -> memref<128xi32, #tpu.memory_space<vmem>>
    %dma_wait3A_1385 = arith.constant 0 : i32
    %dma_wait3A_1386 = arith.constant 0 : i32
    %dma_wait3A_1387 = tpu.memref_slice %arg2[%dma_wait3A_1385, %dma_wait3A_1386] : memref<10000x128xf32, #tpu.memory_space<hbm>> -> memref<10000x128xf32, #tpu.memory_space<hbm>>
    tpu.wait_indirect_dma semaphore(%arg11 : memref<!tpu.dma_semaphore, #tpu.memory_space<semaphore_mem>>) src(%dma_wait3A_1387 : memref<10000x128xf32, #tpu.memory_space<hbm>>) dst(%arg9 : memref<128x128xf32, #tpu.memory_space<vmem>>)
    %run_scoped3A_1388 = arith.constant 5 : i32
    "tpu.region"() ({
      %run_scoped3A_1407 = tpu.sem_alloc : memref<!tpu.dma_semaphore, #tpu.memory_space<semaphore_mem>>
      %dma_start3A_1408 = arith.constant 0 : i32
      %dma_start3A_1409 = tpu.memref_slice %arg8[%run_scoped3A_1388, %dma_start3A_1408] : memref<8x128xi32, #tpu.memory_space<vmem>> -> memref<1x128xi32, #tpu.memory_space<vmem>>
      %dma_start3A_1410 = tpu.memref_squeeze %dma_start3A_1409 : memref<1x128xi32, #tpu.memory_space<vmem>> -> memref<128xi32, #tpu.memory_space<vmem>>
      %dma_start3A_1411 = arith.constant 0 : i32
      %dma_start3A_1412 = arith.constant 0 : i32
      %dma_start3A_1413 = tpu.memref_slice %arg6[%dma_start3A_1411, %dma_start3A_1412] : memref<10112x128xf32, #tpu.memory_space<vmem_shared>> -> memref<10112x128xf32, #tpu.memory_space<vmem_shared>>
      tpu.enqueue_indirect_dma source(%arg9 : memref<128x128xf32, #tpu.memory_space<vmem>>) target(%dma_start3A_1413 : memref<10112x128xf32, #tpu.memory_space<vmem_shared>>) offsets(%dma_start3A_1410 : memref<128xi32, #tpu.memory_space<vmem>>) semaphore(%run_scoped3A_1407 : memref<!tpu.dma_semaphore, #tpu.memory_space<semaphore_mem>>) {add = true}
      %dma_wait3A_1414 = arith.constant 0 : i32
      %dma_wait3A_1415 = tpu.memref_slice %arg8[%run_scoped3A_1388, %dma_wait3A_1414] : memref<8x128xi32, #tpu.memory_space<vmem>> -> memref<1x128xi32, #tpu.memory_space<vmem>>
      %dma_wait3A_1416 = tpu.memref_squeeze %dma_wait3A_1415 : memref<1x128xi32, #tpu.memory_space<vmem>> -> memref<128xi32, #tpu.memory_space<vmem>>
      %dma_wait3A_1417 = arith.constant 0 : i32
      %dma_wait3A_1418 = arith.constant 0 : i32
      %dma_wait3A_1419 = tpu.memref_slice %arg6[%dma_wait3A_1417, %dma_wait3A_1418] : memref<10112x128xf32, #tpu.memory_space<vmem_shared>> -> memref<10112x128xf32, #tpu.memory_space<vmem_shared>>
      tpu.wait_indirect_dma semaphore(%run_scoped3A_1407 : memref<!tpu.dma_semaphore, #tpu.memory_space<semaphore_mem>>) src(%arg9 : memref<128x128xf32, #tpu.memory_space<vmem>>) dst(%dma_wait3A_1419 : memref<10112x128xf32, #tpu.memory_space<vmem_shared>>)
      tpu.yield
    }) : () -> ()
    %dma_start3A_1389 = arith.constant 6 : i32
    %dma_start3A_1390 = arith.constant 0 : i32
    %dma_start3A_1391 = tpu.memref_slice %arg8[%dma_start3A_1389, %dma_start3A_1390] : memref<8x128xi32, #tpu.memory_space<vmem>> -> memref<1x128xi32, #tpu.memory_space<vmem>>
    %dma_start3A_1392 = tpu.memref_squeeze %dma_start3A_1391 : memref<1x128xi32, #tpu.memory_space<vmem>> -> memref<128xi32, #tpu.memory_space<vmem>>
    %dma_start3A_1393 = arith.constant 0 : i32
    %dma_start3A_1394 = arith.constant 0 : i32
    %dma_start3A_1395 = tpu.memref_slice %arg2[%dma_start3A_1393, %dma_start3A_1394] : memref<10000x128xf32, #tpu.memory_space<hbm>> -> memref<10000x128xf32, #tpu.memory_space<hbm>>
    tpu.enqueue_indirect_dma source(%dma_start3A_1395 : memref<10000x128xf32, #tpu.memory_space<hbm>>) target(%arg10 : memref<128x128xf32, #tpu.memory_space<vmem>>) offsets(%dma_start3A_1392 : memref<128xi32, #tpu.memory_space<vmem>>) semaphore(%arg12 : memref<!tpu.dma_semaphore, #tpu.memory_space<semaphore_mem>>)
    %dma_wait3A_1396 = arith.constant 6 : i32
    %dma_wait3A_1397 = arith.constant 0 : i32
    %dma_wait3A_1398 = tpu.memref_slice %arg8[%dma_wait3A_1396, %dma_wait3A_1397] : memref<8x128xi32, #tpu.memory_space<vmem>> -> memref<1x128xi32, #tpu.memory_space<vmem>>
    %dma_wait3A_1399 = tpu.memref_squeeze %dma_wait3A_1398 : memref<1x128xi32, #tpu.memory_space<vmem>> -> memref<128xi32, #tpu.memory_space<vmem>>
    %dma_wait3A_1400 = arith.constant 0 : i32
    %dma_wait3A_1401 = arith.constant 0 : i32
    %dma_wait3A_1402 = tpu.memref_slice %arg2[%dma_wait3A_1400, %dma_wait3A_1401] : memref<10000x128xf32, #tpu.memory_space<hbm>> -> memref<10000x128xf32, #tpu.memory_space<hbm>>
    tpu.wait_indirect_dma semaphore(%arg12 : memref<!tpu.dma_semaphore, #tpu.memory_space<semaphore_mem>>) src(%dma_wait3A_1402 : memref<10000x128xf32, #tpu.memory_space<hbm>>) dst(%arg10 : memref<128x128xf32, #tpu.memory_space<vmem>>)
    %run_scoped3A_1403 = arith.constant 7 : i32
    "tpu.region"() ({
      %run_scoped3A_1407 = tpu.sem_alloc : memref<!tpu.dma_semaphore, #tpu.memory_space<semaphore_mem>>
      %dma_start3A_1408 = arith.constant 0 : i32
      %dma_start3A_1409 = tpu.memref_slice %arg8[%run_scoped3A_1403, %dma_start3A_1408] : memref<8x128xi32, #tpu.memory_space<vmem>> -> memref<1x128xi32, #tpu.memory_space<vmem>>
      %dma_start3A_1410 = tpu.memref_squeeze %dma_start3A_1409 : memref<1x128xi32, #tpu.memory_space<vmem>> -> memref<128xi32, #tpu.memory_space<vmem>>
      %dma_start3A_1411 = arith.constant 0 : i32
      %dma_start3A_1412 = arith.constant 0 : i32
      %dma_start3A_1413 = tpu.memref_slice %arg6[%dma_start3A_1411, %dma_start3A_1412] : memref<10112x128xf32, #tpu.memory_space<vmem_shared>> -> memref<10112x128xf32, #tpu.memory_space<vmem_shared>>
      tpu.enqueue_indirect_dma source(%arg10 : memref<128x128xf32, #tpu.memory_space<vmem>>) target(%dma_start3A_1413 : memref<10112x128xf32, #tpu.memory_space<vmem_shared>>) offsets(%dma_start3A_1410 : memref<128xi32, #tpu.memory_space<vmem>>) semaphore(%run_scoped3A_1407 : memref<!tpu.dma_semaphore, #tpu.memory_space<semaphore_mem>>) {add = true}
      %dma_wait3A_1414 = arith.constant 0 : i32
      %dma_wait3A_1415 = tpu.memref_slice %arg8[%run_scoped3A_1403, %dma_wait3A_1414] : memref<8x128xi32, #tpu.memory_space<vmem>> -> memref<1x128xi32, #tpu.memory_space<vmem>>
      %dma_wait3A_1416 = tpu.memref_squeeze %dma_wait3A_1415 : memref<1x128xi32, #tpu.memory_space<vmem>> -> memref<128xi32, #tpu.memory_space<vmem>>
      %dma_wait3A_1417 = arith.constant 0 : i32
      %dma_wait3A_1418 = arith.constant 0 : i32
      %dma_wait3A_1419 = tpu.memref_slice %arg6[%dma_wait3A_1417, %dma_wait3A_1418] : memref<10112x128xf32, #tpu.memory_space<vmem_shared>> -> memref<10112x128xf32, #tpu.memory_space<vmem_shared>>
      tpu.wait_indirect_dma semaphore(%run_scoped3A_1407 : memref<!tpu.dma_semaphore, #tpu.memory_space<semaphore_mem>>) src(%arg10 : memref<128x128xf32, #tpu.memory_space<vmem>>) dst(%dma_wait3A_1419 : memref<10112x128xf32, #tpu.memory_space<vmem_shared>>)
      tpu.yield
    }) : () -> ()
    %barrier3A_1404 = arith.constant 0 : index
    tpu.barrier barrier_id(%barrier3A_1404)
    %mul3A_1405 = arith.constant 632 : i32
    %mul3A_1406 = arith.muli %arg1, %mul3A_1405 : i32
    "tpu.region"() ({
      %run_scoped3A_1407 = tpu.sem_alloc : memref<!tpu.dma_semaphore, #tpu.memory_space<semaphore_mem>>
      %dma_start3A_1408 = arith.constant 0 : i32
      %dma_start3A_1409 = arith.constant 0 : i32
      %dma_start3A_1410 = tpu.memref_slice %arg5[%arg0, %dma_start3A_1408, %dma_start3A_1409] : memref<2x10112x128xf32, #tpu.memory_space<hbm>> -> memref<1x10112x128xf32, #tpu.memory_space<hbm>>
      %dma_start3A_1411 = tpu.memref_squeeze %dma_start3A_1410 : memref<1x10112x128xf32, #tpu.memory_space<hbm>> -> memref<10112x128xf32, #tpu.memory_space<hbm>>
      %dma_start3A_1412 = arith.constant 0 : i32
      %dma_start3A_1413 = tpu.memref_slice %dma_start3A_1411[%mul3A_1406, %dma_start3A_1412] : memref<10112x128xf32, #tpu.memory_space<hbm>> -> memref<632x128xf32, #tpu.memory_space<hbm>>
      %dma_start3A_1414 = arith.constant 0 : i32
      %dma_start3A_1415 = tpu.memref_slice %arg6[%mul3A_1406, %dma_start3A_1414] : memref<10112x128xf32, #tpu.memory_space<vmem_shared>> -> memref<632x128xf32, #tpu.memory_space<vmem_shared>>
      tpu.enqueue_dma source(%dma_start3A_1415 : memref<632x128xf32, #tpu.memory_space<vmem_shared>>) target(%dma_start3A_1413 : memref<632x128xf32, #tpu.memory_space<hbm>>) target_semaphore(%run_scoped3A_1407 : memref<!tpu.dma_semaphore, #tpu.memory_space<semaphore_mem>>)
      %dma_wait3A_1416 = arith.constant 0 : i32
      %dma_wait3A_1417 = arith.constant 0 : i32
      %dma_wait3A_1418 = tpu.memref_slice %arg5[%arg0, %dma_wait3A_1416, %dma_wait3A_1417] : memref<2x10112x128xf32, #tpu.memory_space<hbm>> -> memref<1x10112x128xf32, #tpu.memory_space<hbm>>
      %dma_wait3A_1419 = tpu.memref_squeeze %dma_wait3A_1418 : memref<1x10112x128xf32, #tpu.memory_space<hbm>> -> memref<10112x128xf32, #tpu.memory_space<hbm>>
      %dma_wait3A_1420 = arith.constant 0 : i32
      %dma_wait3A_1421 = tpu.memref_slice %dma_wait3A_1419[%mul3A_1406, %dma_wait3A_1420] : memref<10112x128xf32, #tpu.memory_space<hbm>> -> memref<632x128xf32, #tpu.memory_space<hbm>>
      %dma_wait3A_1422 = arith.constant 0 : i32
      %dma_wait3A_1423 = tpu.memref_slice %arg6[%mul3A_1406, %dma_wait3A_1422] : memref<10112x128xf32, #tpu.memory_space<vmem_shared>> -> memref<632x128xf32, #tpu.memory_space<vmem_shared>>
      tpu.wait_dma2 semaphore(%run_scoped3A_1407 : memref<!tpu.dma_semaphore, #tpu.memory_space<semaphore_mem>>) src(%dma_wait3A_1423 : memref<632x128xf32, #tpu.memory_space<vmem_shared>>) dst(%dma_wait3A_1421 : memref<632x128xf32, #tpu.memory_space<hbm>>)
      tpu.yield
    }) : () -> ()
    return
  }
}

module attributes {stable_mosaic.version = 14 : i64} {
  func.func @body(%arg0: i32, %arg1: memref<2x2000x128xf32, #tpu.memory_space<vmem>>, %arg2: memref<128x128xf32, #tpu.memory_space<vmem>>, %arg3: memref<1x128xf32, #tpu.memory_space<vmem>>, %arg4: memref<2000x128xf32, #tpu.memory_space<vmem>>) attributes {dimension_semantics = [#tpu.dimension_semantics<arbitrary>], iteration_bounds = array<i64: 5>, scalar_prefetch = 0 : i64, scratch_operands = 0 : i64, tpu.core_type = #tpu.core_type<tc>, window_params = [{transform_indices = @transform_0, window_bounds = array<i64: 2, 2000, 128>}, {pipeline_mode = #tpu.pipeline_mode<synchronous>, transform_indices = @transform_1, window_bounds = array<i64: 128, 128>}, {pipeline_mode = #tpu.pipeline_mode<synchronous>, transform_indices = @transform_2, window_bounds = array<i64: 1, 128>}, {transform_indices = @transform_3, window_bounds = array<i64: 2000, 128>}]} {
    %get3A = arith.constant 0 : index
    %get3A_0 = arith.constant 0 : index
    %get3A_1 = arith.constant 0 : index
    %get3A_2 = vector.load %arg1[%get3A, %get3A_0, %get3A_1] : memref<2x2000x128xf32, #tpu.memory_space<vmem>>, vector<1x2000x128xf32>
    %get3A_3 = vector.shape_cast %get3A_2 : vector<1x2000x128xf32> to vector<2000x128xf32>
    %get3A_4 = arith.constant 1 : index
    %get3A_5 = arith.constant 0 : index
    %get3A_6 = arith.constant 0 : index
    %get3A_7 = vector.load %arg1[%get3A_4, %get3A_5, %get3A_6] : memref<2x2000x128xf32, #tpu.memory_space<vmem>>, vector<1x2000x128xf32>
    %get3A_8 = vector.shape_cast %get3A_7 : vector<1x2000x128xf32> to vector<2000x128xf32>
    %add3A = arith.addf %get3A_3, %get3A_8 : vector<2000x128xf32>
    %get3A_9 = arith.constant 0 : index
    %get3A_10 = arith.constant 0 : index
    %get3A_11 = vector.load %arg2[%get3A_9, %get3A_10] : memref<128x128xf32, #tpu.memory_space<vmem>>, vector<128x128xf32>
    %dot_general3A = arith.constant dense<0.000000e+00> : vector<2000x128xf32>
    %dot_general3A_12 = tpu.matmul %add3A, %get3A_11, %dot_general3A {dimension_numbers = #tpu.dot_dimension_numbers<[1], [0], [0], [1], [0, 0, 1, 1], [], []>, transpose_lhs_hint = false} : vector<2000x128xf32>, vector<128x128xf32>, vector<2000x128xf32> -> vector<2000x128xf32>
    %get3A_13 = arith.constant 0 : index
    %get3A_14 = arith.constant 0 : index
    %get3A_15 = vector.load %arg3[%get3A_13, %get3A_14] : memref<1x128xf32, #tpu.memory_space<vmem>>, vector<1x128xf32>
    %add3A_16 = vector.broadcast %get3A_15 : vector<1x128xf32> to vector<2000x128xf32>
    %add3A_17 = arith.addf %dot_general3A_12, %add3A_16 : vector<2000x128xf32>
    %max3A = arith.constant 0.000000e+00 : f32
    %max3A_18 = vector.broadcast %max3A : f32 to vector<2000x128xf32>
    %max3A_19 = arith.maximumf %add3A_17, %max3A_18 : vector<2000x128xf32>
    %swap3A = arith.constant 0 : index
    %swap3A_20 = arith.constant 0 : index
    %swap3A_21 = vector.load %arg4[%swap3A, %swap3A_20] : memref<2000x128xf32, #tpu.memory_space<vmem>>, vector<2000x128xf32>
    tpu.vector_store %arg4[%swap3A, %swap3A_20], %max3A_19 {strides = array<i32>} : memref<2000x128xf32, #tpu.memory_space<vmem>>, vector<2000x128xf32>,
    return
  }
  func.func @transform_0(%arg0: i32) -> (i32, i32, i32) {
    %c0_i32 = arith.constant 0 : i32
    %c0_i32_0 = arith.constant 0 : i32
    %c0_i32_1 = arith.constant 0 : i32
    return %c0_i32, %arg0, %c0_i32_0 : i32, i32, i32
  }
  func.func @transform_1(%arg0: i32) -> (i32, i32) {
    %c0_i32 = arith.constant 0 : i32
    %c0_i32_0 = arith.constant 0 : i32
    %c0_i32_1 = arith.constant 0 : i32
    return %c0_i32, %c0_i32_0 : i32, i32
  }
  func.func @transform_2(%arg0: i32) -> (i32, i32) {
    %c0_i32 = arith.constant 0 : i32
    %c0_i32_0 = arith.constant 0 : i32
    %c0_i32_1 = arith.constant 0 : i32
    return %c0_i32, %c0_i32_0 : i32, i32
  }
  func.func @transform_3(%arg0: i32) -> (i32, i32) {
    %c0_i32 = arith.constant 0 : i32
    %c0_i32_0 = arith.constant 0 : i32
    return %arg0, %c0_i32 : i32, i32
  }
}

</mosaic_0001>

<sc_bundles>
// kernel: kernel.4.cloned.1.call-start
scs
__scs_entry_jumppad:
0x0: {  	(pc) =	sbr.rel $0x88, $3  }
0x1: {  	(tag) =	ssettag $0x0;
	lr =	simm.s32 $0x1  }
0x2: {  	[smem:$0x3F9D] =	sst lr;
	_ =	strace $0xD0000000  }
0x3: {  	_ = 	snop  }
0x4: {  	_ = 	snop  }
0x5: {  	_ = 	snop  }
0x6: {  	_ = 	snop  }
0x7: {  	_ = 	snop  }
__scs_overlays_trampoline_lowered:
0x8: {  	[smem:$0x3FAC] =	sst s0  }
0x9: {  	[smem:$0x3FAD] =	sst s1  }
0xa: {  	[smem:$0x3FAE] =	sst s2  }
0xb: {  	[smem:$0x3FAF] =	sst s3  }
0xc: {  	[smem:$0x3FB0] =	sst s4  }
0xd: {  	[smem:$0x3FB1] =	sst s5  }
0xe: {  	[smem:$0x3FB2] =	sst s6  }
0xf: {  	[smem:$0x3FB3] =	sst s7  }
0x10: {  	[smem:$0x3FB4] =	sst s8  }
0x11: {  	[smem:$0x3FB5] =	sst s9;
	s0 =	simm.s32 @!p0 $0x0  }
0x12: {  	s1 =	sld [smem:$0x3F9B];
	s0 =	simm.s32 @p0 $0x1  }
0x13: {  	[smem:$0x3FB6] =	sst s0;
	s0 =	simm.s32 @!p1 $0x0  }
0x14: {  	s2 =	sld [smem:$0x3F9A];
	s0 =	simm.s32 @p1 $0x1  }
0x15: {  	[smem:$0x3FB7] =	sst s0;
	s0 =	simm.s32 @!p2 $0x0  }
0x16: {  	s3 =	sld [smem:$0x3FDB];
	s0 =	simm.s32 @p2 $0x1  }
0x17: {  	s4 =	simm.s32 $0x1BF5;
	[smem:$0x3FB9] =	sst s0  }
0x18: {  	s0 =	sld [smem:$0x3F9C];
	_ =	swait.ge [sflag:s4], $0x0  }
0x19: {  	s7 =	sld [smem:$0x3F9D]  }
0x1a: {  	s8 =	sadd.s32 $0xFFFFE003, lr  }
0x1b: {  	s9 =	sadd.s32 $0xFFFFFEF7, lr;
	s5 =	simm.s32 $0xFFFFFFFF;
	p2 =	slt.u32 s8, $0xFFFFF086  }
0x1c: {  	p1 =	slt.u32 s9, $0xF7A;
	s5 =	simm.s32 @!p2 $0x0  }
0x1d: {  	s5 =	simm.s32 @p1 $0x1;
	p0 =	seq.s32 s7, s2  }
0x1e: {  	s7 =	smul.u32 @!p0 $0xF7A, s2;
	p2 =	seq.s32 @!p0 s5, $0x0  }
0x1f: {  	s9 =	smul.u32 $0xF7A, s1;
	s8 =	simm.s32 @!p0 $0x1BF5;
	p2 =	por !p2, p0  }
0x20: {  	[sflag:s8] =	ssyncset.s32 @!p0 $0xFFFFF086;
	s6 =	sadd.s32 @!p0 s3, s7;
	s7 =	simm.s32 @!p0 $0x108  }
0x21: {  	s3 =	sadd.s32 s3, s9;
	s6 =	sadd.s32 @!p0 $0x88, s6;
	s7 =	simm.s32 @p2 $0x1082  }
0x22: {  	[simem:s7], [sflag:s8] =	dma.local @!p0 [hbm:s6], $0xF7A  }
0x23: {  	s9 =	sor.u32 $0xD0000000, s2;
	s6 =	simm.s32 $0x108;
	_ =	swait.ge @!p0 [sflag:s8], $0x0  }
0x24: {  	s3 =	sadd.s32 $0x88, s3;
	s6 =	simm.s32 @!p1 $0x1082;
	[sflag:s4] =	ssyncset.s32 $0xFFFFF086  }
0x25: {  	[simem:s6], [sflag:s4] =	dma.local [hbm:s3], $0xF7A  }
0x26: {  	[smem:$0x3F9D] =	sst s1;
	(tag) =	ssettag s2;
	_ =	strace s9  }
0x27: {  	s1 =	sld [smem:$0x3FAD]  }
0x28: {  	s2 =	sld [smem:$0x3FAE]  }
0x29: {  	s4 =	sld [smem:$0x3FB0]  }
0x2a: {  	p0 =	seq.s32 s5, $0x0;
	s5 =	sld [smem:$0x3FB1]  }
0x2b: {  	s6 =	sld [smem:$0x3FB2]  }
0x2c: {  	s7 =	sld [smem:$0x3FB3]  }
0x2d: {  	s3 =	simm.s32 $0x108;
	s8 =	sld [smem:$0x3FB4]  }
0x2e: {  	s3 =	simm.s32 @!p0 $0x1082;
	s9 =	sld [smem:$0x3FB5]  }
0x2f: {  	lr =	sadd.s32 s0, s3;
	s0 =	sld [smem:$0x3FAC]  }
0x30: {  	s3 =	sld [smem:$0x3FAF]  }
0x31: {  	[smem:$0x3FB8] =	sst s10  }
0x32: {  	s10 =	sld [smem:$0x3FB6];
	_ =	sdelay $0x3  }
0x33: {  	p0 =	seq.s32 s10, $0x1;
	s10 =	sld [smem:$0x3FB8];
	_ =	sdelay $0x3  }
0x34: {  	[smem:$0x3FB8] =	sst s10  }
0x35: {  	s10 =	sld [smem:$0x3FB7];
	_ =	sdelay $0x3  }
0x36: {  	p1 =	seq.s32 s10, $0x1;
	s10 =	sld [smem:$0x3FB8];
	_ =	sdelay $0x3  }
0x37: {  	[smem:$0x3FB8] =	sst s10  }
0x38: {  	s10 =	sld [smem:$0x3FB9]  }
0x39: {  	_ = 	snop;
	(pc) =	sbr.ind lr, $3  }
0x3a: {  	_ = 	snop  }
0x3b: {  	_ = 	snop  }
0x3c: {  	p2 =	seq.s32 s10, $0x1;
	s10 =	sld [smem:$0x3FB8]  }
0x3d: {  	_ =	shalt  }
0x3e: {  	_ =	shalt  }
0x3f: {  	_ =	shalt  }
0x40: {  	_ =	shalt  }
0x41: {  	_ =	shalt  }
0x42: {  	_ =	shalt  }
0x43: {  	_ =	shalt  }
0x44: {  	_ =	shalt  }
0x45: {  	_ =	shalt  }
0x46: {  	_ =	shalt  }
0x47: {  	_ =	shalt  }
0x48: {  	_ =	shalt  }
0x49: {  	_ =	shalt  }
0x4a: {  	_ =	shalt  }
0x4b: {  	_ =	shalt  }
0x4c: {  	_ =	shalt  }
0x4d: {  	_ =	shalt  }
0x4e: {  	_ =	shalt  }
0x4f: {  	_ =	shalt  }
0x50: {  	_ =	shalt  }
0x51: {  	_ =	shalt  }
0x52: {  	_ =	shalt  }
0x53: {  	_ =	shalt  }
0x54: {  	_ =	shalt  }
0x55: {  	_ =	shalt  }
0x56: {  	_ =	shalt  }
0x57: {  	_ =	shalt  }
0x58: {  	_ =	shalt  }
0x59: {  	_ =	shalt  }
0x5a: {  	_ =	shalt  }
0x5b: {  	_ =	shalt  }
0x5c: {  	_ =	shalt  }
0x5d: {  	_ =	shalt  }
0x5e: {  	_ =	shalt  }
0x5f: {  	_ =	shalt  }
0x60: {  	_ =	shalt  }
0x61: {  	_ =	shalt  }
0x62: {  	_ =	shalt  }
0x63: {  	_ =	shalt  }
0x64: {  	_ =	shalt  }
0x65: {  	_ =	shalt  }
0x66: {  	_ =	shalt  }
0x67: {  	_ =	shalt  }
0x68: {  	_ =	shalt  }
0x69: {  	_ =	shalt  }
0x6a: {  	_ =	shalt  }
0x6b: {  	_ =	shalt  }
0x6c: {  	_ =	shalt  }
0x6d: {  	_ =	shalt  }
0x6e: {  	_ =	shalt  }
0x6f: {  	_ =	shalt  }
0x70: {  	_ =	shalt  }
0x71: {  	_ =	shalt  }
0x72: {  	_ =	shalt  }
0x73: {  	_ =	shalt  }
0x74: {  	_ =	shalt  }
0x75: {  	_ =	shalt  }
0x76: {  	_ =	shalt  }
0x77: {  	_ =	shalt  }
0x78: {  	_ =	shalt  }
0x79: {  	_ =	shalt  }
0x7a: {  	_ =	shalt  }
0x7b: {  	_ =	shalt  }
0x7c: {  	_ =	shalt  }
0x7d: {  	_ =	shalt  }
0x7e: {  	_ =	shalt  }
0x7f: {  	_ =	shalt  }
0x80: {  	_ =	shalt  }
0x81: {  	_ =	shalt  }
0x82: {  	_ =	shalt  }
0x83: {  	_ =	shalt  }
0x84: {  	_ =	shalt  }
0x85: {  	_ =	shalt  }
0x86: {  	_ =	shalt  }
0x87: {  	_ =	shalt  }
.Lfunc_end0:
.L_simem_size_0:
called_computation_lowered:
.L_overlay_start_0:
0x88: {  	s2 =	sld [smem:$0x3FD9]  }
0x89: {  	s3 =	sld [smem:$0x3FFE];
	_ =	sdelay $0x1  }
0x8a: {  	s1 =	srdreg.scid  }
0x8b: {  	s0 =	sand.u32 $0x1, s1  }
0x8c: {  	s17 =	sshll.u32 s0, $0xA;
	s2 =	sadd.s32 s3, s2  }
0x8d: {  	s2 =	sadd.s32 s2, s17  }
0x8e: {  	[smem:$0x3FC4] =	sst s2  }
0x8f: {  	_ = 	snop  }
0x90: {  	s2 =	sld [smem:$0x3FC9]  }
0x91: {  	s18 =	sld [smem:$0x3FD0];
	(tm) =	ssettm $0x1  }
0x92: {  	s4 =	sld [smem:$0x3FFB];
	_ =	sdelay $0x3  }
0x93: {  	_ =	strace s4  }
0x94: {  	s4 =	sld [smem:$0x3FFC];
	_ =	sdelay $0x3  }
0x95: {  	_ =	strace s4  }
0x96: {  	s4 =	sld [smem:$0x3FFD];
	_ =	sdelay $0x3  }
0x97: {  	_ =	strace s4  }
0x98: {  	_ =	strace $0x8FFFFFFF  }
0x99: {  	s19 =	sld [smem:$0x3FDB];
	_ =	sdelay $0x1  }
0x9a: {  	s5 =	simm.s32 $_scs_section_size  }
0x9b: {  	s6 =	simm.s32 $_size__tile_overlayer_lowered;
	s7 =	simm.s32 $_tile_overlayer_lowered  }
0x9c: {  	s22 =	simm.s32 $0x1BFF;
	s21 =	sshll.u32 s7, $0x1;
	s4 =	sadd.s32 s5, s19  }
0x9d: {  	s8 =	simm.s32 $0x0;
	s20 =	sshll.u32 s6, $0x1;
	s6 =	sadd.s32 s21, s4  }
0x9e: {  	[timem:s8], [sflag:s22] =	dma.local [hbm:s6], s20  }
0x9f: {  	_ =	swait.ge [sflag:s22], s20  }
0xa0: {  	s5 =	ssub.s32 $0x0, s20;
	[sflag:s22] =	ssyncset.done $0x0  }
0xa1: {  	[sflag:s22] =	ssyncadd.s32 s5;
	_ =	sdelay $0x1  }
0xa2: {  	s23 =	simm.s32 $0x1B8B  }
0xa3: {  	_ =	swait.ge [sflag:s23], $0x1  }
0xa4: {  	[sflag:s23] =	ssyncset.done $0x0  }
0xa5: {  	s25 =	simm.s32 $0x1B8E;
	s24 =	sld [smem:$0x3FFE];
	[sflag:s23] =	ssyncadd.s32 $0xFFFFFFFF  }
0xa6: {  	s26 =	simm.s32 $execute0_lowered;
	[smem:$0x3FD2] =	sst s25  }
0xa7: {  	s6 =	sshll.u32 s26, $0x1;
	_ =	strace $0x80000046;
	[dreg:$0x1] =	wrdreg $0xFFFFFFFF  }
0xa8: {  	s28 =	simm.s32 $_size_execute0_lowered;
	s4 =	sadd.s32 s4, s6;
	[dreg:$0x0] =	wrdreg $0x0  }
0xa9: {  	s6 =	sshll.u32 s28, $0x1;
	[dreg:$0x2] =	wrdreg s4  }
0xaa: {  	[dreg:$0x3] =	wrdreg s6  }
0xab: {  	[dreg:$0x4] =	wrdreg $0xC0  }
0xac: {  	_ =	task [dreg:s8], $0x5FFFF  }
0xad: {  	[dreg:$0x1] =	wrdreg $0xFFFFFFFF  }
0xae: {  	[dreg:$0x0] =	wrdreg $0x60  }
0xaf: {  	[dreg:$0x2] =	wrdreg s2  }
0xb0: {  	[dreg:$0x3] =	wrdreg s18  }
0xb1: {  	[dreg:$0x4] =	wrdreg s24  }
0xb2: {  	[dreg:$0x5] =	wrdreg $0x0  }
0xb3: {  	[dreg:$0x6] =	wrdreg $0x9  }
0xb4: {  	_ =	task.clear_ibuf [dreg:s8], $0x7FFFF;
	_ =	strace $0x90000046  }
0xb5: {  	s29 =	simm.s32 $0x9;
	_ =	strace $0x80000048  }
0xb6: {  	_ =	swait.ge [sflag:s29], $0x1  }
0xb7: {  	[sflag:s29] =	ssyncadd.s32 $0xFFFFFFFF  }
0xb8: {  	_ =	strace $0x90000048  }
0xb9: {  	_ =	sfence  }
0xba: {  	s30 =	sld [smem:$0x0];
	_ =	sdelay $0x2  }
0xbb: {  	s31 =	sshll.u32 s1, $0xD;
	s1 =	sshrl.u32 s1, $0x2  }
0xbc: {  	s3 =	sand.u32 $0x4000, s31;
	s1 =	sadd.s32 s1, s30  }
0xbd: {  	s0 =	sor.u32 s3, s0;
	s1 =	sshll.u32 s1, $0x11  }
0xbe: {  	s0 =	sor.u32 s1, s0  }
0xbf: {  	s0 =	sadd.s32 $0x8F2B, s0  }
0xc0: {  	[sflag:s0] =	ssyncadd.remote.s32 $0x1  }
0xc1: {  	_ =	sfence.sel $0xFFFF  }
0xc2: {  	[dreg:$0x0] =	wrdreg $0xFFFFFFFF;
	(pc) =	sbr.abs _section_cstart, $3  }
0xc3: {  	[dreg:$0x1] =	wrdreg $0xFFFFFFFF  }
0xc4: {  	_ =	task.clear_ibuf [dreg:s8], $0x2FFFF;
	_ =	strace $0x9FFFFFFF  }
0xc5: {  	(tm) =	ssettm $0x7FFFFFFF  }
tec
execute0_lowered:
.L_overlay_start_1:
0x0: {  	(tag) =	ssettag $0x1  }
0x1: {  	s2 =	srdreg.scid  }
0x2: {  	s0 =	rddreg [dreg:$0x0];
	s10 =	sand.u32 $0x1, s2  }
0x3: {  	s1 =	rddreg [dreg:$0x1];
	s7 =	stileid.u32;
	s6 =	sshll.u32 s10, $0x4  }
0x4: {  	s5 =	rddreg [dreg:$0x2];
	s6 =	sor.u32 s7, s6  }
0x5: {  	s3 =	simm.s32 $0x0;
	s2 =	rddreg [dreg:$0x3];
	s8 =	smul.u32 $0xA00, s6  }
0x6: {  	[smem:$0x7FF] =	sst s3;
	s9 =	sadd.s32 $0x200, s5  }
0x7: {  	[dreg:$0x1e] =	wrdreg s10;
	s6 =	smul.u32 $0x5000, s6;
	s4 =	sadd.s32 s1, s8  }
0x8: {  	_ =	strace $0x80000047;
	[dreg:$0x5] =	wrdreg s9;
	s8 =	sadd.s32 $0x80, s4  }
0x9: {  	s6 =	sshrl.u32 s6, $0x3;
	s24 =	sadd.s32 $0x100, s4;
	[dreg:$0x6] =	wrdreg s8  }
0xa: {  	s25 =	sadd.s32 $0x180, s4;
	s1 =	sadd.s32 s1, s6;
	[dreg:$0x7] =	wrdreg s24  }
0xb: {  	[dreg:$0x8] =	wrdreg s25;
	s6 =	sadd.s32 $0x200, s1  }
0xc: {  	s26 =	sadd.s32 $0x280, s1;
	[dreg:$0x9] =	wrdreg s6  }
0xd: {  	s8 =	sadd.s32 $0x300, s1;
	[dreg:$0xa] =	wrdreg s26  }
0xe: {  	s9 =	sadd.s32 $0x380, s1;
	[dreg:$0xb] =	wrdreg s8  }
0xf: {  	s11 =	sadd.s32 $0x400, s1;
	[dreg:$0xc] =	wrdreg s9  }
0x10: {  	s12 =	sadd.s32 $0x480, s1;
	[dreg:$0xd] =	wrdreg s11  }
0x11: {  	s13 =	sadd.s32 $0x500, s1;
	[dreg:$0xe] =	wrdreg s12  }
0x12: {  	s14 =	sadd.s32 $0x580, s1;
	[dreg:$0xf] =	wrdreg s13  }
0x13: {  	s15 =	sadd.s32 $0x600, s1;
	[dreg:$0x10] =	wrdreg s14  }
0x14: {  	s16 =	sadd.s32 $0x680, s1;
	[dreg:$0x11] =	wrdreg s15  }
0x15: {  	s18 =	sadd.s32 $0x700, s1;
	[dreg:$0x12] =	wrdreg s16  }
0x16: {  	s19 =	sadd.s32 $0x780, s1;
	[dreg:$0x13] =	wrdreg s18  }
0x17: {  	s17 =	smul.u32 $0x27800, s10;
	s20 =	sadd.s32 $0x800, s1;
	[dreg:$0x14] =	wrdreg s19  }
0x18: {  	s22 =	smul.u32 $0x4F000, s7;
	s21 =	sadd.s32 $0x880, s1;
	[dreg:$0x15] =	wrdreg s20  }
0x19: {  	s5 =	sadd.s32 s17, s5;
	s23 =	sadd.s32 $0x900, s1;
	[dreg:$0x16] =	wrdreg s21  }
0x1a: {  	s24 =	smul.u32 $0x2780, s7;
	s1 =	sadd.s32 $0x980, s1;
	[dreg:$0x17] =	wrdreg s23  }
0x1b: {  	s5 =	sadd.s32 $0x27A00, s5;
	s25 =	sshrl.u32 s22, $0x2;
	[dreg:$0x18] =	wrdreg s1  }
0x1c: {  	s1 =	sadd.s32 s25, s2;
	s8 =	rddreg [dreg:$0x5];
	s5 =	sadd.s32 s24, s5  }
0x1d: {  	p0 =	sne.s32 s7, $0x0;
	s1 =	sshrl.u32 s1, $0x3;
	[dreg:$0x19] =	wrdreg s5  }
0x1e: {  	[dreg:$0x1a] =	wrdreg s1;
	s5 =	sshrl.u32 @!p0 s2, $0x3  }
0x1f: {  	s6 =	simm.s32 @!p0 $0x1C05;
	s1 =	simm.s32 @!p0 $0x5;
	[dreg:$0x1c] =	wrdreg s5  }
0x20: {  	[spmem:s5], [sflag:s6] =	dma.local @!p0 [hbm:s8], $0x27800  }
0x21: {  	_ =	swait.ge @!p0 [sflag:s1], $0x27800  }
0x22: {  	[sflag:s1] =	ssyncset.done @!p0 $0x0  }
0x23: {  	s8 =	simm.s32 $0x13C00;
	[dreg:$0x1b] =	wrdreg s4;
	[sflag:s1] =	ssyncadd.s32 @!p0 $0xFFFD8800  }
0x24: {  	[tilespmem:s8], [sflag:$0x3] =	stream.linear.gather [hbm4b:s4+s3], $0x400, $0x38;
	[tilespmem:$0x1C400] =	vst v63  }
0x25: {  	s10 =	simm.s32 $0x3;
	s9 =	simm.s32 $0x14000;
	s26 =	rddreg [dreg:$0x6]  }
0x26: {  	[tilespmem:s9], [sflag:$0x4] =	stream.linear.gather [hbm4b:s26+s3], $0x400, $0x38;
	[tilespmem:$0x1C400] =	vst v63  }
0x27: {  	_ =	swait.ge [sflag:s10], $0x400  }
0x28: {  	[sflag:s10] =	ssyncset.done $0x0  }
0x29: {  	s11 =	simm.s32 $0x80;
	[sflag:s10] =	ssyncadd.s32 $0xFFFFFC00  }
0x2a: {  	s12 =	simm.s32 $0x14400;
	s13 =	simm.s32 $0x1;
	[bflag:$0x0] =	sbarrier.arrive $0xFFFF  }
0x2b: {  	[tilespmem:s12], [sflag:$0x1] =	stream.indirect.gather [hbm4b:s0+s11], $0x80, s8, s11, $0xb8;
	[tilespmem:$0x1C400] =	vst v63  }
0x2c: {  	_ =	swait.ge [sflag:s13], $0x4000  }
0x2d: {  	[sflag:s13] =	ssyncset.done $0x0  }
0x2e: {  	s15 =	simm.s32 $0x13C80;
	s14 =	simm.s32 $0x5;
	[sflag:s13] =	ssyncadd.s32 $0xFFFFC000  }
0x2f: {  	[spmem:s2] =	stream.indirect.scatter.add.f32 [tilespmem:s12], [sflag:$0x5], $0x80, s15, s11, $0xb8;
	[tilespmem:$0x1C400] =	vst v63  }
0x30: {  	_ =	swait.ge [sflag:s14], $0x4000  }
0x31: {  	s17 =	simm.s32 $0x18400;
	[sflag:s14] =	ssyncset.done $0x0  }
0x32: {  	s16 =	simm.s32 $0x13D00;
	s18 =	simm.s32 $0x2;
	[sflag:s14] =	ssyncadd.s32 $0xFFFFC000  }
0x33: {  	[tilespmem:s17], [sflag:$0x2] =	stream.indirect.gather [hbm4b:s0+s11], $0x80, s16, s11, $0xb8;
	[tilespmem:$0x1C400] =	vst v63  }
0x34: {  	_ =	swait.ge [sflag:s18], $0x4000  }
0x35: {  	[sflag:s18] =	ssyncset.done $0x0  }
0x36: {  	s19 =	simm.s32 $0x13D80;
	[sflag:s18] =	ssyncadd.s32 $0xFFFFC000  }
0x37: {  	[spmem:s2] =	stream.indirect.scatter.add.f32 [tilespmem:s17], [sflag:$0x5], $0x80, s19, s11, $0xb8;
	[tilespmem:$0x1C400] =	vst v63  }
0x38: {  	_ =	swait.ge [sflag:s14], $0x4000  }
0x39: {  	[sflag:s14] =	ssyncset.done $0x0  }
0x3a: {  	s20 =	simm.s32 $0x13E00;
	[sflag:s14] =	ssyncadd.s32 $0xFFFFC000  }
0x3b: {  	[tilespmem:s12], [sflag:$0x1] =	stream.indirect.gather [hbm4b:s0+s11], $0x80, s20, s11, $0xb8;
	[tilespmem:$0x1C400] =	vst v63  }
0x3c: {  	_ =	swait.ge [sflag:s13], $0x4000  }
0x3d: {  	[sflag:s13] =	ssyncset.done $0x0  }
0x3e: {  	s21 =	simm.s32 $0x13E80;
	[sflag:s13] =	ssyncadd.s32 $0xFFFFC000  }
0x3f: {  	[spmem:s2] =	stream.indirect.scatter.add.f32 [tilespmem:s12], [sflag:$0x5], $0x80, s21, s11, $0xb8;
	[tilespmem:$0x1C400] =	vst v63  }
0x40: {  	_ =	swait.ge [sflag:s14], $0x4000  }
0x41: {  	[sflag:s14] =	ssyncset.done $0x0  }
0x42: {  	s22 =	simm.s32 $0x13F00;
	[sflag:s14] =	ssyncadd.s32 $0xFFFFC000  }
0x43: {  	[tilespmem:s17], [sflag:$0x2] =	stream.indirect.gather [hbm4b:s0+s11], $0x80, s22, s11, $0xb8;
	[tilespmem:$0x1C400] =	vst v63  }
0x44: {  	_ =	swait.ge [sflag:s18], $0x4000  }
0x45: {  	[sflag:s18] =	ssyncset.done $0x0  }
0x46: {  	s23 =	simm.s32 $0x13F80;
	[sflag:s18] =	ssyncadd.s32 $0xFFFFC000  }
0x47: {  	[spmem:s2] =	stream.indirect.scatter.add.f32 [tilespmem:s17], [sflag:$0x5], $0x80, s23, s11, $0xb8;
	[tilespmem:$0x1C400] =	vst v63  }
0x48: {  	_ =	swait.ge [sflag:s14], $0x4000  }
0x49: {  	[sflag:s14] =	ssyncset.done $0x0  }
0x4a: {  	s24 =	simm.s32 $0x4;
	s5 =	rddreg [dreg:$0x7];
	[sflag:s14] =	ssyncadd.s32 $0xFFFFC000  }
0x4b: {  	[tilespmem:s8], [sflag:$0x3] =	stream.linear.gather [hbm4b:s5+s3], $0x400, $0x38;
	[tilespmem:$0x1C400] =	vst v63  }
0x4c: {  	_ =	swait.ge [sflag:s24], $0x400  }
0x4d: {  	[sflag:s24] =	ssyncset.done $0x0  }
0x4e: {  	[sflag:s24] =	ssyncadd.s32 $0xFFFFFC00  }
0x4f: {  	[tilespmem:s12], [sflag:$0x1] =	stream.indirect.gather [hbm4b:s0+s11], $0x80, s9, s11, $0xb8;
	[tilespmem:$0x1C400] =	vst v63  }
0x50: {  	_ =	swait.ge [sflag:s13], $0x4000  }
0x51: {  	[sflag:s13] =	ssyncset.done $0x0  }
0x52: {  	s25 =	simm.s32 $0x14080;
	[sflag:s13] =	ssyncadd.s32 $0xFFFFC000  }
0x53: {  	[spmem:s2] =	stream.indirect.scatter.add.f32 [tilespmem:s12], [sflag:$0x5], $0x80, s25, s11, $0xb8;
	[tilespmem:$0x1C400] =	vst v63  }
0x54: {  	_ =	swait.ge [sflag:s14], $0x4000  }
0x55: {  	[sflag:s14] =	ssyncset.done $0x0  }
0x56: {  	s26 =	simm.s32 $0x14100;
	[sflag:s14] =	ssyncadd.s32 $0xFFFFC000  }
0x57: {  	[tilespmem:s17], [sflag:$0x2] =	stream.indirect.gather [hbm4b:s0+s11], $0x80, s26, s11, $0xb8;
	[tilespmem:$0x1C400] =	vst v63  }
0x58: {  	_ =	swait.ge [sflag:s18], $0x4000  }
0x59: {  	[sflag:s18] =	ssyncset.done $0x0  }
0x5a: {  	s28 =	simm.s32 $0x14180;
	[sflag:s18] =	ssyncadd.s32 $0xFFFFC000  }
0x5b: {  	[spmem:s2] =	stream.indirect.scatter.add.f32 [tilespmem:s17], [sflag:$0x5], $0x80, s28, s11, $0xb8;
	[tilespmem:$0x1C400] =	vst v63  }
0x5c: {  	_ =	swait.ge [sflag:s14], $0x4000  }
0x5d: {  	[sflag:s14] =	ssyncset.done $0x0  }
0x5e: {  	s29 =	simm.s32 $0x14200;
	[sflag:s14] =	ssyncadd.s32 $0xFFFFC000  }
0x5f: {  	[tilespmem:s12], [sflag:$0x1] =	stream.indirect.gather [hbm4b:s0+s11], $0x80, s29, s11, $0xb8;
	[tilespmem:$0x1C400] =	vst v63  }
0x60: {  	_ =	swait.ge [sflag:s13], $0x4000  }
0x61: {  	[sflag:s13] =	ssyncset.done $0x0  }
0x62: {  	s30 =	simm.s32 $0x14280;
	[sflag:s13] =	ssyncadd.s32 $0xFFFFC000  }
0x63: {  	[spmem:s2] =	stream.indirect.scatter.add.f32 [tilespmem:s12], [sflag:$0x5], $0x80, s30, s11, $0xb8;
	[tilespmem:$0x1C400] =	vst v63  }
0x64: {  	_ =	swait.ge [sflag:s14], $0x4000  }
0x65: {  	[sflag:s14] =	ssyncset.done $0x0  }
0x66: {  	s31 =	simm.s32 $0x14300;
	[sflag:s14] =	ssyncadd.s32 $0xFFFFC000  }
0x67: {  	[tilespmem:s17], [sflag:$0x2] =	stream.indirect.gather [hbm4b:s0+s11], $0x80, s31, s11, $0xb8;
	[tilespmem:$0x1C400] =	vst v63  }
0x68: {  	_ =	swait.ge [sflag:s18], $0x4000  }
0x69: {  	[sflag:s18] =	ssyncset.done $0x0  }
0x6a: {  	s1 =	simm.s32 $0x14380;
	[sflag:s18] =	ssyncadd.s32 $0xFFFFC000  }
0x6b: {  	[spmem:s2] =	stream.indirect.scatter.add.f32 [tilespmem:s17], [sflag:$0x5], $0x80, s1, s11, $0xb8;
	[tilespmem:$0x1C400] =	vst v63  }
0x6c: {  	_ =	swait.ge [sflag:s14], $0x4000  }
0x6d: {  	[sflag:s14] =	ssyncset.done $0x0  }
0x6e: {  	s6 =	rddreg [dreg:$0x8];
	[sflag:s14] =	ssyncadd.s32 $0xFFFFC000  }
0x6f: {  	[tilespmem:s9], [sflag:$0x4] =	stream.linear.gather [hbm4b:s6+s3], $0x400, $0x38;
	[tilespmem:$0x1C400] =	vst v63  }
0x70: {  	_ =	swait.ge [sflag:s10], $0x400  }
0x71: {  	[sflag:s10] =	ssyncset.done $0x0  }
0x72: {  	[sflag:s10] =	ssyncadd.s32 $0xFFFFFC00  }
0x73: {  	[tilespmem:s12], [sflag:$0x1] =	stream.indirect.gather [hbm4b:s0+s11], $0x80, s8, s11, $0xb8;
	[tilespmem:$0x1C400] =	vst v63  }
0x74: {  	_ =	swait.ge [sflag:s13], $0x4000  }
0x75: {  	[sflag:s13] =	ssyncset.done $0x0  }
0x76: {  	[sflag:s13] =	ssyncadd.s32 $0xFFFFC000  }
0x77: {  	[spmem:s2] =	stream.indirect.scatter.add.f32 [tilespmem:s12], [sflag:$0x5], $0x80, s15, s11, $0xb8;
	[tilespmem:$0x1C400] =	vst v63  }
0x78: {  	_ =	swait.ge [sflag:s14], $0x4000  }
0x79: {  	[sflag:s14] =	ssyncset.done $0x0  }
0x7a: {  	[sflag:s14] =	ssyncadd.s32 $0xFFFFC000  }
0x7b: {  	[tilespmem:s17], [sflag:$0x2] =	stream.indirect.gather [hbm4b:s0+s11], $0x80, s16, s11, $0xb8;
	[tilespmem:$0x1C400] =	vst v63  }
0x7c: {  	_ =	swait.ge [sflag:s18], $0x4000  }
0x7d: {  	[sflag:s18] =	ssyncset.done $0x0  }
0x7e: {  	[sflag:s18] =	ssyncadd.s32 $0xFFFFC000  }
0x7f: {  	[spmem:s2] =	stream.indirect.scatter.add.f32 [tilespmem:s17], [sflag:$0x5], $0x80, s19, s11, $0xb8;
	[tilespmem:$0x1C400] =	vst v63  }
0x80: {  	_ =	swait.ge [sflag:s14], $0x4000  }
0x81: {  	[sflag:s14] =	ssyncset.done $0x0  }
0x82: {  	[sflag:s14] =	ssyncadd.s32 $0xFFFFC000  }
0x83: {  	[tilespmem:s12], [sflag:$0x1] =	stream.indirect.gather [hbm4b:s0+s11], $0x80, s20, s11, $0xb8;
	[tilespmem:$0x1C400] =	vst v63  }
0x84: {  	_ =	swait.ge [sflag:s13], $0x4000  }
0x85: {  	[sflag:s13] =	ssyncset.done $0x0  }
0x86: {  	[sflag:s13] =	ssyncadd.s32 $0xFFFFC000  }
0x87: {  	[spmem:s2] =	stream.indirect.scatter.add.f32 [tilespmem:s12], [sflag:$0x5], $0x80, s21, s11, $0xb8;
	[tilespmem:$0x1C400] =	vst v63  }
0x88: {  	_ =	swait.ge [sflag:s14], $0x4000  }
0x89: {  	[sflag:s14] =	ssyncset.done $0x0  }
0x8a: {  	[sflag:s14] =	ssyncadd.s32 $0xFFFFC000  }
0x8b: {  	[tilespmem:s17], [sflag:$0x2] =	stream.indirect.gather [hbm4b:s0+s11], $0x80, s22, s11, $0xb8;
	[tilespmem:$0x1C400] =	vst v63  }
0x8c: {  	_ =	swait.ge [sflag:s18], $0x4000  }
0x8d: {  	[sflag:s18] =	ssyncset.done $0x0  }
0x8e: {  	[sflag:s18] =	ssyncadd.s32 $0xFFFFC000  }
0x8f: {  	[spmem:s2] =	stream.indirect.scatter.add.f32 [tilespmem:s17], [sflag:$0x5], $0x80, s23, s11, $0xb8;
	[tilespmem:$0x1C400] =	vst v63  }
0x90: {  	_ =	swait.ge [sflag:s14], $0x4000  }
0x91: {  	[sflag:s14] =	ssyncset.done $0x0  }
0x92: {  	s5 =	rddreg [dreg:$0x9];
	[sflag:s14] =	ssyncadd.s32 $0xFFFFC000  }
0x93: {  	[tilespmem:s8], [sflag:$0x3] =	stream.linear.gather [hbm4b:s5+s3], $0x400, $0x38;
	[tilespmem:$0x1C400] =	vst v63  }
0x94: {  	_ =	swait.ge [sflag:s24], $0x400  }
0x95: {  	[sflag:s24] =	ssyncset.done $0x0  }
0x96: {  	[sflag:s24] =	ssyncadd.s32 $0xFFFFFC00  }
0x97: {  	[tilespmem:s12], [sflag:$0x1] =	stream.indirect.gather [hbm4b:s0+s11], $0x80, s9, s11, $0xb8;
	[tilespmem:$0x1C400] =	vst v63  }
0x98: {  	_ =	swait.ge [sflag:s13], $0x4000  }
0x99: {  	[sflag:s13] =	ssyncset.done $0x0  }
0x9a: {  	[sflag:s13] =	ssyncadd.s32 $0xFFFFC000  }
0x9b: {  	[spmem:s2] =	stream.indirect.scatter.add.f32 [tilespmem:s12], [sflag:$0x5], $0x80, s25, s11, $0xb8;
	[tilespmem:$0x1C400] =	vst v63  }
0x9c: {  	_ =	swait.ge [sflag:s14], $0x4000  }
0x9d: {  	[sflag:s14] =	ssyncset.done $0x0  }
0x9e: {  	[sflag:s14] =	ssyncadd.s32 $0xFFFFC000  }
0x9f: {  	[tilespmem:s17], [sflag:$0x2] =	stream.indirect.gather [hbm4b:s0+s11], $0x80, s26, s11, $0xb8;
	[tilespmem:$0x1C400] =	vst v63  }
0xa0: {  	_ =	swait.ge [sflag:s18], $0x4000  }
0xa1: {  	[sflag:s18] =	ssyncset.done $0x0  }
0xa2: {  	[sflag:s18] =	ssyncadd.s32 $0xFFFFC000  }
0xa3: {  	[spmem:s2] =	stream.indirect.scatter.add.f32 [tilespmem:s17], [sflag:$0x5], $0x80, s28, s11, $0xb8;
	[tilespmem:$0x1C400] =	vst v63  }
0xa4: {  	_ =	swait.ge [sflag:s14], $0x4000  }
0xa5: {  	[sflag:s14] =	ssyncset.done $0x0  }
0xa6: {  	[sflag:s14] =	ssyncadd.s32 $0xFFFFC000  }
0xa7: {  	[tilespmem:s12], [sflag:$0x1] =	stream.indirect.gather [hbm4b:s0+s11], $0x80, s29, s11, $0xb8;
	[tilespmem:$0x1C400] =	vst v63  }
0xa8: {  	_ =	swait.ge [sflag:s13], $0x4000  }
0xa9: {  	[sflag:s13] =	ssyncset.done $0x0  }
0xaa: {  	[sflag:s13] =	ssyncadd.s32 $0xFFFFC000  }
0xab: {  	[spmem:s2] =	stream.indirect.scatter.add.f32 [tilespmem:s12], [sflag:$0x5], $0x80, s30, s11, $0xb8;
	[tilespmem:$0x1C400] =	vst v63  }
0xac: {  	_ =	swait.ge [sflag:s14], $0x4000  }
0xad: {  	[sflag:s14] =	ssyncset.done $0x0  }
0xae: {  	[sflag:s14] =	ssyncadd.s32 $0xFFFFC000  }
0xaf: {  	[tilespmem:s17], [sflag:$0x2] =	stream.indirect.gather [hbm4b:s0+s11], $0x80, s31, s11, $0xb8;
	[tilespmem:$0x1C400] =	vst v63  }
0xb0: {  	_ =	swait.ge [sflag:s18], $0x4000  }
0xb1: {  	[sflag:s18] =	ssyncset.done $0x0  }
0xb2: {  	[sflag:s18] =	ssyncadd.s32 $0xFFFFC000  }
0xb3: {  	[spmem:s2] =	stream.indirect.scatter.add.f32 [tilespmem:s17], [sflag:$0x5], $0x80, s1, s11, $0xb8;
	[tilespmem:$0x1C400] =	vst v63  }
0xb4: {  	_ =	swait.ge [sflag:s14], $0x4000  }
0xb5: {  	[sflag:s14] =	ssyncset.done $0x0  }
0xb6: {  	s6 =	rddreg [dreg:$0xa];
	[sflag:s14] =	ssyncadd.s32 $0xFFFFC000  }
0xb7: {  	[tilespmem:s9], [sflag:$0x4] =	stream.linear.gather [hbm4b:s6+s3], $0x400, $0x38;
	[tilespmem:$0x1C400] =	vst v63  }
0xb8: {  	_ =	swait.ge [sflag:s10], $0x400  }
0xb9: {  	[sflag:s10] =	ssyncset.done $0x0  }
0xba: {  	[sflag:s10] =	ssyncadd.s32 $0xFFFFFC00  }
0xbb: {  	[tilespmem:s12], [sflag:$0x1] =	stream.indirect.gather [hbm4b:s0+s11], $0x80, s8, s11, $0xb8;
	[tilespmem:$0x1C400] =	vst v63  }
0xbc: {  	_ =	swait.ge [sflag:s13], $0x4000  }
0xbd: {  	[sflag:s13] =	ssyncset.done $0x0  }
0xbe: {  	[sflag:s13] =	ssyncadd.s32 $0xFFFFC000  }
0xbf: {  	[spmem:s2] =	stream.indirect.scatter.add.f32 [tilespmem:s12], [sflag:$0x5], $0x80, s15, s11, $0xb8;
	[tilespmem:$0x1C400] =	vst v63  }
0xc0: {  	_ =	swait.ge [sflag:s14], $0x4000  }
0xc1: {  	[sflag:s14] =	ssyncset.done $0x0  }
0xc2: {  	[sflag:s14] =	ssyncadd.s32 $0xFFFFC000  }
0xc3: {  	[tilespmem:s17], [sflag:$0x2] =	stream.indirect.gather [hbm4b:s0+s11], $0x80, s16, s11, $0xb8;
	[tilespmem:$0x1C400] =	vst v63  }
0xc4: {  	_ =	swait.ge [sflag:s18], $0x4000  }
0xc5: {  	[sflag:s18] =	ssyncset.done $0x0  }
0xc6: {  	[sflag:s18] =	ssyncadd.s32 $0xFFFFC000  }
0xc7: {  	[spmem:s2] =	stream.indirect.scatter.add.f32 [tilespmem:s17], [sflag:$0x5], $0x80, s19, s11, $0xb8;
	[tilespmem:$0x1C400] =	vst v63  }
0xc8: {  	_ =	swait.ge [sflag:s14], $0x4000  }
0xc9: {  	[sflag:s14] =	ssyncset.done $0x0  }
0xca: {  	[sflag:s14] =	ssyncadd.s32 $0xFFFFC000  }
0xcb: {  	[tilespmem:s12], [sflag:$0x1] =	stream.indirect.gather [hbm4b:s0+s11], $0x80, s20, s11, $0xb8;
	[tilespmem:$0x1C400] =	vst v63  }
0xcc: {  	_ =	swait.ge [sflag:s13], $0x4000  }
0xcd: {  	[sflag:s13] =	ssyncset.done $0x0  }
0xce: {  	[sflag:s13] =	ssyncadd.s32 $0xFFFFC000  }
0xcf: {  	[spmem:s2] =	stream.indirect.scatter.add.f32 [tilespmem:s12], [sflag:$0x5], $0x80, s21, s11, $0xb8;
	[tilespmem:$0x1C400] =	vst v63  }
0xd0: {  	_ =	swait.ge [sflag:s14], $0x4000  }
0xd1: {  	[sflag:s14] =	ssyncset.done $0x0  }
0xd2: {  	[sflag:s14] =	ssyncadd.s32 $0xFFFFC000  }
0xd3: {  	[tilespmem:s17], [sflag:$0x2] =	stream.indirect.gather [hbm4b:s0+s11], $0x80, s22, s11, $0xb8;
	[tilespmem:$0x1C400] =	vst v63  }
0xd4: {  	_ =	swait.ge [sflag:s18], $0x4000  }
0xd5: {  	[sflag:s18] =	ssyncset.done $0x0  }
0xd6: {  	[sflag:s18] =	ssyncadd.s32 $0xFFFFC000  }
0xd7: {  	[spmem:s2] =	stream.indirect.scatter.add.f32 [tilespmem:s17], [sflag:$0x5], $0x80, s23, s11, $0xb8;
	[tilespmem:$0x1C400] =	vst v63  }
0xd8: {  	_ =	swait.ge [sflag:s14], $0x4000  }
0xd9: {  	[sflag:s14] =	ssyncset.done $0x0  }
0xda: {  	s5 =	rddreg [dreg:$0xb];
	[sflag:s14] =	ssyncadd.s32 $0xFFFFC000  }
0xdb: {  	[tilespmem:s8], [sflag:$0x3] =	stream.linear.gather [hbm4b:s5+s3], $0x400, $0x38;
	[tilespmem:$0x1C400] =	vst v63  }
0xdc: {  	_ =	swait.ge [sflag:s24], $0x400  }
0xdd: {  	[sflag:s24] =	ssyncset.done $0x0  }
0xde: {  	[sflag:s24] =	ssyncadd.s32 $0xFFFFFC00  }
0xdf: {  	[tilespmem:s12], [sflag:$0x1] =	stream.indirect.gather [hbm4b:s0+s11], $0x80, s9, s11, $0xb8;
	[tilespmem:$0x1C400] =	vst v63  }
0xe0: {  	_ =	swait.ge [sflag:s13], $0x4000  }
0xe1: {  	[sflag:s13] =	ssyncset.done $0x0  }
0xe2: {  	[sflag:s13] =	ssyncadd.s32 $0xFFFFC000  }
0xe3: {  	[spmem:s2] =	stream.indirect.scatter.add.f32 [tilespmem:s12], [sflag:$0x5], $0x80, s25, s11, $0xb8;
	[tilespmem:$0x1C400] =	vst v63  }
0xe4: {  	_ =	swait.ge [sflag:s14], $0x4000  }
0xe5: {  	[sflag:s14] =	ssyncset.done $0x0  }
0xe6: {  	[sflag:s14] =	ssyncadd.s32 $0xFFFFC000  }
0xe7: {  	[tilespmem:s17], [sflag:$0x2] =	stream.indirect.gather [hbm4b:s0+s11], $0x80, s26, s11, $0xb8;
	[tilespmem:$0x1C400] =	vst v63  }
0xe8: {  	_ =	swait.ge [sflag:s18], $0x4000  }
0xe9: {  	[sflag:s18] =	ssyncset.done $0x0  }
0xea: {  	[sflag:s18] =	ssyncadd.s32 $0xFFFFC000  }
0xeb: {  	[spmem:s2] =	stream.indirect.scatter.add.f32 [tilespmem:s17], [sflag:$0x5], $0x80, s28, s11, $0xb8;
	[tilespmem:$0x1C400] =	vst v63  }
0xec: {  	_ =	swait.ge [sflag:s14], $0x4000  }
0xed: {  	[sflag:s14] =	ssyncset.done $0x0  }
0xee: {  	[sflag:s14] =	ssyncadd.s32 $0xFFFFC000  }
0xef: {  	[tilespmem:s12], [sflag:$0x1] =	stream.indirect.gather [hbm4b:s0+s11], $0x80, s29, s11, $0xb8;
	[tilespmem:$0x1C400] =	vst v63  }
0xf0: {  	_ =	swait.ge [sflag:s13], $0x4000  }
0xf1: {  	[sflag:s13] =	ssyncset.done $0x0  }
0xf2: {  	[sflag:s13] =	ssyncadd.s32 $0xFFFFC000  }
0xf3: {  	[spmem:s2] =	stream.indirect.scatter.add.f32 [tilespmem:s12], [sflag:$0x5], $0x80, s30, s11, $0xb8;
	[tilespmem:$0x1C400] =	vst v63  }
0xf4: {  	_ =	swait.ge [sflag:s14], $0x4000  }
0xf5: {  	[sflag:s14] =	ssyncset.done $0x0  }
0xf6: {  	[sflag:s14] =	ssyncadd.s32 $0xFFFFC000  }
0xf7: {  	[tilespmem:s17], [sflag:$0x2] =	stream.indirect.gather [hbm4b:s0+s11], $0x80, s31, s11, $0xb8;
	[tilespmem:$0x1C400] =	vst v63  }
0xf8: {  	_ =	swait.ge [sflag:s18], $0x4000  }
0xf9: {  	[sflag:s18] =	ssyncset.done $0x0  }
0xfa: {  	[sflag:s18] =	ssyncadd.s32 $0xFFFFC000  }
0xfb: {  	[spmem:s2] =	stream.indirect.scatter.add.f32 [tilespmem:s17], [sflag:$0x5], $0x80, s1, s11, $0xb8;
	[tilespmem:$0x1C400] =	vst v63  }
0xfc: {  	_ =	swait.ge [sflag:s14], $0x4000  }
0xfd: {  	[sflag:s14] =	ssyncset.done $0x0  }
0xfe: {  	s6 =	rddreg [dreg:$0xc];
	[sflag:s14] =	ssyncadd.s32 $0xFFFFC000  }
0xff: {  	[tilespmem:s9], [sflag:$0x4] =	stream.linear.gather [hbm4b:s6+s3], $0x400, $0x38;
	[tilespmem:$0x1C400] =	vst v63  }
0x100: {  	_ =	swait.ge [sflag:s10], $0x400  }
0x101: {  	[sflag:s10] =	ssyncset.done $0x0  }
0x102: {  	[sflag:s10] =	ssyncadd.s32 $0xFFFFFC00  }
0x103: {  	[tilespmem:s12], [sflag:$0x1] =	stream.indirect.gather [hbm4b:s0+s11], $0x80, s8, s11, $0xb8;
	[tilespmem:$0x1C400] =	vst v63  }
0x104: {  	_ =	swait.ge [sflag:s13], $0x4000  }
0x105: {  	[sflag:s13] =	ssyncset.done $0x0  }
0x106: {  	[sflag:s13] =	ssyncadd.s32 $0xFFFFC000  }
0x107: {  	[spmem:s2] =	stream.indirect.scatter.add.f32 [tilespmem:s12], [sflag:$0x5], $0x80, s15, s11, $0xb8;
	[tilespmem:$0x1C400] =	vst v63  }
0x108: {  	_ =	swait.ge [sflag:s14], $0x4000  }
0x109: {  	[sflag:s14] =	ssyncset.done $0x0  }
0x10a: {  	[sflag:s14] =	ssyncadd.s32 $0xFFFFC000  }
0x10b: {  	[tilespmem:s17], [sflag:$0x2] =	stream.indirect.gather [hbm4b:s0+s11], $0x80, s16, s11, $0xb8;
	[tilespmem:$0x1C400] =	vst v63  }
0x10c: {  	_ =	swait.ge [sflag:s18], $0x4000  }
0x10d: {  	[sflag:s18] =	ssyncset.done $0x0  }
0x10e: {  	[sflag:s18] =	ssyncadd.s32 $0xFFFFC000  }
0x10f: {  	[spmem:s2] =	stream.indirect.scatter.add.f32 [tilespmem:s17], [sflag:$0x5], $0x80, s19, s11, $0xb8;
	[tilespmem:$0x1C400] =	vst v63  }
0x110: {  	_ =	swait.ge [sflag:s14], $0x4000  }
0x111: {  	[sflag:s14] =	ssyncset.done $0x0  }
0x112: {  	[sflag:s14] =	ssyncadd.s32 $0xFFFFC000  }
0x113: {  	[tilespmem:s12], [sflag:$0x1] =	stream.indirect.gather [hbm4b:s0+s11], $0x80, s20, s11, $0xb8;
	[tilespmem:$0x1C400] =	vst v63  }
0x114: {  	_ =	swait.ge [sflag:s13], $0x4000  }
0x115: {  	[sflag:s13] =	ssyncset.done $0x0  }
0x116: {  	[sflag:s13] =	ssyncadd.s32 $0xFFFFC000  }
0x117: {  	[spmem:s2] =	stream.indirect.scatter.add.f32 [tilespmem:s12], [sflag:$0x5], $0x80, s21, s11, $0xb8;
	[tilespmem:$0x1C400] =	vst v63  }
0x118: {  	_ =	swait.ge [sflag:s14], $0x4000  }
0x119: {  	[sflag:s14] =	ssyncset.done $0x0  }
0x11a: {  	[sflag:s14] =	ssyncadd.s32 $0xFFFFC000  }
0x11b: {  	[tilespmem:s17], [sflag:$0x2] =	stream.indirect.gather [hbm4b:s0+s11], $0x80, s22, s11, $0xb8;
	[tilespmem:$0x1C400] =	vst v63  }
0x11c: {  	_ =	swait.ge [sflag:s18], $0x4000  }
0x11d: {  	[sflag:s18] =	ssyncset.done $0x0  }
0x11e: {  	[sflag:s18] =	ssyncadd.s32 $0xFFFFC000  }
0x11f: {  	[spmem:s2] =	stream.indirect.scatter.add.f32 [tilespmem:s17], [sflag:$0x5], $0x80, s23, s11, $0xb8;
	[tilespmem:$0x1C400] =	vst v63  }
0x120: {  	_ =	swait.ge [sflag:s14], $0x4000  }
0x121: {  	[sflag:s14] =	ssyncset.done $0x0  }
0x122: {  	s5 =	rddreg [dreg:$0xd];
	[sflag:s14] =	ssyncadd.s32 $0xFFFFC000  }
0x123: {  	[tilespmem:s8], [sflag:$0x3] =	stream.linear.gather [hbm4b:s5+s3], $0x400, $0x38;
	[tilespmem:$0x1C400] =	vst v63  }
0x124: {  	_ =	swait.ge [sflag:s24], $0x400  }
0x125: {  	[sflag:s24] =	ssyncset.done $0x0  }
0x126: {  	[sflag:s24] =	ssyncadd.s32 $0xFFFFFC00  }
0x127: {  	[tilespmem:s12], [sflag:$0x1] =	stream.indirect.gather [hbm4b:s0+s11], $0x80, s9, s11, $0xb8;
	[tilespmem:$0x1C400] =	vst v63  }
0x128: {  	_ =	swait.ge [sflag:s13], $0x4000  }
0x129: {  	[sflag:s13] =	ssyncset.done $0x0  }
0x12a: {  	[sflag:s13] =	ssyncadd.s32 $0xFFFFC000  }
0x12b: {  	[spmem:s2] =	stream.indirect.scatter.add.f32 [tilespmem:s12], [sflag:$0x5], $0x80, s25, s11, $0xb8;
	[tilespmem:$0x1C400] =	vst v63  }
0x12c: {  	_ =	swait.ge [sflag:s14], $0x4000  }
0x12d: {  	[sflag:s14] =	ssyncset.done $0x0  }
0x12e: {  	[sflag:s14] =	ssyncadd.s32 $0xFFFFC000  }
0x12f: {  	[tilespmem:s17], [sflag:$0x2] =	stream.indirect.gather [hbm4b:s0+s11], $0x80, s26, s11, $0xb8;
	[tilespmem:$0x1C400] =	vst v63  }
0x130: {  	_ =	swait.ge [sflag:s18], $0x4000  }
0x131: {  	[sflag:s18] =	ssyncset.done $0x0  }
0x132: {  	[sflag:s18] =	ssyncadd.s32 $0xFFFFC000  }
0x133: {  	[spmem:s2] =	stream.indirect.scatter.add.f32 [tilespmem:s17], [sflag:$0x5], $0x80, s28, s11, $0xb8;
	[tilespmem:$0x1C400] =	vst v63  }
0x134: {  	_ =	swait.ge [sflag:s14], $0x4000  }
0x135: {  	[sflag:s14] =	ssyncset.done $0x0  }
0x136: {  	[sflag:s14] =	ssyncadd.s32 $0xFFFFC000  }
0x137: {  	[tilespmem:s12], [sflag:$0x1] =	stream.indirect.gather [hbm4b:s0+s11], $0x80, s29, s11, $0xb8;
	[tilespmem:$0x1C400] =	vst v63  }
0x138: {  	_ =	swait.ge [sflag:s13], $0x4000  }
0x139: {  	[sflag:s13] =	ssyncset.done $0x0  }
0x13a: {  	[sflag:s13] =	ssyncadd.s32 $0xFFFFC000  }
0x13b: {  	[spmem:s2] =	stream.indirect.scatter.add.f32 [tilespmem:s12], [sflag:$0x5], $0x80, s30, s11, $0xb8;
	[tilespmem:$0x1C400] =	vst v63  }
0x13c: {  	_ =	swait.ge [sflag:s14], $0x4000  }
0x13d: {  	[sflag:s14] =	ssyncset.done $0x0  }
0x13e: {  	[sflag:s14] =	ssyncadd.s32 $0xFFFFC000  }
0x13f: {  	[tilespmem:s17], [sflag:$0x2] =	stream.indirect.gather [hbm4b:s0+s11], $0x80, s31, s11, $0xb8;
	[tilespmem:$0x1C400] =	vst v63  }
0x140: {  	_ =	swait.ge [sflag:s18], $0x4000  }
0x141: {  	[sflag:s18] =	ssyncset.done $0x0  }
0x142: {  	[sflag:s18] =	ssyncadd.s32 $0xFFFFC000  }
0x143: {  	[spmem:s2] =	stream.indirect.scatter.add.f32 [tilespmem:s17], [sflag:$0x5], $0x80, s1, s11, $0xb8;
	[tilespmem:$0x1C400] =	vst v63  }
0x144: {  	_ =	swait.ge [sflag:s14], $0x4000  }
0x145: {  	[sflag:s14] =	ssyncset.done $0x0  }
0x146: {  	s6 =	rddreg [dreg:$0xe];
	[sflag:s14] =	ssyncadd.s32 $0xFFFFC000  }
0x147: {  	[tilespmem:s9], [sflag:$0x4] =	stream.linear.gather [hbm4b:s6+s3], $0x400, $0x38;
	[tilespmem:$0x1C400] =	vst v63  }
0x148: {  	_ =	swait.ge [sflag:s10], $0x400  }
0x149: {  	[sflag:s10] =	ssyncset.done $0x0  }
0x14a: {  	[sflag:s10] =	ssyncadd.s32 $0xFFFFFC00  }
0x14b: {  	[tilespmem:s12], [sflag:$0x1] =	stream.indirect.gather [hbm4b:s0+s11], $0x80, s8, s11, $0xb8;
	[tilespmem:$0x1C400] =	vst v63  }
0x14c: {  	_ =	swait.ge [sflag:s13], $0x4000  }
0x14d: {  	[sflag:s13] =	ssyncset.done $0x0  }
0x14e: {  	[sflag:s13] =	ssyncadd.s32 $0xFFFFC000  }
0x14f: {  	[spmem:s2] =	stream.indirect.scatter.add.f32 [tilespmem:s12], [sflag:$0x5], $0x80, s15, s11, $0xb8;
	[tilespmem:$0x1C400] =	vst v63  }
0x150: {  	_ =	swait.ge [sflag:s14], $0x4000  }
0x151: {  	[sflag:s14] =	ssyncset.done $0x0  }
0x152: {  	[sflag:s14] =	ssyncadd.s32 $0xFFFFC000  }
0x153: {  	[tilespmem:s17], [sflag:$0x2] =	stream.indirect.gather [hbm4b:s0+s11], $0x80, s16, s11, $0xb8;
	[tilespmem:$0x1C400] =	vst v63  }
0x154: {  	_ =	swait.ge [sflag:s18], $0x4000  }
0x155: {  	[sflag:s18] =	ssyncset.done $0x0  }
0x156: {  	[sflag:s18] =	ssyncadd.s32 $0xFFFFC000  }
0x157: {  	[spmem:s2] =	stream.indirect.scatter.add.f32 [tilespmem:s17], [sflag:$0x5], $0x80, s19, s11, $0xb8;
	[tilespmem:$0x1C400] =	vst v63  }
0x158: {  	_ =	swait.ge [sflag:s14], $0x4000  }
0x159: {  	[sflag:s14] =	ssyncset.done $0x0  }
0x15a: {  	[sflag:s14] =	ssyncadd.s32 $0xFFFFC000  }
0x15b: {  	[tilespmem:s12], [sflag:$0x1] =	stream.indirect.gather [hbm4b:s0+s11], $0x80, s20, s11, $0xb8;
	[tilespmem:$0x1C400] =	vst v63  }
0x15c: {  	_ =	swait.ge [sflag:s13], $0x4000  }
0x15d: {  	[sflag:s13] =	ssyncset.done $0x0  }
0x15e: {  	[sflag:s13] =	ssyncadd.s32 $0xFFFFC000  }
0x15f: {  	[spmem:s2] =	stream.indirect.scatter.add.f32 [tilespmem:s12], [sflag:$0x5], $0x80, s21, s11, $0xb8;
	[tilespmem:$0x1C400] =	vst v63  }
0x160: {  	_ =	swait.ge [sflag:s14], $0x4000  }
0x161: {  	[sflag:s14] =	ssyncset.done $0x0  }
0x162: {  	[sflag:s14] =	ssyncadd.s32 $0xFFFFC000  }
0x163: {  	[tilespmem:s17], [sflag:$0x2] =	stream.indirect.gather [hbm4b:s0+s11], $0x80, s22, s11, $0xb8;
	[tilespmem:$0x1C400] =	vst v63  }
0x164: {  	_ =	swait.ge [sflag:s18], $0x4000  }
0x165: {  	[sflag:s18] =	ssyncset.done $0x0  }
0x166: {  	[sflag:s18] =	ssyncadd.s32 $0xFFFFC000  }
0x167: {  	[spmem:s2] =	stream.indirect.scatter.add.f32 [tilespmem:s17], [sflag:$0x5], $0x80, s23, s11, $0xb8;
	[tilespmem:$0x1C400] =	vst v63  }
0x168: {  	_ =	swait.ge [sflag:s14], $0x4000  }
0x169: {  	[sflag:s14] =	ssyncset.done $0x0  }
0x16a: {  	s5 =	rddreg [dreg:$0xf];
	[sflag:s14] =	ssyncadd.s32 $0xFFFFC000  }
0x16b: {  	[tilespmem:s8], [sflag:$0x3] =	stream.linear.gather [hbm4b:s5+s3], $0x400, $0x38;
	[tilespmem:$0x1C400] =	vst v63  }
0x16c: {  	_ =	swait.ge [sflag:s24], $0x400  }
0x16d: {  	[sflag:s24] =	ssyncset.done $0x0  }
0x16e: {  	[sflag:s24] =	ssyncadd.s32 $0xFFFFFC00  }
0x16f: {  	[tilespmem:s12], [sflag:$0x1] =	stream.indirect.gather [hbm4b:s0+s11], $0x80, s9, s11, $0xb8;
	[tilespmem:$0x1C400] =	vst v63  }
0x170: {  	_ =	swait.ge [sflag:s13], $0x4000  }
0x171: {  	[sflag:s13] =	ssyncset.done $0x0  }
0x172: {  	[sflag:s13] =	ssyncadd.s32 $0xFFFFC000  }
0x173: {  	[spmem:s2] =	stream.indirect.scatter.add.f32 [tilespmem:s12], [sflag:$0x5], $0x80, s25, s11, $0xb8;
	[tilespmem:$0x1C400] =	vst v63  }
0x174: {  	_ =	swait.ge [sflag:s14], $0x4000  }
0x175: {  	[sflag:s14] =	ssyncset.done $0x0  }
0x176: {  	[sflag:s14] =	ssyncadd.s32 $0xFFFFC000  }
0x177: {  	[tilespmem:s17], [sflag:$0x2] =	stream.indirect.gather [hbm4b:s0+s11], $0x80, s26, s11, $0xb8;
	[tilespmem:$0x1C400] =	vst v63  }
0x178: {  	_ =	swait.ge [sflag:s18], $0x4000  }
0x179: {  	[sflag:s18] =	ssyncset.done $0x0  }
0x17a: {  	[sflag:s18] =	ssyncadd.s32 $0xFFFFC000  }
0x17b: {  	[spmem:s2] =	stream.indirect.scatter.add.f32 [tilespmem:s17], [sflag:$0x5], $0x80, s28, s11, $0xb8;
	[tilespmem:$0x1C400] =	vst v63  }
0x17c: {  	_ =	swait.ge [sflag:s14], $0x4000  }
0x17d: {  	[sflag:s14] =	ssyncset.done $0x0  }
0x17e: {  	[sflag:s14] =	ssyncadd.s32 $0xFFFFC000  }
0x17f: {  	[tilespmem:s12], [sflag:$0x1] =	stream.indirect.gather [hbm4b:s0+s11], $0x80, s29, s11, $0xb8;
	[tilespmem:$0x1C400] =	vst v63  }
0x180: {  	_ =	swait.ge [sflag:s13], $0x4000  }
0x181: {  	[sflag:s13] =	ssyncset.done $0x0  }
0x182: {  	[sflag:s13] =	ssyncadd.s32 $0xFFFFC000  }
0x183: {  	[spmem:s2] =	stream.indirect.scatter.add.f32 [tilespmem:s12], [sflag:$0x5], $0x80, s30, s11, $0xb8;
	[tilespmem:$0x1C400] =	vst v63  }
0x184: {  	_ =	swait.ge [sflag:s14], $0x4000  }
0x185: {  	[sflag:s14] =	ssyncset.done $0x0  }
0x186: {  	[sflag:s14] =	ssyncadd.s32 $0xFFFFC000  }
0x187: {  	[tilespmem:s17], [sflag:$0x2] =	stream.indirect.gather [hbm4b:s0+s11], $0x80, s31, s11, $0xb8;
	[tilespmem:$0x1C400] =	vst v63  }
0x188: {  	_ =	swait.ge [sflag:s18], $0x4000  }
0x189: {  	[sflag:s18] =	ssyncset.done $0x0  }
0x18a: {  	[sflag:s18] =	ssyncadd.s32 $0xFFFFC000  }
0x18b: {  	[spmem:s2] =	stream.indirect.scatter.add.f32 [tilespmem:s17], [sflag:$0x5], $0x80, s1, s11, $0xb8;
	[tilespmem:$0x1C400] =	vst v63  }
0x18c: {  	_ =	swait.ge [sflag:s14], $0x4000  }
0x18d: {  	[sflag:s14] =	ssyncset.done $0x0  }
0x18e: {  	s6 =	rddreg [dreg:$0x10];
	[sflag:s14] =	ssyncadd.s32 $0xFFFFC000  }
0x18f: {  	[tilespmem:s9], [sflag:$0x4] =	stream.linear.gather [hbm4b:s6+s3], $0x400, $0x38;
	[tilespmem:$0x1C400] =	vst v63  }
0x190: {  	_ =	swait.ge [sflag:s10], $0x400  }
0x191: {  	[sflag:s10] =	ssyncset.done $0x0  }
0x192: {  	[sflag:s10] =	ssyncadd.s32 $0xFFFFFC00  }
0x193: {  	[tilespmem:s12], [sflag:$0x1] =	stream.indirect.gather [hbm4b:s0+s11], $0x80, s8, s11, $0xb8;
	[tilespmem:$0x1C400] =	vst v63  }
0x194: {  	_ =	swait.ge [sflag:s13], $0x4000  }
0x195: {  	[sflag:s13] =	ssyncset.done $0x0  }
0x196: {  	[sflag:s13] =	ssyncadd.s32 $0xFFFFC000  }
0x197: {  	[spmem:s2] =	stream.indirect.scatter.add.f32 [tilespmem:s12], [sflag:$0x5], $0x80, s15, s11, $0xb8;
	[tilespmem:$0x1C400] =	vst v63  }
0x198: {  	_ =	swait.ge [sflag:s14], $0x4000  }
0x199: {  	[sflag:s14] =	ssyncset.done $0x0  }
0x19a: {  	[sflag:s14] =	ssyncadd.s32 $0xFFFFC000  }
0x19b: {  	[tilespmem:s17], [sflag:$0x2] =	stream.indirect.gather [hbm4b:s0+s11], $0x80, s16, s11, $0xb8;
	[tilespmem:$0x1C400] =	vst v63  }
0x19c: {  	_ =	swait.ge [sflag:s18], $0x4000  }
0x19d: {  	[sflag:s18] =	ssyncset.done $0x0  }
0x19e: {  	[sflag:s18] =	ssyncadd.s32 $0xFFFFC000  }
0x19f: {  	[spmem:s2] =	stream.indirect.scatter.add.f32 [tilespmem:s17], [sflag:$0x5], $0x80, s19, s11, $0xb8;
	[tilespmem:$0x1C400] =	vst v63  }
0x1a0: {  	_ =	swait.ge [sflag:s14], $0x4000  }
0x1a1: {  	[sflag:s14] =	ssyncset.done $0x0  }
0x1a2: {  	[sflag:s14] =	ssyncadd.s32 $0xFFFFC000  }
0x1a3: {  	[tilespmem:s12], [sflag:$0x1] =	stream.indirect.gather [hbm4b:s0+s11], $0x80, s20, s11, $0xb8;
	[tilespmem:$0x1C400] =	vst v63  }
0x1a4: {  	_ =	swait.ge [sflag:s13], $0x4000  }
0x1a5: {  	[sflag:s13] =	ssyncset.done $0x0  }
0x1a6: {  	[sflag:s13] =	ssyncadd.s32 $0xFFFFC000  }
0x1a7: {  	[spmem:s2] =	stream.indirect.scatter.add.f32 [tilespmem:s12], [sflag:$0x5], $0x80, s21, s11, $0xb8;
	[tilespmem:$0x1C400] =	vst v63  }
0x1a8: {  	_ =	swait.ge [sflag:s14], $0x4000  }
0x1a9: {  	[sflag:s14] =	ssyncset.done $0x0  }
0x1aa: {  	[sflag:s14] =	ssyncadd.s32 $0xFFFFC000  }
0x1ab: {  	[tilespmem:s17], [sflag:$0x2] =	stream.indirect.gather [hbm4b:s0+s11], $0x80, s22, s11, $0xb8;
	[tilespmem:$0x1C400] =	vst v63  }
0x1ac: {  	_ =	swait.ge [sflag:s18], $0x4000  }
0x1ad: {  	[sflag:s18] =	ssyncset.done $0x0  }
0x1ae: {  	[sflag:s18] =	ssyncadd.s32 $0xFFFFC000  }
0x1af: {  	[spmem:s2] =	stream.indirect.scatter.add.f32 [tilespmem:s17], [sflag:$0x5], $0x80, s23, s11, $0xb8;
	[tilespmem:$0x1C400] =	vst v63  }
0x1b0: {  	_ =	swait.ge [sflag:s14], $0x4000  }
0x1b1: {  	[sflag:s14] =	ssyncset.done $0x0  }
0x1b2: {  	s5 =	rddreg [dreg:$0x11];
	[sflag:s14] =	ssyncadd.s32 $0xFFFFC000  }
0x1b3: {  	[tilespmem:s8], [sflag:$0x3] =	stream.linear.gather [hbm4b:s5+s3], $0x400, $0x38;
	[tilespmem:$0x1C400] =	vst v63  }
0x1b4: {  	_ =	swait.ge [sflag:s24], $0x400  }
0x1b5: {  	[sflag:s24] =	ssyncset.done $0x0  }
0x1b6: {  	[sflag:s24] =	ssyncadd.s32 $0xFFFFFC00  }
0x1b7: {  	[tilespmem:s12], [sflag:$0x1] =	stream.indirect.gather [hbm4b:s0+s11], $0x80, s9, s11, $0xb8;
	[tilespmem:$0x1C400] =	vst v63  }
0x1b8: {  	_ =	swait.ge [sflag:s13], $0x4000  }
0x1b9: {  	[sflag:s13] =	ssyncset.done $0x0  }
0x1ba: {  	[sflag:s13] =	ssyncadd.s32 $0xFFFFC000  }
0x1bb: {  	[spmem:s2] =	stream.indirect.scatter.add.f32 [tilespmem:s12], [sflag:$0x5], $0x80, s25, s11, $0xb8;
	[tilespmem:$0x1C400] =	vst v63  }
0x1bc: {  	_ =	swait.ge [sflag:s14], $0x4000  }
0x1bd: {  	[sflag:s14] =	ssyncset.done $0x0  }
0x1be: {  	[sflag:s14] =	ssyncadd.s32 $0xFFFFC000  }
0x1bf: {  	[tilespmem:s17], [sflag:$0x2] =	stream.indirect.gather [hbm4b:s0+s11], $0x80, s26, s11, $0xb8;
	[tilespmem:$0x1C400] =	vst v63  }
0x1c0: {  	_ =	swait.ge [sflag:s18], $0x4000  }
0x1c1: {  	[sflag:s18] =	ssyncset.done $0x0  }
0x1c2: {  	[sflag:s18] =	ssyncadd.s32 $0xFFFFC000  }
0x1c3: {  	[spmem:s2] =	stream.indirect.scatter.add.f32 [tilespmem:s17], [sflag:$0x5], $0x80, s28, s11, $0xb8;
	[tilespmem:$0x1C400] =	vst v63  }
0x1c4: {  	_ =	swait.ge [sflag:s14], $0x4000  }
0x1c5: {  	[sflag:s14] =	ssyncset.done $0x0  }
0x1c6: {  	[sflag:s14] =	ssyncadd.s32 $0xFFFFC000  }
0x1c7: {  	[tilespmem:s12], [sflag:$0x1] =	stream.indirect.gather [hbm4b:s0+s11], $0x80, s29, s11, $0xb8;
	[tilespmem:$0x1C400] =	vst v63  }
0x1c8: {  	_ =	swait.ge [sflag:s13], $0x4000  }
0x1c9: {  	[sflag:s13] =	ssyncset.done $0x0  }
0x1ca: {  	[sflag:s13] =	ssyncadd.s32 $0xFFFFC000  }
0x1cb: {  	[spmem:s2] =	stream.indirect.scatter.add.f32 [tilespmem:s12], [sflag:$0x5], $0x80, s30, s11, $0xb8;
	[tilespmem:$0x1C400] =	vst v63  }
0x1cc: {  	_ =	swait.ge [sflag:s14], $0x4000  }
0x1cd: {  	[sflag:s14] =	ssyncset.done $0x0  }
0x1ce: {  	[sflag:s14] =	ssyncadd.s32 $0xFFFFC000  }
0x1cf: {  	[tilespmem:s17], [sflag:$0x2] =	stream.indirect.gather [hbm4b:s0+s11], $0x80, s31, s11, $0xb8;
	[tilespmem:$0x1C400] =	vst v63  }
0x1d0: {  	_ =	swait.ge [sflag:s18], $0x4000  }
0x1d1: {  	[sflag:s18] =	ssyncset.done $0x0  }
0x1d2: {  	[sflag:s18] =	ssyncadd.s32 $0xFFFFC000  }
0x1d3: {  	[spmem:s2] =	stream.indirect.scatter.add.f32 [tilespmem:s17], [sflag:$0x5], $0x80, s1, s11, $0xb8;
	[tilespmem:$0x1C400] =	vst v63  }
0x1d4: {  	_ =	swait.ge [sflag:s14], $0x4000  }
0x1d5: {  	[sflag:s14] =	ssyncset.done $0x0  }
0x1d6: {  	s6 =	rddreg [dreg:$0x12];
	[sflag:s14] =	ssyncadd.s32 $0xFFFFC000  }
0x1d7: {  	[tilespmem:s9], [sflag:$0x4] =	stream.linear.gather [hbm4b:s6+s3], $0x400, $0x38;
	[tilespmem:$0x1C400] =	vst v63  }
0x1d8: {  	_ =	swait.ge [sflag:s10], $0x400  }
0x1d9: {  	[sflag:s10] =	ssyncset.done $0x0  }
0x1da: {  	[sflag:s10] =	ssyncadd.s32 $0xFFFFFC00  }
0x1db: {  	[tilespmem:s12], [sflag:$0x1] =	stream.indirect.gather [hbm4b:s0+s11], $0x80, s8, s11, $0xb8;
	[tilespmem:$0x1C400] =	vst v63  }
0x1dc: {  	_ =	swait.ge [sflag:s13], $0x4000  }
0x1dd: {  	[sflag:s13] =	ssyncset.done $0x0  }
0x1de: {  	[sflag:s13] =	ssyncadd.s32 $0xFFFFC000  }
0x1df: {  	[spmem:s2] =	stream.indirect.scatter.add.f32 [tilespmem:s12], [sflag:$0x5], $0x80, s15, s11, $0xb8;
	[tilespmem:$0x1C400] =	vst v63  }
0x1e0: {  	_ =	swait.ge [sflag:s14], $0x4000  }
0x1e1: {  	[sflag:s14] =	ssyncset.done $0x0  }
0x1e2: {  	[sflag:s14] =	ssyncadd.s32 $0xFFFFC000  }
0x1e3: {  	[tilespmem:s17], [sflag:$0x2] =	stream.indirect.gather [hbm4b:s0+s11], $0x80, s16, s11, $0xb8;
	[tilespmem:$0x1C400] =	vst v63  }
0x1e4: {  	_ =	swait.ge [sflag:s18], $0x4000  }
0x1e5: {  	[sflag:s18] =	ssyncset.done $0x0  }
0x1e6: {  	[sflag:s18] =	ssyncadd.s32 $0xFFFFC000  }
0x1e7: {  	[spmem:s2] =	stream.indirect.scatter.add.f32 [tilespmem:s17], [sflag:$0x5], $0x80, s19, s11, $0xb8;
	[tilespmem:$0x1C400] =	vst v63  }
0x1e8: {  	_ =	swait.ge [sflag:s14], $0x4000  }
0x1e9: {  	[sflag:s14] =	ssyncset.done $0x0  }
0x1ea: {  	[sflag:s14] =	ssyncadd.s32 $0xFFFFC000  }
0x1eb: {  	[tilespmem:s12], [sflag:$0x1] =	stream.indirect.gather [hbm4b:s0+s11], $0x80, s20, s11, $0xb8;
	[tilespmem:$0x1C400] =	vst v63  }
0x1ec: {  	_ =	swait.ge [sflag:s13], $0x4000  }
0x1ed: {  	[sflag:s13] =	ssyncset.done $0x0  }
0x1ee: {  	[sflag:s13] =	ssyncadd.s32 $0xFFFFC000  }
0x1ef: {  	[spmem:s2] =	stream.indirect.scatter.add.f32 [tilespmem:s12], [sflag:$0x5], $0x80, s21, s11, $0xb8;
	[tilespmem:$0x1C400] =	vst v63  }
0x1f0: {  	_ =	swait.ge [sflag:s14], $0x4000  }
0x1f1: {  	[sflag:s14] =	ssyncset.done $0x0  }
0x1f2: {  	[sflag:s14] =	ssyncadd.s32 $0xFFFFC000  }
0x1f3: {  	[tilespmem:s17], [sflag:$0x2] =	stream.indirect.gather [hbm4b:s0+s11], $0x80, s22, s11, $0xb8;
	[tilespmem:$0x1C400] =	vst v63  }
0x1f4: {  	_ =	swait.ge [sflag:s18], $0x4000  }
0x1f5: {  	[sflag:s18] =	ssyncset.done $0x0  }
0x1f6: {  	[sflag:s18] =	ssyncadd.s32 $0xFFFFC000  }
0x1f7: {  	[spmem:s2] =	stream.indirect.scatter.add.f32 [tilespmem:s17], [sflag:$0x5], $0x80, s23, s11, $0xb8;
	[tilespmem:$0x1C400] =	vst v63  }
0x1f8: {  	_ =	swait.ge [sflag:s14], $0x4000  }
0x1f9: {  	[sflag:s14] =	ssyncset.done $0x0  }
0x1fa: {  	s5 =	rddreg [dreg:$0x13];
	[sflag:s14] =	ssyncadd.s32 $0xFFFFC000  }
0x1fb: {  	[tilespmem:s8], [sflag:$0x3] =	stream.linear.gather [hbm4b:s5+s3], $0x400, $0x38;
	[tilespmem:$0x1C400] =	vst v63  }
0x1fc: {  	_ =	swait.ge [sflag:s24], $0x400  }
0x1fd: {  	[sflag:s24] =	ssyncset.done $0x0  }
0x1fe: {  	[sflag:s24] =	ssyncadd.s32 $0xFFFFFC00  }
0x1ff: {  	[tilespmem:s12], [sflag:$0x1] =	stream.indirect.gather [hbm4b:s0+s11], $0x80, s9, s11, $0xb8;
	[tilespmem:$0x1C400] =	vst v63  }
0x200: {  	_ =	swait.ge [sflag:s13], $0x4000  }
0x201: {  	[sflag:s13] =	ssyncset.done $0x0  }
0x202: {  	[sflag:s13] =	ssyncadd.s32 $0xFFFFC000  }
0x203: {  	[spmem:s2] =	stream.indirect.scatter.add.f32 [tilespmem:s12], [sflag:$0x5], $0x80, s25, s11, $0xb8;
	[tilespmem:$0x1C400] =	vst v63  }
0x204: {  	_ =	swait.ge [sflag:s14], $0x4000  }
0x205: {  	[sflag:s14] =	ssyncset.done $0x0  }
0x206: {  	[sflag:s14] =	ssyncadd.s32 $0xFFFFC000  }
0x207: {  	[tilespmem:s17], [sflag:$0x2] =	stream.indirect.gather [hbm4b:s0+s11], $0x80, s26, s11, $0xb8;
	[tilespmem:$0x1C400] =	vst v63  }
0x208: {  	_ =	swait.ge [sflag:s18], $0x4000  }
0x209: {  	[sflag:s18] =	ssyncset.done $0x0  }
0x20a: {  	[sflag:s18] =	ssyncadd.s32 $0xFFFFC000  }
0x20b: {  	[spmem:s2] =	stream.indirect.scatter.add.f32 [tilespmem:s17], [sflag:$0x5], $0x80, s28, s11, $0xb8;
	[tilespmem:$0x1C400] =	vst v63  }
0x20c: {  	_ =	swait.ge [sflag:s14], $0x4000  }
0x20d: {  	[sflag:s14] =	ssyncset.done $0x0  }
0x20e: {  	[sflag:s14] =	ssyncadd.s32 $0xFFFFC000  }
0x20f: {  	[tilespmem:s12], [sflag:$0x1] =	stream.indirect.gather [hbm4b:s0+s11], $0x80, s29, s11, $0xb8;
	[tilespmem:$0x1C400] =	vst v63  }
0x210: {  	_ =	swait.ge [sflag:s13], $0x4000  }
0x211: {  	[sflag:s13] =	ssyncset.done $0x0  }
0x212: {  	[sflag:s13] =	ssyncadd.s32 $0xFFFFC000  }
0x213: {  	[spmem:s2] =	stream.indirect.scatter.add.f32 [tilespmem:s12], [sflag:$0x5], $0x80, s30, s11, $0xb8;
	[tilespmem:$0x1C400] =	vst v63  }
0x214: {  	_ =	swait.ge [sflag:s14], $0x4000  }
0x215: {  	[sflag:s14] =	ssyncset.done $0x0  }
0x216: {  	[sflag:s14] =	ssyncadd.s32 $0xFFFFC000  }
0x217: {  	[tilespmem:s17], [sflag:$0x2] =	stream.indirect.gather [hbm4b:s0+s11], $0x80, s31, s11, $0xb8;
	[tilespmem:$0x1C400] =	vst v63  }
0x218: {  	_ =	swait.ge [sflag:s18], $0x4000  }
0x219: {  	[sflag:s18] =	ssyncset.done $0x0  }
0x21a: {  	[sflag:s18] =	ssyncadd.s32 $0xFFFFC000  }
0x21b: {  	[spmem:s2] =	stream.indirect.scatter.add.f32 [tilespmem:s17], [sflag:$0x5], $0x80, s1, s11, $0xb8;
	[tilespmem:$0x1C400] =	vst v63  }
0x21c: {  	_ =	swait.ge [sflag:s14], $0x4000  }
0x21d: {  	[sflag:s14] =	ssyncset.done $0x0  }
0x21e: {  	s6 =	rddreg [dreg:$0x14];
	[sflag:s14] =	ssyncadd.s32 $0xFFFFC000  }
0x21f: {  	[tilespmem:s9], [sflag:$0x4] =	stream.linear.gather [hbm4b:s6+s3], $0x400, $0x38;
	[tilespmem:$0x1C400] =	vst v63  }
0x220: {  	_ =	swait.ge [sflag:s10], $0x400  }
0x221: {  	[sflag:s10] =	ssyncset.done $0x0  }
0x222: {  	[sflag:s10] =	ssyncadd.s32 $0xFFFFFC00  }
0x223: {  	[tilespmem:s12], [sflag:$0x1] =	stream.indirect.gather [hbm4b:s0+s11], $0x80, s8, s11, $0xb8;
	[tilespmem:$0x1C400] =	vst v63  }
0x224: {  	_ =	swait.ge [sflag:s13], $0x4000  }
0x225: {  	[sflag:s13] =	ssyncset.done $0x0  }
0x226: {  	[sflag:s13] =	ssyncadd.s32 $0xFFFFC000  }
0x227: {  	[spmem:s2] =	stream.indirect.scatter.add.f32 [tilespmem:s12], [sflag:$0x5], $0x80, s15, s11, $0xb8;
	[tilespmem:$0x1C400] =	vst v63  }
0x228: {  	_ =	swait.ge [sflag:s14], $0x4000  }
0x229: {  	[sflag:s14] =	ssyncset.done $0x0  }
0x22a: {  	[sflag:s14] =	ssyncadd.s32 $0xFFFFC000  }
0x22b: {  	[tilespmem:s17], [sflag:$0x2] =	stream.indirect.gather [hbm4b:s0+s11], $0x80, s16, s11, $0xb8;
	[tilespmem:$0x1C400] =	vst v63  }
0x22c: {  	_ =	swait.ge [sflag:s18], $0x4000  }
0x22d: {  	[sflag:s18] =	ssyncset.done $0x0  }
0x22e: {  	[sflag:s18] =	ssyncadd.s32 $0xFFFFC000  }
0x22f: {  	[spmem:s2] =	stream.indirect.scatter.add.f32 [tilespmem:s17], [sflag:$0x5], $0x80, s19, s11, $0xb8;
	[tilespmem:$0x1C400] =	vst v63  }
0x230: {  	_ =	swait.ge [sflag:s14], $0x4000  }
0x231: {  	[sflag:s14] =	ssyncset.done $0x0  }
0x232: {  	[sflag:s14] =	ssyncadd.s32 $0xFFFFC000  }
0x233: {  	[tilespmem:s12], [sflag:$0x1] =	stream.indirect.gather [hbm4b:s0+s11], $0x80, s20, s11, $0xb8;
	[tilespmem:$0x1C400] =	vst v63  }
0x234: {  	_ =	swait.ge [sflag:s13], $0x4000  }
0x235: {  	[sflag:s13] =	ssyncset.done $0x0  }
0x236: {  	[sflag:s13] =	ssyncadd.s32 $0xFFFFC000  }
0x237: {  	[spmem:s2] =	stream.indirect.scatter.add.f32 [tilespmem:s12], [sflag:$0x5], $0x80, s21, s11, $0xb8;
	[tilespmem:$0x1C400] =	vst v63  }
0x238: {  	_ =	swait.ge [sflag:s14], $0x4000  }
0x239: {  	[sflag:s14] =	ssyncset.done $0x0  }
0x23a: {  	[sflag:s14] =	ssyncadd.s32 $0xFFFFC000  }
0x23b: {  	[tilespmem:s17], [sflag:$0x2] =	stream.indirect.gather [hbm4b:s0+s11], $0x80, s22, s11, $0xb8;
	[tilespmem:$0x1C400] =	vst v63  }
0x23c: {  	_ =	swait.ge [sflag:s18], $0x4000  }
0x23d: {  	[sflag:s18] =	ssyncset.done $0x0  }
0x23e: {  	[sflag:s18] =	ssyncadd.s32 $0xFFFFC000  }
0x23f: {  	[spmem:s2] =	stream.indirect.scatter.add.f32 [tilespmem:s17], [sflag:$0x5], $0x80, s23, s11, $0xb8;
	[tilespmem:$0x1C400] =	vst v63  }
0x240: {  	_ =	swait.ge [sflag:s14], $0x4000  }
0x241: {  	[sflag:s14] =	ssyncset.done $0x0  }
0x242: {  	s5 =	rddreg [dreg:$0x15];
	[sflag:s14] =	ssyncadd.s32 $0xFFFFC000  }
0x243: {  	[tilespmem:s8], [sflag:$0x3] =	stream.linear.gather [hbm4b:s5+s3], $0x400, $0x38;
	[tilespmem:$0x1C400] =	vst v63  }
0x244: {  	_ =	swait.ge [sflag:s24], $0x400  }
0x245: {  	[sflag:s24] =	ssyncset.done $0x0  }
0x246: {  	[sflag:s24] =	ssyncadd.s32 $0xFFFFFC00  }
0x247: {  	[tilespmem:s12], [sflag:$0x1] =	stream.indirect.gather [hbm4b:s0+s11], $0x80, s9, s11, $0xb8;
	[tilespmem:$0x1C400] =	vst v63  }
0x248: {  	_ =	swait.ge [sflag:s13], $0x4000  }
0x249: {  	[sflag:s13] =	ssyncset.done $0x0  }
0x24a: {  	[sflag:s13] =	ssyncadd.s32 $0xFFFFC000  }
0x24b: {  	[spmem:s2] =	stream.indirect.scatter.add.f32 [tilespmem:s12], [sflag:$0x5], $0x80, s25, s11, $0xb8;
	[tilespmem:$0x1C400] =	vst v63  }
0x24c: {  	_ =	swait.ge [sflag:s14], $0x4000  }
0x24d: {  	[sflag:s14] =	ssyncset.done $0x0  }
0x24e: {  	[sflag:s14] =	ssyncadd.s32 $0xFFFFC000  }
0x24f: {  	[tilespmem:s17], [sflag:$0x2] =	stream.indirect.gather [hbm4b:s0+s11], $0x80, s26, s11, $0xb8;
	[tilespmem:$0x1C400] =	vst v63  }
0x250: {  	_ =	swait.ge [sflag:s18], $0x4000  }
0x251: {  	[sflag:s18] =	ssyncset.done $0x0  }
0x252: {  	[sflag:s18] =	ssyncadd.s32 $0xFFFFC000  }
0x253: {  	[spmem:s2] =	stream.indirect.scatter.add.f32 [tilespmem:s17], [sflag:$0x5], $0x80, s28, s11, $0xb8;
	[tilespmem:$0x1C400] =	vst v63  }
0x254: {  	_ =	swait.ge [sflag:s14], $0x4000  }
0x255: {  	[sflag:s14] =	ssyncset.done $0x0  }
0x256: {  	[sflag:s14] =	ssyncadd.s32 $0xFFFFC000  }
0x257: {  	[tilespmem:s12], [sflag:$0x1] =	stream.indirect.gather [hbm4b:s0+s11], $0x80, s29, s11, $0xb8;
	[tilespmem:$0x1C400] =	vst v63  }
0x258: {  	_ =	swait.ge [sflag:s13], $0x4000  }
0x259: {  	[sflag:s13] =	ssyncset.done $0x0  }
0x25a: {  	[sflag:s13] =	ssyncadd.s32 $0xFFFFC000  }
0x25b: {  	[spmem:s2] =	stream.indirect.scatter.add.f32 [tilespmem:s12], [sflag:$0x5], $0x80, s30, s11, $0xb8;
	[tilespmem:$0x1C400] =	vst v63  }
0x25c: {  	_ =	swait.ge [sflag:s14], $0x4000  }
0x25d: {  	[sflag:s14] =	ssyncset.done $0x0  }
0x25e: {  	[sflag:s14] =	ssyncadd.s32 $0xFFFFC000  }
0x25f: {  	[tilespmem:s17], [sflag:$0x2] =	stream.indirect.gather [hbm4b:s0+s11], $0x80, s31, s11, $0xb8;
	[tilespmem:$0x1C400] =	vst v63  }
0x260: {  	_ =	swait.ge [sflag:s18], $0x4000  }
0x261: {  	[sflag:s18] =	ssyncset.done $0x0  }
0x262: {  	[sflag:s18] =	ssyncadd.s32 $0xFFFFC000  }
0x263: {  	[spmem:s2] =	stream.indirect.scatter.add.f32 [tilespmem:s17], [sflag:$0x5], $0x80, s1, s11, $0xb8;
	[tilespmem:$0x1C400] =	vst v63  }
0x264: {  	_ =	swait.ge [sflag:s14], $0x4000  }
0x265: {  	[sflag:s14] =	ssyncset.done $0x0  }
0x266: {  	s6 =	rddreg [dreg:$0x16];
	[sflag:s14] =	ssyncadd.s32 $0xFFFFC000  }
0x267: {  	[tilespmem:s9], [sflag:$0x4] =	stream.linear.gather [hbm4b:s6+s3], $0x400, $0x38;
	[tilespmem:$0x1C400] =	vst v63  }
0x268: {  	_ =	swait.ge [sflag:s10], $0x400  }
0x269: {  	[sflag:s10] =	ssyncset.done $0x0  }
0x26a: {  	[sflag:s10] =	ssyncadd.s32 $0xFFFFFC00  }
0x26b: {  	[tilespmem:s12], [sflag:$0x1] =	stream.indirect.gather [hbm4b:s0+s11], $0x80, s8, s11, $0xb8;
	[tilespmem:$0x1C400] =	vst v63  }
0x26c: {  	_ =	swait.ge [sflag:s13], $0x4000  }
0x26d: {  	[sflag:s13] =	ssyncset.done $0x0  }
0x26e: {  	[sflag:s13] =	ssyncadd.s32 $0xFFFFC000  }
0x26f: {  	[spmem:s2] =	stream.indirect.scatter.add.f32 [tilespmem:s12], [sflag:$0x5], $0x80, s15, s11, $0xb8;
	[tilespmem:$0x1C400] =	vst v63  }
0x270: {  	_ =	swait.ge [sflag:s14], $0x4000  }
0x271: {  	[sflag:s14] =	ssyncset.done $0x0  }
0x272: {  	[sflag:s14] =	ssyncadd.s32 $0xFFFFC000  }
0x273: {  	[tilespmem:s17], [sflag:$0x2] =	stream.indirect.gather [hbm4b:s0+s11], $0x80, s16, s11, $0xb8;
	[tilespmem:$0x1C400] =	vst v63  }
0x274: {  	_ =	swait.ge [sflag:s18], $0x4000  }
0x275: {  	[sflag:s18] =	ssyncset.done $0x0  }
0x276: {  	[sflag:s18] =	ssyncadd.s32 $0xFFFFC000  }
0x277: {  	[spmem:s2] =	stream.indirect.scatter.add.f32 [tilespmem:s17], [sflag:$0x5], $0x80, s19, s11, $0xb8;
	[tilespmem:$0x1C400] =	vst v63  }
0x278: {  	_ =	swait.ge [sflag:s14], $0x4000  }
0x279: {  	[sflag:s14] =	ssyncset.done $0x0  }
0x27a: {  	[sflag:s14] =	ssyncadd.s32 $0xFFFFC000  }
0x27b: {  	[tilespmem:s12], [sflag:$0x1] =	stream.indirect.gather [hbm4b:s0+s11], $0x80, s20, s11, $0xb8;
	[tilespmem:$0x1C400] =	vst v63  }
0x27c: {  	_ =	swait.ge [sflag:s13], $0x4000  }
0x27d: {  	[sflag:s13] =	ssyncset.done $0x0  }
0x27e: {  	[sflag:s13] =	ssyncadd.s32 $0xFFFFC000  }
0x27f: {  	[spmem:s2] =	stream.indirect.scatter.add.f32 [tilespmem:s12], [sflag:$0x5], $0x80, s21, s11, $0xb8;
	[tilespmem:$0x1C400] =	vst v63  }
0x280: {  	_ =	swait.ge [sflag:s14], $0x4000  }
0x281: {  	[sflag:s14] =	ssyncset.done $0x0  }
0x282: {  	[sflag:s14] =	ssyncadd.s32 $0xFFFFC000  }
0x283: {  	[tilespmem:s17], [sflag:$0x2] =	stream.indirect.gather [hbm4b:s0+s11], $0x80, s22, s11, $0xb8;
	[tilespmem:$0x1C400] =	vst v63  }
0x284: {  	_ =	swait.ge [sflag:s18], $0x4000  }
0x285: {  	[sflag:s18] =	ssyncset.done $0x0  }
0x286: {  	[sflag:s18] =	ssyncadd.s32 $0xFFFFC000  }
0x287: {  	[spmem:s2] =	stream.indirect.scatter.add.f32 [tilespmem:s17], [sflag:$0x5], $0x80, s23, s11, $0xb8;
	[tilespmem:$0x1C400] =	vst v63  }
0x288: {  	_ =	swait.ge [sflag:s14], $0x4000  }
0x289: {  	[sflag:s14] =	ssyncset.done $0x0  }
0x28a: {  	s5 =	rddreg [dreg:$0x17];
	[sflag:s14] =	ssyncadd.s32 $0xFFFFC000  }
0x28b: {  	[tilespmem:s8], [sflag:$0x3] =	stream.linear.gather [hbm4b:s5+s3], $0x400, $0x38;
	[tilespmem:$0x1C400] =	vst v63  }
0x28c: {  	_ =	swait.ge [sflag:s24], $0x400  }
0x28d: {  	[sflag:s24] =	ssyncset.done $0x0  }
0x28e: {  	[sflag:s24] =	ssyncadd.s32 $0xFFFFFC00  }
0x28f: {  	[tilespmem:s12], [sflag:$0x1] =	stream.indirect.gather [hbm4b:s0+s11], $0x80, s9, s11, $0xb8;
	[tilespmem:$0x1C400] =	vst v63  }
0x290: {  	_ =	swait.ge [sflag:s13], $0x4000  }
0x291: {  	[sflag:s13] =	ssyncset.done $0x0  }
0x292: {  	[sflag:s13] =	ssyncadd.s32 $0xFFFFC000  }
0x293: {  	[spmem:s2] =	stream.indirect.scatter.add.f32 [tilespmem:s12], [sflag:$0x5], $0x80, s25, s11, $0xb8;
	[tilespmem:$0x1C400] =	vst v63  }
0x294: {  	_ =	swait.ge [sflag:s14], $0x4000  }
0x295: {  	[sflag:s14] =	ssyncset.done $0x0  }
0x296: {  	[sflag:s14] =	ssyncadd.s32 $0xFFFFC000  }
0x297: {  	[tilespmem:s17], [sflag:$0x2] =	stream.indirect.gather [hbm4b:s0+s11], $0x80, s26, s11, $0xb8;
	[tilespmem:$0x1C400] =	vst v63  }
0x298: {  	_ =	swait.ge [sflag:s18], $0x4000  }
0x299: {  	[sflag:s18] =	ssyncset.done $0x0  }
0x29a: {  	[sflag:s18] =	ssyncadd.s32 $0xFFFFC000  }
0x29b: {  	[spmem:s2] =	stream.indirect.scatter.add.f32 [tilespmem:s17], [sflag:$0x5], $0x80, s28, s11, $0xb8;
	[tilespmem:$0x1C400] =	vst v63  }
0x29c: {  	_ =	swait.ge [sflag:s14], $0x4000  }
0x29d: {  	[sflag:s14] =	ssyncset.done $0x0  }
0x29e: {  	[sflag:s14] =	ssyncadd.s32 $0xFFFFC000  }
0x29f: {  	[tilespmem:s12], [sflag:$0x1] =	stream.indirect.gather [hbm4b:s0+s11], $0x80, s29, s11, $0xb8;
	[tilespmem:$0x1C400] =	vst v63  }
0x2a0: {  	_ =	swait.ge [sflag:s13], $0x4000  }
0x2a1: {  	[sflag:s13] =	ssyncset.done $0x0  }
0x2a2: {  	[sflag:s13] =	ssyncadd.s32 $0xFFFFC000  }
0x2a3: {  	[spmem:s2] =	stream.indirect.scatter.add.f32 [tilespmem:s12], [sflag:$0x5], $0x80, s30, s11, $0xb8;
	[tilespmem:$0x1C400] =	vst v63  }
0x2a4: {  	_ =	swait.ge [sflag:s14], $0x4000  }
0x2a5: {  	[sflag:s14] =	ssyncset.done $0x0  }
0x2a6: {  	[sflag:s14] =	ssyncadd.s32 $0xFFFFC000  }
0x2a7: {  	[tilespmem:s17], [sflag:$0x2] =	stream.indirect.gather [hbm4b:s0+s11], $0x80, s31, s11, $0xb8;
	[tilespmem:$0x1C400] =	vst v63  }
0x2a8: {  	_ =	swait.ge [sflag:s18], $0x4000  }
0x2a9: {  	[sflag:s18] =	ssyncset.done $0x0  }
0x2aa: {  	[sflag:s18] =	ssyncadd.s32 $0xFFFFC000  }
0x2ab: {  	[spmem:s2] =	stream.indirect.scatter.add.f32 [tilespmem:s17], [sflag:$0x5], $0x80, s1, s11, $0xb8;
	[tilespmem:$0x1C400] =	vst v63  }
0x2ac: {  	_ =	swait.ge [sflag:s14], $0x4000  }
0x2ad: {  	[sflag:s14] =	ssyncset.done $0x0  }
0x2ae: {  	s6 =	rddreg [dreg:$0x18];
	[sflag:s14] =	ssyncadd.s32 $0xFFFFC000  }
0x2af: {  	[tilespmem:s9], [sflag:$0x4] =	stream.linear.gather [hbm4b:s6+s3], $0x400, $0x38;
	[tilespmem:$0x1C400] =	vst v63  }
0x2b0: {  	_ =	swait.ge [sflag:s10], $0x400  }
0x2b1: {  	[sflag:s10] =	ssyncset.done $0x0  }
0x2b2: {  	[sflag:s10] =	ssyncadd.s32 $0xFFFFFC00  }
0x2b3: {  	[tilespmem:s12], [sflag:$0x1] =	stream.indirect.gather [hbm4b:s0+s11], $0x80, s8, s11, $0xb8;
	[tilespmem:$0x1C400] =	vst v63  }
0x2b4: {  	_ =	swait.ge [sflag:s13], $0x4000  }
0x2b5: {  	[sflag:s13] =	ssyncset.done $0x0  }
0x2b6: {  	[sflag:s13] =	ssyncadd.s32 $0xFFFFC000  }
0x2b7: {  	[spmem:s2] =	stream.indirect.scatter.add.f32 [tilespmem:s12], [sflag:$0x5], $0x80, s15, s11, $0xb8;
	[tilespmem:$0x1C400] =	vst v63  }
0x2b8: {  	_ =	swait.ge [sflag:s14], $0x4000  }
0x2b9: {  	[sflag:s14] =	ssyncset.done $0x0  }
0x2ba: {  	[sflag:s14] =	ssyncadd.s32 $0xFFFFC000  }
0x2bb: {  	[tilespmem:s17], [sflag:$0x2] =	stream.indirect.gather [hbm4b:s0+s11], $0x80, s16, s11, $0xb8;
	[tilespmem:$0x1C400] =	vst v63  }
0x2bc: {  	_ =	swait.ge [sflag:s18], $0x4000  }
0x2bd: {  	[sflag:s18] =	ssyncset.done $0x0  }
0x2be: {  	[sflag:s18] =	ssyncadd.s32 $0xFFFFC000  }
0x2bf: {  	[spmem:s2] =	stream.indirect.scatter.add.f32 [tilespmem:s17], [sflag:$0x5], $0x80, s19, s11, $0xb8;
	[tilespmem:$0x1C400] =	vst v63  }
0x2c0: {  	_ =	swait.ge [sflag:s14], $0x4000  }
0x2c1: {  	[sflag:s14] =	ssyncset.done $0x0  }
0x2c2: {  	[sflag:s14] =	ssyncadd.s32 $0xFFFFC000  }
0x2c3: {  	[tilespmem:s12], [sflag:$0x1] =	stream.indirect.gather [hbm4b:s0+s11], $0x80, s20, s11, $0xb8;
	[tilespmem:$0x1C400] =	vst v63  }
0x2c4: {  	_ =	swait.ge [sflag:s13], $0x4000  }
0x2c5: {  	[sflag:s13] =	ssyncset.done $0x0  }
0x2c6: {  	[sflag:s13] =	ssyncadd.s32 $0xFFFFC000  }
0x2c7: {  	[spmem:s2] =	stream.indirect.scatter.add.f32 [tilespmem:s12], [sflag:$0x5], $0x80, s21, s11, $0xb8;
	[tilespmem:$0x1C400] =	vst v63  }
0x2c8: {  	_ =	swait.ge [sflag:s14], $0x4000  }
0x2c9: {  	[sflag:s14] =	ssyncset.done $0x0  }
0x2ca: {  	[sflag:s14] =	ssyncadd.s32 $0xFFFFC000  }
0x2cb: {  	[tilespmem:s17], [sflag:$0x2] =	stream.indirect.gather [hbm4b:s0+s11], $0x80, s22, s11, $0xb8;
	[tilespmem:$0x1C400] =	vst v63  }
0x2cc: {  	_ =	swait.ge [sflag:s18], $0x4000  }
0x2cd: {  	[sflag:s18] =	ssyncset.done $0x0  }
0x2ce: {  	[sflag:s18] =	ssyncadd.s32 $0xFFFFC000  }
0x2cf: {  	[spmem:s2] =	stream.indirect.scatter.add.f32 [tilespmem:s17], [sflag:$0x5], $0x80, s23, s11, $0xb8;
	[tilespmem:$0x1C400] =	vst v63  }
0x2d0: {  	_ =	swait.ge [sflag:s14], $0x4000  }
0x2d1: {  	[sflag:s14] =	ssyncset.done $0x0  }
0x2d2: {  	[sflag:s14] =	ssyncadd.s32 $0xFFFFC000  }
0x2d3: {  	_ =	swait.ge [sflag:s24], $0x400  }
0x2d4: {  	[sflag:s24] =	ssyncset.done $0x0  }
0x2d5: {  	[sflag:s24] =	ssyncadd.s32 $0xFFFFFC00  }
0x2d6: {  	[tilespmem:s12], [sflag:$0x1] =	stream.indirect.gather [hbm4b:s0+s11], $0x80, s9, s11, $0xb8;
	[tilespmem:$0x1C400] =	vst v63  }
0x2d7: {  	_ =	swait.ge [sflag:s13], $0x4000  }
0x2d8: {  	[sflag:s13] =	ssyncset.done $0x0  }
0x2d9: {  	[sflag:s13] =	ssyncadd.s32 $0xFFFFC000  }
0x2da: {  	[spmem:s2] =	stream.indirect.scatter.add.f32 [tilespmem:s12], [sflag:$0x5], $0x80, s25, s11, $0xb8;
	[tilespmem:$0x1C400] =	vst v63  }
0x2db: {  	_ =	swait.ge [sflag:s14], $0x4000  }
0x2dc: {  	[sflag:s14] =	ssyncset.done $0x0  }
0x2dd: {  	[sflag:s14] =	ssyncadd.s32 $0xFFFFC000  }
0x2de: {  	[tilespmem:s17], [sflag:$0x2] =	stream.indirect.gather [hbm4b:s0+s11], $0x80, s26, s11, $0xb8;
	[tilespmem:$0x1C400] =	vst v63  }
0x2df: {  	_ =	swait.ge [sflag:s18], $0x4000  }
0x2e0: {  	[sflag:s18] =	ssyncset.done $0x0  }
0x2e1: {  	[sflag:s18] =	ssyncadd.s32 $0xFFFFC000  }
0x2e2: {  	[spmem:s2] =	stream.indirect.scatter.add.f32 [tilespmem:s17], [sflag:$0x5], $0x80, s28, s11, $0xb8;
	[tilespmem:$0x1C400] =	vst v63  }
0x2e3: {  	_ =	swait.ge [sflag:s14], $0x4000  }
0x2e4: {  	[sflag:s14] =	ssyncset.done $0x0  }
0x2e5: {  	[sflag:s14] =	ssyncadd.s32 $0xFFFFC000  }
0x2e6: {  	[tilespmem:s12], [sflag:$0x1] =	stream.indirect.gather [hbm4b:s0+s11], $0x80, s29, s11, $0xb8;
	[tilespmem:$0x1C400] =	vst v63  }
0x2e7: {  	_ =	swait.ge [sflag:s13], $0x4000  }
0x2e8: {  	[sflag:s13] =	ssyncset.done $0x0  }
0x2e9: {  	[sflag:s13] =	ssyncadd.s32 $0xFFFFC000  }
0x2ea: {  	[spmem:s2] =	stream.indirect.scatter.add.f32 [tilespmem:s12], [sflag:$0x5], $0x80, s30, s11, $0xb8;
	[tilespmem:$0x1C400] =	vst v63  }
0x2eb: {  	_ =	swait.ge [sflag:s14], $0x4000  }
0x2ec: {  	[sflag:s14] =	ssyncset.done $0x0  }
0x2ed: {  	[sflag:s14] =	ssyncadd.s32 $0xFFFFC000  }
0x2ee: {  	[tilespmem:s17], [sflag:$0x2] =	stream.indirect.gather [hbm4b:s0+s11], $0x80, s31, s11, $0xb8;
	[tilespmem:$0x1C400] =	vst v63  }
0x2ef: {  	_ =	swait.ge [sflag:s18], $0x4000  }
0x2f0: {  	[sflag:s18] =	ssyncset.done $0x0  }
0x2f1: {  	[sflag:s18] =	ssyncadd.s32 $0xFFFFC000  }
0x2f2: {  	[spmem:s2] =	stream.indirect.scatter.add.f32 [tilespmem:s17], [sflag:$0x5], $0x80, s1, s11, $0xb8;
	[tilespmem:$0x1C400] =	vst v63  }
0x2f3: {  	_ =	swait.ge [sflag:s14], $0x4000  }
0x2f4: {  	[sflag:s14] =	ssyncset.done $0x0  }
0x2f5: {  	[sflag:s14] =	ssyncadd.s32 $0xFFFFC000  }
0x2f6: {  	[bflag:$0x0] =	sbarrier.arrive $0xFFFF  }
0x2f7: {  	s7 =	sshll.u32 s7, $0x6;
	s4 =	rddreg [dreg:$0x19]  }
0x2f8: {  	s7 =	sor.u32 $0x1C05, s7;
	s5 =	rddreg [dreg:$0x1a]  }
0x2f9: {  	[dreg:$0x1d] =	wrdreg s7  }
0x2fa: {  	[hbm:s4], [sflag:s7] =	dma.local [spmem:s5], $0x2780  }
0x2fb: {  	s4 =	rddreg [dreg:$0x1e]  }
0x2fc: {  	s7 =	ssub.s32 $0x2, s4  }
0x2fd: {  	s4 =	sshrl.u32 s7, $0x1  }
0x2fe: {  	s4 =	ssub.s32 s7, s4  }
0x2ff: {  	s4 =	smax.u32 s4, $0x1  }
0x300: {  	s4 =	sadd.s32 $0xFFFFFFFF, s4  }
0x301: {  	p1 =	sne.s32 s4, $0x0  }
.Ltmp0:
0x302: {  	_ = 	snop;
	(pc) =	sbr.rel @!p1 .LBB2_2-.Ltmp0, $2  }
0x303: {  	_ =	sdelay $0x2  }
0x304: {  	_ =	swait.ge [sflag:s14], $0x2780  }
.LBB2_1:
0x305: {  	s6 =	rddreg [dreg:$0x5];
	[sflag:s14] =	ssyncset.done $0x0  }
0x306: {  	s5 =	rddreg [dreg:$0x1c];
	s7 =	simm.s32 @!p0 $0x1C05;
	[sflag:s14] =	ssyncadd.s32 $0xFFFFD880  }
0x307: {  	[spmem:s5], [sflag:s7] =	dma.local @!p0 [hbm:s6], $0x27800  }
0x308: {  	s5 =	simm.s32 @!p0 $0x5  }
0x309: {  	_ =	swait.ge @!p0 [sflag:s5], $0x27800  }
0x30a: {  	[sflag:s5] =	ssyncset.done @!p0 $0x0  }
0x30b: {  	s7 =	rddreg [dreg:$0x1b];
	[sflag:s5] =	ssyncadd.s32 @!p0 $0xFFFD8800  }
0x30c: {  	[tilespmem:s8], [sflag:$0x3] =	stream.linear.gather [hbm4b:s7+s3], $0x400, $0x38;
	[tilespmem:$0x1C400] =	vst v63  }
0x30d: {  	s6 =	rddreg [dreg:$0x6]  }
0x30e: {  	[tilespmem:s9], [sflag:$0x4] =	stream.linear.gather [hbm4b:s6+s3], $0x400, $0x38;
	[tilespmem:$0x1C400] =	vst v63  }
0x30f: {  	_ =	swait.ge [sflag:s10], $0x400  }
0x310: {  	[sflag:s10] =	ssyncset.done $0x0  }
0x311: {  	[sflag:s10] =	ssyncadd.s32 $0xFFFFFC00  }
0x312: {  	[bflag:$0x0] =	sbarrier.arrive $0xFFFF  }
0x313: {  	[tilespmem:s12], [sflag:$0x1] =	stream.indirect.gather [hbm4b:s0+s11], $0x80, s8, s11, $0xb8;
	[tilespmem:$0x1C400] =	vst v63  }
0x314: {  	_ =	swait.ge [sflag:s13], $0x4000  }
0x315: {  	[sflag:s13] =	ssyncset.done $0x0  }
0x316: {  	[sflag:s13] =	ssyncadd.s32 $0xFFFFC000  }
0x317: {  	[spmem:s2] =	stream.indirect.scatter.add.f32 [tilespmem:s12], [sflag:$0x5], $0x80, s15, s11, $0xb8;
	[tilespmem:$0x1C400] =	vst v63  }
0x318: {  	_ =	swait.ge [sflag:s14], $0x4000  }
0x319: {  	[sflag:s14] =	ssyncset.done $0x0  }
0x31a: {  	[sflag:s14] =	ssyncadd.s32 $0xFFFFC000  }
0x31b: {  	[tilespmem:s17], [sflag:$0x2] =	stream.indirect.gather [hbm4b:s0+s11], $0x80, s16, s11, $0xb8;
	[tilespmem:$0x1C400] =	vst v63  }
0x31c: {  	_ =	swait.ge [sflag:s18], $0x4000  }
0x31d: {  	[sflag:s18] =	ssyncset.done $0x0  }
0x31e: {  	[sflag:s18] =	ssyncadd.s32 $0xFFFFC000  }
0x31f: {  	[spmem:s2] =	stream.indirect.scatter.add.f32 [tilespmem:s17], [sflag:$0x5], $0x80, s19, s11, $0xb8;
	[tilespmem:$0x1C400] =	vst v63  }
0x320: {  	_ =	swait.ge [sflag:s14], $0x4000  }
0x321: {  	[sflag:s14] =	ssyncset.done $0x0  }
0x322: {  	[sflag:s14] =	ssyncadd.s32 $0xFFFFC000  }
0x323: {  	[tilespmem:s12], [sflag:$0x1] =	stream.indirect.gather [hbm4b:s0+s11], $0x80, s20, s11, $0xb8;
	[tilespmem:$0x1C400] =	vst v63  }
0x324: {  	_ =	swait.ge [sflag:s13], $0x4000  }
0x325: {  	[sflag:s13] =	ssyncset.done $0x0  }
0x326: {  	[sflag:s13] =	ssyncadd.s32 $0xFFFFC000  }
0x327: {  	[spmem:s2] =	stream.indirect.scatter.add.f32 [tilespmem:s12], [sflag:$0x5], $0x80, s21, s11, $0xb8;
	[tilespmem:$0x1C400] =	vst v63  }
0x328: {  	_ =	swait.ge [sflag:s14], $0x4000  }
0x329: {  	[sflag:s14] =	ssyncset.done $0x0  }
0x32a: {  	[sflag:s14] =	ssyncadd.s32 $0xFFFFC000  }
0x32b: {  	[tilespmem:s17], [sflag:$0x2] =	stream.indirect.gather [hbm4b:s0+s11], $0x80, s22, s11, $0xb8;
	[tilespmem:$0x1C400] =	vst v63  }
0x32c: {  	_ =	swait.ge [sflag:s18], $0x4000  }
0x32d: {  	[sflag:s18] =	ssyncset.done $0x0  }
0x32e: {  	[sflag:s18] =	ssyncadd.s32 $0xFFFFC000  }
0x32f: {  	[spmem:s2] =	stream.indirect.scatter.add.f32 [tilespmem:s17], [sflag:$0x5], $0x80, s23, s11, $0xb8;
	[tilespmem:$0x1C400] =	vst v63  }
0x330: {  	_ =	swait.ge [sflag:s14], $0x4000  }
0x331: {  	[sflag:s14] =	ssyncset.done $0x0  }
0x332: {  	s5 =	rddreg [dreg:$0x7];
	[sflag:s14] =	ssyncadd.s32 $0xFFFFC000  }
0x333: {  	[tilespmem:s8], [sflag:$0x3] =	stream.linear.gather [hbm4b:s5+s3], $0x400, $0x38;
	[tilespmem:$0x1C400] =	vst v63  }
0x334: {  	_ =	swait.ge [sflag:s24], $0x400  }
0x335: {  	[sflag:s24] =	ssyncset.done $0x0  }
0x336: {  	[sflag:s24] =	ssyncadd.s32 $0xFFFFFC00  }
0x337: {  	[tilespmem:s12], [sflag:$0x1] =	stream.indirect.gather [hbm4b:s0+s11], $0x80, s9, s11, $0xb8;
	[tilespmem:$0x1C400] =	vst v63  }
0x338: {  	_ =	swait.ge [sflag:s13], $0x4000  }
0x339: {  	[sflag:s13] =	ssyncset.done $0x0  }
0x33a: {  	[sflag:s13] =	ssyncadd.s32 $0xFFFFC000  }
0x33b: {  	[spmem:s2] =	stream.indirect.scatter.add.f32 [tilespmem:s12], [sflag:$0x5], $0x80, s25, s11, $0xb8;
	[tilespmem:$0x1C400] =	vst v63  }
0x33c: {  	_ =	swait.ge [sflag:s14], $0x4000  }
0x33d: {  	[sflag:s14] =	ssyncset.done $0x0  }
0x33e: {  	[sflag:s14] =	ssyncadd.s32 $0xFFFFC000  }
0x33f: {  	[tilespmem:s17], [sflag:$0x2] =	stream.indirect.gather [hbm4b:s0+s11], $0x80, s26, s11, $0xb8;
	[tilespmem:$0x1C400] =	vst v63  }
0x340: {  	_ =	swait.ge [sflag:s18], $0x4000  }
0x341: {  	[sflag:s18] =	ssyncset.done $0x0  }
0x342: {  	[sflag:s18] =	ssyncadd.s32 $0xFFFFC000  }
0x343: {  	[spmem:s2] =	stream.indirect.scatter.add.f32 [tilespmem:s17], [sflag:$0x5], $0x80, s28, s11, $0xb8;
	[tilespmem:$0x1C400] =	vst v63  }
0x344: {  	_ =	swait.ge [sflag:s14], $0x4000  }
0x345: {  	[sflag:s14] =	ssyncset.done $0x0  }
0x346: {  	[sflag:s14] =	ssyncadd.s32 $0xFFFFC000  }
0x347: {  	[tilespmem:s12], [sflag:$0x1] =	stream.indirect.gather [hbm4b:s0+s11], $0x80, s29, s11, $0xb8;
	[tilespmem:$0x1C400] =	vst v63  }
0x348: {  	_ =	swait.ge [sflag:s13], $0x4000  }
0x349: {  	[sflag:s13] =	ssyncset.done $0x0  }
0x34a: {  	[sflag:s13] =	ssyncadd.s32 $0xFFFFC000  }
0x34b: {  	[spmem:s2] =	stream.indirect.scatter.add.f32 [tilespmem:s12], [sflag:$0x5], $0x80, s30, s11, $0xb8;
	[tilespmem:$0x1C400] =	vst v63  }
0x34c: {  	_ =	swait.ge [sflag:s14], $0x4000  }
0x34d: {  	[sflag:s14] =	ssyncset.done $0x0  }
0x34e: {  	[sflag:s14] =	ssyncadd.s32 $0xFFFFC000  }
0x34f: {  	[tilespmem:s17], [sflag:$0x2] =	stream.indirect.gather [hbm4b:s0+s11], $0x80, s31, s11, $0xb8;
	[tilespmem:$0x1C400] =	vst v63  }
0x350: {  	_ =	swait.ge [sflag:s18], $0x4000  }
0x351: {  	[sflag:s18] =	ssyncset.done $0x0  }
0x352: {  	[sflag:s18] =	ssyncadd.s32 $0xFFFFC000  }
0x353: {  	[spmem:s2] =	stream.indirect.scatter.add.f32 [tilespmem:s17], [sflag:$0x5], $0x80, s1, s11, $0xb8;
	[tilespmem:$0x1C400] =	vst v63  }
0x354: {  	_ =	swait.ge [sflag:s14], $0x4000  }
0x355: {  	[sflag:s14] =	ssyncset.done $0x0  }
0x356: {  	s7 =	rddreg [dreg:$0x8];
	[sflag:s14] =	ssyncadd.s32 $0xFFFFC000  }
0x357: {  	[tilespmem:s9], [sflag:$0x4] =	stream.linear.gather [hbm4b:s7+s3], $0x400, $0x38;
	[tilespmem:$0x1C400] =	vst v63  }
0x358: {  	_ =	swait.ge [sflag:s10], $0x400  }
0x359: {  	[sflag:s10] =	ssyncset.done $0x0  }
0x35a: {  	[sflag:s10] =	ssyncadd.s32 $0xFFFFFC00  }
0x35b: {  	[tilespmem:s12], [sflag:$0x1] =	stream.indirect.gather [hbm4b:s0+s11], $0x80, s8, s11, $0xb8;
	[tilespmem:$0x1C400] =	vst v63  }
0x35c: {  	_ =	swait.ge [sflag:s13], $0x4000  }
0x35d: {  	[sflag:s13] =	ssyncset.done $0x0  }
0x35e: {  	[sflag:s13] =	ssyncadd.s32 $0xFFFFC000  }
0x35f: {  	[spmem:s2] =	stream.indirect.scatter.add.f32 [tilespmem:s12], [sflag:$0x5], $0x80, s15, s11, $0xb8;
	[tilespmem:$0x1C400] =	vst v63  }
0x360: {  	_ =	swait.ge [sflag:s14], $0x4000  }
0x361: {  	[sflag:s14] =	ssyncset.done $0x0  }
0x362: {  	[sflag:s14] =	ssyncadd.s32 $0xFFFFC000  }
0x363: {  	[tilespmem:s17], [sflag:$0x2] =	stream.indirect.gather [hbm4b:s0+s11], $0x80, s16, s11, $0xb8;
	[tilespmem:$0x1C400] =	vst v63  }
0x364: {  	_ =	swait.ge [sflag:s18], $0x4000  }
0x365: {  	[sflag:s18] =	ssyncset.done $0x0  }
0x366: {  	[sflag:s18] =	ssyncadd.s32 $0xFFFFC000  }
0x367: {  	[spmem:s2] =	stream.indirect.scatter.add.f32 [tilespmem:s17], [sflag:$0x5], $0x80, s19, s11, $0xb8;
	[tilespmem:$0x1C400] =	vst v63  }
0x368: {  	_ =	swait.ge [sflag:s14], $0x4000  }
0x369: {  	[sflag:s14] =	ssyncset.done $0x0  }
0x36a: {  	[sflag:s14] =	ssyncadd.s32 $0xFFFFC000  }
0x36b: {  	[tilespmem:s12], [sflag:$0x1] =	stream.indirect.gather [hbm4b:s0+s11], $0x80, s20, s11, $0xb8;
	[tilespmem:$0x1C400] =	vst v63  }
0x36c: {  	_ =	swait.ge [sflag:s13], $0x4000  }
0x36d: {  	[sflag:s13] =	ssyncset.done $0x0  }
0x36e: {  	[sflag:s13] =	ssyncadd.s32 $0xFFFFC000  }
0x36f: {  	[spmem:s2] =	stream.indirect.scatter.add.f32 [tilespmem:s12], [sflag:$0x5], $0x80, s21, s11, $0xb8;
	[tilespmem:$0x1C400] =	vst v63  }
0x370: {  	_ =	swait.ge [sflag:s14], $0x4000  }
0x371: {  	[sflag:s14] =	ssyncset.done $0x0  }
0x372: {  	[sflag:s14] =	ssyncadd.s32 $0xFFFFC000  }
0x373: {  	[tilespmem:s17], [sflag:$0x2] =	stream.indirect.gather [hbm4b:s0+s11], $0x80, s22, s11, $0xb8;
	[tilespmem:$0x1C400] =	vst v63  }
0x374: {  	_ =	swait.ge [sflag:s18], $0x4000  }
0x375: {  	[sflag:s18] =	ssyncset.done $0x0  }
0x376: {  	[sflag:s18] =	ssyncadd.s32 $0xFFFFC000  }
0x377: {  	[spmem:s2] =	stream.indirect.scatter.add.f32 [tilespmem:s17], [sflag:$0x5], $0x80, s23, s11, $0xb8;
	[tilespmem:$0x1C400] =	vst v63  }
0x378: {  	_ =	swait.ge [sflag:s14], $0x4000  }
0x379: {  	[sflag:s14] =	ssyncset.done $0x0  }
0x37a: {  	s5 =	rddreg [dreg:$0x9];
	[sflag:s14] =	ssyncadd.s32 $0xFFFFC000  }
0x37b: {  	[tilespmem:s8], [sflag:$0x3] =	stream.linear.gather [hbm4b:s5+s3], $0x400, $0x38;
	[tilespmem:$0x1C400] =	vst v63  }
0x37c: {  	_ =	swait.ge [sflag:s24], $0x400  }
0x37d: {  	[sflag:s24] =	ssyncset.done $0x0  }
0x37e: {  	[sflag:s24] =	ssyncadd.s32 $0xFFFFFC00  }
0x37f: {  	[tilespmem:s12], [sflag:$0x1] =	stream.indirect.gather [hbm4b:s0+s11], $0x80, s9, s11, $0xb8;
	[tilespmem:$0x1C400] =	vst v63  }
0x380: {  	_ =	swait.ge [sflag:s13], $0x4000  }
0x381: {  	[sflag:s13] =	ssyncset.done $0x0  }
0x382: {  	[sflag:s13] =	ssyncadd.s32 $0xFFFFC000  }
0x383: {  	[spmem:s2] =	stream.indirect.scatter.add.f32 [tilespmem:s12], [sflag:$0x5], $0x80, s25, s11, $0xb8;
	[tilespmem:$0x1C400] =	vst v63  }
0x384: {  	_ =	swait.ge [sflag:s14], $0x4000  }
0x385: {  	[sflag:s14] =	ssyncset.done $0x0  }
0x386: {  	[sflag:s14] =	ssyncadd.s32 $0xFFFFC000  }
0x387: {  	[tilespmem:s17], [sflag:$0x2] =	stream.indirect.gather [hbm4b:s0+s11], $0x80, s26, s11, $0xb8;
	[tilespmem:$0x1C400] =	vst v63  }
0x388: {  	_ =	swait.ge [sflag:s18], $0x4000  }
0x389: {  	[sflag:s18] =	ssyncset.done $0x0  }
0x38a: {  	[sflag:s18] =	ssyncadd.s32 $0xFFFFC000  }
0x38b: {  	[spmem:s2] =	stream.indirect.scatter.add.f32 [tilespmem:s17], [sflag:$0x5], $0x80, s28, s11, $0xb8;
	[tilespmem:$0x1C400] =	vst v63  }
0x38c: {  	_ =	swait.ge [sflag:s14], $0x4000  }
0x38d: {  	[sflag:s14] =	ssyncset.done $0x0  }
0x38e: {  	[sflag:s14] =	ssyncadd.s32 $0xFFFFC000  }
0x38f: {  	[tilespmem:s12], [sflag:$0x1] =	stream.indirect.gather [hbm4b:s0+s11], $0x80, s29, s11, $0xb8;
	[tilespmem:$0x1C400] =	vst v63  }
0x390: {  	_ =	swait.ge [sflag:s13], $0x4000  }
0x391: {  	[sflag:s13] =	ssyncset.done $0x0  }
0x392: {  	[sflag:s13] =	ssyncadd.s32 $0xFFFFC000  }
0x393: {  	[spmem:s2] =	stream.indirect.scatter.add.f32 [tilespmem:s12], [sflag:$0x5], $0x80, s30, s11, $0xb8;
	[tilespmem:$0x1C400] =	vst v63  }
0x394: {  	_ =	swait.ge [sflag:s14], $0x4000  }
0x395: {  	[sflag:s14] =	ssyncset.done $0x0  }
0x396: {  	[sflag:s14] =	ssyncadd.s32 $0xFFFFC000  }
0x397: {  	[tilespmem:s17], [sflag:$0x2] =	stream.indirect.gather [hbm4b:s0+s11], $0x80, s31, s11, $0xb8;
	[tilespmem:$0x1C400] =	vst v63  }
0x398: {  	_ =	swait.ge [sflag:s18], $0x4000  }
0x399: {  	[sflag:s18] =	ssyncset.done $0x0  }
0x39a: {  	[sflag:s18] =	ssyncadd.s32 $0xFFFFC000  }
0x39b: {  	[spmem:s2] =	stream.indirect.scatter.add.f32 [tilespmem:s17], [sflag:$0x5], $0x80, s1, s11, $0xb8;
	[tilespmem:$0x1C400] =	vst v63  }
0x39c: {  	_ =	swait.ge [sflag:s14], $0x4000  }
0x39d: {  	[sflag:s14] =	ssyncset.done $0x0  }
0x39e: {  	s7 =	rddreg [dreg:$0xa];
	[sflag:s14] =	ssyncadd.s32 $0xFFFFC000  }
0x39f: {  	[tilespmem:s9], [sflag:$0x4] =	stream.linear.gather [hbm4b:s7+s3], $0x400, $0x38;
	[tilespmem:$0x1C400] =	vst v63  }
0x3a0: {  	_ =	swait.ge [sflag:s10], $0x400  }
0x3a1: {  	[sflag:s10] =	ssyncset.done $0x0  }
0x3a2: {  	[sflag:s10] =	ssyncadd.s32 $0xFFFFFC00  }
0x3a3: {  	[tilespmem:s12], [sflag:$0x1] =	stream.indirect.gather [hbm4b:s0+s11], $0x80, s8, s11, $0xb8;
	[tilespmem:$0x1C400] =	vst v63  }
0x3a4: {  	_ =	swait.ge [sflag:s13], $0x4000  }
0x3a5: {  	[sflag:s13] =	ssyncset.done $0x0  }
0x3a6: {  	[sflag:s13] =	ssyncadd.s32 $0xFFFFC000  }
0x3a7: {  	[spmem:s2] =	stream.indirect.scatter.add.f32 [tilespmem:s12], [sflag:$0x5], $0x80, s15, s11, $0xb8;
	[tilespmem:$0x1C400] =	vst v63  }
0x3a8: {  	_ =	swait.ge [sflag:s14], $0x4000  }
0x3a9: {  	[sflag:s14] =	ssyncset.done $0x0  }
0x3aa: {  	[sflag:s14] =	ssyncadd.s32 $0xFFFFC000  }
0x3ab: {  	[tilespmem:s17], [sflag:$0x2] =	stream.indirect.gather [hbm4b:s0+s11], $0x80, s16, s11, $0xb8;
	[tilespmem:$0x1C400] =	vst v63  }
0x3ac: {  	_ =	swait.ge [sflag:s18], $0x4000  }
0x3ad: {  	[sflag:s18] =	ssyncset.done $0x0  }
0x3ae: {  	[sflag:s18] =	ssyncadd.s32 $0xFFFFC000  }
0x3af: {  	[spmem:s2] =	stream.indirect.scatter.add.f32 [tilespmem:s17], [sflag:$0x5], $0x80, s19, s11, $0xb8;
	[tilespmem:$0x1C400] =	vst v63  }
0x3b0: {  	_ =	swait.ge [sflag:s14], $0x4000  }
0x3b1: {  	[sflag:s14] =	ssyncset.done $0x0  }
0x3b2: {  	[sflag:s14] =	ssyncadd.s32 $0xFFFFC000  }
0x3b3: {  	[tilespmem:s12], [sflag:$0x1] =	stream.indirect.gather [hbm4b:s0+s11], $0x80, s20, s11, $0xb8;
	[tilespmem:$0x1C400] =	vst v63  }
0x3b4: {  	_ =	swait.ge [sflag:s13], $0x4000  }
0x3b5: {  	[sflag:s13] =	ssyncset.done $0x0  }
0x3b6: {  	[sflag:s13] =	ssyncadd.s32 $0xFFFFC000  }
0x3b7: {  	[spmem:s2] =	stream.indirect.scatter.add.f32 [tilespmem:s12], [sflag:$0x5], $0x80, s21, s11, $0xb8;
	[tilespmem:$0x1C400] =	vst v63  }
0x3b8: {  	_ =	swait.ge [sflag:s14], $0x4000  }
0x3b9: {  	[sflag:s14] =	ssyncset.done $0x0  }
0x3ba: {  	[sflag:s14] =	ssyncadd.s32 $0xFFFFC000  }
0x3bb: {  	[tilespmem:s17], [sflag:$0x2] =	stream.indirect.gather [hbm4b:s0+s11], $0x80, s22, s11, $0xb8;
	[tilespmem:$0x1C400] =	vst v63  }
0x3bc: {  	_ =	swait.ge [sflag:s18], $0x4000  }
0x3bd: {  	[sflag:s18] =	ssyncset.done $0x0  }
0x3be: {  	[sflag:s18] =	ssyncadd.s32 $0xFFFFC000  }
0x3bf: {  	[spmem:s2] =	stream.indirect.scatter.add.f32 [tilespmem:s17], [sflag:$0x5], $0x80, s23, s11, $0xb8;
	[tilespmem:$0x1C400] =	vst v63  }
0x3c0: {  	_ =	swait.ge [sflag:s14], $0x4000  }
0x3c1: {  	[sflag:s14] =	ssyncset.done $0x0  }
0x3c2: {  	s5 =	rddreg [dreg:$0xb];
	[sflag:s14] =	ssyncadd.s32 $0xFFFFC000  }
0x3c3: {  	[tilespmem:s8], [sflag:$0x3] =	stream.linear.gather [hbm4b:s5+s3], $0x400, $0x38;
	[tilespmem:$0x1C400] =	vst v63  }
0x3c4: {  	_ =	swait.ge [sflag:s24], $0x400  }
0x3c5: {  	[sflag:s24] =	ssyncset.done $0x0  }
0x3c6: {  	[sflag:s24] =	ssyncadd.s32 $0xFFFFFC00  }
0x3c7: {  	[tilespmem:s12], [sflag:$0x1] =	stream.indirect.gather [hbm4b:s0+s11], $0x80, s9, s11, $0xb8;
	[tilespmem:$0x1C400] =	vst v63  }
0x3c8: {  	_ =	swait.ge [sflag:s13], $0x4000  }
0x3c9: {  	[sflag:s13] =	ssyncset.done $0x0  }
0x3ca: {  	[sflag:s13] =	ssyncadd.s32 $0xFFFFC000  }
0x3cb: {  	[spmem:s2] =	stream.indirect.scatter.add.f32 [tilespmem:s12], [sflag:$0x5], $0x80, s25, s11, $0xb8;
	[tilespmem:$0x1C400] =	vst v63  }
0x3cc: {  	_ =	swait.ge [sflag:s14], $0x4000  }
0x3cd: {  	[sflag:s14] =	ssyncset.done $0x0  }
0x3ce: {  	[sflag:s14] =	ssyncadd.s32 $0xFFFFC000  }
0x3cf: {  	[tilespmem:s17], [sflag:$0x2] =	stream.indirect.gather [hbm4b:s0+s11], $0x80, s26, s11, $0xb8;
	[tilespmem:$0x1C400] =	vst v63  }
0x3d0: {  	_ =	swait.ge [sflag:s18], $0x4000  }
0x3d1: {  	[sflag:s18] =	ssyncset.done $0x0  }
0x3d2: {  	[sflag:s18] =	ssyncadd.s32 $0xFFFFC000  }
0x3d3: {  	[spmem:s2] =	stream.indirect.scatter.add.f32 [tilespmem:s17], [sflag:$0x5], $0x80, s28, s11, $0xb8;
	[tilespmem:$0x1C400] =	vst v63  }
0x3d4: {  	_ =	swait.ge [sflag:s14], $0x4000  }
0x3d5: {  	[sflag:s14] =	ssyncset.done $0x0  }
0x3d6: {  	[sflag:s14] =	ssyncadd.s32 $0xFFFFC000  }
0x3d7: {  	[tilespmem:s12], [sflag:$0x1] =	stream.indirect.gather [hbm4b:s0+s11], $0x80, s29, s11, $0xb8;
	[tilespmem:$0x1C400] =	vst v63  }
0x3d8: {  	_ =	swait.ge [sflag:s13], $0x4000  }
0x3d9: {  	[sflag:s13] =	ssyncset.done $0x0  }
0x3da: {  	[sflag:s13] =	ssyncadd.s32 $0xFFFFC000  }
0x3db: {  	[spmem:s2] =	stream.indirect.scatter.add.f32 [tilespmem:s12], [sflag:$0x5], $0x80, s30, s11, $0xb8;
	[tilespmem:$0x1C400] =	vst v63  }
0x3dc: {  	_ =	swait.ge [sflag:s14], $0x4000  }
0x3dd: {  	[sflag:s14] =	ssyncset.done $0x0  }
0x3de: {  	[sflag:s14] =	ssyncadd.s32 $0xFFFFC000  }
0x3df: {  	[tilespmem:s17], [sflag:$0x2] =	stream.indirect.gather [hbm4b:s0+s11], $0x80, s31, s11, $0xb8;
	[tilespmem:$0x1C400] =	vst v63  }
0x3e0: {  	_ =	swait.ge [sflag:s18], $0x4000  }
0x3e1: {  	[sflag:s18] =	ssyncset.done $0x0  }
0x3e2: {  	[sflag:s18] =	ssyncadd.s32 $0xFFFFC000  }
0x3e3: {  	[spmem:s2] =	stream.indirect.scatter.add.f32 [tilespmem:s17], [sflag:$0x5], $0x80, s1, s11, $0xb8;
	[tilespmem:$0x1C400] =	vst v63  }
0x3e4: {  	_ =	swait.ge [sflag:s14], $0x4000  }
0x3e5: {  	[sflag:s14] =	ssyncset.done $0x0  }
0x3e6: {  	s7 =	rddreg [dreg:$0xc];
	[sflag:s14] =	ssyncadd.s32 $0xFFFFC000  }
0x3e7: {  	[tilespmem:s9], [sflag:$0x4] =	stream.linear.gather [hbm4b:s7+s3], $0x400, $0x38;
	[tilespmem:$0x1C400] =	vst v63  }
0x3e8: {  	_ =	swait.ge [sflag:s10], $0x400  }
0x3e9: {  	[sflag:s10] =	ssyncset.done $0x0  }
0x3ea: {  	[sflag:s10] =	ssyncadd.s32 $0xFFFFFC00  }
0x3eb: {  	[tilespmem:s12], [sflag:$0x1] =	stream.indirect.gather [hbm4b:s0+s11], $0x80, s8, s11, $0xb8;
	[tilespmem:$0x1C400] =	vst v63  }
0x3ec: {  	_ =	swait.ge [sflag:s13], $0x4000  }
0x3ed: {  	[sflag:s13] =	ssyncset.done $0x0  }
0x3ee: {  	[sflag:s13] =	ssyncadd.s32 $0xFFFFC000  }
0x3ef: {  	[spmem:s2] =	stream.indirect.scatter.add.f32 [tilespmem:s12], [sflag:$0x5], $0x80, s15, s11, $0xb8;
	[tilespmem:$0x1C400] =	vst v63  }
0x3f0: {  	_ =	swait.ge [sflag:s14], $0x4000  }
0x3f1: {  	[sflag:s14] =	ssyncset.done $0x0  }
0x3f2: {  	[sflag:s14] =	ssyncadd.s32 $0xFFFFC000  }
0x3f3: {  	[tilespmem:s17], [sflag:$0x2] =	stream.indirect.gather [hbm4b:s0+s11], $0x80, s16, s11, $0xb8;
	[tilespmem:$0x1C400] =	vst v63  }
0x3f4: {  	_ =	swait.ge [sflag:s18], $0x4000  }
0x3f5: {  	[sflag:s18] =	ssyncset.done $0x0  }
0x3f6: {  	[sflag:s18] =	ssyncadd.s32 $0xFFFFC000  }
0x3f7: {  	[spmem:s2] =	stream.indirect.scatter.add.f32 [tilespmem:s17], [sflag:$0x5], $0x80, s19, s11, $0xb8;
	[tilespmem:$0x1C400] =	vst v63  }
0x3f8: {  	_ =	swait.ge [sflag:s14], $0x4000  }
0x3f9: {  	[sflag:s14] =	ssyncset.done $0x0  }
0x3fa: {  	[sflag:s14] =	ssyncadd.s32 $0xFFFFC000  }
0x3fb: {  	[tilespmem:s12], [sflag:$0x1] =	stream.indirect.gather [hbm4b:s0+s11], $0x80, s20, s11, $0xb8;
	[tilespmem:$0x1C400] =	vst v63  }
0x3fc: {  	_ =	swait.ge [sflag:s13], $0x4000  }
0x3fd: {  	[sflag:s13] =	ssyncset.done $0x0  }
0x3fe: {  	[sflag:s13] =	ssyncadd.s32 $0xFFFFC000  }
0x3ff: {  	[spmem:s2] =	stream.indirect.scatter.add.f32 [tilespmem:s12], [sflag:$0x5], $0x80, s21, s11, $0xb8;
	[tilespmem:$0x1C400] =	vst v63  }
0x400: {  	_ =	swait.ge [sflag:s14], $0x4000  }
0x401: {  	[sflag:s14] =	ssyncset.done $0x0  }
0x402: {  	[sflag:s14] =	ssyncadd.s32 $0xFFFFC000  }
0x403: {  	[tilespmem:s17], [sflag:$0x2] =	stream.indirect.gather [hbm4b:s0+s11], $0x80, s22, s11, $0xb8;
	[tilespmem:$0x1C400] =	vst v63  }
0x404: {  	_ =	swait.ge [sflag:s18], $0x4000  }
0x405: {  	[sflag:s18] =	ssyncset.done $0x0  }
0x406: {  	[sflag:s18] =	ssyncadd.s32 $0xFFFFC000  }
0x407: {  	[spmem:s2] =	stream.indirect.scatter.add.f32 [tilespmem:s17], [sflag:$0x5], $0x80, s23, s11, $0xb8;
	[tilespmem:$0x1C400] =	vst v63  }
0x408: {  	_ =	swait.ge [sflag:s14], $0x4000  }
0x409: {  	[sflag:s14] =	ssyncset.done $0x0  }
0x40a: {  	s5 =	rddreg [dreg:$0xd];
	[sflag:s14] =	ssyncadd.s32 $0xFFFFC000  }
0x40b: {  	[tilespmem:s8], [sflag:$0x3] =	stream.linear.gather [hbm4b:s5+s3], $0x400, $0x38;
	[tilespmem:$0x1C400] =	vst v63  }
0x40c: {  	_ =	swait.ge [sflag:s24], $0x400  }
0x40d: {  	[sflag:s24] =	ssyncset.done $0x0  }
0x40e: {  	[sflag:s24] =	ssyncadd.s32 $0xFFFFFC00  }
0x40f: {  	[tilespmem:s12], [sflag:$0x1] =	stream.indirect.gather [hbm4b:s0+s11], $0x80, s9, s11, $0xb8;
	[tilespmem:$0x1C400] =	vst v63  }
0x410: {  	_ =	swait.ge [sflag:s13], $0x4000  }
0x411: {  	[sflag:s13] =	ssyncset.done $0x0  }
0x412: {  	[sflag:s13] =	ssyncadd.s32 $0xFFFFC000  }
0x413: {  	[spmem:s2] =	stream.indirect.scatter.add.f32 [tilespmem:s12], [sflag:$0x5], $0x80, s25, s11, $0xb8;
	[tilespmem:$0x1C400] =	vst v63  }
0x414: {  	_ =	swait.ge [sflag:s14], $0x4000  }
0x415: {  	[sflag:s14] =	ssyncset.done $0x0  }
0x416: {  	[sflag:s14] =	ssyncadd.s32 $0xFFFFC000  }
0x417: {  	[tilespmem:s17], [sflag:$0x2] =	stream.indirect.gather [hbm4b:s0+s11], $0x80, s26, s11, $0xb8;
	[tilespmem:$0x1C400] =	vst v63  }
0x418: {  	_ =	swait.ge [sflag:s18], $0x4000  }
0x419: {  	[sflag:s18] =	ssyncset.done $0x0  }
0x41a: {  	[sflag:s18] =	ssyncadd.s32 $0xFFFFC000  }
0x41b: {  	[spmem:s2] =	stream.indirect.scatter.add.f32 [tilespmem:s17], [sflag:$0x5], $0x80, s28, s11, $0xb8;
	[tilespmem:$0x1C400] =	vst v63  }
0x41c: {  	_ =	swait.ge [sflag:s14], $0x4000  }
0x41d: {  	[sflag:s14] =	ssyncset.done $0x0  }
0x41e: {  	[sflag:s14] =	ssyncadd.s32 $0xFFFFC000  }
0x41f: {  	[tilespmem:s12], [sflag:$0x1] =	stream.indirect.gather [hbm4b:s0+s11], $0x80, s29, s11, $0xb8;
	[tilespmem:$0x1C400] =	vst v63  }
0x420: {  	_ =	swait.ge [sflag:s13], $0x4000  }
0x421: {  	[sflag:s13] =	ssyncset.done $0x0  }
0x422: {  	[sflag:s13] =	ssyncadd.s32 $0xFFFFC000  }
0x423: {  	[spmem:s2] =	stream.indirect.scatter.add.f32 [tilespmem:s12], [sflag:$0x5], $0x80, s30, s11, $0xb8;
	[tilespmem:$0x1C400] =	vst v63  }
0x424: {  	_ =	swait.ge [sflag:s14], $0x4000  }
0x425: {  	[sflag:s14] =	ssyncset.done $0x0  }
0x426: {  	[sflag:s14] =	ssyncadd.s32 $0xFFFFC000  }
0x427: {  	[tilespmem:s17], [sflag:$0x2] =	stream.indirect.gather [hbm4b:s0+s11], $0x80, s31, s11, $0xb8;
	[tilespmem:$0x1C400] =	vst v63  }
0x428: {  	_ =	swait.ge [sflag:s18], $0x4000  }
0x429: {  	[sflag:s18] =	ssyncset.done $0x0  }
0x42a: {  	[sflag:s18] =	ssyncadd.s32 $0xFFFFC000  }
0x42b: {  	[spmem:s2] =	stream.indirect.scatter.add.f32 [tilespmem:s17], [sflag:$0x5], $0x80, s1, s11, $0xb8;
	[tilespmem:$0x1C400] =	vst v63  }
0x42c: {  	_ =	swait.ge [sflag:s14], $0x4000  }
0x42d: {  	[sflag:s14] =	ssyncset.done $0x0  }
0x42e: {  	s7 =	rddreg [dreg:$0xe];
	[sflag:s14] =	ssyncadd.s32 $0xFFFFC000  }
0x42f: {  	[tilespmem:s9], [sflag:$0x4] =	stream.linear.gather [hbm4b:s7+s3], $0x400, $0x38;
	[tilespmem:$0x1C400] =	vst v63  }
0x430: {  	_ =	swait.ge [sflag:s10], $0x400  }
0x431: {  	[sflag:s10] =	ssyncset.done $0x0  }
0x432: {  	[sflag:s10] =	ssyncadd.s32 $0xFFFFFC00  }
0x433: {  	[tilespmem:s12], [sflag:$0x1] =	stream.indirect.gather [hbm4b:s0+s11], $0x80, s8, s11, $0xb8;
	[tilespmem:$0x1C400] =	vst v63  }
0x434: {  	_ =	swait.ge [sflag:s13], $0x4000  }
0x435: {  	[sflag:s13] =	ssyncset.done $0x0  }
0x436: {  	[sflag:s13] =	ssyncadd.s32 $0xFFFFC000  }
0x437: {  	[spmem:s2] =	stream.indirect.scatter.add.f32 [tilespmem:s12], [sflag:$0x5], $0x80, s15, s11, $0xb8;
	[tilespmem:$0x1C400] =	vst v63  }
0x438: {  	_ =	swait.ge [sflag:s14], $0x4000  }
0x439: {  	[sflag:s14] =	ssyncset.done $0x0  }
0x43a: {  	[sflag:s14] =	ssyncadd.s32 $0xFFFFC000  }
0x43b: {  	[tilespmem:s17], [sflag:$0x2] =	stream.indirect.gather [hbm4b:s0+s11], $0x80, s16, s11, $0xb8;
	[tilespmem:$0x1C400] =	vst v63  }
0x43c: {  	_ =	swait.ge [sflag:s18], $0x4000  }
0x43d: {  	[sflag:s18] =	ssyncset.done $0x0  }
0x43e: {  	[sflag:s18] =	ssyncadd.s32 $0xFFFFC000  }
0x43f: {  	[spmem:s2] =	stream.indirect.scatter.add.f32 [tilespmem:s17], [sflag:$0x5], $0x80, s19, s11, $0xb8;
	[tilespmem:$0x1C400] =	vst v63  }
0x440: {  	_ =	swait.ge [sflag:s14], $0x4000  }
0x441: {  	[sflag:s14] =	ssyncset.done $0x0  }
0x442: {  	[sflag:s14] =	ssyncadd.s32 $0xFFFFC000  }
0x443: {  	[tilespmem:s12], [sflag:$0x1] =	stream.indirect.gather [hbm4b:s0+s11], $0x80, s20, s11, $0xb8;
	[tilespmem:$0x1C400] =	vst v63  }
0x444: {  	_ =	swait.ge [sflag:s13], $0x4000  }
0x445: {  	[sflag:s13] =	ssyncset.done $0x0  }
0x446: {  	[sflag:s13] =	ssyncadd.s32 $0xFFFFC000  }
0x447: {  	[spmem:s2] =	stream.indirect.scatter.add.f32 [tilespmem:s12], [sflag:$0x5], $0x80, s21, s11, $0xb8;
	[tilespmem:$0x1C400] =	vst v63  }
0x448: {  	_ =	swait.ge [sflag:s14], $0x4000  }
0x449: {  	[sflag:s14] =	ssyncset.done $0x0  }
0x44a: {  	[sflag:s14] =	ssyncadd.s32 $0xFFFFC000  }
0x44b: {  	[tilespmem:s17], [sflag:$0x2] =	stream.indirect.gather [hbm4b:s0+s11], $0x80, s22, s11, $0xb8;
	[tilespmem:$0x1C400] =	vst v63  }
0x44c: {  	_ =	swait.ge [sflag:s18], $0x4000  }
0x44d: {  	[sflag:s18] =	ssyncset.done $0x0  }
0x44e: {  	[sflag:s18] =	ssyncadd.s32 $0xFFFFC000  }
0x44f: {  	[spmem:s2] =	stream.indirect.scatter.add.f32 [tilespmem:s17], [sflag:$0x5], $0x80, s23, s11, $0xb8;
	[tilespmem:$0x1C400] =	vst v63  }
0x450: {  	_ =	swait.ge [sflag:s14], $0x4000  }
0x451: {  	[sflag:s14] =	ssyncset.done $0x0  }
0x452: {  	s5 =	rddreg [dreg:$0xf];
	[sflag:s14] =	ssyncadd.s32 $0xFFFFC000  }
0x453: {  	[tilespmem:s8], [sflag:$0x3] =	stream.linear.gather [hbm4b:s5+s3], $0x400, $0x38;
	[tilespmem:$0x1C400] =	vst v63  }
0x454: {  	_ =	swait.ge [sflag:s24], $0x400  }
0x455: {  	[sflag:s24] =	ssyncset.done $0x0  }
0x456: {  	[sflag:s24] =	ssyncadd.s32 $0xFFFFFC00  }
0x457: {  	[tilespmem:s12], [sflag:$0x1] =	stream.indirect.gather [hbm4b:s0+s11], $0x80, s9, s11, $0xb8;
	[tilespmem:$0x1C400] =	vst v63  }
0x458: {  	_ =	swait.ge [sflag:s13], $0x4000  }
0x459: {  	[sflag:s13] =	ssyncset.done $0x0  }
0x45a: {  	[sflag:s13] =	ssyncadd.s32 $0xFFFFC000  }
0x45b: {  	[spmem:s2] =	stream.indirect.scatter.add.f32 [tilespmem:s12], [sflag:$0x5], $0x80, s25, s11, $0xb8;
	[tilespmem:$0x1C400] =	vst v63  }
0x45c: {  	_ =	swait.ge [sflag:s14], $0x4000  }
0x45d: {  	[sflag:s14] =	ssyncset.done $0x0  }
0x45e: {  	[sflag:s14] =	ssyncadd.s32 $0xFFFFC000  }
0x45f: {  	[tilespmem:s17], [sflag:$0x2] =	stream.indirect.gather [hbm4b:s0+s11], $0x80, s26, s11, $0xb8;
	[tilespmem:$0x1C400] =	vst v63  }
0x460: {  	_ =	swait.ge [sflag:s18], $0x4000  }
0x461: {  	[sflag:s18] =	ssyncset.done $0x0  }
0x462: {  	[sflag:s18] =	ssyncadd.s32 $0xFFFFC000  }
0x463: {  	[spmem:s2] =	stream.indirect.scatter.add.f32 [tilespmem:s17], [sflag:$0x5], $0x80, s28, s11, $0xb8;
	[tilespmem:$0x1C400] =	vst v63  }
0x464: {  	_ =	swait.ge [sflag:s14], $0x4000  }
0x465: {  	[sflag:s14] =	ssyncset.done $0x0  }
0x466: {  	[sflag:s14] =	ssyncadd.s32 $0xFFFFC000  }
0x467: {  	[tilespmem:s12], [sflag:$0x1] =	stream.indirect.gather [hbm4b:s0+s11], $0x80, s29, s11, $0xb8;
	[tilespmem:$0x1C400] =	vst v63  }
0x468: {  	_ =	swait.ge [sflag:s13], $0x4000  }
0x469: {  	[sflag:s13] =	ssyncset.done $0x0  }
0x46a: {  	[sflag:s13] =	ssyncadd.s32 $0xFFFFC000  }
0x46b: {  	[spmem:s2] =	stream.indirect.scatter.add.f32 [tilespmem:s12], [sflag:$0x5], $0x80, s30, s11, $0xb8;
	[tilespmem:$0x1C400] =	vst v63  }
0x46c: {  	_ =	swait.ge [sflag:s14], $0x4000  }
0x46d: {  	[sflag:s14] =	ssyncset.done $0x0  }
0x46e: {  	[sflag:s14] =	ssyncadd.s32 $0xFFFFC000  }
0x46f: {  	[tilespmem:s17], [sflag:$0x2] =	stream.indirect.gather [hbm4b:s0+s11], $0x80, s31, s11, $0xb8;
	[tilespmem:$0x1C400] =	vst v63  }
0x470: {  	_ =	swait.ge [sflag:s18], $0x4000  }
0x471: {  	[sflag:s18] =	ssyncset.done $0x0  }
0x472: {  	[sflag:s18] =	ssyncadd.s32 $0xFFFFC000  }
0x473: {  	[spmem:s2] =	stream.indirect.scatter.add.f32 [tilespmem:s17], [sflag:$0x5], $0x80, s1, s11, $0xb8;
	[tilespmem:$0x1C400] =	vst v63  }
0x474: {  	_ =	swait.ge [sflag:s14], $0x4000  }
0x475: {  	[sflag:s14] =	ssyncset.done $0x0  }
0x476: {  	s7 =	rddreg [dreg:$0x10];
	[sflag:s14] =	ssyncadd.s32 $0xFFFFC000  }
0x477: {  	[tilespmem:s9], [sflag:$0x4] =	stream.linear.gather [hbm4b:s7+s3], $0x400, $0x38;
	[tilespmem:$0x1C400] =	vst v63  }
0x478: {  	_ =	swait.ge [sflag:s10], $0x400  }
0x479: {  	[sflag:s10] =	ssyncset.done $0x0  }
0x47a: {  	[sflag:s10] =	ssyncadd.s32 $0xFFFFFC00  }
0x47b: {  	[tilespmem:s12], [sflag:$0x1] =	stream.indirect.gather [hbm4b:s0+s11], $0x80, s8, s11, $0xb8;
	[tilespmem:$0x1C400] =	vst v63  }
0x47c: {  	_ =	swait.ge [sflag:s13], $0x4000  }
0x47d: {  	[sflag:s13] =	ssyncset.done $0x0  }
0x47e: {  	[sflag:s13] =	ssyncadd.s32 $0xFFFFC000  }
0x47f: {  	[spmem:s2] =	stream.indirect.scatter.add.f32 [tilespmem:s12], [sflag:$0x5], $0x80, s15, s11, $0xb8;
	[tilespmem:$0x1C400] =	vst v63  }
0x480: {  	_ =	swait.ge [sflag:s14], $0x4000  }
0x481: {  	[sflag:s14] =	ssyncset.done $0x0  }
0x482: {  	[sflag:s14] =	ssyncadd.s32 $0xFFFFC000  }
0x483: {  	[tilespmem:s17], [sflag:$0x2] =	stream.indirect.gather [hbm4b:s0+s11], $0x80, s16, s11, $0xb8;
	[tilespmem:$0x1C400] =	vst v63  }
0x484: {  	_ =	swait.ge [sflag:s18], $0x4000  }
0x485: {  	[sflag:s18] =	ssyncset.done $0x0  }
0x486: {  	[sflag:s18] =	ssyncadd.s32 $0xFFFFC000  }
0x487: {  	[spmem:s2] =	stream.indirect.scatter.add.f32 [tilespmem:s17], [sflag:$0x5], $0x80, s19, s11, $0xb8;
	[tilespmem:$0x1C400] =	vst v63  }
0x488: {  	_ =	swait.ge [sflag:s14], $0x4000  }
0x489: {  	[sflag:s14] =	ssyncset.done $0x0  }
0x48a: {  	[sflag:s14] =	ssyncadd.s32 $0xFFFFC000  }
0x48b: {  	[tilespmem:s12], [sflag:$0x1] =	stream.indirect.gather [hbm4b:s0+s11], $0x80, s20, s11, $0xb8;
	[tilespmem:$0x1C400] =	vst v63  }
0x48c: {  	_ =	swait.ge [sflag:s13], $0x4000  }
0x48d: {  	[sflag:s13] =	ssyncset.done $0x0  }
0x48e: {  	[sflag:s13] =	ssyncadd.s32 $0xFFFFC000  }
0x48f: {  	[spmem:s2] =	stream.indirect.scatter.add.f32 [tilespmem:s12], [sflag:$0x5], $0x80, s21, s11, $0xb8;
	[tilespmem:$0x1C400] =	vst v63  }
0x490: {  	_ =	swait.ge [sflag:s14], $0x4000  }
0x491: {  	[sflag:s14] =	ssyncset.done $0x0  }
0x492: {  	[sflag:s14] =	ssyncadd.s32 $0xFFFFC000  }
0x493: {  	[tilespmem:s17], [sflag:$0x2] =	stream.indirect.gather [hbm4b:s0+s11], $0x80, s22, s11, $0xb8;
	[tilespmem:$0x1C400] =	vst v63  }
0x494: {  	_ =	swait.ge [sflag:s18], $0x4000  }
0x495: {  	[sflag:s18] =	ssyncset.done $0x0  }
0x496: {  	[sflag:s18] =	ssyncadd.s32 $0xFFFFC000  }
0x497: {  	[spmem:s2] =	stream.indirect.scatter.add.f32 [tilespmem:s17], [sflag:$0x5], $0x80, s23, s11, $0xb8;
	[tilespmem:$0x1C400] =	vst v63  }
0x498: {  	_ =	swait.ge [sflag:s14], $0x4000  }
0x499: {  	[sflag:s14] =	ssyncset.done $0x0  }
0x49a: {  	s5 =	rddreg [dreg:$0x11];
	[sflag:s14] =	ssyncadd.s32 $0xFFFFC000  }
0x49b: {  	[tilespmem:s8], [sflag:$0x3] =	stream.linear.gather [hbm4b:s5+s3], $0x400, $0x38;
	[tilespmem:$0x1C400] =	vst v63  }
0x49c: {  	_ =	swait.ge [sflag:s24], $0x400  }
0x49d: {  	[sflag:s24] =	ssyncset.done $0x0  }
0x49e: {  	[sflag:s24] =	ssyncadd.s32 $0xFFFFFC00  }
0x49f: {  	[tilespmem:s12], [sflag:$0x1] =	stream.indirect.gather [hbm4b:s0+s11], $0x80, s9, s11, $0xb8;
	[tilespmem:$0x1C400] =	vst v63  }
0x4a0: {  	_ =	swait.ge [sflag:s13], $0x4000  }
0x4a1: {  	[sflag:s13] =	ssyncset.done $0x0  }
0x4a2: {  	[sflag:s13] =	ssyncadd.s32 $0xFFFFC000  }
0x4a3: {  	[spmem:s2] =	stream.indirect.scatter.add.f32 [tilespmem:s12], [sflag:$0x5], $0x80, s25, s11, $0xb8;
	[tilespmem:$0x1C400] =	vst v63  }
0x4a4: {  	_ =	swait.ge [sflag:s14], $0x4000  }
0x4a5: {  	[sflag:s14] =	ssyncset.done $0x0  }
0x4a6: {  	[sflag:s14] =	ssyncadd.s32 $0xFFFFC000  }
0x4a7: {  	[tilespmem:s17], [sflag:$0x2] =	stream.indirect.gather [hbm4b:s0+s11], $0x80, s26, s11, $0xb8;
	[tilespmem:$0x1C400] =	vst v63  }
0x4a8: {  	_ =	swait.ge [sflag:s18], $0x4000  }
0x4a9: {  	[sflag:s18] =	ssyncset.done $0x0  }
0x4aa: {  	[sflag:s18] =	ssyncadd.s32 $0xFFFFC000  }
0x4ab: {  	[spmem:s2] =	stream.indirect.scatter.add.f32 [tilespmem:s17], [sflag:$0x5], $0x80, s28, s11, $0xb8;
	[tilespmem:$0x1C400] =	vst v63  }
0x4ac: {  	_ =	swait.ge [sflag:s14], $0x4000  }
0x4ad: {  	[sflag:s14] =	ssyncset.done $0x0  }
0x4ae: {  	[sflag:s14] =	ssyncadd.s32 $0xFFFFC000  }
0x4af: {  	[tilespmem:s12], [sflag:$0x1] =	stream.indirect.gather [hbm4b:s0+s11], $0x80, s29, s11, $0xb8;
	[tilespmem:$0x1C400] =	vst v63  }
0x4b0: {  	_ =	swait.ge [sflag:s13], $0x4000  }
0x4b1: {  	[sflag:s13] =	ssyncset.done $0x0  }
0x4b2: {  	[sflag:s13] =	ssyncadd.s32 $0xFFFFC000  }
0x4b3: {  	[spmem:s2] =	stream.indirect.scatter.add.f32 [tilespmem:s12], [sflag:$0x5], $0x80, s30, s11, $0xb8;
	[tilespmem:$0x1C400] =	vst v63  }
0x4b4: {  	_ =	swait.ge [sflag:s14], $0x4000  }
0x4b5: {  	[sflag:s14] =	ssyncset.done $0x0  }
0x4b6: {  	[sflag:s14] =	ssyncadd.s32 $0xFFFFC000  }
0x4b7: {  	[tilespmem:s17], [sflag:$0x2] =	stream.indirect.gather [hbm4b:s0+s11], $0x80, s31, s11, $0xb8;
	[tilespmem:$0x1C400] =	vst v63  }
0x4b8: {  	_ =	swait.ge [sflag:s18], $0x4000  }
0x4b9: {  	[sflag:s18] =	ssyncset.done $0x0  }
0x4ba: {  	[sflag:s18] =	ssyncadd.s32 $0xFFFFC000  }
0x4bb: {  	[spmem:s2] =	stream.indirect.scatter.add.f32 [tilespmem:s17], [sflag:$0x5], $0x80, s1, s11, $0xb8;
	[tilespmem:$0x1C400] =	vst v63  }
0x4bc: {  	_ =	swait.ge [sflag:s14], $0x4000  }
0x4bd: {  	[sflag:s14] =	ssyncset.done $0x0  }
0x4be: {  	s7 =	rddreg [dreg:$0x12];
	[sflag:s14] =	ssyncadd.s32 $0xFFFFC000  }
0x4bf: {  	[tilespmem:s9], [sflag:$0x4] =	stream.linear.gather [hbm4b:s7+s3], $0x400, $0x38;
	[tilespmem:$0x1C400] =	vst v63  }
0x4c0: {  	_ =	swait.ge [sflag:s10], $0x400  }
0x4c1: {  	[sflag:s10] =	ssyncset.done $0x0  }
0x4c2: {  	[sflag:s10] =	ssyncadd.s32 $0xFFFFFC00  }
0x4c3: {  	[tilespmem:s12], [sflag:$0x1] =	stream.indirect.gather [hbm4b:s0+s11], $0x80, s8, s11, $0xb8;
	[tilespmem:$0x1C400] =	vst v63  }
0x4c4: {  	_ =	swait.ge [sflag:s13], $0x4000  }
0x4c5: {  	[sflag:s13] =	ssyncset.done $0x0  }
0x4c6: {  	[sflag:s13] =	ssyncadd.s32 $0xFFFFC000  }
0x4c7: {  	[spmem:s2] =	stream.indirect.scatter.add.f32 [tilespmem:s12], [sflag:$0x5], $0x80, s15, s11, $0xb8;
	[tilespmem:$0x1C400] =	vst v63  }
0x4c8: {  	_ =	swait.ge [sflag:s14], $0x4000  }
0x4c9: {  	[sflag:s14] =	ssyncset.done $0x0  }
0x4ca: {  	[sflag:s14] =	ssyncadd.s32 $0xFFFFC000  }
0x4cb: {  	[tilespmem:s17], [sflag:$0x2] =	stream.indirect.gather [hbm4b:s0+s11], $0x80, s16, s11, $0xb8;
	[tilespmem:$0x1C400] =	vst v63  }
0x4cc: {  	_ =	swait.ge [sflag:s18], $0x4000  }
0x4cd: {  	[sflag:s18] =	ssyncset.done $0x0  }
0x4ce: {  	[sflag:s18] =	ssyncadd.s32 $0xFFFFC000  }
0x4cf: {  	[spmem:s2] =	stream.indirect.scatter.add.f32 [tilespmem:s17], [sflag:$0x5], $0x80, s19, s11, $0xb8;
	[tilespmem:$0x1C400] =	vst v63  }
0x4d0: {  	_ =	swait.ge [sflag:s14], $0x4000  }
0x4d1: {  	[sflag:s14] =	ssyncset.done $0x0  }
0x4d2: {  	[sflag:s14] =	ssyncadd.s32 $0xFFFFC000  }
0x4d3: {  	[tilespmem:s12], [sflag:$0x1] =	stream.indirect.gather [hbm4b:s0+s11], $0x80, s20, s11, $0xb8;
	[tilespmem:$0x1C400] =	vst v63  }
0x4d4: {  	_ =	swait.ge [sflag:s13], $0x4000  }
0x4d5: {  	[sflag:s13] =	ssyncset.done $0x0  }
0x4d6: {  	[sflag:s13] =	ssyncadd.s32 $0xFFFFC000  }
0x4d7: {  	[spmem:s2] =	stream.indirect.scatter.add.f32 [tilespmem:s12], [sflag:$0x5], $0x80, s21, s11, $0xb8;
	[tilespmem:$0x1C400] =	vst v63  }
0x4d8: {  	_ =	swait.ge [sflag:s14], $0x4000  }
0x4d9: {  	[sflag:s14] =	ssyncset.done $0x0  }
0x4da: {  	[sflag:s14] =	ssyncadd.s32 $0xFFFFC000  }
0x4db: {  	[tilespmem:s17], [sflag:$0x2] =	stream.indirect.gather [hbm4b:s0+s11], $0x80, s22, s11, $0xb8;
	[tilespmem:$0x1C400] =	vst v63  }
0x4dc: {  	_ =	swait.ge [sflag:s18], $0x4000  }
0x4dd: {  	[sflag:s18] =	ssyncset.done $0x0  }
0x4de: {  	[sflag:s18] =	ssyncadd.s32 $0xFFFFC000  }
0x4df: {  	[spmem:s2] =	stream.indirect.scatter.add.f32 [tilespmem:s17], [sflag:$0x5], $0x80, s23, s11, $0xb8;
	[tilespmem:$0x1C400] =	vst v63  }
0x4e0: {  	_ =	swait.ge [sflag:s14], $0x4000  }
0x4e1: {  	[sflag:s14] =	ssyncset.done $0x0  }
0x4e2: {  	s5 =	rddreg [dreg:$0x13];
	[sflag:s14] =	ssyncadd.s32 $0xFFFFC000  }
0x4e3: {  	[tilespmem:s8], [sflag:$0x3] =	stream.linear.gather [hbm4b:s5+s3], $0x400, $0x38;
	[tilespmem:$0x1C400] =	vst v63  }
0x4e4: {  	_ =	swait.ge [sflag:s24], $0x400  }
0x4e5: {  	[sflag:s24] =	ssyncset.done $0x0  }
0x4e6: {  	[sflag:s24] =	ssyncadd.s32 $0xFFFFFC00  }
0x4e7: {  	[tilespmem:s12], [sflag:$0x1] =	stream.indirect.gather [hbm4b:s0+s11], $0x80, s9, s11, $0xb8;
	[tilespmem:$0x1C400] =	vst v63  }
0x4e8: {  	_ =	swait.ge [sflag:s13], $0x4000  }
0x4e9: {  	[sflag:s13] =	ssyncset.done $0x0  }
0x4ea: {  	[sflag:s13] =	ssyncadd.s32 $0xFFFFC000  }
0x4eb: {  	[spmem:s2] =	stream.indirect.scatter.add.f32 [tilespmem:s12], [sflag:$0x5], $0x80, s25, s11, $0xb8;
	[tilespmem:$0x1C400] =	vst v63  }
0x4ec: {  	_ =	swait.ge [sflag:s14], $0x4000  }
0x4ed: {  	[sflag:s14] =	ssyncset.done $0x0  }
0x4ee: {  	[sflag:s14] =	ssyncadd.s32 $0xFFFFC000  }
0x4ef: {  	[tilespmem:s17], [sflag:$0x2] =	stream.indirect.gather [hbm4b:s0+s11], $0x80, s26, s11, $0xb8;
	[tilespmem:$0x1C400] =	vst v63  }
0x4f0: {  	_ =	swait.ge [sflag:s18], $0x4000  }
0x4f1: {  	[sflag:s18] =	ssyncset.done $0x0  }
0x4f2: {  	[sflag:s18] =	ssyncadd.s32 $0xFFFFC000  }
0x4f3: {  	[spmem:s2] =	stream.indirect.scatter.add.f32 [tilespmem:s17], [sflag:$0x5], $0x80, s28, s11, $0xb8;
	[tilespmem:$0x1C400] =	vst v63  }
0x4f4: {  	_ =	swait.ge [sflag:s14], $0x4000  }
0x4f5: {  	[sflag:s14] =	ssyncset.done $0x0  }
0x4f6: {  	[sflag:s14] =	ssyncadd.s32 $0xFFFFC000  }
0x4f7: {  	[tilespmem:s12], [sflag:$0x1] =	stream.indirect.gather [hbm4b:s0+s11], $0x80, s29, s11, $0xb8;
	[tilespmem:$0x1C400] =	vst v63  }
0x4f8: {  	_ =	swait.ge [sflag:s13], $0x4000  }
0x4f9: {  	[sflag:s13] =	ssyncset.done $0x0  }
0x4fa: {  	[sflag:s13] =	ssyncadd.s32 $0xFFFFC000  }
0x4fb: {  	[spmem:s2] =	stream.indirect.scatter.add.f32 [tilespmem:s12], [sflag:$0x5], $0x80, s30, s11, $0xb8;
	[tilespmem:$0x1C400] =	vst v63  }
0x4fc: {  	_ =	swait.ge [sflag:s14], $0x4000  }
0x4fd: {  	[sflag:s14] =	ssyncset.done $0x0  }
0x4fe: {  	[sflag:s14] =	ssyncadd.s32 $0xFFFFC000  }
0x4ff: {  	[tilespmem:s17], [sflag:$0x2] =	stream.indirect.gather [hbm4b:s0+s11], $0x80, s31, s11, $0xb8;
	[tilespmem:$0x1C400] =	vst v63  }
0x500: {  	_ =	swait.ge [sflag:s18], $0x4000  }
0x501: {  	[sflag:s18] =	ssyncset.done $0x0  }
0x502: {  	[sflag:s18] =	ssyncadd.s32 $0xFFFFC000  }
0x503: {  	[spmem:s2] =	stream.indirect.scatter.add.f32 [tilespmem:s17], [sflag:$0x5], $0x80, s1, s11, $0xb8;
	[tilespmem:$0x1C400] =	vst v63  }
0x504: {  	_ =	swait.ge [sflag:s14], $0x4000  }
0x505: {  	[sflag:s14] =	ssyncset.done $0x0  }
0x506: {  	s7 =	rddreg [dreg:$0x14];
	[sflag:s14] =	ssyncadd.s32 $0xFFFFC000  }
0x507: {  	[tilespmem:s9], [sflag:$0x4] =	stream.linear.gather [hbm4b:s7+s3], $0x400, $0x38;
	[tilespmem:$0x1C400] =	vst v63  }
0x508: {  	_ =	swait.ge [sflag:s10], $0x400  }
0x509: {  	[sflag:s10] =	ssyncset.done $0x0  }
0x50a: {  	[sflag:s10] =	ssyncadd.s32 $0xFFFFFC00  }
0x50b: {  	[tilespmem:s12], [sflag:$0x1] =	stream.indirect.gather [hbm4b:s0+s11], $0x80, s8, s11, $0xb8;
	[tilespmem:$0x1C400] =	vst v63  }
0x50c: {  	_ =	swait.ge [sflag:s13], $0x4000  }
0x50d: {  	[sflag:s13] =	ssyncset.done $0x0  }
0x50e: {  	[sflag:s13] =	ssyncadd.s32 $0xFFFFC000  }
0x50f: {  	[spmem:s2] =	stream.indirect.scatter.add.f32 [tilespmem:s12], [sflag:$0x5], $0x80, s15, s11, $0xb8;
	[tilespmem:$0x1C400] =	vst v63  }
0x510: {  	_ =	swait.ge [sflag:s14], $0x4000  }
0x511: {  	[sflag:s14] =	ssyncset.done $0x0  }
0x512: {  	[sflag:s14] =	ssyncadd.s32 $0xFFFFC000  }
0x513: {  	[tilespmem:s17], [sflag:$0x2] =	stream.indirect.gather [hbm4b:s0+s11], $0x80, s16, s11, $0xb8;
	[tilespmem:$0x1C400] =	vst v63  }
0x514: {  	_ =	swait.ge [sflag:s18], $0x4000  }
0x515: {  	[sflag:s18] =	ssyncset.done $0x0  }
0x516: {  	[sflag:s18] =	ssyncadd.s32 $0xFFFFC000  }
0x517: {  	[spmem:s2] =	stream.indirect.scatter.add.f32 [tilespmem:s17], [sflag:$0x5], $0x80, s19, s11, $0xb8;
	[tilespmem:$0x1C400] =	vst v63  }
0x518: {  	_ =	swait.ge [sflag:s14], $0x4000  }
0x519: {  	[sflag:s14] =	ssyncset.done $0x0  }
0x51a: {  	[sflag:s14] =	ssyncadd.s32 $0xFFFFC000  }
0x51b: {  	[tilespmem:s12], [sflag:$0x1] =	stream.indirect.gather [hbm4b:s0+s11], $0x80, s20, s11, $0xb8;
	[tilespmem:$0x1C400] =	vst v63  }
0x51c: {  	_ =	swait.ge [sflag:s13], $0x4000  }
0x51d: {  	[sflag:s13] =	ssyncset.done $0x0  }
0x51e: {  	[sflag:s13] =	ssyncadd.s32 $0xFFFFC000  }
0x51f: {  	[spmem:s2] =	stream.indirect.scatter.add.f32 [tilespmem:s12], [sflag:$0x5], $0x80, s21, s11, $0xb8;
	[tilespmem:$0x1C400] =	vst v63  }
0x520: {  	_ =	swait.ge [sflag:s14], $0x4000  }
0x521: {  	[sflag:s14] =	ssyncset.done $0x0  }
0x522: {  	[sflag:s14] =	ssyncadd.s32 $0xFFFFC000  }
0x523: {  	[tilespmem:s17], [sflag:$0x2] =	stream.indirect.gather [hbm4b:s0+s11], $0x80, s22, s11, $0xb8;
	[tilespmem:$0x1C400] =	vst v63  }
0x524: {  	_ =	swait.ge [sflag:s18], $0x4000  }
0x525: {  	[sflag:s18] =	ssyncset.done $0x0  }
0x526: {  	[sflag:s18] =	ssyncadd.s32 $0xFFFFC000  }
0x527: {  	[spmem:s2] =	stream.indirect.scatter.add.f32 [tilespmem:s17], [sflag:$0x5], $0x80, s23, s11, $0xb8;
	[tilespmem:$0x1C400] =	vst v63  }
0x528: {  	_ =	swait.ge [sflag:s14], $0x4000  }
0x529: {  	[sflag:s14] =	ssyncset.done $0x0  }
0x52a: {  	s5 =	rddreg [dreg:$0x15];
	[sflag:s14] =	ssyncadd.s32 $0xFFFFC000  }
0x52b: {  	[tilespmem:s8], [sflag:$0x3] =	stream.linear.gather [hbm4b:s5+s3], $0x400, $0x38;
	[tilespmem:$0x1C400] =	vst v63  }
0x52c: {  	_ =	swait.ge [sflag:s24], $0x400  }
0x52d: {  	[sflag:s24] =	ssyncset.done $0x0  }
0x52e: {  	[sflag:s24] =	ssyncadd.s32 $0xFFFFFC00  }
0x52f: {  	[tilespmem:s12], [sflag:$0x1] =	stream.indirect.gather [hbm4b:s0+s11], $0x80, s9, s11, $0xb8;
	[tilespmem:$0x1C400] =	vst v63  }
0x530: {  	_ =	swait.ge [sflag:s13], $0x4000  }
0x531: {  	[sflag:s13] =	ssyncset.done $0x0  }
0x532: {  	[sflag:s13] =	ssyncadd.s32 $0xFFFFC000  }
0x533: {  	[spmem:s2] =	stream.indirect.scatter.add.f32 [tilespmem:s12], [sflag:$0x5], $0x80, s25, s11, $0xb8;
	[tilespmem:$0x1C400] =	vst v63  }
0x534: {  	_ =	swait.ge [sflag:s14], $0x4000  }
0x535: {  	[sflag:s14] =	ssyncset.done $0x0  }
0x536: {  	[sflag:s14] =	ssyncadd.s32 $0xFFFFC000  }
0x537: {  	[tilespmem:s17], [sflag:$0x2] =	stream.indirect.gather [hbm4b:s0+s11], $0x80, s26, s11, $0xb8;
	[tilespmem:$0x1C400] =	vst v63  }
0x538: {  	_ =	swait.ge [sflag:s18], $0x4000  }
0x539: {  	[sflag:s18] =	ssyncset.done $0x0  }
0x53a: {  	[sflag:s18] =	ssyncadd.s32 $0xFFFFC000  }
0x53b: {  	[spmem:s2] =	stream.indirect.scatter.add.f32 [tilespmem:s17], [sflag:$0x5], $0x80, s28, s11, $0xb8;
	[tilespmem:$0x1C400] =	vst v63  }
0x53c: {  	_ =	swait.ge [sflag:s14], $0x4000  }
0x53d: {  	[sflag:s14] =	ssyncset.done $0x0  }
0x53e: {  	[sflag:s14] =	ssyncadd.s32 $0xFFFFC000  }
0x53f: {  	[tilespmem:s12], [sflag:$0x1] =	stream.indirect.gather [hbm4b:s0+s11], $0x80, s29, s11, $0xb8;
	[tilespmem:$0x1C400] =	vst v63  }
0x540: {  	_ =	swait.ge [sflag:s13], $0x4000  }
0x541: {  	[sflag:s13] =	ssyncset.done $0x0  }
0x542: {  	[sflag:s13] =	ssyncadd.s32 $0xFFFFC000  }
0x543: {  	[spmem:s2] =	stream.indirect.scatter.add.f32 [tilespmem:s12], [sflag:$0x5], $0x80, s30, s11, $0xb8;
	[tilespmem:$0x1C400] =	vst v63  }
0x544: {  	_ =	swait.ge [sflag:s14], $0x4000  }
0x545: {  	[sflag:s14] =	ssyncset.done $0x0  }
0x546: {  	[sflag:s14] =	ssyncadd.s32 $0xFFFFC000  }
0x547: {  	[tilespmem:s17], [sflag:$0x2] =	stream.indirect.gather [hbm4b:s0+s11], $0x80, s31, s11, $0xb8;
	[tilespmem:$0x1C400] =	vst v63  }
0x548: {  	_ =	swait.ge [sflag:s18], $0x4000  }
0x549: {  	[sflag:s18] =	ssyncset.done $0x0  }
0x54a: {  	[sflag:s18] =	ssyncadd.s32 $0xFFFFC000  }
0x54b: {  	[spmem:s2] =	stream.indirect.scatter.add.f32 [tilespmem:s17], [sflag:$0x5], $0x80, s1, s11, $0xb8;
	[tilespmem:$0x1C400] =	vst v63  }
0x54c: {  	_ =	swait.ge [sflag:s14], $0x4000  }
0x54d: {  	[sflag:s14] =	ssyncset.done $0x0  }
0x54e: {  	s7 =	rddreg [dreg:$0x16];
	[sflag:s14] =	ssyncadd.s32 $0xFFFFC000  }
0x54f: {  	[tilespmem:s9], [sflag:$0x4] =	stream.linear.gather [hbm4b:s7+s3], $0x400, $0x38;
	[tilespmem:$0x1C400] =	vst v63  }
0x550: {  	_ =	swait.ge [sflag:s10], $0x400  }
0x551: {  	[sflag:s10] =	ssyncset.done $0x0  }
0x552: {  	[sflag:s10] =	ssyncadd.s32 $0xFFFFFC00  }
0x553: {  	[tilespmem:s12], [sflag:$0x1] =	stream.indirect.gather [hbm4b:s0+s11], $0x80, s8, s11, $0xb8;
	[tilespmem:$0x1C400] =	vst v63  }
0x554: {  	_ =	swait.ge [sflag:s13], $0x4000  }
0x555: {  	[sflag:s13] =	ssyncset.done $0x0  }
0x556: {  	[sflag:s13] =	ssyncadd.s32 $0xFFFFC000  }
0x557: {  	[spmem:s2] =	stream.indirect.scatter.add.f32 [tilespmem:s12], [sflag:$0x5], $0x80, s15, s11, $0xb8;
	[tilespmem:$0x1C400] =	vst v63  }
0x558: {  	_ =	swait.ge [sflag:s14], $0x4000  }
0x559: {  	[sflag:s14] =	ssyncset.done $0x0  }
0x55a: {  	[sflag:s14] =	ssyncadd.s32 $0xFFFFC000  }
0x55b: {  	[tilespmem:s17], [sflag:$0x2] =	stream.indirect.gather [hbm4b:s0+s11], $0x80, s16, s11, $0xb8;
	[tilespmem:$0x1C400] =	vst v63  }
0x55c: {  	_ =	swait.ge [sflag:s18], $0x4000  }
0x55d: {  	[sflag:s18] =	ssyncset.done $0x0  }
0x55e: {  	[sflag:s18] =	ssyncadd.s32 $0xFFFFC000  }
0x55f: {  	[spmem:s2] =	stream.indirect.scatter.add.f32 [tilespmem:s17], [sflag:$0x5], $0x80, s19, s11, $0xb8;
	[tilespmem:$0x1C400] =	vst v63  }
0x560: {  	_ =	swait.ge [sflag:s14], $0x4000  }
0x561: {  	[sflag:s14] =	ssyncset.done $0x0  }
0x562: {  	[sflag:s14] =	ssyncadd.s32 $0xFFFFC000  }
0x563: {  	[tilespmem:s12], [sflag:$0x1] =	stream.indirect.gather [hbm4b:s0+s11], $0x80, s20, s11, $0xb8;
	[tilespmem:$0x1C400] =	vst v63  }
0x564: {  	_ =	swait.ge [sflag:s13], $0x4000  }
0x565: {  	[sflag:s13] =	ssyncset.done $0x0  }
0x566: {  	[sflag:s13] =	ssyncadd.s32 $0xFFFFC000  }
0x567: {  	[spmem:s2] =	stream.indirect.scatter.add.f32 [tilespmem:s12], [sflag:$0x5], $0x80, s21, s11, $0xb8;
	[tilespmem:$0x1C400] =	vst v63  }
0x568: {  	_ =	swait.ge [sflag:s14], $0x4000  }
0x569: {  	[sflag:s14] =	ssyncset.done $0x0  }
0x56a: {  	[sflag:s14] =	ssyncadd.s32 $0xFFFFC000  }
0x56b: {  	[tilespmem:s17], [sflag:$0x2] =	stream.indirect.gather [hbm4b:s0+s11], $0x80, s22, s11, $0xb8;
	[tilespmem:$0x1C400] =	vst v63  }
0x56c: {  	_ =	swait.ge [sflag:s18], $0x4000  }
0x56d: {  	[sflag:s18] =	ssyncset.done $0x0  }
0x56e: {  	[sflag:s18] =	ssyncadd.s32 $0xFFFFC000  }
0x56f: {  	[spmem:s2] =	stream.indirect.scatter.add.f32 [tilespmem:s17], [sflag:$0x5], $0x80, s23, s11, $0xb8;
	[tilespmem:$0x1C400] =	vst v63  }
0x570: {  	_ =	swait.ge [sflag:s14], $0x4000  }
0x571: {  	[sflag:s14] =	ssyncset.done $0x0  }
0x572: {  	s5 =	rddreg [dreg:$0x17];
	[sflag:s14] =	ssyncadd.s32 $0xFFFFC000  }
0x573: {  	[tilespmem:s8], [sflag:$0x3] =	stream.linear.gather [hbm4b:s5+s3], $0x400, $0x38;
	[tilespmem:$0x1C400] =	vst v63  }
0x574: {  	_ =	swait.ge [sflag:s24], $0x400  }
0x575: {  	[sflag:s24] =	ssyncset.done $0x0  }
0x576: {  	[sflag:s24] =	ssyncadd.s32 $0xFFFFFC00  }
0x577: {  	[tilespmem:s12], [sflag:$0x1] =	stream.indirect.gather [hbm4b:s0+s11], $0x80, s9, s11, $0xb8;
	[tilespmem:$0x1C400] =	vst v63  }
0x578: {  	_ =	swait.ge [sflag:s13], $0x4000  }
0x579: {  	[sflag:s13] =	ssyncset.done $0x0  }
0x57a: {  	[sflag:s13] =	ssyncadd.s32 $0xFFFFC000  }
0x57b: {  	[spmem:s2] =	stream.indirect.scatter.add.f32 [tilespmem:s12], [sflag:$0x5], $0x80, s25, s11, $0xb8;
	[tilespmem:$0x1C400] =	vst v63  }
0x57c: {  	_ =	swait.ge [sflag:s14], $0x4000  }
0x57d: {  	[sflag:s14] =	ssyncset.done $0x0  }
0x57e: {  	[sflag:s14] =	ssyncadd.s32 $0xFFFFC000  }
0x57f: {  	[tilespmem:s17], [sflag:$0x2] =	stream.indirect.gather [hbm4b:s0+s11], $0x80, s26, s11, $0xb8;
	[tilespmem:$0x1C400] =	vst v63  }
0x580: {  	_ =	swait.ge [sflag:s18], $0x4000  }
0x581: {  	[sflag:s18] =	ssyncset.done $0x0  }
0x582: {  	[sflag:s18] =	ssyncadd.s32 $0xFFFFC000  }
0x583: {  	[spmem:s2] =	stream.indirect.scatter.add.f32 [tilespmem:s17], [sflag:$0x5], $0x80, s28, s11, $0xb8;
	[tilespmem:$0x1C400] =	vst v63  }
0x584: {  	_ =	swait.ge [sflag:s14], $0x4000  }
0x585: {  	[sflag:s14] =	ssyncset.done $0x0  }
0x586: {  	[sflag:s14] =	ssyncadd.s32 $0xFFFFC000  }
0x587: {  	[tilespmem:s12], [sflag:$0x1] =	stream.indirect.gather [hbm4b:s0+s11], $0x80, s29, s11, $0xb8;
	[tilespmem:$0x1C400] =	vst v63  }
0x588: {  	_ =	swait.ge [sflag:s13], $0x4000  }
0x589: {  	[sflag:s13] =	ssyncset.done $0x0  }
0x58a: {  	[sflag:s13] =	ssyncadd.s32 $0xFFFFC000  }
0x58b: {  	[spmem:s2] =	stream.indirect.scatter.add.f32 [tilespmem:s12], [sflag:$0x5], $0x80, s30, s11, $0xb8;
	[tilespmem:$0x1C400] =	vst v63  }
0x58c: {  	_ =	swait.ge [sflag:s14], $0x4000  }
0x58d: {  	[sflag:s14] =	ssyncset.done $0x0  }
0x58e: {  	[sflag:s14] =	ssyncadd.s32 $0xFFFFC000  }
0x58f: {  	[tilespmem:s17], [sflag:$0x2] =	stream.indirect.gather [hbm4b:s0+s11], $0x80, s31, s11, $0xb8;
	[tilespmem:$0x1C400] =	vst v63  }
0x590: {  	_ =	swait.ge [sflag:s18], $0x4000  }
0x591: {  	[sflag:s18] =	ssyncset.done $0x0  }
0x592: {  	[sflag:s18] =	ssyncadd.s32 $0xFFFFC000  }
0x593: {  	[spmem:s2] =	stream.indirect.scatter.add.f32 [tilespmem:s17], [sflag:$0x5], $0x80, s1, s11, $0xb8;
	[tilespmem:$0x1C400] =	vst v63  }
0x594: {  	_ =	swait.ge [sflag:s14], $0x4000  }
0x595: {  	[sflag:s14] =	ssyncset.done $0x0  }
0x596: {  	s7 =	rddreg [dreg:$0x18];
	[sflag:s14] =	ssyncadd.s32 $0xFFFFC000  }
0x597: {  	[tilespmem:s9], [sflag:$0x4] =	stream.linear.gather [hbm4b:s7+s3], $0x400, $0x38;
	[tilespmem:$0x1C400] =	vst v63  }
0x598: {  	_ =	swait.ge [sflag:s10], $0x400  }
0x599: {  	[sflag:s10] =	ssyncset.done $0x0  }
0x59a: {  	[sflag:s10] =	ssyncadd.s32 $0xFFFFFC00  }
0x59b: {  	[tilespmem:s12], [sflag:$0x1] =	stream.indirect.gather [hbm4b:s0+s11], $0x80, s8, s11, $0xb8;
	[tilespmem:$0x1C400] =	vst v63  }
0x59c: {  	_ =	swait.ge [sflag:s13], $0x4000  }
0x59d: {  	[sflag:s13] =	ssyncset.done $0x0  }
0x59e: {  	[sflag:s13] =	ssyncadd.s32 $0xFFFFC000  }
0x59f: {  	[spmem:s2] =	stream.indirect.scatter.add.f32 [tilespmem:s12], [sflag:$0x5], $0x80, s15, s11, $0xb8;
	[tilespmem:$0x1C400] =	vst v63  }
0x5a0: {  	_ =	swait.ge [sflag:s14], $0x4000  }
0x5a1: {  	[sflag:s14] =	ssyncset.done $0x0  }
0x5a2: {  	[sflag:s14] =	ssyncadd.s32 $0xFFFFC000  }
0x5a3: {  	[tilespmem:s17], [sflag:$0x2] =	stream.indirect.gather [hbm4b:s0+s11], $0x80, s16, s11, $0xb8;
	[tilespmem:$0x1C400] =	vst v63  }
0x5a4: {  	_ =	swait.ge [sflag:s18], $0x4000  }
0x5a5: {  	[sflag:s18] =	ssyncset.done $0x0  }
0x5a6: {  	[sflag:s18] =	ssyncadd.s32 $0xFFFFC000  }
0x5a7: {  	[spmem:s2] =	stream.indirect.scatter.add.f32 [tilespmem:s17], [sflag:$0x5], $0x80, s19, s11, $0xb8;
	[tilespmem:$0x1C400] =	vst v63  }
0x5a8: {  	_ =	swait.ge [sflag:s14], $0x4000  }
0x5a9: {  	[sflag:s14] =	ssyncset.done $0x0  }
0x5aa: {  	[sflag:s14] =	ssyncadd.s32 $0xFFFFC000  }
0x5ab: {  	[tilespmem:s12], [sflag:$0x1] =	stream.indirect.gather [hbm4b:s0+s11], $0x80, s20, s11, $0xb8;
	[tilespmem:$0x1C400] =	vst v63  }
0x5ac: {  	_ =	swait.ge [sflag:s13], $0x4000  }
0x5ad: {  	[sflag:s13] =	ssyncset.done $0x0  }
0x5ae: {  	[sflag:s13] =	ssyncadd.s32 $0xFFFFC000  }
0x5af: {  	[spmem:s2] =	stream.indirect.scatter.add.f32 [tilespmem:s12], [sflag:$0x5], $0x80, s21, s11, $0xb8;
	[tilespmem:$0x1C400] =	vst v63  }
0x5b0: {  	_ =	swait.ge [sflag:s14], $0x4000  }
0x5b1: {  	[sflag:s14] =	ssyncset.done $0x0  }
0x5b2: {  	[sflag:s14] =	ssyncadd.s32 $0xFFFFC000  }
0x5b3: {  	[tilespmem:s17], [sflag:$0x2] =	stream.indirect.gather [hbm4b:s0+s11], $0x80, s22, s11, $0xb8;
	[tilespmem:$0x1C400] =	vst v63  }
0x5b4: {  	_ =	swait.ge [sflag:s18], $0x4000  }
0x5b5: {  	[sflag:s18] =	ssyncset.done $0x0  }
0x5b6: {  	[sflag:s18] =	ssyncadd.s32 $0xFFFFC000  }
0x5b7: {  	[spmem:s2] =	stream.indirect.scatter.add.f32 [tilespmem:s17], [sflag:$0x5], $0x80, s23, s11, $0xb8;
	[tilespmem:$0x1C400] =	vst v63  }
0x5b8: {  	_ =	swait.ge [sflag:s14], $0x4000  }
0x5b9: {  	[sflag:s14] =	ssyncset.done $0x0  }
0x5ba: {  	[sflag:s14] =	ssyncadd.s32 $0xFFFFC000  }
0x5bb: {  	_ =	swait.ge [sflag:s24], $0x400  }
0x5bc: {  	[sflag:s24] =	ssyncset.done $0x0  }
0x5bd: {  	[sflag:s24] =	ssyncadd.s32 $0xFFFFFC00  }
0x5be: {  	[tilespmem:s12], [sflag:$0x1] =	stream.indirect.gather [hbm4b:s0+s11], $0x80, s9, s11, $0xb8;
	[tilespmem:$0x1C400] =	vst v63  }
0x5bf: {  	_ =	swait.ge [sflag:s13], $0x4000  }
0x5c0: {  	[sflag:s13] =	ssyncset.done $0x0  }
0x5c1: {  	[sflag:s13] =	ssyncadd.s32 $0xFFFFC000  }
0x5c2: {  	[spmem:s2] =	stream.indirect.scatter.add.f32 [tilespmem:s12], [sflag:$0x5], $0x80, s25, s11, $0xb8;
	[tilespmem:$0x1C400] =	vst v63  }
0x5c3: {  	_ =	swait.ge [sflag:s14], $0x4000  }
0x5c4: {  	[sflag:s14] =	ssyncset.done $0x0  }
0x5c5: {  	[sflag:s14] =	ssyncadd.s32 $0xFFFFC000  }
0x5c6: {  	[tilespmem:s17], [sflag:$0x2] =	stream.indirect.gather [hbm4b:s0+s11], $0x80, s26, s11, $0xb8;
	[tilespmem:$0x1C400] =	vst v63  }
0x5c7: {  	_ =	swait.ge [sflag:s18], $0x4000  }
0x5c8: {  	[sflag:s18] =	ssyncset.done $0x0  }
0x5c9: {  	[sflag:s18] =	ssyncadd.s32 $0xFFFFC000  }
0x5ca: {  	[spmem:s2] =	stream.indirect.scatter.add.f32 [tilespmem:s17], [sflag:$0x5], $0x80, s28, s11, $0xb8;
	[tilespmem:$0x1C400] =	vst v63  }
0x5cb: {  	_ =	swait.ge [sflag:s14], $0x4000  }
0x5cc: {  	[sflag:s14] =	ssyncset.done $0x0  }
0x5cd: {  	[sflag:s14] =	ssyncadd.s32 $0xFFFFC000  }
0x5ce: {  	[tilespmem:s12], [sflag:$0x1] =	stream.indirect.gather [hbm4b:s0+s11], $0x80, s29, s11, $0xb8;
	[tilespmem:$0x1C400] =	vst v63  }
0x5cf: {  	_ =	swait.ge [sflag:s13], $0x4000  }
0x5d0: {  	[sflag:s13] =	ssyncset.done $0x0  }
0x5d1: {  	[sflag:s13] =	ssyncadd.s32 $0xFFFFC000  }
0x5d2: {  	[spmem:s2] =	stream.indirect.scatter.add.f32 [tilespmem:s12], [sflag:$0x5], $0x80, s30, s11, $0xb8;
	[tilespmem:$0x1C400] =	vst v63  }
0x5d3: {  	_ =	swait.ge [sflag:s14], $0x4000  }
0x5d4: {  	[sflag:s14] =	ssyncset.done $0x0  }
0x5d5: {  	[sflag:s14] =	ssyncadd.s32 $0xFFFFC000  }
0x5d6: {  	[tilespmem:s17], [sflag:$0x2] =	stream.indirect.gather [hbm4b:s0+s11], $0x80, s31, s11, $0xb8;
	[tilespmem:$0x1C400] =	vst v63  }
0x5d7: {  	_ =	swait.ge [sflag:s18], $0x4000  }
0x5d8: {  	[sflag:s18] =	ssyncset.done $0x0  }
0x5d9: {  	[sflag:s18] =	ssyncadd.s32 $0xFFFFC000  }
0x5da: {  	[spmem:s2] =	stream.indirect.scatter.add.f32 [tilespmem:s17], [sflag:$0x5], $0x80, s1, s11, $0xb8;
	[tilespmem:$0x1C400] =	vst v63  }
0x5db: {  	_ =	swait.ge [sflag:s14], $0x4000  }
0x5dc: {  	[sflag:s14] =	ssyncset.done $0x0  }
0x5dd: {  	s4 =	sadd.s32 $0xFFFFFFFF, s4;
	[sflag:s14] =	ssyncadd.s32 $0xFFFFC000  }
0x5de: {  	p1 =	sne.s32 s4, $0x0;
	[bflag:$0x0] =	sbarrier.arrive $0xFFFF  }
.Ltmp1:
0x5df: {  	s6 =	rddreg [dreg:$0x19];
	(pc) =	sbr.rel @p1 .LBB2_1-.Ltmp1, $4  }
0x5e0: {  	s5 =	rddreg [dreg:$0x1a]  }
0x5e1: {  	s7 =	rddreg [dreg:$0x1d]  }
0x5e2: {  	[hbm:s6], [sflag:s7] =	dma.local [spmem:s5], $0x2780  }
0x5e3: {  	_ =	swait.ge [sflag:s14], $0x2780  }
.LBB2_2:
0x5e4: {  	[sflag:s14] =	ssyncset.done $0x0  }
0x5e5: {  	[sflag:s14] =	ssyncadd.s32 $0xFFFFD880  }
0x5e6: {  	_ =	sfence.sel $0x180000  }
0x5e7: {  	[bflag:$0x0] =	sbarrier.arrive $0xFFFF  }
0x5e8: {  	_ =	strace $0x90000047  }
0x5e9: {  	[bflag:$0x2] =	sbarrier.arrive $0xFFFF  }
0x5ea: {  	s0 =	rddreg [dreg:$0x4]  }
0x5eb: {  	s0 =	sadd.s32 @!p0 $0x100000, s0  }
0x5ec: {  	[sflag:s0] =	ssyncadd.tile.s32 @!p0 $0x1;
	_ =	shalt  }
.Lfunc_end2:
_tile_overlayer_lowered:
.L_overlay_start_2:
0x5ed: {  	(tag) =	ssettag $0x2  }
0x5ee: {  	s0 =	rddreg [dreg:$0x0];
	s2 =	stileid.u32  }
0x5ef: {  	s1 =	rddreg [dreg:$0x1];
	p0 =	sne.s32 s2, $0x0  }
0x5f0: {  	s3 =	rddreg [dreg:$0x2];
	[bflag:$0x3] =	sbarrier.arrive $0xFFFF;
	s2 =	simm.s32 @!p0 $0x1C05  }
0x5f1: {  	[timem:s3], [sflag:s2] =	dma.local @!p0 [hbm:s0], s1  }
0x5f2: {  	s0 =	simm.s32 @!p0 $0x5  }
0x5f3: {  	_ =	swait.ge @!p0 [sflag:s0], s1  }
0x5f4: {  	s1 =	ssub.s32 @!p0 $0x0, s1;
	[sflag:s0] =	ssyncset.done @!p0 $0x0  }
0x5f5: {  	[sflag:s0] =	ssyncadd.s32 @!p0 s1  }
0x5f6: {  	[bflag:$0x3] =	sbarrier.arrive $0xFFFF  }
0x5f7: {  	_ =	shalt  }

</sc_bundles>
